<compile_context>
chip_gen: v7x
topology: tpu7x:2x2x1
jax: 0.10.2.dev20260603
libtpu: 0.0.44.dev20260713+nightly
codegen_flags: <defaults>
</compile_context>

<pallas_src>
import functools

import jax
import jax.numpy as jnp
from jax import lax
from jax.experimental import pallas as pl
from jax.experimental.pallas import tpu as pltpu
from jax.experimental.pallas import tpu_sc as plsc

_N = 10000
_E = 320000
_D = 128
_H = 16
_O = 2

_NC = 2
_NS = 16
_NW = _NC * _NS
_C = 128
_K0 = 88
_K1 = 68
_KMAX = _K0 + 4
_NCH = _E // _C
_RT = 640
_NPAD = _NS * _RT
_NB = 4

_sc_mesh = plsc.VectorSubcoreMesh(core_axis_name="c", subcore_axis_name="s")



def _chunk_range(c, s):
    nk = jnp.where(c == 0, _K0 + 4 * (s == 0).astype(jnp.int32), _K1)
    base0 = _K0 * s + 4 * (s > 0).astype(jnp.int32)
    base1 = _NS * _K0 + 4 + _K1 * s
    return nk, jnp.where(c == 0, base0, base1)


def _stage_idx(c, idx_hbm, base, idx_v):

    @pl.when(c == 0)
    def _():
        pltpu.sync_copy(idx_hbm.at[pl.ds(base, _KMAX)], idx_v)

    @pl.when(c != 0)
    def _():
        pltpu.sync_copy(idx_hbm.at[pl.ds(base, _K1)], idx_v.at[pl.ds(0, _K1)])


def _deg_body(ei_hbm, out_hbm, dst_v, ones_v, stage_v, deg_sh, gsem):
    c = lax.axis_index("c")
    s = lax.axis_index("s")
    nk, base = _chunk_range(c, s)

    for i in range(8):
        ones_v[pl.ds(16 * i, 16)] = jnp.ones((16,), jnp.float32)

    def _zero(i, carry):
        stage_v[pl.ds(i * 16, 16)] = jnp.zeros((16,), jnp.float32)
        return carry

    lax.fori_loop(0, _RT // 16, _zero, 0)

    _stage_idx(c, ei_hbm.at[1], base, dst_v)
    pltpu.sync_copy(stage_v, deg_sh.at[pl.ds(s * _RT, _RT)])
    plsc.subcore_barrier()

    def _fire(j0):
        for b in range(4):
            pltpu.async_copy(ones_v, deg_sh.at[dst_v.at[j0 + b]], gsem,
                             add=True)

    def _drain(j0):
        for b in range(4):
            pltpu.make_async_copy(ones_v, deg_sh.at[dst_v.at[j0 + b]],
                                  gsem).wait()

    _fire(0)

    def _group(g, carry):
        _fire(g * 4 + 4)
        _drain(g * 4)
        return carry

    lax.fori_loop(0, nk // 4 - 1, _group, 0)
    _drain(nk - 4)
    plsc.subcore_barrier()
    pltpu.sync_copy(deg_sh.at[pl.ds(s * _RT, _RT)], stage_v)
    pltpu.sync_copy(stage_v, out_hbm.at[c, pl.ds(s * _RT, _RT)])


_deg_call = pl.kernel(
    _deg_body,
    out_type=jax.ShapeDtypeStruct((_NC, _NPAD), jnp.float32),
    mesh=_sc_mesh,
    scratch_types=[
        pltpu.VMEM((_KMAX, _C), jnp.int32),
        pltpu.VMEM((_C,), jnp.float32),
        pltpu.VMEM((_RT,), jnp.float32),
        pltpu.VMEM_SHARED((_NPAD,), jnp.float32),
        pltpu.SemaphoreType.DMA,
    ],
    compiler_params=pltpu.CompilerParams(use_tc_tiling_on_sc=False, disable_bounds_checks=True),
)


def _msg_body(y_hbm, ei_hbm, out_hbm, src_v, dst_v, rows_v, stage_v,
              acc_sh, gsems, ssems):
    c = lax.axis_index("c")
    s = lax.axis_index("s")
    nk, base = _chunk_range(c, s)

    def _zero(i, carry):
        stage_v[i] = jnp.zeros((16,), jnp.float32)
        return carry

    lax.fori_loop(0, _RT, _zero, 0)

    _stage_idx(c, ei_hbm.at[0], base, src_v)
    _stage_idx(c, ei_hbm.at[1], base, dst_v)
    pltpu.sync_copy(stage_v, acc_sh.at[pl.ds(s * _RT, _RT)])
    plsc.subcore_barrier()

    def _gather(j, b):
        return pltpu.async_copy(y_hbm.at[src_v.at[j]], rows_v.at[b], gsems[b])

    def _scatter(j, b):
        return pltpu.async_copy(rows_v.at[b], acc_sh.at[dst_v.at[j]], ssems[b],
                                add=True)

    for b in range(_NB):
        _gather(b, b)

    def _quad(q, carry):
        j0 = q * _NB
        for b in range(_NB):
            pltpu.make_async_copy(y_hbm.at[src_v.at[j0 + b]], rows_v.at[b],
                                  gsems[b]).wait()
            _scatter(j0 + b, b)
        for b in range(_NB):
            pltpu.make_async_copy(rows_v.at[b], acc_sh.at[dst_v.at[j0 + b]],
                                  ssems[b]).wait()
            _gather(j0 + _NB + b, b)
        return carry

    lax.fori_loop(0, nk // _NB - 1, _quad, 0)

    jlast = nk - _NB
    for b in range(_NB):
        pltpu.make_async_copy(y_hbm.at[src_v.at[jlast + b]], rows_v.at[b],
                              gsems[b]).wait()
        _scatter(jlast + b, b)
    for b in range(_NB):
        pltpu.make_async_copy(rows_v.at[b], acc_sh.at[dst_v.at[jlast + b]],
                              ssems[b]).wait()

    plsc.subcore_barrier()
    pltpu.sync_copy(acc_sh.at[pl.ds(s * _RT, _RT)], stage_v)
    pltpu.sync_copy(stage_v, out_hbm.at[c, pl.ds(s * _RT, _RT)])


_msg_call = pl.kernel(
    _msg_body,
    out_type=jax.ShapeDtypeStruct((_NC, _NPAD, _H), jnp.float32),
    mesh=_sc_mesh,
    scratch_types=[
        pltpu.VMEM((_KMAX, _C), jnp.int32),
        pltpu.VMEM((_KMAX, _C), jnp.int32),
        pltpu.VMEM((_NB, _C, _H), jnp.float32),
        pltpu.VMEM((_RT, _H), jnp.float32),
        pltpu.VMEM_SHARED((_NPAD, _H), jnp.float32),
        [pltpu.SemaphoreType.DMA] * _NB,
        [pltpu.SemaphoreType.DMA] * _NB,
    ],
    compiler_params=pltpu.CompilerParams(use_tc_tiling_on_sc=False, disable_bounds_checks=True),
)



def _mm1_body(x_ref, w_ref, o_ref):
    o_ref[...] = jnp.dot(x_ref[...], w_ref[...],
                         preferred_element_type=jnp.float32)


def _scale_body(xw_ref, degp_ref, y_ref, inv_ref):
    deg_row = 1.0 + degp_ref[0:1, :_N] + degp_ref[1:2, :_N]
    inv_col = jnp.transpose(lax.rsqrt(deg_row))
    inv = inv_col * jnp.ones((1, _H), jnp.float32)
    inv_ref[...] = inv
    y_ref[...] = xw_ref[...] * inv


def _sum_p(p_ref):
    return p_ref[0, :_N, :] + p_ref[1, :_N, :]


def _mid_body(p_ref, y_ref, inv_ref, b_ref, w_ref, y2_ref):
    ssum = _sum_p(p_ref) + y_ref[...]
    inv = inv_ref[...]
    h = jnp.maximum(ssum * inv + b_ref[...], 0.0)
    y2_ref[...] = jnp.dot(h, w_ref[...],
                          preferred_element_type=jnp.float32) * inv


def _fin_body(p_ref, y2_ref, inv_ref, b_ref, wfc_ref, bfc_ref, o_ref):
    ssum = _sum_p(p_ref) + y2_ref[...]
    h = jnp.maximum(ssum * inv_ref[...] + b_ref[...], 0.0)
    logits = jnp.dot(h, wfc_ref[...],
                     preferred_element_type=jnp.float32) + bfc_ref[...]
    m = jnp.max(logits, axis=1, keepdims=True)
    lse = m + jnp.log(jnp.sum(jnp.exp(logits - m), axis=1, keepdims=True))
    o_ref[...] = logits - lse


def _tc_call(body, *out_shapes):
    return pl.pallas_call(
        body,
        out_shape=(tuple(out_shapes) if len(out_shapes) > 1 else out_shapes[0]),
    )



def kernel(x, edge_index, W1, b1, W2, b2, Wfc, bfc):
    ei3 = edge_index.reshape(_NC, _NCH, _C)

    xw1 = _tc_call(_mm1_body, jax.ShapeDtypeStruct((_N, _H), jnp.float32))(x, W1)
    degp = _deg_call(ei3)
    y1, inv = _tc_call(
        _scale_body,
        jax.ShapeDtypeStruct((_N, _H), jnp.float32),
        jax.ShapeDtypeStruct((_N, _H), jnp.float32),
    )(xw1, degp)

    p1 = _msg_call(y1, ei3)
    y2 = _tc_call(_mid_body, jax.ShapeDtypeStruct((_N, _H), jnp.float32))(
        p1, y1, inv, b1.reshape(1, _H), W2)

    p2 = _msg_call(y2, ei3)
    return _tc_call(_fin_body, jax.ShapeDtypeStruct((_N, _O), jnp.float32))(
        p2, y2, inv, b2.reshape(1, _H), Wfc, bfc.reshape(1, _O))

# --- scband reference (transcript-rebuilt; emitter-appended) ---
"""Pipeline reference for scband-gcn-8770323219094 (READ-ONLY COPY).

The authoritative reference and input builder live on the scoring server;
editing this copy changes nothing except your own understanding.
"""

import jax, jax.numpy as jnp
import numpy as np

N = 10000
E = 320000
D = 128
H = 16
O = 2


def setup_inputs(seed: int = 0) -> dict:
    key = jax.random.key(seed)
    ks = jax.random.split(key, 8)
    x = jax.random.normal(ks[0], (N, D), dtype=jnp.float32)
    edge_index = jax.random.randint(ks[1], (2, E), 0, N, dtype=jnp.int32)
    W1 = jax.random.normal(ks[2], (D, H), dtype=jnp.float32) * (1.0 / np.sqrt(D))
    b1 = jnp.zeros((H,), dtype=jnp.float32)
    W2 = jax.random.normal(ks[3], (H, H), dtype=jnp.float32) * (1.0 / np.sqrt(H))
    b2 = jnp.zeros((H,), dtype=jnp.float32)
    Wfc = jax.random.normal(ks[4], (H, O), dtype=jnp.float32) * (1.0 / np.sqrt(H))
    bfc = jnp.zeros((O,), dtype=jnp.float32)
    return {"x": x, "edge_index": edge_index, "W1": W1, "b1": b1, "W2": W2, "b2": b2, "Wfc": Wfc, "bfc": bfc}


def _gcn_conv(x, W, b, src, dst, n):
    # PyG GCNConv: add self-loops, symmetric normalization D^{-1/2}(A+I)D^{-1/2}, then linear
    loop = jnp.arange(n, dtype=src.dtype)
    src2 = jnp.concatenate([src, loop])
    dst2 = jnp.concatenate([dst, loop])
    xw = x @ W
    deg = jax.ops.segment_sum(jnp.ones(src2.shape[0], dtype=xw.dtype), dst2, num_segments=n)
    inv_sqrt = jax.lax.rsqrt(jnp.maximum(deg, 1.0))
    coef = inv_sqrt[src2] * inv_sqrt[dst2]
    msg = xw[src2] * coef[:, None]
    agg = jax.ops.segment_sum(msg, dst2, num_segments=n)
    return agg + b


def reference(x, edge_index, W1, b1, W2, b2, Wfc, bfc):
    src = edge_index[0]
    dst = edge_index[1]
    n = x.shape[0]
    h = jax.nn.relu(_gcn_conv(x, W1, b1, src, dst, n))
    # F.dropout is identity in eval mode
    h = jax.nn.relu(_gcn_conv(h, W2, b2, src, dst, n))
    logits = h @ Wfc + bfc
    return jax.nn.log_softmax(logits, axis=1)

if __name__ == "__main__":
    import jax
    _d = setup_inputs()
    print(jax.jit(kernel)(*tuple(_d.values())))

</pallas_src>

<mosaic_0001>
#map = affine_map<(d0, d1) -> (0, 0)>
#map1 = affine_map<(d0, d1) -> (0, 0, 0)>
module attributes {stable_mosaic.version = 14 : i64} {
  func.func @_msg_body(%arg0: i32, %arg1: i32, %arg2: memref<10000x16xf32, #tpu.memory_space<hbm>>, %arg3: memref<2x2500x128xi32, #tpu.memory_space<hbm>>, %arg4: memref<2x10240x16xf32, #tpu.memory_space<hbm>>, %arg5: memref<92x128xi32, #tpu.memory_space<vmem>>, %arg6: memref<92x128xi32, #tpu.memory_space<vmem>>, %arg7: memref<4x128x16xf32, #tpu.memory_space<vmem>>, %arg8: memref<640x16xf32, #tpu.memory_space<vmem>>, %arg9: memref<10240x16xf32, #tpu.memory_space<vmem_shared>>, %arg10: memref<!tpu.dma_semaphore, #tpu.memory_space<semaphore_mem>>, %arg11: memref<!tpu.dma_semaphore, #tpu.memory_space<semaphore_mem>>, %arg12: memref<!tpu.dma_semaphore, #tpu.memory_space<semaphore_mem>>, %arg13: memref<!tpu.dma_semaphore, #tpu.memory_space<semaphore_mem>>, %arg14: memref<!tpu.dma_semaphore, #tpu.memory_space<semaphore_mem>>, %arg15: memref<!tpu.dma_semaphore, #tpu.memory_space<semaphore_mem>>, %arg16: memref<!tpu.dma_semaphore, #tpu.memory_space<semaphore_mem>>, %arg17: memref<!tpu.dma_semaphore, #tpu.memory_space<semaphore_mem>>) attributes {dimension_semantics = [#tpu.dimension_semantics<core_parallel>, #tpu.dimension_semantics<subcore_parallel>], iteration_bounds = array<i64: 2, 16>, scalar_prefetch = 0 : i64, scratch_operands = 13 : i64, tpu.core_type = #tpu.core_type<sc_vector_subcore>, window_params = [{transform_indices = #map}, {transform_indices = #map1}, {transform_indices = #map1}]} {
    %eq3A = arith.constant 0 : i32
    %eq3A_0 = arith.cmpi eq, %arg0, %eq3A : i32
    %eq3A_1 = arith.constant 0 : i32
    %eq3A_2 = arith.cmpi eq, %arg1, %eq3A_1 : i32
    %convert_element_type3A = arith.extui %eq3A_2 : i1 to i32
    %mul3A = arith.constant 4 : i32
    %mul3A_3 = arith.muli %mul3A, %convert_element_type3A : i32
    %add3A = arith.constant 88 : i32
    %add3A_4 = arith.addi %add3A, %mul3A_3 : i32
    %jit3A = arith.constant 68 : i32
    %select_n3A = arith.select %eq3A_0, %add3A_4, %jit3A : i32
    %mul3A_5 = arith.constant 88 : i32
    %mul3A_6 = arith.muli %mul3A_5, %arg1 : i32
    %gt3A = arith.constant 0 : i32
    %gt3A_7 = arith.cmpi sgt, %arg1, %gt3A : i32
    %convert_element_type3A_8 = arith.extui %gt3A_7 : i1 to i32
    %mul3A_9 = arith.constant 4 : i32
    %mul3A_10 = arith.muli %mul3A_9, %convert_element_type3A_8 : i32
    %add3A_11 = arith.addi %mul3A_6, %mul3A_10 : i32
    %mul3A_12 = arith.constant 68 : i32
    %mul3A_13 = arith.muli %mul3A_12, %arg1 : i32
    %add3A_14 = arith.constant 1412 : i32
    %add3A_15 = arith.addi %add3A_14, %mul3A_13 : i32
    %eq3A_16 = arith.constant 0 : i32
    %eq3A_17 = arith.cmpi eq, %arg0, %eq3A_16 : i32
    %select_n3A_18 = arith.select %eq3A_17, %add3A_11, %add3A_15 : i32
    %scan3A = arith.constant 0 : i32
    %scan3A_19 = arith.constant 0 : i32
    %scan3A_20 = arith.constant 640 : i32
    %scan3A_21 = arith.addi %scan3A_19, %scan3A_20 : i32
    %scan3A_22 = arith.constant 1 : i32
    scf.for %scan3A_287 = %scan3A_19 to %scan3A_21 step %scan3A_22  : i32 {
      %broadcast_in_dim3A = arith.constant 0.000000e+00 : f32
      %broadcast_in_dim3A_288 = vector.broadcast %broadcast_in_dim3A : f32 to vector<16xf32>
      %swap3A = arith.index_cast %scan3A_287 : i32 to index
      %swap3A_289 = arith.constant 0 : index
      %swap3A_290 = tpu.vector_load %arg8[%swap3A, %swap3A_289] {strides = array<i32>} : memref<640x16xf32, #tpu.memory_space<vmem>>, vector<1x16xf32>,
      %swap3A_291 = vector.shape_cast %swap3A_290 : vector<1x16xf32> to vector<16xf32>
      %swap3A_292 = vector.shape_cast %broadcast_in_dim3A_288 : vector<16xf32> to vector<1x16xf32>
      tpu.vector_store %arg8[%swap3A, %swap3A_289], %swap3A_292 {strides = array<i32>} : memref<640x16xf32, #tpu.memory_space<vmem>>, vector<1x16xf32>,
    }
    %scan3A_23 = arith.constant 640 : i32
    %eq3A_24 = arith.constant 0 : i32
    %eq3A_25 = arith.cmpi eq, %arg0, %eq3A_24 : i32
    %convert_element_type3A_26 = arith.extui %eq3A_25 : i1 to i32
    %cond3A = arith.constant 0 : i32
    %cond3A_27 = arith.constant 0 : i32
    %cond3A_28 = arith.cmpi ne, %convert_element_type3A_26, %cond3A_27 : i32
    scf.if %cond3A_28 {
      "tpu.region"() ({
        %run_scoped3A = tpu.sem_alloc : memref<!tpu.dma_semaphore, #tpu.memory_space<semaphore_mem>>
        %dma_start3A_287 = arith.constant 0 : i32
        %dma_start3A_288 = arith.constant 0 : i32
        %dma_start3A_289 = tpu.memref_slice %arg3[%cond3A, %dma_start3A_287, %dma_start3A_288] : memref<2x2500x128xi32, #tpu.memory_space<hbm>> -> memref<1x2500x128xi32, #tpu.memory_space<hbm>>
        %dma_start3A_290 = tpu.memref_squeeze %dma_start3A_289 : memref<1x2500x128xi32, #tpu.memory_space<hbm>> -> memref<2500x128xi32, #tpu.memory_space<hbm>>
        %dma_start3A_291 = arith.constant 0 : i32
        %dma_start3A_292 = tpu.memref_slice %dma_start3A_290[%select_n3A_18, %dma_start3A_291] : memref<2500x128xi32, #tpu.memory_space<hbm>> -> memref<92x128xi32, #tpu.memory_space<hbm>>
        %dma_start3A_293 = arith.constant 0 : i32
        %dma_start3A_294 = arith.constant 0 : i32
        %dma_start3A_295 = tpu.memref_slice %arg3[%cond3A, %dma_start3A_293, %dma_start3A_294] : memref<2x2500x128xi32, #tpu.memory_space<hbm>> -> memref<1x2500x128xi32, #tpu.memory_space<hbm>>
        %dma_start3A_296 = tpu.memref_squeeze %dma_start3A_295 : memref<1x2500x128xi32, #tpu.memory_space<hbm>> -> memref<2500x128xi32, #tpu.memory_space<hbm>>
        %dma_start3A_297 = arith.constant 0 : i32
        %dma_start3A_298 = tpu.memref_slice %dma_start3A_296[%select_n3A_18, %dma_start3A_297] : memref<2500x128xi32, #tpu.memory_space<hbm>> -> memref<92x128xi32, #tpu.memory_space<hbm>>
        tpu.enqueue_dma source(%dma_start3A_298 : memref<92x128xi32, #tpu.memory_space<hbm>>) target(%arg5 : memref<92x128xi32, #tpu.memory_space<vmem>>) target_semaphore(%run_scoped3A : memref<!tpu.dma_semaphore, #tpu.memory_space<semaphore_mem>>)
        %dma_wait3A_299 = arith.constant 0 : i32
        %dma_wait3A_300 = arith.constant 0 : i32
        %dma_wait3A_301 = tpu.memref_slice %arg3[%cond3A, %dma_wait3A_299, %dma_wait3A_300] : memref<2x2500x128xi32, #tpu.memory_space<hbm>> -> memref<1x2500x128xi32, #tpu.memory_space<hbm>>
        %dma_wait3A_302 = tpu.memref_squeeze %dma_wait3A_301 : memref<1x2500x128xi32, #tpu.memory_space<hbm>> -> memref<2500x128xi32, #tpu.memory_space<hbm>>
        %dma_wait3A_303 = arith.constant 0 : i32
        %dma_wait3A_304 = tpu.memref_slice %dma_wait3A_302[%select_n3A_18, %dma_wait3A_303] : memref<2500x128xi32, #tpu.memory_space<hbm>> -> memref<92x128xi32, #tpu.memory_space<hbm>>
        %dma_wait3A_305 = arith.constant 0 : i32
        %dma_wait3A_306 = arith.constant 0 : i32
        %dma_wait3A_307 = tpu.memref_slice %arg3[%cond3A, %dma_wait3A_305, %dma_wait3A_306] : memref<2x2500x128xi32, #tpu.memory_space<hbm>> -> memref<1x2500x128xi32, #tpu.memory_space<hbm>>
        %dma_wait3A_308 = tpu.memref_squeeze %dma_wait3A_307 : memref<1x2500x128xi32, #tpu.memory_space<hbm>> -> memref<2500x128xi32, #tpu.memory_space<hbm>>
        %dma_wait3A_309 = arith.constant 0 : i32
        %dma_wait3A_310 = tpu.memref_slice %dma_wait3A_308[%select_n3A_18, %dma_wait3A_309] : memref<2500x128xi32, #tpu.memory_space<hbm>> -> memref<92x128xi32, #tpu.memory_space<hbm>>
        tpu.wait_dma2 semaphore(%run_scoped3A : memref<!tpu.dma_semaphore, #tpu.memory_space<semaphore_mem>>) src(%dma_wait3A_310 : memref<92x128xi32, #tpu.memory_space<hbm>>) dst(%arg5 : memref<92x128xi32, #tpu.memory_space<vmem>>)
        tpu.yield
      }) : () -> ()
    } else {
    }
    %ne3A = arith.constant 0 : i32
    %ne3A_29 = arith.cmpi ne, %arg0, %ne3A : i32
    %convert_element_type3A_30 = arith.extui %ne3A_29 : i1 to i32
    %cond3A_31 = arith.constant 0 : i32
    %cond3A_32 = arith.constant 0 : i32
    %cond3A_33 = arith.cmpi ne, %convert_element_type3A_30, %cond3A_32 : i32
    scf.if %cond3A_33 {
      "tpu.region"() ({
        %run_scoped3A = tpu.sem_alloc : memref<!tpu.dma_semaphore, #tpu.memory_space<semaphore_mem>>
        %dma_start3A_287 = arith.constant 0 : i32
        %dma_start3A_288 = arith.constant 0 : i32
        %dma_start3A_289 = tpu.memref_slice %arg5[%dma_start3A_287, %dma_start3A_288] : memref<92x128xi32, #tpu.memory_space<vmem>> -> memref<68x128xi32, #tpu.memory_space<vmem>>
        %dma_start3A_290 = arith.constant 0 : i32
        %dma_start3A_291 = arith.constant 0 : i32
        %dma_start3A_292 = tpu.memref_slice %arg3[%cond3A_31, %dma_start3A_290, %dma_start3A_291] : memref<2x2500x128xi32, #tpu.memory_space<hbm>> -> memref<1x2500x128xi32, #tpu.memory_space<hbm>>
        %dma_start3A_293 = tpu.memref_squeeze %dma_start3A_292 : memref<1x2500x128xi32, #tpu.memory_space<hbm>> -> memref<2500x128xi32, #tpu.memory_space<hbm>>
        %dma_start3A_294 = arith.constant 0 : i32
        %dma_start3A_295 = tpu.memref_slice %dma_start3A_293[%select_n3A_18, %dma_start3A_294] : memref<2500x128xi32, #tpu.memory_space<hbm>> -> memref<68x128xi32, #tpu.memory_space<hbm>>
        %dma_start3A_296 = arith.constant 0 : i32
        %dma_start3A_297 = arith.constant 0 : i32
        %dma_start3A_298 = tpu.memref_slice %arg5[%dma_start3A_296, %dma_start3A_297] : memref<92x128xi32, #tpu.memory_space<vmem>> -> memref<68x128xi32, #tpu.memory_space<vmem>>
        %dma_start3A_299 = arith.constant 0 : i32
        %dma_start3A_300 = arith.constant 0 : i32
        %dma_start3A_301 = tpu.memref_slice %arg3[%cond3A_31, %dma_start3A_299, %dma_start3A_300] : memref<2x2500x128xi32, #tpu.memory_space<hbm>> -> memref<1x2500x128xi32, #tpu.memory_space<hbm>>
        %dma_start3A_302 = tpu.memref_squeeze %dma_start3A_301 : memref<1x2500x128xi32, #tpu.memory_space<hbm>> -> memref<2500x128xi32, #tpu.memory_space<hbm>>
        %dma_start3A_303 = arith.constant 0 : i32
        %dma_start3A_304 = tpu.memref_slice %dma_start3A_302[%select_n3A_18, %dma_start3A_303] : memref<2500x128xi32, #tpu.memory_space<hbm>> -> memref<68x128xi32, #tpu.memory_space<hbm>>
        tpu.enqueue_dma source(%dma_start3A_304 : memref<68x128xi32, #tpu.memory_space<hbm>>) target(%dma_start3A_298 : memref<68x128xi32, #tpu.memory_space<vmem>>) target_semaphore(%run_scoped3A : memref<!tpu.dma_semaphore, #tpu.memory_space<semaphore_mem>>)
        %dma_wait3A_305 = arith.constant 0 : i32
        %dma_wait3A_306 = arith.constant 0 : i32
        %dma_wait3A_307 = tpu.memref_slice %arg5[%dma_wait3A_305, %dma_wait3A_306] : memref<92x128xi32, #tpu.memory_space<vmem>> -> memref<68x128xi32, #tpu.memory_space<vmem>>
        %dma_wait3A_308 = arith.constant 0 : i32
        %dma_wait3A_309 = arith.constant 0 : i32
        %dma_wait3A_310 = tpu.memref_slice %arg3[%cond3A_31, %dma_wait3A_308, %dma_wait3A_309] : memref<2x2500x128xi32, #tpu.memory_space<hbm>> -> memref<1x2500x128xi32, #tpu.memory_space<hbm>>
        %dma_wait3A_311 = tpu.memref_squeeze %dma_wait3A_310 : memref<1x2500x128xi32, #tpu.memory_space<hbm>> -> memref<2500x128xi32, #tpu.memory_space<hbm>>
        %dma_wait3A_312 = arith.constant 0 : i32
        %dma_wait3A_313 = tpu.memref_slice %dma_wait3A_311[%select_n3A_18, %dma_wait3A_312] : memref<2500x128xi32, #tpu.memory_space<hbm>> -> memref<68x128xi32, #tpu.memory_space<hbm>>
        %dma_wait3A_314 = arith.constant 0 : i32
        %dma_wait3A_315 = arith.constant 0 : i32
        %dma_wait3A_316 = tpu.memref_slice %arg5[%dma_wait3A_314, %dma_wait3A_315] : memref<92x128xi32, #tpu.memory_space<vmem>> -> memref<68x128xi32, #tpu.memory_space<vmem>>
        %dma_wait3A_317 = arith.constant 0 : i32
        %dma_wait3A_318 = arith.constant 0 : i32
        %dma_wait3A_319 = tpu.memref_slice %arg3[%cond3A_31, %dma_wait3A_317, %dma_wait3A_318] : memref<2x2500x128xi32, #tpu.memory_space<hbm>> -> memref<1x2500x128xi32, #tpu.memory_space<hbm>>
        %dma_wait3A_320 = tpu.memref_squeeze %dma_wait3A_319 : memref<1x2500x128xi32, #tpu.memory_space<hbm>> -> memref<2500x128xi32, #tpu.memory_space<hbm>>
        %dma_wait3A_321 = arith.constant 0 : i32
        %dma_wait3A_322 = tpu.memref_slice %dma_wait3A_320[%select_n3A_18, %dma_wait3A_321] : memref<2500x128xi32, #tpu.memory_space<hbm>> -> memref<68x128xi32, #tpu.memory_space<hbm>>
        tpu.wait_dma2 semaphore(%run_scoped3A : memref<!tpu.dma_semaphore, #tpu.memory_space<semaphore_mem>>) src(%dma_wait3A_322 : memref<68x128xi32, #tpu.memory_space<hbm>>) dst(%dma_wait3A_316 : memref<68x128xi32, #tpu.memory_space<vmem>>)
        tpu.yield
      }) : () -> ()
    } else {
    }
    %eq3A_34 = arith.constant 0 : i32
    %eq3A_35 = arith.cmpi eq, %arg0, %eq3A_34 : i32
    %convert_element_type3A_36 = arith.extui %eq3A_35 : i1 to i32
    %cond3A_37 = arith.constant 1 : i32
    %cond3A_38 = arith.constant 0 : i32
    %cond3A_39 = arith.cmpi ne, %convert_element_type3A_36, %cond3A_38 : i32
    scf.if %cond3A_39 {
      "tpu.region"() ({
        %run_scoped3A = tpu.sem_alloc : memref<!tpu.dma_semaphore, #tpu.memory_space<semaphore_mem>>
        %dma_start3A_287 = arith.constant 0 : i32
        %dma_start3A_288 = arith.constant 0 : i32
        %dma_start3A_289 = tpu.memref_slice %arg3[%cond3A_37, %dma_start3A_287, %dma_start3A_288] : memref<2x2500x128xi32, #tpu.memory_space<hbm>> -> memref<1x2500x128xi32, #tpu.memory_space<hbm>>
        %dma_start3A_290 = tpu.memref_squeeze %dma_start3A_289 : memref<1x2500x128xi32, #tpu.memory_space<hbm>> -> memref<2500x128xi32, #tpu.memory_space<hbm>>
        %dma_start3A_291 = arith.constant 0 : i32
        %dma_start3A_292 = tpu.memref_slice %dma_start3A_290[%select_n3A_18, %dma_start3A_291] : memref<2500x128xi32, #tpu.memory_space<hbm>> -> memref<92x128xi32, #tpu.memory_space<hbm>>
        %dma_start3A_293 = arith.constant 0 : i32
        %dma_start3A_294 = arith.constant 0 : i32
        %dma_start3A_295 = tpu.memref_slice %arg3[%cond3A_37, %dma_start3A_293, %dma_start3A_294] : memref<2x2500x128xi32, #tpu.memory_space<hbm>> -> memref<1x2500x128xi32, #tpu.memory_space<hbm>>
        %dma_start3A_296 = tpu.memref_squeeze %dma_start3A_295 : memref<1x2500x128xi32, #tpu.memory_space<hbm>> -> memref<2500x128xi32, #tpu.memory_space<hbm>>
        %dma_start3A_297 = arith.constant 0 : i32
        %dma_start3A_298 = tpu.memref_slice %dma_start3A_296[%select_n3A_18, %dma_start3A_297] : memref<2500x128xi32, #tpu.memory_space<hbm>> -> memref<92x128xi32, #tpu.memory_space<hbm>>
        tpu.enqueue_dma source(%dma_start3A_298 : memref<92x128xi32, #tpu.memory_space<hbm>>) target(%arg6 : memref<92x128xi32, #tpu.memory_space<vmem>>) target_semaphore(%run_scoped3A : memref<!tpu.dma_semaphore, #tpu.memory_space<semaphore_mem>>)
        %dma_wait3A_299 = arith.constant 0 : i32
        %dma_wait3A_300 = arith.constant 0 : i32
        %dma_wait3A_301 = tpu.memref_slice %arg3[%cond3A_37, %dma_wait3A_299, %dma_wait3A_300] : memref<2x2500x128xi32, #tpu.memory_space<hbm>> -> memref<1x2500x128xi32, #tpu.memory_space<hbm>>
        %dma_wait3A_302 = tpu.memref_squeeze %dma_wait3A_301 : memref<1x2500x128xi32, #tpu.memory_space<hbm>> -> memref<2500x128xi32, #tpu.memory_space<hbm>>
        %dma_wait3A_303 = arith.constant 0 : i32
        %dma_wait3A_304 = tpu.memref_slice %dma_wait3A_302[%select_n3A_18, %dma_wait3A_303] : memref<2500x128xi32, #tpu.memory_space<hbm>> -> memref<92x128xi32, #tpu.memory_space<hbm>>
        %dma_wait3A_305 = arith.constant 0 : i32
        %dma_wait3A_306 = arith.constant 0 : i32
        %dma_wait3A_307 = tpu.memref_slice %arg3[%cond3A_37, %dma_wait3A_305, %dma_wait3A_306] : memref<2x2500x128xi32, #tpu.memory_space<hbm>> -> memref<1x2500x128xi32, #tpu.memory_space<hbm>>
        %dma_wait3A_308 = tpu.memref_squeeze %dma_wait3A_307 : memref<1x2500x128xi32, #tpu.memory_space<hbm>> -> memref<2500x128xi32, #tpu.memory_space<hbm>>
        %dma_wait3A_309 = arith.constant 0 : i32
        %dma_wait3A_310 = tpu.memref_slice %dma_wait3A_308[%select_n3A_18, %dma_wait3A_309] : memref<2500x128xi32, #tpu.memory_space<hbm>> -> memref<92x128xi32, #tpu.memory_space<hbm>>
        tpu.wait_dma2 semaphore(%run_scoped3A : memref<!tpu.dma_semaphore, #tpu.memory_space<semaphore_mem>>) src(%dma_wait3A_310 : memref<92x128xi32, #tpu.memory_space<hbm>>) dst(%arg6 : memref<92x128xi32, #tpu.memory_space<vmem>>)
        tpu.yield
      }) : () -> ()
    } else {
    }
    %ne3A_40 = arith.constant 0 : i32
    %ne3A_41 = arith.cmpi ne, %arg0, %ne3A_40 : i32
    %convert_element_type3A_42 = arith.extui %ne3A_41 : i1 to i32
    %cond3A_43 = arith.constant 1 : i32
    %cond3A_44 = arith.constant 0 : i32
    %cond3A_45 = arith.cmpi ne, %convert_element_type3A_42, %cond3A_44 : i32
    scf.if %cond3A_45 {
      "tpu.region"() ({
        %run_scoped3A = tpu.sem_alloc : memref<!tpu.dma_semaphore, #tpu.memory_space<semaphore_mem>>
        %dma_start3A_287 = arith.constant 0 : i32
        %dma_start3A_288 = arith.constant 0 : i32
        %dma_start3A_289 = tpu.memref_slice %arg6[%dma_start3A_287, %dma_start3A_288] : memref<92x128xi32, #tpu.memory_space<vmem>> -> memref<68x128xi32, #tpu.memory_space<vmem>>
        %dma_start3A_290 = arith.constant 0 : i32
        %dma_start3A_291 = arith.constant 0 : i32
        %dma_start3A_292 = tpu.memref_slice %arg3[%cond3A_43, %dma_start3A_290, %dma_start3A_291] : memref<2x2500x128xi32, #tpu.memory_space<hbm>> -> memref<1x2500x128xi32, #tpu.memory_space<hbm>>
        %dma_start3A_293 = tpu.memref_squeeze %dma_start3A_292 : memref<1x2500x128xi32, #tpu.memory_space<hbm>> -> memref<2500x128xi32, #tpu.memory_space<hbm>>
        %dma_start3A_294 = arith.constant 0 : i32
        %dma_start3A_295 = tpu.memref_slice %dma_start3A_293[%select_n3A_18, %dma_start3A_294] : memref<2500x128xi32, #tpu.memory_space<hbm>> -> memref<68x128xi32, #tpu.memory_space<hbm>>
        %dma_start3A_296 = arith.constant 0 : i32
        %dma_start3A_297 = arith.constant 0 : i32
        %dma_start3A_298 = tpu.memref_slice %arg6[%dma_start3A_296, %dma_start3A_297] : memref<92x128xi32, #tpu.memory_space<vmem>> -> memref<68x128xi32, #tpu.memory_space<vmem>>
        %dma_start3A_299 = arith.constant 0 : i32
        %dma_start3A_300 = arith.constant 0 : i32
        %dma_start3A_301 = tpu.memref_slice %arg3[%cond3A_43, %dma_start3A_299, %dma_start3A_300] : memref<2x2500x128xi32, #tpu.memory_space<hbm>> -> memref<1x2500x128xi32, #tpu.memory_space<hbm>>
        %dma_start3A_302 = tpu.memref_squeeze %dma_start3A_301 : memref<1x2500x128xi32, #tpu.memory_space<hbm>> -> memref<2500x128xi32, #tpu.memory_space<hbm>>
        %dma_start3A_303 = arith.constant 0 : i32
        %dma_start3A_304 = tpu.memref_slice %dma_start3A_302[%select_n3A_18, %dma_start3A_303] : memref<2500x128xi32, #tpu.memory_space<hbm>> -> memref<68x128xi32, #tpu.memory_space<hbm>>
        tpu.enqueue_dma source(%dma_start3A_304 : memref<68x128xi32, #tpu.memory_space<hbm>>) target(%dma_start3A_298 : memref<68x128xi32, #tpu.memory_space<vmem>>) target_semaphore(%run_scoped3A : memref<!tpu.dma_semaphore, #tpu.memory_space<semaphore_mem>>)
        %dma_wait3A_305 = arith.constant 0 : i32
        %dma_wait3A_306 = arith.constant 0 : i32
        %dma_wait3A_307 = tpu.memref_slice %arg6[%dma_wait3A_305, %dma_wait3A_306] : memref<92x128xi32, #tpu.memory_space<vmem>> -> memref<68x128xi32, #tpu.memory_space<vmem>>
        %dma_wait3A_308 = arith.constant 0 : i32
        %dma_wait3A_309 = arith.constant 0 : i32
        %dma_wait3A_310 = tpu.memref_slice %arg3[%cond3A_43, %dma_wait3A_308, %dma_wait3A_309] : memref<2x2500x128xi32, #tpu.memory_space<hbm>> -> memref<1x2500x128xi32, #tpu.memory_space<hbm>>
        %dma_wait3A_311 = tpu.memref_squeeze %dma_wait3A_310 : memref<1x2500x128xi32, #tpu.memory_space<hbm>> -> memref<2500x128xi32, #tpu.memory_space<hbm>>
        %dma_wait3A_312 = arith.constant 0 : i32
        %dma_wait3A_313 = tpu.memref_slice %dma_wait3A_311[%select_n3A_18, %dma_wait3A_312] : memref<2500x128xi32, #tpu.memory_space<hbm>> -> memref<68x128xi32, #tpu.memory_space<hbm>>
        %dma_wait3A_314 = arith.constant 0 : i32
        %dma_wait3A_315 = arith.constant 0 : i32
        %dma_wait3A_316 = tpu.memref_slice %arg6[%dma_wait3A_314, %dma_wait3A_315] : memref<92x128xi32, #tpu.memory_space<vmem>> -> memref<68x128xi32, #tpu.memory_space<vmem>>
        %dma_wait3A_317 = arith.constant 0 : i32
        %dma_wait3A_318 = arith.constant 0 : i32
        %dma_wait3A_319 = tpu.memref_slice %arg3[%cond3A_43, %dma_wait3A_317, %dma_wait3A_318] : memref<2x2500x128xi32, #tpu.memory_space<hbm>> -> memref<1x2500x128xi32, #tpu.memory_space<hbm>>
        %dma_wait3A_320 = tpu.memref_squeeze %dma_wait3A_319 : memref<1x2500x128xi32, #tpu.memory_space<hbm>> -> memref<2500x128xi32, #tpu.memory_space<hbm>>
        %dma_wait3A_321 = arith.constant 0 : i32
        %dma_wait3A_322 = tpu.memref_slice %dma_wait3A_320[%select_n3A_18, %dma_wait3A_321] : memref<2500x128xi32, #tpu.memory_space<hbm>> -> memref<68x128xi32, #tpu.memory_space<hbm>>
        tpu.wait_dma2 semaphore(%run_scoped3A : memref<!tpu.dma_semaphore, #tpu.memory_space<semaphore_mem>>) src(%dma_wait3A_322 : memref<68x128xi32, #tpu.memory_space<hbm>>) dst(%dma_wait3A_316 : memref<68x128xi32, #tpu.memory_space<vmem>>)
        tpu.yield
      }) : () -> ()
    } else {
    }
    %mul3A_46 = arith.constant 640 : i32
    %mul3A_47 = arith.muli %arg1, %mul3A_46 : i32
    "tpu.region"() ({
      %run_scoped3A = tpu.sem_alloc : memref<!tpu.dma_semaphore, #tpu.memory_space<semaphore_mem>>
      %dma_start3A_287 = arith.constant 0 : i32
      %dma_start3A_288 = tpu.memref_slice %arg9[%mul3A_47, %dma_start3A_287] : memref<10240x16xf32, #tpu.memory_space<vmem_shared>> -> memref<640x16xf32, #tpu.memory_space<vmem_shared>>
      %dma_start3A_289 = arith.constant 0 : i32
      %dma_start3A_290 = tpu.memref_slice %arg9[%mul3A_47, %dma_start3A_289] : memref<10240x16xf32, #tpu.memory_space<vmem_shared>> -> memref<640x16xf32, #tpu.memory_space<vmem_shared>>
      tpu.enqueue_dma source(%arg8 : memref<640x16xf32, #tpu.memory_space<vmem>>) target(%dma_start3A_290 : memref<640x16xf32, #tpu.memory_space<vmem_shared>>) target_semaphore(%run_scoped3A : memref<!tpu.dma_semaphore, #tpu.memory_space<semaphore_mem>>)
      %dma_wait3A_291 = arith.constant 0 : i32
      %dma_wait3A_292 = tpu.memref_slice %arg9[%mul3A_47, %dma_wait3A_291] : memref<10240x16xf32, #tpu.memory_space<vmem_shared>> -> memref<640x16xf32, #tpu.memory_space<vmem_shared>>
      %dma_wait3A_293 = arith.constant 0 : i32
      %dma_wait3A_294 = tpu.memref_slice %arg9[%mul3A_47, %dma_wait3A_293] : memref<10240x16xf32, #tpu.memory_space<vmem_shared>> -> memref<640x16xf32, #tpu.memory_space<vmem_shared>>
      tpu.wait_dma2 semaphore(%run_scoped3A : memref<!tpu.dma_semaphore, #tpu.memory_space<semaphore_mem>>) src(%arg8 : memref<640x16xf32, #tpu.memory_space<vmem>>) dst(%dma_wait3A_294 : memref<640x16xf32, #tpu.memory_space<vmem_shared>>)
      tpu.yield
    }) : () -> ()
    %barrier3A = arith.constant 0 : index
    tpu.barrier barrier_id(%barrier3A)
    %dma_start3A = arith.constant 0 : i32
    %dma_start3A_48 = arith.constant 0 : i32
    %dma_start3A_49 = arith.constant 0 : i32
    %dma_start3A_50 = arith.constant 0 : i32
    %dma_start3A_51 = tpu.memref_slice %arg7[%dma_start3A_48, %dma_start3A_49, %dma_start3A_50] : memref<4x128x16xf32, #tpu.memory_space<vmem>> -> memref<1x128x16xf32, #tpu.memory_space<vmem>>
    %dma_start3A_52 = tpu.memref_squeeze %dma_start3A_51 : memref<1x128x16xf32, #tpu.memory_space<vmem>> -> memref<128x16xf32, #tpu.memory_space<vmem>>
    %dma_start3A_53 = arith.constant 0 : i32
    %dma_start3A_54 = tpu.memref_slice %arg5[%dma_start3A, %dma_start3A_53] : memref<92x128xi32, #tpu.memory_space<vmem>> -> memref<1x128xi32, #tpu.memory_space<vmem>>
    %dma_start3A_55 = tpu.memref_squeeze %dma_start3A_54 : memref<1x128xi32, #tpu.memory_space<vmem>> -> memref<128xi32, #tpu.memory_space<vmem>>
    %dma_start3A_56 = arith.constant 0 : i32
    %dma_start3A_57 = arith.constant 0 : i32
    %dma_start3A_58 = tpu.memref_slice %arg2[%dma_start3A_56, %dma_start3A_57] : memref<10000x16xf32, #tpu.memory_space<hbm>> -> memref<10000x16xf32, #tpu.memory_space<hbm>>
    tpu.enqueue_indirect_dma source(%dma_start3A_58 : memref<10000x16xf32, #tpu.memory_space<hbm>>) target(%dma_start3A_52 : memref<128x16xf32, #tpu.memory_space<vmem>>) offsets(%dma_start3A_55 : memref<128xi32, #tpu.memory_space<vmem>>) semaphore(%arg10 : memref<!tpu.dma_semaphore, #tpu.memory_space<semaphore_mem>>)
    %dma_start3A_59 = arith.constant 1 : i32
    %dma_start3A_60 = arith.constant 1 : i32
    %dma_start3A_61 = arith.constant 0 : i32
    %dma_start3A_62 = arith.constant 0 : i32
    %dma_start3A_63 = tpu.memref_slice %arg7[%dma_start3A_60, %dma_start3A_61, %dma_start3A_62] : memref<4x128x16xf32, #tpu.memory_space<vmem>> -> memref<1x128x16xf32, #tpu.memory_space<vmem>>
    %dma_start3A_64 = tpu.memref_squeeze %dma_start3A_63 : memref<1x128x16xf32, #tpu.memory_space<vmem>> -> memref<128x16xf32, #tpu.memory_space<vmem>>
    %dma_start3A_65 = arith.constant 0 : i32
    %dma_start3A_66 = tpu.memref_slice %arg5[%dma_start3A_59, %dma_start3A_65] : memref<92x128xi32, #tpu.memory_space<vmem>> -> memref<1x128xi32, #tpu.memory_space<vmem>>
    %dma_start3A_67 = tpu.memref_squeeze %dma_start3A_66 : memref<1x128xi32, #tpu.memory_space<vmem>> -> memref<128xi32, #tpu.memory_space<vmem>>
    %dma_start3A_68 = arith.constant 0 : i32
    %dma_start3A_69 = arith.constant 0 : i32
    %dma_start3A_70 = tpu.memref_slice %arg2[%dma_start3A_68, %dma_start3A_69] : memref<10000x16xf32, #tpu.memory_space<hbm>> -> memref<10000x16xf32, #tpu.memory_space<hbm>>
    tpu.enqueue_indirect_dma source(%dma_start3A_70 : memref<10000x16xf32, #tpu.memory_space<hbm>>) target(%dma_start3A_64 : memref<128x16xf32, #tpu.memory_space<vmem>>) offsets(%dma_start3A_67 : memref<128xi32, #tpu.memory_space<vmem>>) semaphore(%arg11 : memref<!tpu.dma_semaphore, #tpu.memory_space<semaphore_mem>>)
    %dma_start3A_71 = arith.constant 2 : i32
    %dma_start3A_72 = arith.constant 2 : i32
    %dma_start3A_73 = arith.constant 0 : i32
    %dma_start3A_74 = arith.constant 0 : i32
    %dma_start3A_75 = tpu.memref_slice %arg7[%dma_start3A_72, %dma_start3A_73, %dma_start3A_74] : memref<4x128x16xf32, #tpu.memory_space<vmem>> -> memref<1x128x16xf32, #tpu.memory_space<vmem>>
    %dma_start3A_76 = tpu.memref_squeeze %dma_start3A_75 : memref<1x128x16xf32, #tpu.memory_space<vmem>> -> memref<128x16xf32, #tpu.memory_space<vmem>>
    %dma_start3A_77 = arith.constant 0 : i32
    %dma_start3A_78 = tpu.memref_slice %arg5[%dma_start3A_71, %dma_start3A_77] : memref<92x128xi32, #tpu.memory_space<vmem>> -> memref<1x128xi32, #tpu.memory_space<vmem>>
    %dma_start3A_79 = tpu.memref_squeeze %dma_start3A_78 : memref<1x128xi32, #tpu.memory_space<vmem>> -> memref<128xi32, #tpu.memory_space<vmem>>
    %dma_start3A_80 = arith.constant 0 : i32
    %dma_start3A_81 = arith.constant 0 : i32
    %dma_start3A_82 = tpu.memref_slice %arg2[%dma_start3A_80, %dma_start3A_81] : memref<10000x16xf32, #tpu.memory_space<hbm>> -> memref<10000x16xf32, #tpu.memory_space<hbm>>
    tpu.enqueue_indirect_dma source(%dma_start3A_82 : memref<10000x16xf32, #tpu.memory_space<hbm>>) target(%dma_start3A_76 : memref<128x16xf32, #tpu.memory_space<vmem>>) offsets(%dma_start3A_79 : memref<128xi32, #tpu.memory_space<vmem>>) semaphore(%arg12 : memref<!tpu.dma_semaphore, #tpu.memory_space<semaphore_mem>>)
    %dma_start3A_83 = arith.constant 3 : i32
    %dma_start3A_84 = arith.constant 3 : i32
    %dma_start3A_85 = arith.constant 0 : i32
    %dma_start3A_86 = arith.constant 0 : i32
    %dma_start3A_87 = tpu.memref_slice %arg7[%dma_start3A_84, %dma_start3A_85, %dma_start3A_86] : memref<4x128x16xf32, #tpu.memory_space<vmem>> -> memref<1x128x16xf32, #tpu.memory_space<vmem>>
    %dma_start3A_88 = tpu.memref_squeeze %dma_start3A_87 : memref<1x128x16xf32, #tpu.memory_space<vmem>> -> memref<128x16xf32, #tpu.memory_space<vmem>>
    %dma_start3A_89 = arith.constant 0 : i32
    %dma_start3A_90 = tpu.memref_slice %arg5[%dma_start3A_83, %dma_start3A_89] : memref<92x128xi32, #tpu.memory_space<vmem>> -> memref<1x128xi32, #tpu.memory_space<vmem>>
    %dma_start3A_91 = tpu.memref_squeeze %dma_start3A_90 : memref<1x128xi32, #tpu.memory_space<vmem>> -> memref<128xi32, #tpu.memory_space<vmem>>
    %dma_start3A_92 = arith.constant 0 : i32
    %dma_start3A_93 = arith.constant 0 : i32
    %dma_start3A_94 = tpu.memref_slice %arg2[%dma_start3A_92, %dma_start3A_93] : memref<10000x16xf32, #tpu.memory_space<hbm>> -> memref<10000x16xf32, #tpu.memory_space<hbm>>
    tpu.enqueue_indirect_dma source(%dma_start3A_94 : memref<10000x16xf32, #tpu.memory_space<hbm>>) target(%dma_start3A_88 : memref<128x16xf32, #tpu.memory_space<vmem>>) offsets(%dma_start3A_91 : memref<128xi32, #tpu.memory_space<vmem>>) semaphore(%arg13 : memref<!tpu.dma_semaphore, #tpu.memory_space<semaphore_mem>>)
    %jit3A_95 = arith.constant 4 : i32
    %div3A = arith.divsi %select_n3A, %jit3A_95 : i32
    %sign3A = arith.constant 0 : i32
    %sign3A_96 = arith.cmpi sgt, %select_n3A, %sign3A : i32
    %sign3A_97 = arith.extui %sign3A_96 : i1 to i32
    %sign3A_98 = arith.constant 0 : i32
    %sign3A_99 = arith.cmpi slt, %select_n3A, %sign3A_98 : i32
    %sign3A_100 = arith.extui %sign3A_99 : i1 to i32
    %sign3A_101 = arith.subi %sign3A_97, %sign3A_100 : i32
    %sign3A_102 = arith.constant 0 : i32
    %sign3A_103 = arith.cmpi sgt, %jit3A_95, %sign3A_102 : i32
    %sign3A_104 = arith.extui %sign3A_103 : i1 to i32
    %sign3A_105 = arith.constant 0 : i32
    %sign3A_106 = arith.cmpi slt, %jit3A_95, %sign3A_105 : i32
    %sign3A_107 = arith.extui %sign3A_106 : i1 to i32
    %sign3A_108 = arith.subi %sign3A_104, %sign3A_107 : i32
    %ne3A_109 = arith.cmpi ne, %sign3A_101, %sign3A_108 : i32
    %rem3A = arith.remsi %select_n3A, %jit3A_95 : i32
    %ne3A_110 = arith.constant 0 : i32
    %ne3A_111 = arith.cmpi ne, %rem3A, %ne3A_110 : i32
    %and3A = arith.andi %ne3A_109, %ne3A_111 : i1
    %sub3A = arith.constant 1 : i32
    %sub3A_112 = arith.subi %div3A, %sub3A : i32
    %select_n3A_113 = arith.select %and3A, %sub3A_112, %div3A : i32
    %sub3A_114 = arith.constant 1 : i32
    %sub3A_115 = arith.subi %select_n3A_113, %sub3A_114 : i32
    %while3A = arith.constant 0 : i32
    %while3A_116 = arith.constant 0 : i32
    %while3A_117 = arith.subi %sub3A_115, %while3A_116 : i32
    %while3A_118 = arith.addi %while3A_116, %while3A_117 : i32
    %while3A_119 = arith.constant 1 : i32
    %while3A_120 = arith.divsi %while3A_117, %while3A_119 : i32
    %while3A_121 = arith.muli %while3A_120, %while3A_119 : i32
    %while3A_122 = arith.addi %while3A_116, %while3A_121 : i32
    %while3A_123 = arith.constant 1 : i32
    scf.for %while3A_287 = %while3A_116 to %while3A_122 step %while3A_123  : i32 {
      %mul3A_288 = arith.constant 4 : i32
      %mul3A_289 = arith.muli %while3A_287, %mul3A_288 : i32
      %add3A_290 = arith.constant 0 : i32
      %add3A_291 = arith.addi %mul3A_289, %add3A_290 : i32
      %dma_wait3A_292 = arith.constant 0 : i32
      %dma_wait3A_293 = arith.constant 0 : i32
      %dma_wait3A_294 = arith.constant 0 : i32
      %dma_wait3A_295 = tpu.memref_slice %arg7[%dma_wait3A_292, %dma_wait3A_293, %dma_wait3A_294] : memref<4x128x16xf32, #tpu.memory_space<vmem>> -> memref<1x128x16xf32, #tpu.memory_space<vmem>>
      %dma_wait3A_296 = tpu.memref_squeeze %dma_wait3A_295 : memref<1x128x16xf32, #tpu.memory_space<vmem>> -> memref<128x16xf32, #tpu.memory_space<vmem>>
      %dma_wait3A_297 = arith.constant 0 : i32
      %dma_wait3A_298 = tpu.memref_slice %arg5[%add3A_291, %dma_wait3A_297] : memref<92x128xi32, #tpu.memory_space<vmem>> -> memref<1x128xi32, #tpu.memory_space<vmem>>
      %dma_wait3A_299 = tpu.memref_squeeze %dma_wait3A_298 : memref<1x128xi32, #tpu.memory_space<vmem>> -> memref<128xi32, #tpu.memory_space<vmem>>
      %dma_wait3A_300 = arith.constant 0 : i32
      %dma_wait3A_301 = arith.constant 0 : i32
      %dma_wait3A_302 = tpu.memref_slice %arg2[%dma_wait3A_300, %dma_wait3A_301] : memref<10000x16xf32, #tpu.memory_space<hbm>> -> memref<10000x16xf32, #tpu.memory_space<hbm>>
      tpu.wait_indirect_dma semaphore(%arg10 : memref<!tpu.dma_semaphore, #tpu.memory_space<semaphore_mem>>) src(%dma_wait3A_302 : memref<10000x16xf32, #tpu.memory_space<hbm>>) dst(%dma_wait3A_296 : memref<128x16xf32, #tpu.memory_space<vmem>>)
      %add3A_303 = arith.constant 0 : i32
      %add3A_304 = arith.addi %mul3A_289, %add3A_303 : i32
      %dma_start3A_305 = arith.constant 0 : i32
      %dma_start3A_306 = arith.constant 0 : i32
      %dma_start3A_307 = arith.constant 0 : i32
      %dma_start3A_308 = tpu.memref_slice %arg7[%dma_start3A_305, %dma_start3A_306, %dma_start3A_307] : memref<4x128x16xf32, #tpu.memory_space<vmem>> -> memref<1x128x16xf32, #tpu.memory_space<vmem>>
      %dma_start3A_309 = tpu.memref_squeeze %dma_start3A_308 : memref<1x128x16xf32, #tpu.memory_space<vmem>> -> memref<128x16xf32, #tpu.memory_space<vmem>>
      %dma_start3A_310 = arith.constant 0 : i32
      %dma_start3A_311 = tpu.memref_slice %arg6[%add3A_304, %dma_start3A_310] : memref<92x128xi32, #tpu.memory_space<vmem>> -> memref<1x128xi32, #tpu.memory_space<vmem>>
      %dma_start3A_312 = tpu.memref_squeeze %dma_start3A_311 : memref<1x128xi32, #tpu.memory_space<vmem>> -> memref<128xi32, #tpu.memory_space<vmem>>
      %dma_start3A_313 = arith.constant 0 : i32
      %dma_start3A_314 = arith.constant 0 : i32
      %dma_start3A_315 = tpu.memref_slice %arg9[%dma_start3A_313, %dma_start3A_314] : memref<10240x16xf32, #tpu.memory_space<vmem_shared>> -> memref<10240x16xf32, #tpu.memory_space<vmem_shared>>
      tpu.enqueue_indirect_dma source(%dma_start3A_309 : memref<128x16xf32, #tpu.memory_space<vmem>>) target(%dma_start3A_315 : memref<10240x16xf32, #tpu.memory_space<vmem_shared>>) offsets(%dma_start3A_312 : memref<128xi32, #tpu.memory_space<vmem>>) semaphore(%arg14 : memref<!tpu.dma_semaphore, #tpu.memory_space<semaphore_mem>>) {add = true}
      %add3A_316 = arith.constant 1 : i32
      %add3A_317 = arith.addi %mul3A_289, %add3A_316 : i32
      %dma_wait3A_318 = arith.constant 1 : i32
      %dma_wait3A_319 = arith.constant 0 : i32
      %dma_wait3A_320 = arith.constant 0 : i32
      %dma_wait3A_321 = tpu.memref_slice %arg7[%dma_wait3A_318, %dma_wait3A_319, %dma_wait3A_320] : memref<4x128x16xf32, #tpu.memory_space<vmem>> -> memref<1x128x16xf32, #tpu.memory_space<vmem>>
      %dma_wait3A_322 = tpu.memref_squeeze %dma_wait3A_321 : memref<1x128x16xf32, #tpu.memory_space<vmem>> -> memref<128x16xf32, #tpu.memory_space<vmem>>
      %dma_wait3A_323 = arith.constant 0 : i32
      %dma_wait3A_324 = tpu.memref_slice %arg5[%add3A_317, %dma_wait3A_323] : memref<92x128xi32, #tpu.memory_space<vmem>> -> memref<1x128xi32, #tpu.memory_space<vmem>>
      %dma_wait3A_325 = tpu.memref_squeeze %dma_wait3A_324 : memref<1x128xi32, #tpu.memory_space<vmem>> -> memref<128xi32, #tpu.memory_space<vmem>>
      %dma_wait3A_326 = arith.constant 0 : i32
      %dma_wait3A_327 = arith.constant 0 : i32
      %dma_wait3A_328 = tpu.memref_slice %arg2[%dma_wait3A_326, %dma_wait3A_327] : memref<10000x16xf32, #tpu.memory_space<hbm>> -> memref<10000x16xf32, #tpu.memory_space<hbm>>
      tpu.wait_indirect_dma semaphore(%arg11 : memref<!tpu.dma_semaphore, #tpu.memory_space<semaphore_mem>>) src(%dma_wait3A_328 : memref<10000x16xf32, #tpu.memory_space<hbm>>) dst(%dma_wait3A_322 : memref<128x16xf32, #tpu.memory_space<vmem>>)
      %add3A_329 = arith.constant 1 : i32
      %add3A_330 = arith.addi %mul3A_289, %add3A_329 : i32
      %dma_start3A_331 = arith.constant 1 : i32
      %dma_start3A_332 = arith.constant 0 : i32
      %dma_start3A_333 = arith.constant 0 : i32
      %dma_start3A_334 = tpu.memref_slice %arg7[%dma_start3A_331, %dma_start3A_332, %dma_start3A_333] : memref<4x128x16xf32, #tpu.memory_space<vmem>> -> memref<1x128x16xf32, #tpu.memory_space<vmem>>
      %dma_start3A_335 = tpu.memref_squeeze %dma_start3A_334 : memref<1x128x16xf32, #tpu.memory_space<vmem>> -> memref<128x16xf32, #tpu.memory_space<vmem>>
      %dma_start3A_336 = arith.constant 0 : i32
      %dma_start3A_337 = tpu.memref_slice %arg6[%add3A_330, %dma_start3A_336] : memref<92x128xi32, #tpu.memory_space<vmem>> -> memref<1x128xi32, #tpu.memory_space<vmem>>
      %dma_start3A_338 = tpu.memref_squeeze %dma_start3A_337 : memref<1x128xi32, #tpu.memory_space<vmem>> -> memref<128xi32, #tpu.memory_space<vmem>>
      %dma_start3A_339 = arith.constant 0 : i32
      %dma_start3A_340 = arith.constant 0 : i32
      %dma_start3A_341 = tpu.memref_slice %arg9[%dma_start3A_339, %dma_start3A_340] : memref<10240x16xf32, #tpu.memory_space<vmem_shared>> -> memref<10240x16xf32, #tpu.memory_space<vmem_shared>>
      tpu.enqueue_indirect_dma source(%dma_start3A_335 : memref<128x16xf32, #tpu.memory_space<vmem>>) target(%dma_start3A_341 : memref<10240x16xf32, #tpu.memory_space<vmem_shared>>) offsets(%dma_start3A_338 : memref<128xi32, #tpu.memory_space<vmem>>) semaphore(%arg15 : memref<!tpu.dma_semaphore, #tpu.memory_space<semaphore_mem>>) {add = true}
      %add3A_342 = arith.constant 2 : i32
      %add3A_343 = arith.addi %mul3A_289, %add3A_342 : i32
      %dma_wait3A_344 = arith.constant 2 : i32
      %dma_wait3A_345 = arith.constant 0 : i32
      %dma_wait3A_346 = arith.constant 0 : i32
      %dma_wait3A_347 = tpu.memref_slice %arg7[%dma_wait3A_344, %dma_wait3A_345, %dma_wait3A_346] : memref<4x128x16xf32, #tpu.memory_space<vmem>> -> memref<1x128x16xf32, #tpu.memory_space<vmem>>
      %dma_wait3A_348 = tpu.memref_squeeze %dma_wait3A_347 : memref<1x128x16xf32, #tpu.memory_space<vmem>> -> memref<128x16xf32, #tpu.memory_space<vmem>>
      %dma_wait3A_349 = arith.constant 0 : i32
      %dma_wait3A_350 = tpu.memref_slice %arg5[%add3A_343, %dma_wait3A_349] : memref<92x128xi32, #tpu.memory_space<vmem>> -> memref<1x128xi32, #tpu.memory_space<vmem>>
      %dma_wait3A_351 = tpu.memref_squeeze %dma_wait3A_350 : memref<1x128xi32, #tpu.memory_space<vmem>> -> memref<128xi32, #tpu.memory_space<vmem>>
      %dma_wait3A_352 = arith.constant 0 : i32
      %dma_wait3A_353 = arith.constant 0 : i32
      %dma_wait3A_354 = tpu.memref_slice %arg2[%dma_wait3A_352, %dma_wait3A_353] : memref<10000x16xf32, #tpu.memory_space<hbm>> -> memref<10000x16xf32, #tpu.memory_space<hbm>>
      tpu.wait_indirect_dma semaphore(%arg12 : memref<!tpu.dma_semaphore, #tpu.memory_space<semaphore_mem>>) src(%dma_wait3A_354 : memref<10000x16xf32, #tpu.memory_space<hbm>>) dst(%dma_wait3A_348 : memref<128x16xf32, #tpu.memory_space<vmem>>)
      %add3A_355 = arith.constant 2 : i32
      %add3A_356 = arith.addi %mul3A_289, %add3A_355 : i32
      %dma_start3A_357 = arith.constant 2 : i32
      %dma_start3A_358 = arith.constant 0 : i32
      %dma_start3A_359 = arith.constant 0 : i32
      %dma_start3A_360 = tpu.memref_slice %arg7[%dma_start3A_357, %dma_start3A_358, %dma_start3A_359] : memref<4x128x16xf32, #tpu.memory_space<vmem>> -> memref<1x128x16xf32, #tpu.memory_space<vmem>>
      %dma_start3A_361 = tpu.memref_squeeze %dma_start3A_360 : memref<1x128x16xf32, #tpu.memory_space<vmem>> -> memref<128x16xf32, #tpu.memory_space<vmem>>
      %dma_start3A_362 = arith.constant 0 : i32
      %dma_start3A_363 = tpu.memref_slice %arg6[%add3A_356, %dma_start3A_362] : memref<92x128xi32, #tpu.memory_space<vmem>> -> memref<1x128xi32, #tpu.memory_space<vmem>>
      %dma_start3A_364 = tpu.memref_squeeze %dma_start3A_363 : memref<1x128xi32, #tpu.memory_space<vmem>> -> memref<128xi32, #tpu.memory_space<vmem>>
      %dma_start3A_365 = arith.constant 0 : i32
      %dma_start3A_366 = arith.constant 0 : i32
      %dma_start3A_367 = tpu.memref_slice %arg9[%dma_start3A_365, %dma_start3A_366] : memref<10240x16xf32, #tpu.memory_space<vmem_shared>> -> memref<10240x16xf32, #tpu.memory_space<vmem_shared>>
      tpu.enqueue_indirect_dma source(%dma_start3A_361 : memref<128x16xf32, #tpu.memory_space<vmem>>) target(%dma_start3A_367 : memref<10240x16xf32, #tpu.memory_space<vmem_shared>>) offsets(%dma_start3A_364 : memref<128xi32, #tpu.memory_space<vmem>>) semaphore(%arg16 : memref<!tpu.dma_semaphore, #tpu.memory_space<semaphore_mem>>) {add = true}
      %add3A_368 = arith.constant 3 : i32
      %add3A_369 = arith.addi %mul3A_289, %add3A_368 : i32
      %dma_wait3A_370 = arith.constant 3 : i32
      %dma_wait3A_371 = arith.constant 0 : i32
      %dma_wait3A_372 = arith.constant 0 : i32
      %dma_wait3A_373 = tpu.memref_slice %arg7[%dma_wait3A_370, %dma_wait3A_371, %dma_wait3A_372] : memref<4x128x16xf32, #tpu.memory_space<vmem>> -> memref<1x128x16xf32, #tpu.memory_space<vmem>>
      %dma_wait3A_374 = tpu.memref_squeeze %dma_wait3A_373 : memref<1x128x16xf32, #tpu.memory_space<vmem>> -> memref<128x16xf32, #tpu.memory_space<vmem>>
      %dma_wait3A_375 = arith.constant 0 : i32
      %dma_wait3A_376 = tpu.memref_slice %arg5[%add3A_369, %dma_wait3A_375] : memref<92x128xi32, #tpu.memory_space<vmem>> -> memref<1x128xi32, #tpu.memory_space<vmem>>
      %dma_wait3A_377 = tpu.memref_squeeze %dma_wait3A_376 : memref<1x128xi32, #tpu.memory_space<vmem>> -> memref<128xi32, #tpu.memory_space<vmem>>
      %dma_wait3A_378 = arith.constant 0 : i32
      %dma_wait3A_379 = arith.constant 0 : i32
      %dma_wait3A_380 = tpu.memref_slice %arg2[%dma_wait3A_378, %dma_wait3A_379] : memref<10000x16xf32, #tpu.memory_space<hbm>> -> memref<10000x16xf32, #tpu.memory_space<hbm>>
      tpu.wait_indirect_dma semaphore(%arg13 : memref<!tpu.dma_semaphore, #tpu.memory_space<semaphore_mem>>) src(%dma_wait3A_380 : memref<10000x16xf32, #tpu.memory_space<hbm>>) dst(%dma_wait3A_374 : memref<128x16xf32, #tpu.memory_space<vmem>>)
      %add3A_381 = arith.constant 3 : i32
      %add3A_382 = arith.addi %mul3A_289, %add3A_381 : i32
      %dma_start3A_383 = arith.constant 3 : i32
      %dma_start3A_384 = arith.constant 0 : i32
      %dma_start3A_385 = arith.constant 0 : i32
      %dma_start3A_386 = tpu.memref_slice %arg7[%dma_start3A_383, %dma_start3A_384, %dma_start3A_385] : memref<4x128x16xf32, #tpu.memory_space<vmem>> -> memref<1x128x16xf32, #tpu.memory_space<vmem>>
      %dma_start3A_387 = tpu.memref_squeeze %dma_start3A_386 : memref<1x128x16xf32, #tpu.memory_space<vmem>> -> memref<128x16xf32, #tpu.memory_space<vmem>>
      %dma_start3A_388 = arith.constant 0 : i32
      %dma_start3A_389 = tpu.memref_slice %arg6[%add3A_382, %dma_start3A_388] : memref<92x128xi32, #tpu.memory_space<vmem>> -> memref<1x128xi32, #tpu.memory_space<vmem>>
      %dma_start3A_390 = tpu.memref_squeeze %dma_start3A_389 : memref<1x128xi32, #tpu.memory_space<vmem>> -> memref<128xi32, #tpu.memory_space<vmem>>
      %dma_start3A_391 = arith.constant 0 : i32
      %dma_start3A_392 = arith.constant 0 : i32
      %dma_start3A_393 = tpu.memref_slice %arg9[%dma_start3A_391, %dma_start3A_392] : memref<10240x16xf32, #tpu.memory_space<vmem_shared>> -> memref<10240x16xf32, #tpu.memory_space<vmem_shared>>
      tpu.enqueue_indirect_dma source(%dma_start3A_387 : memref<128x16xf32, #tpu.memory_space<vmem>>) target(%dma_start3A_393 : memref<10240x16xf32, #tpu.memory_space<vmem_shared>>) offsets(%dma_start3A_390 : memref<128xi32, #tpu.memory_space<vmem>>) semaphore(%arg17 : memref<!tpu.dma_semaphore, #tpu.memory_space<semaphore_mem>>) {add = true}
      %add3A_394 = arith.constant 0 : i32
      %add3A_395 = arith.addi %mul3A_289, %add3A_394 : i32
      %dma_wait3A_396 = arith.constant 0 : i32
      %dma_wait3A_397 = arith.constant 0 : i32
      %dma_wait3A_398 = arith.constant 0 : i32
      %dma_wait3A_399 = tpu.memref_slice %arg7[%dma_wait3A_396, %dma_wait3A_397, %dma_wait3A_398] : memref<4x128x16xf32, #tpu.memory_space<vmem>> -> memref<1x128x16xf32, #tpu.memory_space<vmem>>
      %dma_wait3A_400 = tpu.memref_squeeze %dma_wait3A_399 : memref<1x128x16xf32, #tpu.memory_space<vmem>> -> memref<128x16xf32, #tpu.memory_space<vmem>>
      %dma_wait3A_401 = arith.constant 0 : i32
      %dma_wait3A_402 = tpu.memref_slice %arg6[%add3A_395, %dma_wait3A_401] : memref<92x128xi32, #tpu.memory_space<vmem>> -> memref<1x128xi32, #tpu.memory_space<vmem>>
      %dma_wait3A_403 = tpu.memref_squeeze %dma_wait3A_402 : memref<1x128xi32, #tpu.memory_space<vmem>> -> memref<128xi32, #tpu.memory_space<vmem>>
      %dma_wait3A_404 = arith.constant 0 : i32
      %dma_wait3A_405 = arith.constant 0 : i32
      %dma_wait3A_406 = tpu.memref_slice %arg9[%dma_wait3A_404, %dma_wait3A_405] : memref<10240x16xf32, #tpu.memory_space<vmem_shared>> -> memref<10240x16xf32, #tpu.memory_space<vmem_shared>>
      tpu.wait_indirect_dma semaphore(%arg14 : memref<!tpu.dma_semaphore, #tpu.memory_space<semaphore_mem>>) src(%dma_wait3A_400 : memref<128x16xf32, #tpu.memory_space<vmem>>) dst(%dma_wait3A_406 : memref<10240x16xf32, #tpu.memory_space<vmem_shared>>)
      %add3A_407 = arith.constant 4 : i32
      %add3A_408 = arith.addi %mul3A_289, %add3A_407 : i32
      %add3A_409 = arith.constant 0 : i32
      %add3A_410 = arith.addi %add3A_408, %add3A_409 : i32
      %dma_start3A_411 = arith.constant 0 : i32
      %dma_start3A_412 = arith.constant 0 : i32
      %dma_start3A_413 = arith.constant 0 : i32
      %dma_start3A_414 = tpu.memref_slice %arg7[%dma_start3A_411, %dma_start3A_412, %dma_start3A_413] : memref<4x128x16xf32, #tpu.memory_space<vmem>> -> memref<1x128x16xf32, #tpu.memory_space<vmem>>
      %dma_start3A_415 = tpu.memref_squeeze %dma_start3A_414 : memref<1x128x16xf32, #tpu.memory_space<vmem>> -> memref<128x16xf32, #tpu.memory_space<vmem>>
      %dma_start3A_416 = arith.constant 0 : i32
      %dma_start3A_417 = tpu.memref_slice %arg5[%add3A_410, %dma_start3A_416] : memref<92x128xi32, #tpu.memory_space<vmem>> -> memref<1x128xi32, #tpu.memory_space<vmem>>
      %dma_start3A_418 = tpu.memref_squeeze %dma_start3A_417 : memref<1x128xi32, #tpu.memory_space<vmem>> -> memref<128xi32, #tpu.memory_space<vmem>>
      %dma_start3A_419 = arith.constant 0 : i32
      %dma_start3A_420 = arith.constant 0 : i32
      %dma_start3A_421 = tpu.memref_slice %arg2[%dma_start3A_419, %dma_start3A_420] : memref<10000x16xf32, #tpu.memory_space<hbm>> -> memref<10000x16xf32, #tpu.memory_space<hbm>>
      tpu.enqueue_indirect_dma source(%dma_start3A_421 : memref<10000x16xf32, #tpu.memory_space<hbm>>) target(%dma_start3A_415 : memref<128x16xf32, #tpu.memory_space<vmem>>) offsets(%dma_start3A_418 : memref<128xi32, #tpu.memory_space<vmem>>) semaphore(%arg10 : memref<!tpu.dma_semaphore, #tpu.memory_space<semaphore_mem>>)
      %add3A_422 = arith.constant 1 : i32
      %add3A_423 = arith.addi %mul3A_289, %add3A_422 : i32
      %dma_wait3A_424 = arith.constant 1 : i32
      %dma_wait3A_425 = arith.constant 0 : i32
      %dma_wait3A_426 = arith.constant 0 : i32
      %dma_wait3A_427 = tpu.memref_slice %arg7[%dma_wait3A_424, %dma_wait3A_425, %dma_wait3A_426] : memref<4x128x16xf32, #tpu.memory_space<vmem>> -> memref<1x128x16xf32, #tpu.memory_space<vmem>>
      %dma_wait3A_428 = tpu.memref_squeeze %dma_wait3A_427 : memref<1x128x16xf32, #tpu.memory_space<vmem>> -> memref<128x16xf32, #tpu.memory_space<vmem>>
      %dma_wait3A_429 = arith.constant 0 : i32
      %dma_wait3A_430 = tpu.memref_slice %arg6[%add3A_423, %dma_wait3A_429] : memref<92x128xi32, #tpu.memory_space<vmem>> -> memref<1x128xi32, #tpu.memory_space<vmem>>
      %dma_wait3A_431 = tpu.memref_squeeze %dma_wait3A_430 : memref<1x128xi32, #tpu.memory_space<vmem>> -> memref<128xi32, #tpu.memory_space<vmem>>
      %dma_wait3A_432 = arith.constant 0 : i32
      %dma_wait3A_433 = arith.constant 0 : i32
      %dma_wait3A_434 = tpu.memref_slice %arg9[%dma_wait3A_432, %dma_wait3A_433] : memref<10240x16xf32, #tpu.memory_space<vmem_shared>> -> memref<10240x16xf32, #tpu.memory_space<vmem_shared>>
      tpu.wait_indirect_dma semaphore(%arg15 : memref<!tpu.dma_semaphore, #tpu.memory_space<semaphore_mem>>) src(%dma_wait3A_428 : memref<128x16xf32, #tpu.memory_space<vmem>>) dst(%dma_wait3A_434 : memref<10240x16xf32, #tpu.memory_space<vmem_shared>>)
      %add3A_435 = arith.constant 4 : i32
      %add3A_436 = arith.addi %mul3A_289, %add3A_435 : i32
      %add3A_437 = arith.constant 1 : i32
      %add3A_438 = arith.addi %add3A_436, %add3A_437 : i32
      %dma_start3A_439 = arith.constant 1 : i32
      %dma_start3A_440 = arith.constant 0 : i32
      %dma_start3A_441 = arith.constant 0 : i32
      %dma_start3A_442 = tpu.memref_slice %arg7[%dma_start3A_439, %dma_start3A_440, %dma_start3A_441] : memref<4x128x16xf32, #tpu.memory_space<vmem>> -> memref<1x128x16xf32, #tpu.memory_space<vmem>>
      %dma_start3A_443 = tpu.memref_squeeze %dma_start3A_442 : memref<1x128x16xf32, #tpu.memory_space<vmem>> -> memref<128x16xf32, #tpu.memory_space<vmem>>
      %dma_start3A_444 = arith.constant 0 : i32
      %dma_start3A_445 = tpu.memref_slice %arg5[%add3A_438, %dma_start3A_444] : memref<92x128xi32, #tpu.memory_space<vmem>> -> memref<1x128xi32, #tpu.memory_space<vmem>>
      %dma_start3A_446 = tpu.memref_squeeze %dma_start3A_445 : memref<1x128xi32, #tpu.memory_space<vmem>> -> memref<128xi32, #tpu.memory_space<vmem>>
      %dma_start3A_447 = arith.constant 0 : i32
      %dma_start3A_448 = arith.constant 0 : i32
      %dma_start3A_449 = tpu.memref_slice %arg2[%dma_start3A_447, %dma_start3A_448] : memref<10000x16xf32, #tpu.memory_space<hbm>> -> memref<10000x16xf32, #tpu.memory_space<hbm>>
      tpu.enqueue_indirect_dma source(%dma_start3A_449 : memref<10000x16xf32, #tpu.memory_space<hbm>>) target(%dma_start3A_443 : memref<128x16xf32, #tpu.memory_space<vmem>>) offsets(%dma_start3A_446 : memref<128xi32, #tpu.memory_space<vmem>>) semaphore(%arg11 : memref<!tpu.dma_semaphore, #tpu.memory_space<semaphore_mem>>)
      %add3A_450 = arith.constant 2 : i32
      %add3A_451 = arith.addi %mul3A_289, %add3A_450 : i32
      %dma_wait3A_452 = arith.constant 2 : i32
      %dma_wait3A_453 = arith.constant 0 : i32
      %dma_wait3A_454 = arith.constant 0 : i32
      %dma_wait3A_455 = tpu.memref_slice %arg7[%dma_wait3A_452, %dma_wait3A_453, %dma_wait3A_454] : memref<4x128x16xf32, #tpu.memory_space<vmem>> -> memref<1x128x16xf32, #tpu.memory_space<vmem>>
      %dma_wait3A_456 = tpu.memref_squeeze %dma_wait3A_455 : memref<1x128x16xf32, #tpu.memory_space<vmem>> -> memref<128x16xf32, #tpu.memory_space<vmem>>
      %dma_wait3A_457 = arith.constant 0 : i32
      %dma_wait3A_458 = tpu.memref_slice %arg6[%add3A_451, %dma_wait3A_457] : memref<92x128xi32, #tpu.memory_space<vmem>> -> memref<1x128xi32, #tpu.memory_space<vmem>>
      %dma_wait3A_459 = tpu.memref_squeeze %dma_wait3A_458 : memref<1x128xi32, #tpu.memory_space<vmem>> -> memref<128xi32, #tpu.memory_space<vmem>>
      %dma_wait3A_460 = arith.constant 0 : i32
      %dma_wait3A_461 = arith.constant 0 : i32
      %dma_wait3A_462 = tpu.memref_slice %arg9[%dma_wait3A_460, %dma_wait3A_461] : memref<10240x16xf32, #tpu.memory_space<vmem_shared>> -> memref<10240x16xf32, #tpu.memory_space<vmem_shared>>
      tpu.wait_indirect_dma semaphore(%arg16 : memref<!tpu.dma_semaphore, #tpu.memory_space<semaphore_mem>>) src(%dma_wait3A_456 : memref<128x16xf32, #tpu.memory_space<vmem>>) dst(%dma_wait3A_462 : memref<10240x16xf32, #tpu.memory_space<vmem_shared>>)
      %add3A_463 = arith.constant 4 : i32
      %add3A_464 = arith.addi %mul3A_289, %add3A_463 : i32
      %add3A_465 = arith.constant 2 : i32
      %add3A_466 = arith.addi %add3A_464, %add3A_465 : i32
      %dma_start3A_467 = arith.constant 2 : i32
      %dma_start3A_468 = arith.constant 0 : i32
      %dma_start3A_469 = arith.constant 0 : i32
      %dma_start3A_470 = tpu.memref_slice %arg7[%dma_start3A_467, %dma_start3A_468, %dma_start3A_469] : memref<4x128x16xf32, #tpu.memory_space<vmem>> -> memref<1x128x16xf32, #tpu.memory_space<vmem>>
      %dma_start3A_471 = tpu.memref_squeeze %dma_start3A_470 : memref<1x128x16xf32, #tpu.memory_space<vmem>> -> memref<128x16xf32, #tpu.memory_space<vmem>>
      %dma_start3A_472 = arith.constant 0 : i32
      %dma_start3A_473 = tpu.memref_slice %arg5[%add3A_466, %dma_start3A_472] : memref<92x128xi32, #tpu.memory_space<vmem>> -> memref<1x128xi32, #tpu.memory_space<vmem>>
      %dma_start3A_474 = tpu.memref_squeeze %dma_start3A_473 : memref<1x128xi32, #tpu.memory_space<vmem>> -> memref<128xi32, #tpu.memory_space<vmem>>
      %dma_start3A_475 = arith.constant 0 : i32
      %dma_start3A_476 = arith.constant 0 : i32
      %dma_start3A_477 = tpu.memref_slice %arg2[%dma_start3A_475, %dma_start3A_476] : memref<10000x16xf32, #tpu.memory_space<hbm>> -> memref<10000x16xf32, #tpu.memory_space<hbm>>
      tpu.enqueue_indirect_dma source(%dma_start3A_477 : memref<10000x16xf32, #tpu.memory_space<hbm>>) target(%dma_start3A_471 : memref<128x16xf32, #tpu.memory_space<vmem>>) offsets(%dma_start3A_474 : memref<128xi32, #tpu.memory_space<vmem>>) semaphore(%arg12 : memref<!tpu.dma_semaphore, #tpu.memory_space<semaphore_mem>>)
      %add3A_478 = arith.constant 3 : i32
      %add3A_479 = arith.addi %mul3A_289, %add3A_478 : i32
      %dma_wait3A_480 = arith.constant 3 : i32
      %dma_wait3A_481 = arith.constant 0 : i32
      %dma_wait3A_482 = arith.constant 0 : i32
      %dma_wait3A_483 = tpu.memref_slice %arg7[%dma_wait3A_480, %dma_wait3A_481, %dma_wait3A_482] : memref<4x128x16xf32, #tpu.memory_space<vmem>> -> memref<1x128x16xf32, #tpu.memory_space<vmem>>
      %dma_wait3A_484 = tpu.memref_squeeze %dma_wait3A_483 : memref<1x128x16xf32, #tpu.memory_space<vmem>> -> memref<128x16xf32, #tpu.memory_space<vmem>>
      %dma_wait3A_485 = arith.constant 0 : i32
      %dma_wait3A_486 = tpu.memref_slice %arg6[%add3A_479, %dma_wait3A_485] : memref<92x128xi32, #tpu.memory_space<vmem>> -> memref<1x128xi32, #tpu.memory_space<vmem>>
      %dma_wait3A_487 = tpu.memref_squeeze %dma_wait3A_486 : memref<1x128xi32, #tpu.memory_space<vmem>> -> memref<128xi32, #tpu.memory_space<vmem>>
      %dma_wait3A_488 = arith.constant 0 : i32
      %dma_wait3A_489 = arith.constant 0 : i32
      %dma_wait3A_490 = tpu.memref_slice %arg9[%dma_wait3A_488, %dma_wait3A_489] : memref<10240x16xf32, #tpu.memory_space<vmem_shared>> -> memref<10240x16xf32, #tpu.memory_space<vmem_shared>>
      tpu.wait_indirect_dma semaphore(%arg17 : memref<!tpu.dma_semaphore, #tpu.memory_space<semaphore_mem>>) src(%dma_wait3A_484 : memref<128x16xf32, #tpu.memory_space<vmem>>) dst(%dma_wait3A_490 : memref<10240x16xf32, #tpu.memory_space<vmem_shared>>)
      %add3A_491 = arith.constant 4 : i32
      %add3A_492 = arith.addi %mul3A_289, %add3A_491 : i32
      %add3A_493 = arith.constant 3 : i32
      %add3A_494 = arith.addi %add3A_492, %add3A_493 : i32
      %dma_start3A_495 = arith.constant 3 : i32
      %dma_start3A_496 = arith.constant 0 : i32
      %dma_start3A_497 = arith.constant 0 : i32
      %dma_start3A_498 = tpu.memref_slice %arg7[%dma_start3A_495, %dma_start3A_496, %dma_start3A_497] : memref<4x128x16xf32, #tpu.memory_space<vmem>> -> memref<1x128x16xf32, #tpu.memory_space<vmem>>
      %dma_start3A_499 = tpu.memref_squeeze %dma_start3A_498 : memref<1x128x16xf32, #tpu.memory_space<vmem>> -> memref<128x16xf32, #tpu.memory_space<vmem>>
      %dma_start3A_500 = arith.constant 0 : i32
      %dma_start3A_501 = tpu.memref_slice %arg5[%add3A_494, %dma_start3A_500] : memref<92x128xi32, #tpu.memory_space<vmem>> -> memref<1x128xi32, #tpu.memory_space<vmem>>
      %dma_start3A_502 = tpu.memref_squeeze %dma_start3A_501 : memref<1x128xi32, #tpu.memory_space<vmem>> -> memref<128xi32, #tpu.memory_space<vmem>>
      %dma_start3A_503 = arith.constant 0 : i32
      %dma_start3A_504 = arith.constant 0 : i32
      %dma_start3A_505 = tpu.memref_slice %arg2[%dma_start3A_503, %dma_start3A_504] : memref<10000x16xf32, #tpu.memory_space<hbm>> -> memref<10000x16xf32, #tpu.memory_space<hbm>>
      tpu.enqueue_indirect_dma source(%dma_start3A_505 : memref<10000x16xf32, #tpu.memory_space<hbm>>) target(%dma_start3A_499 : memref<128x16xf32, #tpu.memory_space<vmem>>) offsets(%dma_start3A_502 : memref<128xi32, #tpu.memory_space<vmem>>) semaphore(%arg13 : memref<!tpu.dma_semaphore, #tpu.memory_space<semaphore_mem>>)
    }
    %while3A_124 = arith.constant 1 : i32
    scf.for %while3A_287 = %while3A_122 to %while3A_118 step %while3A_124  : i32 {
      %mul3A_288 = arith.constant 4 : i32
      %mul3A_289 = arith.muli %while3A_287, %mul3A_288 : i32
      %add3A_290 = arith.constant 0 : i32
      %add3A_291 = arith.addi %mul3A_289, %add3A_290 : i32
      %dma_wait3A_292 = arith.constant 0 : i32
      %dma_wait3A_293 = arith.constant 0 : i32
      %dma_wait3A_294 = arith.constant 0 : i32
      %dma_wait3A_295 = tpu.memref_slice %arg7[%dma_wait3A_292, %dma_wait3A_293, %dma_wait3A_294] : memref<4x128x16xf32, #tpu.memory_space<vmem>> -> memref<1x128x16xf32, #tpu.memory_space<vmem>>
      %dma_wait3A_296 = tpu.memref_squeeze %dma_wait3A_295 : memref<1x128x16xf32, #tpu.memory_space<vmem>> -> memref<128x16xf32, #tpu.memory_space<vmem>>
      %dma_wait3A_297 = arith.constant 0 : i32
      %dma_wait3A_298 = tpu.memref_slice %arg5[%add3A_291, %dma_wait3A_297] : memref<92x128xi32, #tpu.memory_space<vmem>> -> memref<1x128xi32, #tpu.memory_space<vmem>>
      %dma_wait3A_299 = tpu.memref_squeeze %dma_wait3A_298 : memref<1x128xi32, #tpu.memory_space<vmem>> -> memref<128xi32, #tpu.memory_space<vmem>>
      %dma_wait3A_300 = arith.constant 0 : i32
      %dma_wait3A_301 = arith.constant 0 : i32
      %dma_wait3A_302 = tpu.memref_slice %arg2[%dma_wait3A_300, %dma_wait3A_301] : memref<10000x16xf32, #tpu.memory_space<hbm>> -> memref<10000x16xf32, #tpu.memory_space<hbm>>
      tpu.wait_indirect_dma semaphore(%arg10 : memref<!tpu.dma_semaphore, #tpu.memory_space<semaphore_mem>>) src(%dma_wait3A_302 : memref<10000x16xf32, #tpu.memory_space<hbm>>) dst(%dma_wait3A_296 : memref<128x16xf32, #tpu.memory_space<vmem>>)
      %add3A_303 = arith.constant 0 : i32
      %add3A_304 = arith.addi %mul3A_289, %add3A_303 : i32
      %dma_start3A_305 = arith.constant 0 : i32
      %dma_start3A_306 = arith.constant 0 : i32
      %dma_start3A_307 = arith.constant 0 : i32
      %dma_start3A_308 = tpu.memref_slice %arg7[%dma_start3A_305, %dma_start3A_306, %dma_start3A_307] : memref<4x128x16xf32, #tpu.memory_space<vmem>> -> memref<1x128x16xf32, #tpu.memory_space<vmem>>
      %dma_start3A_309 = tpu.memref_squeeze %dma_start3A_308 : memref<1x128x16xf32, #tpu.memory_space<vmem>> -> memref<128x16xf32, #tpu.memory_space<vmem>>
      %dma_start3A_310 = arith.constant 0 : i32
      %dma_start3A_311 = tpu.memref_slice %arg6[%add3A_304, %dma_start3A_310] : memref<92x128xi32, #tpu.memory_space<vmem>> -> memref<1x128xi32, #tpu.memory_space<vmem>>
      %dma_start3A_312 = tpu.memref_squeeze %dma_start3A_311 : memref<1x128xi32, #tpu.memory_space<vmem>> -> memref<128xi32, #tpu.memory_space<vmem>>
      %dma_start3A_313 = arith.constant 0 : i32
      %dma_start3A_314 = arith.constant 0 : i32
      %dma_start3A_315 = tpu.memref_slice %arg9[%dma_start3A_313, %dma_start3A_314] : memref<10240x16xf32, #tpu.memory_space<vmem_shared>> -> memref<10240x16xf32, #tpu.memory_space<vmem_shared>>
      tpu.enqueue_indirect_dma source(%dma_start3A_309 : memref<128x16xf32, #tpu.memory_space<vmem>>) target(%dma_start3A_315 : memref<10240x16xf32, #tpu.memory_space<vmem_shared>>) offsets(%dma_start3A_312 : memref<128xi32, #tpu.memory_space<vmem>>) semaphore(%arg14 : memref<!tpu.dma_semaphore, #tpu.memory_space<semaphore_mem>>) {add = true}
      %add3A_316 = arith.constant 1 : i32
      %add3A_317 = arith.addi %mul3A_289, %add3A_316 : i32
      %dma_wait3A_318 = arith.constant 1 : i32
      %dma_wait3A_319 = arith.constant 0 : i32
      %dma_wait3A_320 = arith.constant 0 : i32
      %dma_wait3A_321 = tpu.memref_slice %arg7[%dma_wait3A_318, %dma_wait3A_319, %dma_wait3A_320] : memref<4x128x16xf32, #tpu.memory_space<vmem>> -> memref<1x128x16xf32, #tpu.memory_space<vmem>>
      %dma_wait3A_322 = tpu.memref_squeeze %dma_wait3A_321 : memref<1x128x16xf32, #tpu.memory_space<vmem>> -> memref<128x16xf32, #tpu.memory_space<vmem>>
      %dma_wait3A_323 = arith.constant 0 : i32
      %dma_wait3A_324 = tpu.memref_slice %arg5[%add3A_317, %dma_wait3A_323] : memref<92x128xi32, #tpu.memory_space<vmem>> -> memref<1x128xi32, #tpu.memory_space<vmem>>
      %dma_wait3A_325 = tpu.memref_squeeze %dma_wait3A_324 : memref<1x128xi32, #tpu.memory_space<vmem>> -> memref<128xi32, #tpu.memory_space<vmem>>
      %dma_wait3A_326 = arith.constant 0 : i32
      %dma_wait3A_327 = arith.constant 0 : i32
      %dma_wait3A_328 = tpu.memref_slice %arg2[%dma_wait3A_326, %dma_wait3A_327] : memref<10000x16xf32, #tpu.memory_space<hbm>> -> memref<10000x16xf32, #tpu.memory_space<hbm>>
      tpu.wait_indirect_dma semaphore(%arg11 : memref<!tpu.dma_semaphore, #tpu.memory_space<semaphore_mem>>) src(%dma_wait3A_328 : memref<10000x16xf32, #tpu.memory_space<hbm>>) dst(%dma_wait3A_322 : memref<128x16xf32, #tpu.memory_space<vmem>>)
      %add3A_329 = arith.constant 1 : i32
      %add3A_330 = arith.addi %mul3A_289, %add3A_329 : i32
      %dma_start3A_331 = arith.constant 1 : i32
      %dma_start3A_332 = arith.constant 0 : i32
      %dma_start3A_333 = arith.constant 0 : i32
      %dma_start3A_334 = tpu.memref_slice %arg7[%dma_start3A_331, %dma_start3A_332, %dma_start3A_333] : memref<4x128x16xf32, #tpu.memory_space<vmem>> -> memref<1x128x16xf32, #tpu.memory_space<vmem>>
      %dma_start3A_335 = tpu.memref_squeeze %dma_start3A_334 : memref<1x128x16xf32, #tpu.memory_space<vmem>> -> memref<128x16xf32, #tpu.memory_space<vmem>>
      %dma_start3A_336 = arith.constant 0 : i32
      %dma_start3A_337 = tpu.memref_slice %arg6[%add3A_330, %dma_start3A_336] : memref<92x128xi32, #tpu.memory_space<vmem>> -> memref<1x128xi32, #tpu.memory_space<vmem>>
      %dma_start3A_338 = tpu.memref_squeeze %dma_start3A_337 : memref<1x128xi32, #tpu.memory_space<vmem>> -> memref<128xi32, #tpu.memory_space<vmem>>
      %dma_start3A_339 = arith.constant 0 : i32
      %dma_start3A_340 = arith.constant 0 : i32
      %dma_start3A_341 = tpu.memref_slice %arg9[%dma_start3A_339, %dma_start3A_340] : memref<10240x16xf32, #tpu.memory_space<vmem_shared>> -> memref<10240x16xf32, #tpu.memory_space<vmem_shared>>
      tpu.enqueue_indirect_dma source(%dma_start3A_335 : memref<128x16xf32, #tpu.memory_space<vmem>>) target(%dma_start3A_341 : memref<10240x16xf32, #tpu.memory_space<vmem_shared>>) offsets(%dma_start3A_338 : memref<128xi32, #tpu.memory_space<vmem>>) semaphore(%arg15 : memref<!tpu.dma_semaphore, #tpu.memory_space<semaphore_mem>>) {add = true}
      %add3A_342 = arith.constant 2 : i32
      %add3A_343 = arith.addi %mul3A_289, %add3A_342 : i32
      %dma_wait3A_344 = arith.constant 2 : i32
      %dma_wait3A_345 = arith.constant 0 : i32
      %dma_wait3A_346 = arith.constant 0 : i32
      %dma_wait3A_347 = tpu.memref_slice %arg7[%dma_wait3A_344, %dma_wait3A_345, %dma_wait3A_346] : memref<4x128x16xf32, #tpu.memory_space<vmem>> -> memref<1x128x16xf32, #tpu.memory_space<vmem>>
      %dma_wait3A_348 = tpu.memref_squeeze %dma_wait3A_347 : memref<1x128x16xf32, #tpu.memory_space<vmem>> -> memref<128x16xf32, #tpu.memory_space<vmem>>
      %dma_wait3A_349 = arith.constant 0 : i32
      %dma_wait3A_350 = tpu.memref_slice %arg5[%add3A_343, %dma_wait3A_349] : memref<92x128xi32, #tpu.memory_space<vmem>> -> memref<1x128xi32, #tpu.memory_space<vmem>>
      %dma_wait3A_351 = tpu.memref_squeeze %dma_wait3A_350 : memref<1x128xi32, #tpu.memory_space<vmem>> -> memref<128xi32, #tpu.memory_space<vmem>>
      %dma_wait3A_352 = arith.constant 0 : i32
      %dma_wait3A_353 = arith.constant 0 : i32
      %dma_wait3A_354 = tpu.memref_slice %arg2[%dma_wait3A_352, %dma_wait3A_353] : memref<10000x16xf32, #tpu.memory_space<hbm>> -> memref<10000x16xf32, #tpu.memory_space<hbm>>
      tpu.wait_indirect_dma semaphore(%arg12 : memref<!tpu.dma_semaphore, #tpu.memory_space<semaphore_mem>>) src(%dma_wait3A_354 : memref<10000x16xf32, #tpu.memory_space<hbm>>) dst(%dma_wait3A_348 : memref<128x16xf32, #tpu.memory_space<vmem>>)
      %add3A_355 = arith.constant 2 : i32
      %add3A_356 = arith.addi %mul3A_289, %add3A_355 : i32
      %dma_start3A_357 = arith.constant 2 : i32
      %dma_start3A_358 = arith.constant 0 : i32
      %dma_start3A_359 = arith.constant 0 : i32
      %dma_start3A_360 = tpu.memref_slice %arg7[%dma_start3A_357, %dma_start3A_358, %dma_start3A_359] : memref<4x128x16xf32, #tpu.memory_space<vmem>> -> memref<1x128x16xf32, #tpu.memory_space<vmem>>
      %dma_start3A_361 = tpu.memref_squeeze %dma_start3A_360 : memref<1x128x16xf32, #tpu.memory_space<vmem>> -> memref<128x16xf32, #tpu.memory_space<vmem>>
      %dma_start3A_362 = arith.constant 0 : i32
      %dma_start3A_363 = tpu.memref_slice %arg6[%add3A_356, %dma_start3A_362] : memref<92x128xi32, #tpu.memory_space<vmem>> -> memref<1x128xi32, #tpu.memory_space<vmem>>
      %dma_start3A_364 = tpu.memref_squeeze %dma_start3A_363 : memref<1x128xi32, #tpu.memory_space<vmem>> -> memref<128xi32, #tpu.memory_space<vmem>>
      %dma_start3A_365 = arith.constant 0 : i32
      %dma_start3A_366 = arith.constant 0 : i32
      %dma_start3A_367 = tpu.memref_slice %arg9[%dma_start3A_365, %dma_start3A_366] : memref<10240x16xf32, #tpu.memory_space<vmem_shared>> -> memref<10240x16xf32, #tpu.memory_space<vmem_shared>>
      tpu.enqueue_indirect_dma source(%dma_start3A_361 : memref<128x16xf32, #tpu.memory_space<vmem>>) target(%dma_start3A_367 : memref<10240x16xf32, #tpu.memory_space<vmem_shared>>) offsets(%dma_start3A_364 : memref<128xi32, #tpu.memory_space<vmem>>) semaphore(%arg16 : memref<!tpu.dma_semaphore, #tpu.memory_space<semaphore_mem>>) {add = true}
      %add3A_368 = arith.constant 3 : i32
      %add3A_369 = arith.addi %mul3A_289, %add3A_368 : i32
      %dma_wait3A_370 = arith.constant 3 : i32
      %dma_wait3A_371 = arith.constant 0 : i32
      %dma_wait3A_372 = arith.constant 0 : i32
      %dma_wait3A_373 = tpu.memref_slice %arg7[%dma_wait3A_370, %dma_wait3A_371, %dma_wait3A_372] : memref<4x128x16xf32, #tpu.memory_space<vmem>> -> memref<1x128x16xf32, #tpu.memory_space<vmem>>
      %dma_wait3A_374 = tpu.memref_squeeze %dma_wait3A_373 : memref<1x128x16xf32, #tpu.memory_space<vmem>> -> memref<128x16xf32, #tpu.memory_space<vmem>>
      %dma_wait3A_375 = arith.constant 0 : i32
      %dma_wait3A_376 = tpu.memref_slice %arg5[%add3A_369, %dma_wait3A_375] : memref<92x128xi32, #tpu.memory_space<vmem>> -> memref<1x128xi32, #tpu.memory_space<vmem>>
      %dma_wait3A_377 = tpu.memref_squeeze %dma_wait3A_376 : memref<1x128xi32, #tpu.memory_space<vmem>> -> memref<128xi32, #tpu.memory_space<vmem>>
      %dma_wait3A_378 = arith.constant 0 : i32
      %dma_wait3A_379 = arith.constant 0 : i32
      %dma_wait3A_380 = tpu.memref_slice %arg2[%dma_wait3A_378, %dma_wait3A_379] : memref<10000x16xf32, #tpu.memory_space<hbm>> -> memref<10000x16xf32, #tpu.memory_space<hbm>>
      tpu.wait_indirect_dma semaphore(%arg13 : memref<!tpu.dma_semaphore, #tpu.memory_space<semaphore_mem>>) src(%dma_wait3A_380 : memref<10000x16xf32, #tpu.memory_space<hbm>>) dst(%dma_wait3A_374 : memref<128x16xf32, #tpu.memory_space<vmem>>)
      %add3A_381 = arith.constant 3 : i32
      %add3A_382 = arith.addi %mul3A_289, %add3A_381 : i32
      %dma_start3A_383 = arith.constant 3 : i32
      %dma_start3A_384 = arith.constant 0 : i32
      %dma_start3A_385 = arith.constant 0 : i32
      %dma_start3A_386 = tpu.memref_slice %arg7[%dma_start3A_383, %dma_start3A_384, %dma_start3A_385] : memref<4x128x16xf32, #tpu.memory_space<vmem>> -> memref<1x128x16xf32, #tpu.memory_space<vmem>>
      %dma_start3A_387 = tpu.memref_squeeze %dma_start3A_386 : memref<1x128x16xf32, #tpu.memory_space<vmem>> -> memref<128x16xf32, #tpu.memory_space<vmem>>
      %dma_start3A_388 = arith.constant 0 : i32
      %dma_start3A_389 = tpu.memref_slice %arg6[%add3A_382, %dma_start3A_388] : memref<92x128xi32, #tpu.memory_space<vmem>> -> memref<1x128xi32, #tpu.memory_space<vmem>>
      %dma_start3A_390 = tpu.memref_squeeze %dma_start3A_389 : memref<1x128xi32, #tpu.memory_space<vmem>> -> memref<128xi32, #tpu.memory_space<vmem>>
      %dma_start3A_391 = arith.constant 0 : i32
      %dma_start3A_392 = arith.constant 0 : i32
      %dma_start3A_393 = tpu.memref_slice %arg9[%dma_start3A_391, %dma_start3A_392] : memref<10240x16xf32, #tpu.memory_space<vmem_shared>> -> memref<10240x16xf32, #tpu.memory_space<vmem_shared>>
      tpu.enqueue_indirect_dma source(%dma_start3A_387 : memref<128x16xf32, #tpu.memory_space<vmem>>) target(%dma_start3A_393 : memref<10240x16xf32, #tpu.memory_space<vmem_shared>>) offsets(%dma_start3A_390 : memref<128xi32, #tpu.memory_space<vmem>>) semaphore(%arg17 : memref<!tpu.dma_semaphore, #tpu.memory_space<semaphore_mem>>) {add = true}
      %add3A_394 = arith.constant 0 : i32
      %add3A_395 = arith.addi %mul3A_289, %add3A_394 : i32
      %dma_wait3A_396 = arith.constant 0 : i32
      %dma_wait3A_397 = arith.constant 0 : i32
      %dma_wait3A_398 = arith.constant 0 : i32
      %dma_wait3A_399 = tpu.memref_slice %arg7[%dma_wait3A_396, %dma_wait3A_397, %dma_wait3A_398] : memref<4x128x16xf32, #tpu.memory_space<vmem>> -> memref<1x128x16xf32, #tpu.memory_space<vmem>>
      %dma_wait3A_400 = tpu.memref_squeeze %dma_wait3A_399 : memref<1x128x16xf32, #tpu.memory_space<vmem>> -> memref<128x16xf32, #tpu.memory_space<vmem>>
      %dma_wait3A_401 = arith.constant 0 : i32
      %dma_wait3A_402 = tpu.memref_slice %arg6[%add3A_395, %dma_wait3A_401] : memref<92x128xi32, #tpu.memory_space<vmem>> -> memref<1x128xi32, #tpu.memory_space<vmem>>
      %dma_wait3A_403 = tpu.memref_squeeze %dma_wait3A_402 : memref<1x128xi32, #tpu.memory_space<vmem>> -> memref<128xi32, #tpu.memory_space<vmem>>
      %dma_wait3A_404 = arith.constant 0 : i32
      %dma_wait3A_405 = arith.constant 0 : i32
      %dma_wait3A_406 = tpu.memref_slice %arg9[%dma_wait3A_404, %dma_wait3A_405] : memref<10240x16xf32, #tpu.memory_space<vmem_shared>> -> memref<10240x16xf32, #tpu.memory_space<vmem_shared>>
      tpu.wait_indirect_dma semaphore(%arg14 : memref<!tpu.dma_semaphore, #tpu.memory_space<semaphore_mem>>) src(%dma_wait3A_400 : memref<128x16xf32, #tpu.memory_space<vmem>>) dst(%dma_wait3A_406 : memref<10240x16xf32, #tpu.memory_space<vmem_shared>>)
      %add3A_407 = arith.constant 4 : i32
      %add3A_408 = arith.addi %mul3A_289, %add3A_407 : i32
      %add3A_409 = arith.constant 0 : i32
      %add3A_410 = arith.addi %add3A_408, %add3A_409 : i32
      %dma_start3A_411 = arith.constant 0 : i32
      %dma_start3A_412 = arith.constant 0 : i32
      %dma_start3A_413 = arith.constant 0 : i32
      %dma_start3A_414 = tpu.memref_slice %arg7[%dma_start3A_411, %dma_start3A_412, %dma_start3A_413] : memref<4x128x16xf32, #tpu.memory_space<vmem>> -> memref<1x128x16xf32, #tpu.memory_space<vmem>>
      %dma_start3A_415 = tpu.memref_squeeze %dma_start3A_414 : memref<1x128x16xf32, #tpu.memory_space<vmem>> -> memref<128x16xf32, #tpu.memory_space<vmem>>
      %dma_start3A_416 = arith.constant 0 : i32
      %dma_start3A_417 = tpu.memref_slice %arg5[%add3A_410, %dma_start3A_416] : memref<92x128xi32, #tpu.memory_space<vmem>> -> memref<1x128xi32, #tpu.memory_space<vmem>>
      %dma_start3A_418 = tpu.memref_squeeze %dma_start3A_417 : memref<1x128xi32, #tpu.memory_space<vmem>> -> memref<128xi32, #tpu.memory_space<vmem>>
      %dma_start3A_419 = arith.constant 0 : i32
      %dma_start3A_420 = arith.constant 0 : i32
      %dma_start3A_421 = tpu.memref_slice %arg2[%dma_start3A_419, %dma_start3A_420] : memref<10000x16xf32, #tpu.memory_space<hbm>> -> memref<10000x16xf32, #tpu.memory_space<hbm>>
      tpu.enqueue_indirect_dma source(%dma_start3A_421 : memref<10000x16xf32, #tpu.memory_space<hbm>>) target(%dma_start3A_415 : memref<128x16xf32, #tpu.memory_space<vmem>>) offsets(%dma_start3A_418 : memref<128xi32, #tpu.memory_space<vmem>>) semaphore(%arg10 : memref<!tpu.dma_semaphore, #tpu.memory_space<semaphore_mem>>)
      %add3A_422 = arith.constant 1 : i32
      %add3A_423 = arith.addi %mul3A_289, %add3A_422 : i32
      %dma_wait3A_424 = arith.constant 1 : i32
      %dma_wait3A_425 = arith.constant 0 : i32
      %dma_wait3A_426 = arith.constant 0 : i32
      %dma_wait3A_427 = tpu.memref_slice %arg7[%dma_wait3A_424, %dma_wait3A_425, %dma_wait3A_426] : memref<4x128x16xf32, #tpu.memory_space<vmem>> -> memref<1x128x16xf32, #tpu.memory_space<vmem>>
      %dma_wait3A_428 = tpu.memref_squeeze %dma_wait3A_427 : memref<1x128x16xf32, #tpu.memory_space<vmem>> -> memref<128x16xf32, #tpu.memory_space<vmem>>
      %dma_wait3A_429 = arith.constant 0 : i32
      %dma_wait3A_430 = tpu.memref_slice %arg6[%add3A_423, %dma_wait3A_429] : memref<92x128xi32, #tpu.memory_space<vmem>> -> memref<1x128xi32, #tpu.memory_space<vmem>>
      %dma_wait3A_431 = tpu.memref_squeeze %dma_wait3A_430 : memref<1x128xi32, #tpu.memory_space<vmem>> -> memref<128xi32, #tpu.memory_space<vmem>>
      %dma_wait3A_432 = arith.constant 0 : i32
      %dma_wait3A_433 = arith.constant 0 : i32
      %dma_wait3A_434 = tpu.memref_slice %arg9[%dma_wait3A_432, %dma_wait3A_433] : memref<10240x16xf32, #tpu.memory_space<vmem_shared>> -> memref<10240x16xf32, #tpu.memory_space<vmem_shared>>
      tpu.wait_indirect_dma semaphore(%arg15 : memref<!tpu.dma_semaphore, #tpu.memory_space<semaphore_mem>>) src(%dma_wait3A_428 : memref<128x16xf32, #tpu.memory_space<vmem>>) dst(%dma_wait3A_434 : memref<10240x16xf32, #tpu.memory_space<vmem_shared>>)
      %add3A_435 = arith.constant 4 : i32
      %add3A_436 = arith.addi %mul3A_289, %add3A_435 : i32
      %add3A_437 = arith.constant 1 : i32
      %add3A_438 = arith.addi %add3A_436, %add3A_437 : i32
      %dma_start3A_439 = arith.constant 1 : i32
      %dma_start3A_440 = arith.constant 0 : i32
      %dma_start3A_441 = arith.constant 0 : i32
      %dma_start3A_442 = tpu.memref_slice %arg7[%dma_start3A_439, %dma_start3A_440, %dma_start3A_441] : memref<4x128x16xf32, #tpu.memory_space<vmem>> -> memref<1x128x16xf32, #tpu.memory_space<vmem>>
      %dma_start3A_443 = tpu.memref_squeeze %dma_start3A_442 : memref<1x128x16xf32, #tpu.memory_space<vmem>> -> memref<128x16xf32, #tpu.memory_space<vmem>>
      %dma_start3A_444 = arith.constant 0 : i32
      %dma_start3A_445 = tpu.memref_slice %arg5[%add3A_438, %dma_start3A_444] : memref<92x128xi32, #tpu.memory_space<vmem>> -> memref<1x128xi32, #tpu.memory_space<vmem>>
      %dma_start3A_446 = tpu.memref_squeeze %dma_start3A_445 : memref<1x128xi32, #tpu.memory_space<vmem>> -> memref<128xi32, #tpu.memory_space<vmem>>
      %dma_start3A_447 = arith.constant 0 : i32
      %dma_start3A_448 = arith.constant 0 : i32
      %dma_start3A_449 = tpu.memref_slice %arg2[%dma_start3A_447, %dma_start3A_448] : memref<10000x16xf32, #tpu.memory_space<hbm>> -> memref<10000x16xf32, #tpu.memory_space<hbm>>
      tpu.enqueue_indirect_dma source(%dma_start3A_449 : memref<10000x16xf32, #tpu.memory_space<hbm>>) target(%dma_start3A_443 : memref<128x16xf32, #tpu.memory_space<vmem>>) offsets(%dma_start3A_446 : memref<128xi32, #tpu.memory_space<vmem>>) semaphore(%arg11 : memref<!tpu.dma_semaphore, #tpu.memory_space<semaphore_mem>>)
      %add3A_450 = arith.constant 2 : i32
      %add3A_451 = arith.addi %mul3A_289, %add3A_450 : i32
      %dma_wait3A_452 = arith.constant 2 : i32
      %dma_wait3A_453 = arith.constant 0 : i32
      %dma_wait3A_454 = arith.constant 0 : i32
      %dma_wait3A_455 = tpu.memref_slice %arg7[%dma_wait3A_452, %dma_wait3A_453, %dma_wait3A_454] : memref<4x128x16xf32, #tpu.memory_space<vmem>> -> memref<1x128x16xf32, #tpu.memory_space<vmem>>
      %dma_wait3A_456 = tpu.memref_squeeze %dma_wait3A_455 : memref<1x128x16xf32, #tpu.memory_space<vmem>> -> memref<128x16xf32, #tpu.memory_space<vmem>>
      %dma_wait3A_457 = arith.constant 0 : i32
      %dma_wait3A_458 = tpu.memref_slice %arg6[%add3A_451, %dma_wait3A_457] : memref<92x128xi32, #tpu.memory_space<vmem>> -> memref<1x128xi32, #tpu.memory_space<vmem>>
      %dma_wait3A_459 = tpu.memref_squeeze %dma_wait3A_458 : memref<1x128xi32, #tpu.memory_space<vmem>> -> memref<128xi32, #tpu.memory_space<vmem>>
      %dma_wait3A_460 = arith.constant 0 : i32
      %dma_wait3A_461 = arith.constant 0 : i32
      %dma_wait3A_462 = tpu.memref_slice %arg9[%dma_wait3A_460, %dma_wait3A_461] : memref<10240x16xf32, #tpu.memory_space<vmem_shared>> -> memref<10240x16xf32, #tpu.memory_space<vmem_shared>>
      tpu.wait_indirect_dma semaphore(%arg16 : memref<!tpu.dma_semaphore, #tpu.memory_space<semaphore_mem>>) src(%dma_wait3A_456 : memref<128x16xf32, #tpu.memory_space<vmem>>) dst(%dma_wait3A_462 : memref<10240x16xf32, #tpu.memory_space<vmem_shared>>)
      %add3A_463 = arith.constant 4 : i32
      %add3A_464 = arith.addi %mul3A_289, %add3A_463 : i32
      %add3A_465 = arith.constant 2 : i32
      %add3A_466 = arith.addi %add3A_464, %add3A_465 : i32
      %dma_start3A_467 = arith.constant 2 : i32
      %dma_start3A_468 = arith.constant 0 : i32
      %dma_start3A_469 = arith.constant 0 : i32
      %dma_start3A_470 = tpu.memref_slice %arg7[%dma_start3A_467, %dma_start3A_468, %dma_start3A_469] : memref<4x128x16xf32, #tpu.memory_space<vmem>> -> memref<1x128x16xf32, #tpu.memory_space<vmem>>
      %dma_start3A_471 = tpu.memref_squeeze %dma_start3A_470 : memref<1x128x16xf32, #tpu.memory_space<vmem>> -> memref<128x16xf32, #tpu.memory_space<vmem>>
      %dma_start3A_472 = arith.constant 0 : i32
      %dma_start3A_473 = tpu.memref_slice %arg5[%add3A_466, %dma_start3A_472] : memref<92x128xi32, #tpu.memory_space<vmem>> -> memref<1x128xi32, #tpu.memory_space<vmem>>
      %dma_start3A_474 = tpu.memref_squeeze %dma_start3A_473 : memref<1x128xi32, #tpu.memory_space<vmem>> -> memref<128xi32, #tpu.memory_space<vmem>>
      %dma_start3A_475 = arith.constant 0 : i32
      %dma_start3A_476 = arith.constant 0 : i32
      %dma_start3A_477 = tpu.memref_slice %arg2[%dma_start3A_475, %dma_start3A_476] : memref<10000x16xf32, #tpu.memory_space<hbm>> -> memref<10000x16xf32, #tpu.memory_space<hbm>>
      tpu.enqueue_indirect_dma source(%dma_start3A_477 : memref<10000x16xf32, #tpu.memory_space<hbm>>) target(%dma_start3A_471 : memref<128x16xf32, #tpu.memory_space<vmem>>) offsets(%dma_start3A_474 : memref<128xi32, #tpu.memory_space<vmem>>) semaphore(%arg12 : memref<!tpu.dma_semaphore, #tpu.memory_space<semaphore_mem>>)
      %add3A_478 = arith.constant 3 : i32
      %add3A_479 = arith.addi %mul3A_289, %add3A_478 : i32
      %dma_wait3A_480 = arith.constant 3 : i32
      %dma_wait3A_481 = arith.constant 0 : i32
      %dma_wait3A_482 = arith.constant 0 : i32
      %dma_wait3A_483 = tpu.memref_slice %arg7[%dma_wait3A_480, %dma_wait3A_481, %dma_wait3A_482] : memref<4x128x16xf32, #tpu.memory_space<vmem>> -> memref<1x128x16xf32, #tpu.memory_space<vmem>>
      %dma_wait3A_484 = tpu.memref_squeeze %dma_wait3A_483 : memref<1x128x16xf32, #tpu.memory_space<vmem>> -> memref<128x16xf32, #tpu.memory_space<vmem>>
      %dma_wait3A_485 = arith.constant 0 : i32
      %dma_wait3A_486 = tpu.memref_slice %arg6[%add3A_479, %dma_wait3A_485] : memref<92x128xi32, #tpu.memory_space<vmem>> -> memref<1x128xi32, #tpu.memory_space<vmem>>
      %dma_wait3A_487 = tpu.memref_squeeze %dma_wait3A_486 : memref<1x128xi32, #tpu.memory_space<vmem>> -> memref<128xi32, #tpu.memory_space<vmem>>
      %dma_wait3A_488 = arith.constant 0 : i32
      %dma_wait3A_489 = arith.constant 0 : i32
      %dma_wait3A_490 = tpu.memref_slice %arg9[%dma_wait3A_488, %dma_wait3A_489] : memref<10240x16xf32, #tpu.memory_space<vmem_shared>> -> memref<10240x16xf32, #tpu.memory_space<vmem_shared>>
      tpu.wait_indirect_dma semaphore(%arg17 : memref<!tpu.dma_semaphore, #tpu.memory_space<semaphore_mem>>) src(%dma_wait3A_484 : memref<128x16xf32, #tpu.memory_space<vmem>>) dst(%dma_wait3A_490 : memref<10240x16xf32, #tpu.memory_space<vmem_shared>>)
      %add3A_491 = arith.constant 4 : i32
      %add3A_492 = arith.addi %mul3A_289, %add3A_491 : i32
      %add3A_493 = arith.constant 3 : i32
      %add3A_494 = arith.addi %add3A_492, %add3A_493 : i32
      %dma_start3A_495 = arith.constant 3 : i32
      %dma_start3A_496 = arith.constant 0 : i32
      %dma_start3A_497 = arith.constant 0 : i32
      %dma_start3A_498 = tpu.memref_slice %arg7[%dma_start3A_495, %dma_start3A_496, %dma_start3A_497] : memref<4x128x16xf32, #tpu.memory_space<vmem>> -> memref<1x128x16xf32, #tpu.memory_space<vmem>>
      %dma_start3A_499 = tpu.memref_squeeze %dma_start3A_498 : memref<1x128x16xf32, #tpu.memory_space<vmem>> -> memref<128x16xf32, #tpu.memory_space<vmem>>
      %dma_start3A_500 = arith.constant 0 : i32
      %dma_start3A_501 = tpu.memref_slice %arg5[%add3A_494, %dma_start3A_500] : memref<92x128xi32, #tpu.memory_space<vmem>> -> memref<1x128xi32, #tpu.memory_space<vmem>>
      %dma_start3A_502 = tpu.memref_squeeze %dma_start3A_501 : memref<1x128xi32, #tpu.memory_space<vmem>> -> memref<128xi32, #tpu.memory_space<vmem>>
      %dma_start3A_503 = arith.constant 0 : i32
      %dma_start3A_504 = arith.constant 0 : i32
      %dma_start3A_505 = tpu.memref_slice %arg2[%dma_start3A_503, %dma_start3A_504] : memref<10000x16xf32, #tpu.memory_space<hbm>> -> memref<10000x16xf32, #tpu.memory_space<hbm>>
      tpu.enqueue_indirect_dma source(%dma_start3A_505 : memref<10000x16xf32, #tpu.memory_space<hbm>>) target(%dma_start3A_499 : memref<128x16xf32, #tpu.memory_space<vmem>>) offsets(%dma_start3A_502 : memref<128xi32, #tpu.memory_space<vmem>>) semaphore(%arg13 : memref<!tpu.dma_semaphore, #tpu.memory_space<semaphore_mem>>)
    }
    %sub3A_125 = arith.constant 4 : i32
    %sub3A_126 = arith.subi %select_n3A, %sub3A_125 : i32
    %add3A_127 = arith.constant 0 : i32
    %add3A_128 = arith.addi %sub3A_126, %add3A_127 : i32
    %dma_wait3A = arith.constant 0 : i32
    %dma_wait3A_129 = arith.constant 0 : i32
    %dma_wait3A_130 = arith.constant 0 : i32
    %dma_wait3A_131 = tpu.memref_slice %arg7[%dma_wait3A, %dma_wait3A_129, %dma_wait3A_130] : memref<4x128x16xf32, #tpu.memory_space<vmem>> -> memref<1x128x16xf32, #tpu.memory_space<vmem>>
    %dma_wait3A_132 = tpu.memref_squeeze %dma_wait3A_131 : memref<1x128x16xf32, #tpu.memory_space<vmem>> -> memref<128x16xf32, #tpu.memory_space<vmem>>
    %dma_wait3A_133 = arith.constant 0 : i32
    %dma_wait3A_134 = tpu.memref_slice %arg5[%add3A_128, %dma_wait3A_133] : memref<92x128xi32, #tpu.memory_space<vmem>> -> memref<1x128xi32, #tpu.memory_space<vmem>>
    %dma_wait3A_135 = tpu.memref_squeeze %dma_wait3A_134 : memref<1x128xi32, #tpu.memory_space<vmem>> -> memref<128xi32, #tpu.memory_space<vmem>>
    %dma_wait3A_136 = arith.constant 0 : i32
    %dma_wait3A_137 = arith.constant 0 : i32
    %dma_wait3A_138 = tpu.memref_slice %arg2[%dma_wait3A_136, %dma_wait3A_137] : memref<10000x16xf32, #tpu.memory_space<hbm>> -> memref<10000x16xf32, #tpu.memory_space<hbm>>
    tpu.wait_indirect_dma semaphore(%arg10 : memref<!tpu.dma_semaphore, #tpu.memory_space<semaphore_mem>>) src(%dma_wait3A_138 : memref<10000x16xf32, #tpu.memory_space<hbm>>) dst(%dma_wait3A_132 : memref<128x16xf32, #tpu.memory_space<vmem>>)
    %add3A_139 = arith.constant 0 : i32
    %add3A_140 = arith.addi %sub3A_126, %add3A_139 : i32
    %dma_start3A_141 = arith.constant 0 : i32
    %dma_start3A_142 = arith.constant 0 : i32
    %dma_start3A_143 = arith.constant 0 : i32
    %dma_start3A_144 = tpu.memref_slice %arg7[%dma_start3A_141, %dma_start3A_142, %dma_start3A_143] : memref<4x128x16xf32, #tpu.memory_space<vmem>> -> memref<1x128x16xf32, #tpu.memory_space<vmem>>
    %dma_start3A_145 = tpu.memref_squeeze %dma_start3A_144 : memref<1x128x16xf32, #tpu.memory_space<vmem>> -> memref<128x16xf32, #tpu.memory_space<vmem>>
    %dma_start3A_146 = arith.constant 0 : i32
    %dma_start3A_147 = tpu.memref_slice %arg6[%add3A_140, %dma_start3A_146] : memref<92x128xi32, #tpu.memory_space<vmem>> -> memref<1x128xi32, #tpu.memory_space<vmem>>
    %dma_start3A_148 = tpu.memref_squeeze %dma_start3A_147 : memref<1x128xi32, #tpu.memory_space<vmem>> -> memref<128xi32, #tpu.memory_space<vmem>>
    %dma_start3A_149 = arith.constant 0 : i32
    %dma_start3A_150 = arith.constant 0 : i32
    %dma_start3A_151 = tpu.memref_slice %arg9[%dma_start3A_149, %dma_start3A_150] : memref<10240x16xf32, #tpu.memory_space<vmem_shared>> -> memref<10240x16xf32, #tpu.memory_space<vmem_shared>>
    tpu.enqueue_indirect_dma source(%dma_start3A_145 : memref<128x16xf32, #tpu.memory_space<vmem>>) target(%dma_start3A_151 : memref<10240x16xf32, #tpu.memory_space<vmem_shared>>) offsets(%dma_start3A_148 : memref<128xi32, #tpu.memory_space<vmem>>) semaphore(%arg14 : memref<!tpu.dma_semaphore, #tpu.memory_space<semaphore_mem>>) {add = true}
    %add3A_152 = arith.constant 1 : i32
    %add3A_153 = arith.addi %sub3A_126, %add3A_152 : i32
    %dma_wait3A_154 = arith.constant 1 : i32
    %dma_wait3A_155 = arith.constant 0 : i32
    %dma_wait3A_156 = arith.constant 0 : i32
    %dma_wait3A_157 = tpu.memref_slice %arg7[%dma_wait3A_154, %dma_wait3A_155, %dma_wait3A_156] : memref<4x128x16xf32, #tpu.memory_space<vmem>> -> memref<1x128x16xf32, #tpu.memory_space<vmem>>
    %dma_wait3A_158 = tpu.memref_squeeze %dma_wait3A_157 : memref<1x128x16xf32, #tpu.memory_space<vmem>> -> memref<128x16xf32, #tpu.memory_space<vmem>>
    %dma_wait3A_159 = arith.constant 0 : i32
    %dma_wait3A_160 = tpu.memref_slice %arg5[%add3A_153, %dma_wait3A_159] : memref<92x128xi32, #tpu.memory_space<vmem>> -> memref<1x128xi32, #tpu.memory_space<vmem>>
    %dma_wait3A_161 = tpu.memref_squeeze %dma_wait3A_160 : memref<1x128xi32, #tpu.memory_space<vmem>> -> memref<128xi32, #tpu.memory_space<vmem>>
    %dma_wait3A_162 = arith.constant 0 : i32
    %dma_wait3A_163 = arith.constant 0 : i32
    %dma_wait3A_164 = tpu.memref_slice %arg2[%dma_wait3A_162, %dma_wait3A_163] : memref<10000x16xf32, #tpu.memory_space<hbm>> -> memref<10000x16xf32, #tpu.memory_space<hbm>>
    tpu.wait_indirect_dma semaphore(%arg11 : memref<!tpu.dma_semaphore, #tpu.memory_space<semaphore_mem>>) src(%dma_wait3A_164 : memref<10000x16xf32, #tpu.memory_space<hbm>>) dst(%dma_wait3A_158 : memref<128x16xf32, #tpu.memory_space<vmem>>)
    %add3A_165 = arith.constant 1 : i32
    %add3A_166 = arith.addi %sub3A_126, %add3A_165 : i32
    %dma_start3A_167 = arith.constant 1 : i32
    %dma_start3A_168 = arith.constant 0 : i32
    %dma_start3A_169 = arith.constant 0 : i32
    %dma_start3A_170 = tpu.memref_slice %arg7[%dma_start3A_167, %dma_start3A_168, %dma_start3A_169] : memref<4x128x16xf32, #tpu.memory_space<vmem>> -> memref<1x128x16xf32, #tpu.memory_space<vmem>>
    %dma_start3A_171 = tpu.memref_squeeze %dma_start3A_170 : memref<1x128x16xf32, #tpu.memory_space<vmem>> -> memref<128x16xf32, #tpu.memory_space<vmem>>
    %dma_start3A_172 = arith.constant 0 : i32
    %dma_start3A_173 = tpu.memref_slice %arg6[%add3A_166, %dma_start3A_172] : memref<92x128xi32, #tpu.memory_space<vmem>> -> memref<1x128xi32, #tpu.memory_space<vmem>>
    %dma_start3A_174 = tpu.memref_squeeze %dma_start3A_173 : memref<1x128xi32, #tpu.memory_space<vmem>> -> memref<128xi32, #tpu.memory_space<vmem>>
    %dma_start3A_175 = arith.constant 0 : i32
    %dma_start3A_176 = arith.constant 0 : i32
    %dma_start3A_177 = tpu.memref_slice %arg9[%dma_start3A_175, %dma_start3A_176] : memref<10240x16xf32, #tpu.memory_space<vmem_shared>> -> memref<10240x16xf32, #tpu.memory_space<vmem_shared>>
    tpu.enqueue_indirect_dma source(%dma_start3A_171 : memref<128x16xf32, #tpu.memory_space<vmem>>) target(%dma_start3A_177 : memref<10240x16xf32, #tpu.memory_space<vmem_shared>>) offsets(%dma_start3A_174 : memref<128xi32, #tpu.memory_space<vmem>>) semaphore(%arg15 : memref<!tpu.dma_semaphore, #tpu.memory_space<semaphore_mem>>) {add = true}
    %add3A_178 = arith.constant 2 : i32
    %add3A_179 = arith.addi %sub3A_126, %add3A_178 : i32
    %dma_wait3A_180 = arith.constant 2 : i32
    %dma_wait3A_181 = arith.constant 0 : i32
    %dma_wait3A_182 = arith.constant 0 : i32
    %dma_wait3A_183 = tpu.memref_slice %arg7[%dma_wait3A_180, %dma_wait3A_181, %dma_wait3A_182] : memref<4x128x16xf32, #tpu.memory_space<vmem>> -> memref<1x128x16xf32, #tpu.memory_space<vmem>>
    %dma_wait3A_184 = tpu.memref_squeeze %dma_wait3A_183 : memref<1x128x16xf32, #tpu.memory_space<vmem>> -> memref<128x16xf32, #tpu.memory_space<vmem>>
    %dma_wait3A_185 = arith.constant 0 : i32
    %dma_wait3A_186 = tpu.memref_slice %arg5[%add3A_179, %dma_wait3A_185] : memref<92x128xi32, #tpu.memory_space<vmem>> -> memref<1x128xi32, #tpu.memory_space<vmem>>
    %dma_wait3A_187 = tpu.memref_squeeze %dma_wait3A_186 : memref<1x128xi32, #tpu.memory_space<vmem>> -> memref<128xi32, #tpu.memory_space<vmem>>
    %dma_wait3A_188 = arith.constant 0 : i32
    %dma_wait3A_189 = arith.constant 0 : i32
    %dma_wait3A_190 = tpu.memref_slice %arg2[%dma_wait3A_188, %dma_wait3A_189] : memref<10000x16xf32, #tpu.memory_space<hbm>> -> memref<10000x16xf32, #tpu.memory_space<hbm>>
    tpu.wait_indirect_dma semaphore(%arg12 : memref<!tpu.dma_semaphore, #tpu.memory_space<semaphore_mem>>) src(%dma_wait3A_190 : memref<10000x16xf32, #tpu.memory_space<hbm>>) dst(%dma_wait3A_184 : memref<128x16xf32, #tpu.memory_space<vmem>>)
    %add3A_191 = arith.constant 2 : i32
    %add3A_192 = arith.addi %sub3A_126, %add3A_191 : i32
    %dma_start3A_193 = arith.constant 2 : i32
    %dma_start3A_194 = arith.constant 0 : i32
    %dma_start3A_195 = arith.constant 0 : i32
    %dma_start3A_196 = tpu.memref_slice %arg7[%dma_start3A_193, %dma_start3A_194, %dma_start3A_195] : memref<4x128x16xf32, #tpu.memory_space<vmem>> -> memref<1x128x16xf32, #tpu.memory_space<vmem>>
    %dma_start3A_197 = tpu.memref_squeeze %dma_start3A_196 : memref<1x128x16xf32, #tpu.memory_space<vmem>> -> memref<128x16xf32, #tpu.memory_space<vmem>>
    %dma_start3A_198 = arith.constant 0 : i32
    %dma_start3A_199 = tpu.memref_slice %arg6[%add3A_192, %dma_start3A_198] : memref<92x128xi32, #tpu.memory_space<vmem>> -> memref<1x128xi32, #tpu.memory_space<vmem>>
    %dma_start3A_200 = tpu.memref_squeeze %dma_start3A_199 : memref<1x128xi32, #tpu.memory_space<vmem>> -> memref<128xi32, #tpu.memory_space<vmem>>
    %dma_start3A_201 = arith.constant 0 : i32
    %dma_start3A_202 = arith.constant 0 : i32
    %dma_start3A_203 = tpu.memref_slice %arg9[%dma_start3A_201, %dma_start3A_202] : memref<10240x16xf32, #tpu.memory_space<vmem_shared>> -> memref<10240x16xf32, #tpu.memory_space<vmem_shared>>
    tpu.enqueue_indirect_dma source(%dma_start3A_197 : memref<128x16xf32, #tpu.memory_space<vmem>>) target(%dma_start3A_203 : memref<10240x16xf32, #tpu.memory_space<vmem_shared>>) offsets(%dma_start3A_200 : memref<128xi32, #tpu.memory_space<vmem>>) semaphore(%arg16 : memref<!tpu.dma_semaphore, #tpu.memory_space<semaphore_mem>>) {add = true}
    %add3A_204 = arith.constant 3 : i32
    %add3A_205 = arith.addi %sub3A_126, %add3A_204 : i32
    %dma_wait3A_206 = arith.constant 3 : i32
    %dma_wait3A_207 = arith.constant 0 : i32
    %dma_wait3A_208 = arith.constant 0 : i32
    %dma_wait3A_209 = tpu.memref_slice %arg7[%dma_wait3A_206, %dma_wait3A_207, %dma_wait3A_208] : memref<4x128x16xf32, #tpu.memory_space<vmem>> -> memref<1x128x16xf32, #tpu.memory_space<vmem>>
    %dma_wait3A_210 = tpu.memref_squeeze %dma_wait3A_209 : memref<1x128x16xf32, #tpu.memory_space<vmem>> -> memref<128x16xf32, #tpu.memory_space<vmem>>
    %dma_wait3A_211 = arith.constant 0 : i32
    %dma_wait3A_212 = tpu.memref_slice %arg5[%add3A_205, %dma_wait3A_211] : memref<92x128xi32, #tpu.memory_space<vmem>> -> memref<1x128xi32, #tpu.memory_space<vmem>>
    %dma_wait3A_213 = tpu.memref_squeeze %dma_wait3A_212 : memref<1x128xi32, #tpu.memory_space<vmem>> -> memref<128xi32, #tpu.memory_space<vmem>>
    %dma_wait3A_214 = arith.constant 0 : i32
    %dma_wait3A_215 = arith.constant 0 : i32
    %dma_wait3A_216 = tpu.memref_slice %arg2[%dma_wait3A_214, %dma_wait3A_215] : memref<10000x16xf32, #tpu.memory_space<hbm>> -> memref<10000x16xf32, #tpu.memory_space<hbm>>
    tpu.wait_indirect_dma semaphore(%arg13 : memref<!tpu.dma_semaphore, #tpu.memory_space<semaphore_mem>>) src(%dma_wait3A_216 : memref<10000x16xf32, #tpu.memory_space<hbm>>) dst(%dma_wait3A_210 : memref<128x16xf32, #tpu.memory_space<vmem>>)
    %add3A_217 = arith.constant 3 : i32
    %add3A_218 = arith.addi %sub3A_126, %add3A_217 : i32
    %dma_start3A_219 = arith.constant 3 : i32
    %dma_start3A_220 = arith.constant 0 : i32
    %dma_start3A_221 = arith.constant 0 : i32
    %dma_start3A_222 = tpu.memref_slice %arg7[%dma_start3A_219, %dma_start3A_220, %dma_start3A_221] : memref<4x128x16xf32, #tpu.memory_space<vmem>> -> memref<1x128x16xf32, #tpu.memory_space<vmem>>
    %dma_start3A_223 = tpu.memref_squeeze %dma_start3A_222 : memref<1x128x16xf32, #tpu.memory_space<vmem>> -> memref<128x16xf32, #tpu.memory_space<vmem>>
    %dma_start3A_224 = arith.constant 0 : i32
    %dma_start3A_225 = tpu.memref_slice %arg6[%add3A_218, %dma_start3A_224] : memref<92x128xi32, #tpu.memory_space<vmem>> -> memref<1x128xi32, #tpu.memory_space<vmem>>
    %dma_start3A_226 = tpu.memref_squeeze %dma_start3A_225 : memref<1x128xi32, #tpu.memory_space<vmem>> -> memref<128xi32, #tpu.memory_space<vmem>>
    %dma_start3A_227 = arith.constant 0 : i32
    %dma_start3A_228 = arith.constant 0 : i32
    %dma_start3A_229 = tpu.memref_slice %arg9[%dma_start3A_227, %dma_start3A_228] : memref<10240x16xf32, #tpu.memory_space<vmem_shared>> -> memref<10240x16xf32, #tpu.memory_space<vmem_shared>>
    tpu.enqueue_indirect_dma source(%dma_start3A_223 : memref<128x16xf32, #tpu.memory_space<vmem>>) target(%dma_start3A_229 : memref<10240x16xf32, #tpu.memory_space<vmem_shared>>) offsets(%dma_start3A_226 : memref<128xi32, #tpu.memory_space<vmem>>) semaphore(%arg17 : memref<!tpu.dma_semaphore, #tpu.memory_space<semaphore_mem>>) {add = true}
    %add3A_230 = arith.constant 0 : i32
    %add3A_231 = arith.addi %sub3A_126, %add3A_230 : i32
    %dma_wait3A_232 = arith.constant 0 : i32
    %dma_wait3A_233 = arith.constant 0 : i32
    %dma_wait3A_234 = arith.constant 0 : i32
    %dma_wait3A_235 = tpu.memref_slice %arg7[%dma_wait3A_232, %dma_wait3A_233, %dma_wait3A_234] : memref<4x128x16xf32, #tpu.memory_space<vmem>> -> memref<1x128x16xf32, #tpu.memory_space<vmem>>
    %dma_wait3A_236 = tpu.memref_squeeze %dma_wait3A_235 : memref<1x128x16xf32, #tpu.memory_space<vmem>> -> memref<128x16xf32, #tpu.memory_space<vmem>>
    %dma_wait3A_237 = arith.constant 0 : i32
    %dma_wait3A_238 = tpu.memref_slice %arg6[%add3A_231, %dma_wait3A_237] : memref<92x128xi32, #tpu.memory_space<vmem>> -> memref<1x128xi32, #tpu.memory_space<vmem>>
    %dma_wait3A_239 = tpu.memref_squeeze %dma_wait3A_238 : memref<1x128xi32, #tpu.memory_space<vmem>> -> memref<128xi32, #tpu.memory_space<vmem>>
    %dma_wait3A_240 = arith.constant 0 : i32
    %dma_wait3A_241 = arith.constant 0 : i32
    %dma_wait3A_242 = tpu.memref_slice %arg9[%dma_wait3A_240, %dma_wait3A_241] : memref<10240x16xf32, #tpu.memory_space<vmem_shared>> -> memref<10240x16xf32, #tpu.memory_space<vmem_shared>>
    tpu.wait_indirect_dma semaphore(%arg14 : memref<!tpu.dma_semaphore, #tpu.memory_space<semaphore_mem>>) src(%dma_wait3A_236 : memref<128x16xf32, #tpu.memory_space<vmem>>) dst(%dma_wait3A_242 : memref<10240x16xf32, #tpu.memory_space<vmem_shared>>)
    %add3A_243 = arith.constant 1 : i32
    %add3A_244 = arith.addi %sub3A_126, %add3A_243 : i32
    %dma_wait3A_245 = arith.constant 1 : i32
    %dma_wait3A_246 = arith.constant 0 : i32
    %dma_wait3A_247 = arith.constant 0 : i32
    %dma_wait3A_248 = tpu.memref_slice %arg7[%dma_wait3A_245, %dma_wait3A_246, %dma_wait3A_247] : memref<4x128x16xf32, #tpu.memory_space<vmem>> -> memref<1x128x16xf32, #tpu.memory_space<vmem>>
    %dma_wait3A_249 = tpu.memref_squeeze %dma_wait3A_248 : memref<1x128x16xf32, #tpu.memory_space<vmem>> -> memref<128x16xf32, #tpu.memory_space<vmem>>
    %dma_wait3A_250 = arith.constant 0 : i32
    %dma_wait3A_251 = tpu.memref_slice %arg6[%add3A_244, %dma_wait3A_250] : memref<92x128xi32, #tpu.memory_space<vmem>> -> memref<1x128xi32, #tpu.memory_space<vmem>>
    %dma_wait3A_252 = tpu.memref_squeeze %dma_wait3A_251 : memref<1x128xi32, #tpu.memory_space<vmem>> -> memref<128xi32, #tpu.memory_space<vmem>>
    %dma_wait3A_253 = arith.constant 0 : i32
    %dma_wait3A_254 = arith.constant 0 : i32
    %dma_wait3A_255 = tpu.memref_slice %arg9[%dma_wait3A_253, %dma_wait3A_254] : memref<10240x16xf32, #tpu.memory_space<vmem_shared>> -> memref<10240x16xf32, #tpu.memory_space<vmem_shared>>
    tpu.wait_indirect_dma semaphore(%arg15 : memref<!tpu.dma_semaphore, #tpu.memory_space<semaphore_mem>>) src(%dma_wait3A_249 : memref<128x16xf32, #tpu.memory_space<vmem>>) dst(%dma_wait3A_255 : memref<10240x16xf32, #tpu.memory_space<vmem_shared>>)
    %add3A_256 = arith.constant 2 : i32
    %add3A_257 = arith.addi %sub3A_126, %add3A_256 : i32
    %dma_wait3A_258 = arith.constant 2 : i32
    %dma_wait3A_259 = arith.constant 0 : i32
    %dma_wait3A_260 = arith.constant 0 : i32
    %dma_wait3A_261 = tpu.memref_slice %arg7[%dma_wait3A_258, %dma_wait3A_259, %dma_wait3A_260] : memref<4x128x16xf32, #tpu.memory_space<vmem>> -> memref<1x128x16xf32, #tpu.memory_space<vmem>>
    %dma_wait3A_262 = tpu.memref_squeeze %dma_wait3A_261 : memref<1x128x16xf32, #tpu.memory_space<vmem>> -> memref<128x16xf32, #tpu.memory_space<vmem>>
    %dma_wait3A_263 = arith.constant 0 : i32
    %dma_wait3A_264 = tpu.memref_slice %arg6[%add3A_257, %dma_wait3A_263] : memref<92x128xi32, #tpu.memory_space<vmem>> -> memref<1x128xi32, #tpu.memory_space<vmem>>
    %dma_wait3A_265 = tpu.memref_squeeze %dma_wait3A_264 : memref<1x128xi32, #tpu.memory_space<vmem>> -> memref<128xi32, #tpu.memory_space<vmem>>
    %dma_wait3A_266 = arith.constant 0 : i32
    %dma_wait3A_267 = arith.constant 0 : i32
    %dma_wait3A_268 = tpu.memref_slice %arg9[%dma_wait3A_266, %dma_wait3A_267] : memref<10240x16xf32, #tpu.memory_space<vmem_shared>> -> memref<10240x16xf32, #tpu.memory_space<vmem_shared>>
    tpu.wait_indirect_dma semaphore(%arg16 : memref<!tpu.dma_semaphore, #tpu.memory_space<semaphore_mem>>) src(%dma_wait3A_262 : memref<128x16xf32, #tpu.memory_space<vmem>>) dst(%dma_wait3A_268 : memref<10240x16xf32, #tpu.memory_space<vmem_shared>>)
    %add3A_269 = arith.constant 3 : i32
    %add3A_270 = arith.addi %sub3A_126, %add3A_269 : i32
    %dma_wait3A_271 = arith.constant 3 : i32
    %dma_wait3A_272 = arith.constant 0 : i32
    %dma_wait3A_273 = arith.constant 0 : i32
    %dma_wait3A_274 = tpu.memref_slice %arg7[%dma_wait3A_271, %dma_wait3A_272, %dma_wait3A_273] : memref<4x128x16xf32, #tpu.memory_space<vmem>> -> memref<1x128x16xf32, #tpu.memory_space<vmem>>
    %dma_wait3A_275 = tpu.memref_squeeze %dma_wait3A_274 : memref<1x128x16xf32, #tpu.memory_space<vmem>> -> memref<128x16xf32, #tpu.memory_space<vmem>>
    %dma_wait3A_276 = arith.constant 0 : i32
    %dma_wait3A_277 = tpu.memref_slice %arg6[%add3A_270, %dma_wait3A_276] : memref<92x128xi32, #tpu.memory_space<vmem>> -> memref<1x128xi32, #tpu.memory_space<vmem>>
    %dma_wait3A_278 = tpu.memref_squeeze %dma_wait3A_277 : memref<1x128xi32, #tpu.memory_space<vmem>> -> memref<128xi32, #tpu.memory_space<vmem>>
    %dma_wait3A_279 = arith.constant 0 : i32
    %dma_wait3A_280 = arith.constant 0 : i32
    %dma_wait3A_281 = tpu.memref_slice %arg9[%dma_wait3A_279, %dma_wait3A_280] : memref<10240x16xf32, #tpu.memory_space<vmem_shared>> -> memref<10240x16xf32, #tpu.memory_space<vmem_shared>>
    tpu.wait_indirect_dma semaphore(%arg17 : memref<!tpu.dma_semaphore, #tpu.memory_space<semaphore_mem>>) src(%dma_wait3A_275 : memref<128x16xf32, #tpu.memory_space<vmem>>) dst(%dma_wait3A_281 : memref<10240x16xf32, #tpu.memory_space<vmem_shared>>)
    %barrier3A_282 = arith.constant 0 : index
    tpu.barrier barrier_id(%barrier3A_282)
    %mul3A_283 = arith.constant 640 : i32
    %mul3A_284 = arith.muli %arg1, %mul3A_283 : i32
    "tpu.region"() ({
      %run_scoped3A = tpu.sem_alloc : memref<!tpu.dma_semaphore, #tpu.memory_space<semaphore_mem>>
      %dma_start3A_287 = arith.constant 0 : i32
      %dma_start3A_288 = tpu.memref_slice %arg9[%mul3A_284, %dma_start3A_287] : memref<10240x16xf32, #tpu.memory_space<vmem_shared>> -> memref<640x16xf32, #tpu.memory_space<vmem_shared>>
      %dma_start3A_289 = arith.constant 0 : i32
      %dma_start3A_290 = tpu.memref_slice %arg9[%mul3A_284, %dma_start3A_289] : memref<10240x16xf32, #tpu.memory_space<vmem_shared>> -> memref<640x16xf32, #tpu.memory_space<vmem_shared>>
      tpu.enqueue_dma source(%dma_start3A_290 : memref<640x16xf32, #tpu.memory_space<vmem_shared>>) target(%arg8 : memref<640x16xf32, #tpu.memory_space<vmem>>) target_semaphore(%run_scoped3A : memref<!tpu.dma_semaphore, #tpu.memory_space<semaphore_mem>>)
      %dma_wait3A_291 = arith.constant 0 : i32
      %dma_wait3A_292 = tpu.memref_slice %arg9[%mul3A_284, %dma_wait3A_291] : memref<10240x16xf32, #tpu.memory_space<vmem_shared>> -> memref<640x16xf32, #tpu.memory_space<vmem_shared>>
      %dma_wait3A_293 = arith.constant 0 : i32
      %dma_wait3A_294 = tpu.memref_slice %arg9[%mul3A_284, %dma_wait3A_293] : memref<10240x16xf32, #tpu.memory_space<vmem_shared>> -> memref<640x16xf32, #tpu.memory_space<vmem_shared>>
      tpu.wait_dma2 semaphore(%run_scoped3A : memref<!tpu.dma_semaphore, #tpu.memory_space<semaphore_mem>>) src(%dma_wait3A_294 : memref<640x16xf32, #tpu.memory_space<vmem_shared>>) dst(%arg8 : memref<640x16xf32, #tpu.memory_space<vmem>>)
      tpu.yield
    }) : () -> ()
    %mul3A_285 = arith.constant 640 : i32
    %mul3A_286 = arith.muli %arg1, %mul3A_285 : i32
    "tpu.region"() ({
      %run_scoped3A = tpu.sem_alloc : memref<!tpu.dma_semaphore, #tpu.memory_space<semaphore_mem>>
      %dma_start3A_287 = arith.constant 0 : i32
      %dma_start3A_288 = tpu.memref_slice %arg4[%arg0, %mul3A_286, %dma_start3A_287] : memref<2x10240x16xf32, #tpu.memory_space<hbm>> -> memref<1x640x16xf32, #tpu.memory_space<hbm>>
      %dma_start3A_289 = tpu.memref_squeeze %dma_start3A_288 : memref<1x640x16xf32, #tpu.memory_space<hbm>> -> memref<640x16xf32, #tpu.memory_space<hbm>>
      %dma_start3A_290 = arith.constant 0 : i32
      %dma_start3A_291 = tpu.memref_slice %arg4[%arg0, %mul3A_286, %dma_start3A_290] : memref<2x10240x16xf32, #tpu.memory_space<hbm>> -> memref<1x640x16xf32, #tpu.memory_space<hbm>>
      %dma_start3A_292 = tpu.memref_squeeze %dma_start3A_291 : memref<1x640x16xf32, #tpu.memory_space<hbm>> -> memref<640x16xf32, #tpu.memory_space<hbm>>
      tpu.enqueue_dma source(%arg8 : memref<640x16xf32, #tpu.memory_space<vmem>>) target(%dma_start3A_292 : memref<640x16xf32, #tpu.memory_space<hbm>>) target_semaphore(%run_scoped3A : memref<!tpu.dma_semaphore, #tpu.memory_space<semaphore_mem>>)
      %dma_wait3A_293 = arith.constant 0 : i32
      %dma_wait3A_294 = tpu.memref_slice %arg4[%arg0, %mul3A_286, %dma_wait3A_293] : memref<2x10240x16xf32, #tpu.memory_space<hbm>> -> memref<1x640x16xf32, #tpu.memory_space<hbm>>
      %dma_wait3A_295 = tpu.memref_squeeze %dma_wait3A_294 : memref<1x640x16xf32, #tpu.memory_space<hbm>> -> memref<640x16xf32, #tpu.memory_space<hbm>>
      %dma_wait3A_296 = arith.constant 0 : i32
      %dma_wait3A_297 = tpu.memref_slice %arg4[%arg0, %mul3A_286, %dma_wait3A_296] : memref<2x10240x16xf32, #tpu.memory_space<hbm>> -> memref<1x640x16xf32, #tpu.memory_space<hbm>>
      %dma_wait3A_298 = tpu.memref_squeeze %dma_wait3A_297 : memref<1x640x16xf32, #tpu.memory_space<hbm>> -> memref<640x16xf32, #tpu.memory_space<hbm>>
      tpu.wait_dma2 semaphore(%run_scoped3A : memref<!tpu.dma_semaphore, #tpu.memory_space<semaphore_mem>>) src(%arg8 : memref<640x16xf32, #tpu.memory_space<vmem>>) dst(%dma_wait3A_298 : memref<640x16xf32, #tpu.memory_space<hbm>>)
      tpu.yield
    }) : () -> ()
    return
  }
}

#map = affine_map<(d0, d1) -> (0, 0, 0)>
#map1 = affine_map<(d0, d1) -> (0, 0)>
module attributes {stable_mosaic.version = 14 : i64} {
  func.func @_deg_body(%arg0: i32, %arg1: i32, %arg2: memref<2x2500x128xi32, #tpu.memory_space<hbm>>, %arg3: memref<2x10240xf32, #tpu.memory_space<hbm>>, %arg4: memref<92x128xi32, #tpu.memory_space<vmem>>, %arg5: memref<128xf32, #tpu.memory_space<vmem>>, %arg6: memref<640xf32, #tpu.memory_space<vmem>>, %arg7: memref<10240xf32, #tpu.memory_space<vmem_shared>>, %arg8: memref<!tpu.dma_semaphore, #tpu.memory_space<semaphore_mem>>) attributes {dimension_semantics = [#tpu.dimension_semantics<core_parallel>, #tpu.dimension_semantics<subcore_parallel>], iteration_bounds = array<i64: 2, 16>, scalar_prefetch = 0 : i64, scratch_operands = 5 : i64, tpu.core_type = #tpu.core_type<sc_vector_subcore>, window_params = [{transform_indices = #map}, {transform_indices = #map1}]} {
    %eq3A = arith.constant 0 : i32
    %eq3A_0 = arith.cmpi eq, %arg0, %eq3A : i32
    %eq3A_1 = arith.constant 0 : i32
    %eq3A_2 = arith.cmpi eq, %arg1, %eq3A_1 : i32
    %convert_element_type3A = arith.extui %eq3A_2 : i1 to i32
    %mul3A = arith.constant 4 : i32
    %mul3A_3 = arith.muli %mul3A, %convert_element_type3A : i32
    %add3A = arith.constant 88 : i32
    %add3A_4 = arith.addi %add3A, %mul3A_3 : i32
    %jit3A = arith.constant 68 : i32
    %select_n3A = arith.select %eq3A_0, %add3A_4, %jit3A : i32
    %mul3A_5 = arith.constant 88 : i32
    %mul3A_6 = arith.muli %mul3A_5, %arg1 : i32
    %gt3A = arith.constant 0 : i32
    %gt3A_7 = arith.cmpi sgt, %arg1, %gt3A : i32
    %convert_element_type3A_8 = arith.extui %gt3A_7 : i1 to i32
    %mul3A_9 = arith.constant 4 : i32
    %mul3A_10 = arith.muli %mul3A_9, %convert_element_type3A_8 : i32
    %add3A_11 = arith.addi %mul3A_6, %mul3A_10 : i32
    %mul3A_12 = arith.constant 68 : i32
    %mul3A_13 = arith.muli %mul3A_12, %arg1 : i32
    %add3A_14 = arith.constant 1412 : i32
    %add3A_15 = arith.addi %add3A_14, %mul3A_13 : i32
    %eq3A_16 = arith.constant 0 : i32
    %eq3A_17 = arith.cmpi eq, %arg0, %eq3A_16 : i32
    %select_n3A_18 = arith.select %eq3A_17, %add3A_11, %add3A_15 : i32
    %broadcast_in_dim3A = arith.constant 1.000000e+00 : f32
    %broadcast_in_dim3A_19 = vector.broadcast %broadcast_in_dim3A : f32 to vector<16xf32>
    %swap3A = arith.constant 0 : index
    %swap3A_20 = tpu.vector_load %arg5[%swap3A] {strides = array<i32>} : memref<128xf32, #tpu.memory_space<vmem>>, vector<16xf32>,
    %swap3A_21 = vector.shape_cast %swap3A_20 : vector<16xf32> to vector<16xf32>
    %swap3A_22 = vector.shape_cast %broadcast_in_dim3A_19 : vector<16xf32> to vector<16xf32>
    tpu.vector_store %arg5[%swap3A], %swap3A_22 {strides = array<i32>} : memref<128xf32, #tpu.memory_space<vmem>>, vector<16xf32>,
    %broadcast_in_dim3A_23 = arith.constant 1.000000e+00 : f32
    %broadcast_in_dim3A_24 = vector.broadcast %broadcast_in_dim3A_23 : f32 to vector<16xf32>
    %swap3A_25 = arith.constant 16 : index
    %swap3A_26 = tpu.vector_load %arg5[%swap3A_25] {strides = array<i32>} : memref<128xf32, #tpu.memory_space<vmem>>, vector<16xf32>,
    %swap3A_27 = vector.shape_cast %swap3A_26 : vector<16xf32> to vector<16xf32>
    %swap3A_28 = vector.shape_cast %broadcast_in_dim3A_24 : vector<16xf32> to vector<16xf32>
    tpu.vector_store %arg5[%swap3A_25], %swap3A_28 {strides = array<i32>} : memref<128xf32, #tpu.memory_space<vmem>>, vector<16xf32>,
    %broadcast_in_dim3A_29 = arith.constant 1.000000e+00 : f32
    %broadcast_in_dim3A_30 = vector.broadcast %broadcast_in_dim3A_29 : f32 to vector<16xf32>
    %swap3A_31 = arith.constant 32 : index
    %swap3A_32 = tpu.vector_load %arg5[%swap3A_31] {strides = array<i32>} : memref<128xf32, #tpu.memory_space<vmem>>, vector<16xf32>,
    %swap3A_33 = vector.shape_cast %swap3A_32 : vector<16xf32> to vector<16xf32>
    %swap3A_34 = vector.shape_cast %broadcast_in_dim3A_30 : vector<16xf32> to vector<16xf32>
    tpu.vector_store %arg5[%swap3A_31], %swap3A_34 {strides = array<i32>} : memref<128xf32, #tpu.memory_space<vmem>>, vector<16xf32>,
    %broadcast_in_dim3A_35 = arith.constant 1.000000e+00 : f32
    %broadcast_in_dim3A_36 = vector.broadcast %broadcast_in_dim3A_35 : f32 to vector<16xf32>
    %swap3A_37 = arith.constant 48 : index
    %swap3A_38 = tpu.vector_load %arg5[%swap3A_37] {strides = array<i32>} : memref<128xf32, #tpu.memory_space<vmem>>, vector<16xf32>,
    %swap3A_39 = vector.shape_cast %swap3A_38 : vector<16xf32> to vector<16xf32>
    %swap3A_40 = vector.shape_cast %broadcast_in_dim3A_36 : vector<16xf32> to vector<16xf32>
    tpu.vector_store %arg5[%swap3A_37], %swap3A_40 {strides = array<i32>} : memref<128xf32, #tpu.memory_space<vmem>>, vector<16xf32>,
    %broadcast_in_dim3A_41 = arith.constant 1.000000e+00 : f32
    %broadcast_in_dim3A_42 = vector.broadcast %broadcast_in_dim3A_41 : f32 to vector<16xf32>
    %swap3A_43 = arith.constant 64 : index
    %swap3A_44 = tpu.vector_load %arg5[%swap3A_43] {strides = array<i32>} : memref<128xf32, #tpu.memory_space<vmem>>, vector<16xf32>,
    %swap3A_45 = vector.shape_cast %swap3A_44 : vector<16xf32> to vector<16xf32>
    %swap3A_46 = vector.shape_cast %broadcast_in_dim3A_42 : vector<16xf32> to vector<16xf32>
    tpu.vector_store %arg5[%swap3A_43], %swap3A_46 {strides = array<i32>} : memref<128xf32, #tpu.memory_space<vmem>>, vector<16xf32>,
    %broadcast_in_dim3A_47 = arith.constant 1.000000e+00 : f32
    %broadcast_in_dim3A_48 = vector.broadcast %broadcast_in_dim3A_47 : f32 to vector<16xf32>
    %swap3A_49 = arith.constant 80 : index
    %swap3A_50 = tpu.vector_load %arg5[%swap3A_49] {strides = array<i32>} : memref<128xf32, #tpu.memory_space<vmem>>, vector<16xf32>,
    %swap3A_51 = vector.shape_cast %swap3A_50 : vector<16xf32> to vector<16xf32>
    %swap3A_52 = vector.shape_cast %broadcast_in_dim3A_48 : vector<16xf32> to vector<16xf32>
    tpu.vector_store %arg5[%swap3A_49], %swap3A_52 {strides = array<i32>} : memref<128xf32, #tpu.memory_space<vmem>>, vector<16xf32>,
    %broadcast_in_dim3A_53 = arith.constant 1.000000e+00 : f32
    %broadcast_in_dim3A_54 = vector.broadcast %broadcast_in_dim3A_53 : f32 to vector<16xf32>
    %swap3A_55 = arith.constant 96 : index
    %swap3A_56 = tpu.vector_load %arg5[%swap3A_55] {strides = array<i32>} : memref<128xf32, #tpu.memory_space<vmem>>, vector<16xf32>,
    %swap3A_57 = vector.shape_cast %swap3A_56 : vector<16xf32> to vector<16xf32>
    %swap3A_58 = vector.shape_cast %broadcast_in_dim3A_54 : vector<16xf32> to vector<16xf32>
    tpu.vector_store %arg5[%swap3A_55], %swap3A_58 {strides = array<i32>} : memref<128xf32, #tpu.memory_space<vmem>>, vector<16xf32>,
    %broadcast_in_dim3A_59 = arith.constant 1.000000e+00 : f32
    %broadcast_in_dim3A_60 = vector.broadcast %broadcast_in_dim3A_59 : f32 to vector<16xf32>
    %swap3A_61 = arith.constant 112 : index
    %swap3A_62 = tpu.vector_load %arg5[%swap3A_61] {strides = array<i32>} : memref<128xf32, #tpu.memory_space<vmem>>, vector<16xf32>,
    %swap3A_63 = vector.shape_cast %swap3A_62 : vector<16xf32> to vector<16xf32>
    %swap3A_64 = vector.shape_cast %broadcast_in_dim3A_60 : vector<16xf32> to vector<16xf32>
    tpu.vector_store %arg5[%swap3A_61], %swap3A_64 {strides = array<i32>} : memref<128xf32, #tpu.memory_space<vmem>>, vector<16xf32>,
    %scan3A = arith.constant 0 : i32
    %scan3A_65 = arith.constant 0 : i32
    %scan3A_66 = arith.constant 40 : i32
    %scan3A_67 = arith.addi %scan3A_65, %scan3A_66 : i32
    %scan3A_68 = arith.constant 1 : i32
    scf.for %scan3A_169 = %scan3A_65 to %scan3A_67 step %scan3A_68  : i32 {
      %broadcast_in_dim3A_170 = arith.constant 0.000000e+00 : f32
      %broadcast_in_dim3A_171 = vector.broadcast %broadcast_in_dim3A_170 : f32 to vector<16xf32>
      %mul3A_172 = arith.constant 16 : i32
      %mul3A_173 = arith.muli %scan3A_169, %mul3A_172 : i32
      %swap3A_174 = arith.index_cast %mul3A_173 : i32 to index
      %swap3A_175 = tpu.vector_load %arg6[%swap3A_174] {strides = array<i32>} : memref<640xf32, #tpu.memory_space<vmem>>, vector<16xf32>,
      %swap3A_176 = vector.shape_cast %swap3A_175 : vector<16xf32> to vector<16xf32>
      %swap3A_177 = vector.shape_cast %broadcast_in_dim3A_171 : vector<16xf32> to vector<16xf32>
      tpu.vector_store %arg6[%swap3A_174], %swap3A_177 {strides = array<i32>} : memref<640xf32, #tpu.memory_space<vmem>>, vector<16xf32>,
    }
    %scan3A_69 = arith.constant 40 : i32
    %eq3A_70 = arith.constant 0 : i32
    %eq3A_71 = arith.cmpi eq, %arg0, %eq3A_70 : i32
    %convert_element_type3A_72 = arith.extui %eq3A_71 : i1 to i32
    %cond3A = arith.constant 1 : i32
    %cond3A_73 = arith.constant 0 : i32
    %cond3A_74 = arith.cmpi ne, %convert_element_type3A_72, %cond3A_73 : i32
    scf.if %cond3A_74 {
      "tpu.region"() ({
        %run_scoped3A = tpu.sem_alloc : memref<!tpu.dma_semaphore, #tpu.memory_space<semaphore_mem>>
        %dma_start3A_169 = arith.constant 0 : i32
        %dma_start3A_170 = arith.constant 0 : i32
        %dma_start3A_171 = tpu.memref_slice %arg2[%cond3A, %dma_start3A_169, %dma_start3A_170] : memref<2x2500x128xi32, #tpu.memory_space<hbm>> -> memref<1x2500x128xi32, #tpu.memory_space<hbm>>
        %dma_start3A_172 = tpu.memref_squeeze %dma_start3A_171 : memref<1x2500x128xi32, #tpu.memory_space<hbm>> -> memref<2500x128xi32, #tpu.memory_space<hbm>>
        %dma_start3A_173 = arith.constant 0 : i32
        %dma_start3A_174 = tpu.memref_slice %dma_start3A_172[%select_n3A_18, %dma_start3A_173] : memref<2500x128xi32, #tpu.memory_space<hbm>> -> memref<92x128xi32, #tpu.memory_space<hbm>>
        %dma_start3A_175 = arith.constant 0 : i32
        %dma_start3A_176 = arith.constant 0 : i32
        %dma_start3A_177 = tpu.memref_slice %arg2[%cond3A, %dma_start3A_175, %dma_start3A_176] : memref<2x2500x128xi32, #tpu.memory_space<hbm>> -> memref<1x2500x128xi32, #tpu.memory_space<hbm>>
        %dma_start3A_178 = tpu.memref_squeeze %dma_start3A_177 : memref<1x2500x128xi32, #tpu.memory_space<hbm>> -> memref<2500x128xi32, #tpu.memory_space<hbm>>
        %dma_start3A_179 = arith.constant 0 : i32
        %dma_start3A_180 = tpu.memref_slice %dma_start3A_178[%select_n3A_18, %dma_start3A_179] : memref<2500x128xi32, #tpu.memory_space<hbm>> -> memref<92x128xi32, #tpu.memory_space<hbm>>
        tpu.enqueue_dma source(%dma_start3A_180 : memref<92x128xi32, #tpu.memory_space<hbm>>) target(%arg4 : memref<92x128xi32, #tpu.memory_space<vmem>>) target_semaphore(%run_scoped3A : memref<!tpu.dma_semaphore, #tpu.memory_space<semaphore_mem>>)
        %dma_wait3A_181 = arith.constant 0 : i32
        %dma_wait3A_182 = arith.constant 0 : i32
        %dma_wait3A_183 = tpu.memref_slice %arg2[%cond3A, %dma_wait3A_181, %dma_wait3A_182] : memref<2x2500x128xi32, #tpu.memory_space<hbm>> -> memref<1x2500x128xi32, #tpu.memory_space<hbm>>
        %dma_wait3A_184 = tpu.memref_squeeze %dma_wait3A_183 : memref<1x2500x128xi32, #tpu.memory_space<hbm>> -> memref<2500x128xi32, #tpu.memory_space<hbm>>
        %dma_wait3A_185 = arith.constant 0 : i32
        %dma_wait3A_186 = tpu.memref_slice %dma_wait3A_184[%select_n3A_18, %dma_wait3A_185] : memref<2500x128xi32, #tpu.memory_space<hbm>> -> memref<92x128xi32, #tpu.memory_space<hbm>>
        %dma_wait3A_187 = arith.constant 0 : i32
        %dma_wait3A_188 = arith.constant 0 : i32
        %dma_wait3A_189 = tpu.memref_slice %arg2[%cond3A, %dma_wait3A_187, %dma_wait3A_188] : memref<2x2500x128xi32, #tpu.memory_space<hbm>> -> memref<1x2500x128xi32, #tpu.memory_space<hbm>>
        %dma_wait3A_190 = tpu.memref_squeeze %dma_wait3A_189 : memref<1x2500x128xi32, #tpu.memory_space<hbm>> -> memref<2500x128xi32, #tpu.memory_space<hbm>>
        %dma_wait3A_191 = arith.constant 0 : i32
        %dma_wait3A_192 = tpu.memref_slice %dma_wait3A_190[%select_n3A_18, %dma_wait3A_191] : memref<2500x128xi32, #tpu.memory_space<hbm>> -> memref<92x128xi32, #tpu.memory_space<hbm>>
        tpu.wait_dma2 semaphore(%run_scoped3A : memref<!tpu.dma_semaphore, #tpu.memory_space<semaphore_mem>>) src(%dma_wait3A_192 : memref<92x128xi32, #tpu.memory_space<hbm>>) dst(%arg4 : memref<92x128xi32, #tpu.memory_space<vmem>>)
        tpu.yield
      }) : () -> ()
    } else {
    }
    %ne3A = arith.constant 0 : i32
    %ne3A_75 = arith.cmpi ne, %arg0, %ne3A : i32
    %convert_element_type3A_76 = arith.extui %ne3A_75 : i1 to i32
    %cond3A_77 = arith.constant 1 : i32
    %cond3A_78 = arith.constant 0 : i32
    %cond3A_79 = arith.cmpi ne, %convert_element_type3A_76, %cond3A_78 : i32
    scf.if %cond3A_79 {
      "tpu.region"() ({
        %run_scoped3A = tpu.sem_alloc : memref<!tpu.dma_semaphore, #tpu.memory_space<semaphore_mem>>
        %dma_start3A_169 = arith.constant 0 : i32
        %dma_start3A_170 = arith.constant 0 : i32
        %dma_start3A_171 = tpu.memref_slice %arg4[%dma_start3A_169, %dma_start3A_170] : memref<92x128xi32, #tpu.memory_space<vmem>> -> memref<68x128xi32, #tpu.memory_space<vmem>>
        %dma_start3A_172 = arith.constant 0 : i32
        %dma_start3A_173 = arith.constant 0 : i32
        %dma_start3A_174 = tpu.memref_slice %arg2[%cond3A_77, %dma_start3A_172, %dma_start3A_173] : memref<2x2500x128xi32, #tpu.memory_space<hbm>> -> memref<1x2500x128xi32, #tpu.memory_space<hbm>>
        %dma_start3A_175 = tpu.memref_squeeze %dma_start3A_174 : memref<1x2500x128xi32, #tpu.memory_space<hbm>> -> memref<2500x128xi32, #tpu.memory_space<hbm>>
        %dma_start3A_176 = arith.constant 0 : i32
        %dma_start3A_177 = tpu.memref_slice %dma_start3A_175[%select_n3A_18, %dma_start3A_176] : memref<2500x128xi32, #tpu.memory_space<hbm>> -> memref<68x128xi32, #tpu.memory_space<hbm>>
        %dma_start3A_178 = arith.constant 0 : i32
        %dma_start3A_179 = arith.constant 0 : i32
        %dma_start3A_180 = tpu.memref_slice %arg4[%dma_start3A_178, %dma_start3A_179] : memref<92x128xi32, #tpu.memory_space<vmem>> -> memref<68x128xi32, #tpu.memory_space<vmem>>
        %dma_start3A_181 = arith.constant 0 : i32
        %dma_start3A_182 = arith.constant 0 : i32
        %dma_start3A_183 = tpu.memref_slice %arg2[%cond3A_77, %dma_start3A_181, %dma_start3A_182] : memref<2x2500x128xi32, #tpu.memory_space<hbm>> -> memref<1x2500x128xi32, #tpu.memory_space<hbm>>
        %dma_start3A_184 = tpu.memref_squeeze %dma_start3A_183 : memref<1x2500x128xi32, #tpu.memory_space<hbm>> -> memref<2500x128xi32, #tpu.memory_space<hbm>>
        %dma_start3A_185 = arith.constant 0 : i32
        %dma_start3A_186 = tpu.memref_slice %dma_start3A_184[%select_n3A_18, %dma_start3A_185] : memref<2500x128xi32, #tpu.memory_space<hbm>> -> memref<68x128xi32, #tpu.memory_space<hbm>>
        tpu.enqueue_dma source(%dma_start3A_186 : memref<68x128xi32, #tpu.memory_space<hbm>>) target(%dma_start3A_180 : memref<68x128xi32, #tpu.memory_space<vmem>>) target_semaphore(%run_scoped3A : memref<!tpu.dma_semaphore, #tpu.memory_space<semaphore_mem>>)
        %dma_wait3A_187 = arith.constant 0 : i32
        %dma_wait3A_188 = arith.constant 0 : i32
        %dma_wait3A_189 = tpu.memref_slice %arg4[%dma_wait3A_187, %dma_wait3A_188] : memref<92x128xi32, #tpu.memory_space<vmem>> -> memref<68x128xi32, #tpu.memory_space<vmem>>
        %dma_wait3A_190 = arith.constant 0 : i32
        %dma_wait3A_191 = arith.constant 0 : i32
        %dma_wait3A_192 = tpu.memref_slice %arg2[%cond3A_77, %dma_wait3A_190, %dma_wait3A_191] : memref<2x2500x128xi32, #tpu.memory_space<hbm>> -> memref<1x2500x128xi32, #tpu.memory_space<hbm>>
        %dma_wait3A_193 = tpu.memref_squeeze %dma_wait3A_192 : memref<1x2500x128xi32, #tpu.memory_space<hbm>> -> memref<2500x128xi32, #tpu.memory_space<hbm>>
        %dma_wait3A_194 = arith.constant 0 : i32
        %dma_wait3A_195 = tpu.memref_slice %dma_wait3A_193[%select_n3A_18, %dma_wait3A_194] : memref<2500x128xi32, #tpu.memory_space<hbm>> -> memref<68x128xi32, #tpu.memory_space<hbm>>
        %dma_wait3A_196 = arith.constant 0 : i32
        %dma_wait3A_197 = arith.constant 0 : i32
        %dma_wait3A_198 = tpu.memref_slice %arg4[%dma_wait3A_196, %dma_wait3A_197] : memref<92x128xi32, #tpu.memory_space<vmem>> -> memref<68x128xi32, #tpu.memory_space<vmem>>
        %dma_wait3A_199 = arith.constant 0 : i32
        %dma_wait3A_200 = arith.constant 0 : i32
        %dma_wait3A_201 = tpu.memref_slice %arg2[%cond3A_77, %dma_wait3A_199, %dma_wait3A_200] : memref<2x2500x128xi32, #tpu.memory_space<hbm>> -> memref<1x2500x128xi32, #tpu.memory_space<hbm>>
        %dma_wait3A_202 = tpu.memref_squeeze %dma_wait3A_201 : memref<1x2500x128xi32, #tpu.memory_space<hbm>> -> memref<2500x128xi32, #tpu.memory_space<hbm>>
        %dma_wait3A_203 = arith.constant 0 : i32
        %dma_wait3A_204 = tpu.memref_slice %dma_wait3A_202[%select_n3A_18, %dma_wait3A_203] : memref<2500x128xi32, #tpu.memory_space<hbm>> -> memref<68x128xi32, #tpu.memory_space<hbm>>
        tpu.wait_dma2 semaphore(%run_scoped3A : memref<!tpu.dma_semaphore, #tpu.memory_space<semaphore_mem>>) src(%dma_wait3A_204 : memref<68x128xi32, #tpu.memory_space<hbm>>) dst(%dma_wait3A_198 : memref<68x128xi32, #tpu.memory_space<vmem>>)
        tpu.yield
      }) : () -> ()
    } else {
    }
    %mul3A_80 = arith.constant 640 : i32
    %mul3A_81 = arith.muli %arg1, %mul3A_80 : i32
    "tpu.region"() ({
      %run_scoped3A = tpu.sem_alloc : memref<!tpu.dma_semaphore, #tpu.memory_space<semaphore_mem>>
      %dma_start3A_169 = tpu.memref_slice %arg7[%mul3A_81] : memref<10240xf32, #tpu.memory_space<vmem_shared>> -> memref<640xf32, #tpu.memory_space<vmem_shared>>
      %dma_start3A_170 = tpu.memref_slice %arg7[%mul3A_81] : memref<10240xf32, #tpu.memory_space<vmem_shared>> -> memref<640xf32, #tpu.memory_space<vmem_shared>>
      tpu.enqueue_dma source(%arg6 : memref<640xf32, #tpu.memory_space<vmem>>) target(%dma_start3A_170 : memref<640xf32, #tpu.memory_space<vmem_shared>>) target_semaphore(%run_scoped3A : memref<!tpu.dma_semaphore, #tpu.memory_space<semaphore_mem>>)
      %dma_wait3A_171 = tpu.memref_slice %arg7[%mul3A_81] : memref<10240xf32, #tpu.memory_space<vmem_shared>> -> memref<640xf32, #tpu.memory_space<vmem_shared>>
      %dma_wait3A_172 = tpu.memref_slice %arg7[%mul3A_81] : memref<10240xf32, #tpu.memory_space<vmem_shared>> -> memref<640xf32, #tpu.memory_space<vmem_shared>>
      tpu.wait_dma2 semaphore(%run_scoped3A : memref<!tpu.dma_semaphore, #tpu.memory_space<semaphore_mem>>) src(%arg6 : memref<640xf32, #tpu.memory_space<vmem>>) dst(%dma_wait3A_172 : memref<640xf32, #tpu.memory_space<vmem_shared>>)
      tpu.yield
    }) : () -> ()
    %barrier3A = arith.constant 0 : index
    tpu.barrier barrier_id(%barrier3A)
    %dma_start3A = arith.constant 0 : i32
    %dma_start3A_82 = arith.constant 0 : i32
    %dma_start3A_83 = tpu.memref_slice %arg4[%dma_start3A, %dma_start3A_82] : memref<92x128xi32, #tpu.memory_space<vmem>> -> memref<1x128xi32, #tpu.memory_space<vmem>>
    %dma_start3A_84 = tpu.memref_squeeze %dma_start3A_83 : memref<1x128xi32, #tpu.memory_space<vmem>> -> memref<128xi32, #tpu.memory_space<vmem>>
    %dma_start3A_85 = arith.constant 0 : i32
    %dma_start3A_86 = tpu.memref_slice %arg7[%dma_start3A_85] : memref<10240xf32, #tpu.memory_space<vmem_shared>> -> memref<10240xf32, #tpu.memory_space<vmem_shared>>
    tpu.enqueue_indirect_dma source(%arg5 : memref<128xf32, #tpu.memory_space<vmem>>) target(%dma_start3A_86 : memref<10240xf32, #tpu.memory_space<vmem_shared>>) offsets(%dma_start3A_84 : memref<128xi32, #tpu.memory_space<vmem>>) semaphore(%arg8 : memref<!tpu.dma_semaphore, #tpu.memory_space<semaphore_mem>>) {add = true}
    %dma_start3A_87 = arith.constant 1 : i32
    %dma_start3A_88 = arith.constant 0 : i32
    %dma_start3A_89 = tpu.memref_slice %arg4[%dma_start3A_87, %dma_start3A_88] : memref<92x128xi32, #tpu.memory_space<vmem>> -> memref<1x128xi32, #tpu.memory_space<vmem>>
    %dma_start3A_90 = tpu.memref_squeeze %dma_start3A_89 : memref<1x128xi32, #tpu.memory_space<vmem>> -> memref<128xi32, #tpu.memory_space<vmem>>
    %dma_start3A_91 = arith.constant 0 : i32
    %dma_start3A_92 = tpu.memref_slice %arg7[%dma_start3A_91] : memref<10240xf32, #tpu.memory_space<vmem_shared>> -> memref<10240xf32, #tpu.memory_space<vmem_shared>>
    tpu.enqueue_indirect_dma source(%arg5 : memref<128xf32, #tpu.memory_space<vmem>>) target(%dma_start3A_92 : memref<10240xf32, #tpu.memory_space<vmem_shared>>) offsets(%dma_start3A_90 : memref<128xi32, #tpu.memory_space<vmem>>) semaphore(%arg8 : memref<!tpu.dma_semaphore, #tpu.memory_space<semaphore_mem>>) {add = true}
    %dma_start3A_93 = arith.constant 2 : i32
    %dma_start3A_94 = arith.constant 0 : i32
    %dma_start3A_95 = tpu.memref_slice %arg4[%dma_start3A_93, %dma_start3A_94] : memref<92x128xi32, #tpu.memory_space<vmem>> -> memref<1x128xi32, #tpu.memory_space<vmem>>
    %dma_start3A_96 = tpu.memref_squeeze %dma_start3A_95 : memref<1x128xi32, #tpu.memory_space<vmem>> -> memref<128xi32, #tpu.memory_space<vmem>>
    %dma_start3A_97 = arith.constant 0 : i32
    %dma_start3A_98 = tpu.memref_slice %arg7[%dma_start3A_97] : memref<10240xf32, #tpu.memory_space<vmem_shared>> -> memref<10240xf32, #tpu.memory_space<vmem_shared>>
    tpu.enqueue_indirect_dma source(%arg5 : memref<128xf32, #tpu.memory_space<vmem>>) target(%dma_start3A_98 : memref<10240xf32, #tpu.memory_space<vmem_shared>>) offsets(%dma_start3A_96 : memref<128xi32, #tpu.memory_space<vmem>>) semaphore(%arg8 : memref<!tpu.dma_semaphore, #tpu.memory_space<semaphore_mem>>) {add = true}
    %dma_start3A_99 = arith.constant 3 : i32
    %dma_start3A_100 = arith.constant 0 : i32
    %dma_start3A_101 = tpu.memref_slice %arg4[%dma_start3A_99, %dma_start3A_100] : memref<92x128xi32, #tpu.memory_space<vmem>> -> memref<1x128xi32, #tpu.memory_space<vmem>>
    %dma_start3A_102 = tpu.memref_squeeze %dma_start3A_101 : memref<1x128xi32, #tpu.memory_space<vmem>> -> memref<128xi32, #tpu.memory_space<vmem>>
    %dma_start3A_103 = arith.constant 0 : i32
    %dma_start3A_104 = tpu.memref_slice %arg7[%dma_start3A_103] : memref<10240xf32, #tpu.memory_space<vmem_shared>> -> memref<10240xf32, #tpu.memory_space<vmem_shared>>
    tpu.enqueue_indirect_dma source(%arg5 : memref<128xf32, #tpu.memory_space<vmem>>) target(%dma_start3A_104 : memref<10240xf32, #tpu.memory_space<vmem_shared>>) offsets(%dma_start3A_102 : memref<128xi32, #tpu.memory_space<vmem>>) semaphore(%arg8 : memref<!tpu.dma_semaphore, #tpu.memory_space<semaphore_mem>>) {add = true}
    %jit3A_105 = arith.constant 4 : i32
    %div3A = arith.divsi %select_n3A, %jit3A_105 : i32
    %sign3A = arith.constant 0 : i32
    %sign3A_106 = arith.cmpi sgt, %select_n3A, %sign3A : i32
    %sign3A_107 = arith.extui %sign3A_106 : i1 to i32
    %sign3A_108 = arith.constant 0 : i32
    %sign3A_109 = arith.cmpi slt, %select_n3A, %sign3A_108 : i32
    %sign3A_110 = arith.extui %sign3A_109 : i1 to i32
    %sign3A_111 = arith.subi %sign3A_107, %sign3A_110 : i32
    %sign3A_112 = arith.constant 0 : i32
    %sign3A_113 = arith.cmpi sgt, %jit3A_105, %sign3A_112 : i32
    %sign3A_114 = arith.extui %sign3A_113 : i1 to i32
    %sign3A_115 = arith.constant 0 : i32
    %sign3A_116 = arith.cmpi slt, %jit3A_105, %sign3A_115 : i32
    %sign3A_117 = arith.extui %sign3A_116 : i1 to i32
    %sign3A_118 = arith.subi %sign3A_114, %sign3A_117 : i32
    %ne3A_119 = arith.cmpi ne, %sign3A_111, %sign3A_118 : i32
    %rem3A = arith.remsi %select_n3A, %jit3A_105 : i32
    %ne3A_120 = arith.constant 0 : i32
    %ne3A_121 = arith.cmpi ne, %rem3A, %ne3A_120 : i32
    %and3A = arith.andi %ne3A_119, %ne3A_121 : i1
    %sub3A = arith.constant 1 : i32
    %sub3A_122 = arith.subi %div3A, %sub3A : i32
    %select_n3A_123 = arith.select %and3A, %sub3A_122, %div3A : i32
    %sub3A_124 = arith.constant 1 : i32
    %sub3A_125 = arith.subi %select_n3A_123, %sub3A_124 : i32
    %while3A = arith.constant 0 : i32
    %while3A_126 = arith.constant 0 : i32
    %while3A_127 = arith.subi %sub3A_125, %while3A_126 : i32
    %while3A_128 = arith.addi %while3A_126, %while3A_127 : i32
    %while3A_129 = arith.constant 1 : i32
    %while3A_130 = arith.divsi %while3A_127, %while3A_129 : i32
    %while3A_131 = arith.muli %while3A_130, %while3A_129 : i32
    %while3A_132 = arith.addi %while3A_126, %while3A_131 : i32
    %while3A_133 = arith.constant 1 : i32
    scf.for %while3A_169 = %while3A_126 to %while3A_132 step %while3A_133  : i32 {
      %mul3A_170 = arith.constant 4 : i32
      %mul3A_171 = arith.muli %while3A_169, %mul3A_170 : i32
      %add3A_172 = arith.constant 4 : i32
      %add3A_173 = arith.addi %mul3A_171, %add3A_172 : i32
      %add3A_174 = arith.constant 0 : i32
      %add3A_175 = arith.addi %add3A_173, %add3A_174 : i32
      %dma_start3A_176 = arith.constant 0 : i32
      %dma_start3A_177 = tpu.memref_slice %arg4[%add3A_175, %dma_start3A_176] : memref<92x128xi32, #tpu.memory_space<vmem>> -> memref<1x128xi32, #tpu.memory_space<vmem>>
      %dma_start3A_178 = tpu.memref_squeeze %dma_start3A_177 : memref<1x128xi32, #tpu.memory_space<vmem>> -> memref<128xi32, #tpu.memory_space<vmem>>
      %dma_start3A_179 = arith.constant 0 : i32
      %dma_start3A_180 = tpu.memref_slice %arg7[%dma_start3A_179] : memref<10240xf32, #tpu.memory_space<vmem_shared>> -> memref<10240xf32, #tpu.memory_space<vmem_shared>>
      tpu.enqueue_indirect_dma source(%arg5 : memref<128xf32, #tpu.memory_space<vmem>>) target(%dma_start3A_180 : memref<10240xf32, #tpu.memory_space<vmem_shared>>) offsets(%dma_start3A_178 : memref<128xi32, #tpu.memory_space<vmem>>) semaphore(%arg8 : memref<!tpu.dma_semaphore, #tpu.memory_space<semaphore_mem>>) {add = true}
      %add3A_181 = arith.constant 1 : i32
      %add3A_182 = arith.addi %add3A_173, %add3A_181 : i32
      %dma_start3A_183 = arith.constant 0 : i32
      %dma_start3A_184 = tpu.memref_slice %arg4[%add3A_182, %dma_start3A_183] : memref<92x128xi32, #tpu.memory_space<vmem>> -> memref<1x128xi32, #tpu.memory_space<vmem>>
      %dma_start3A_185 = tpu.memref_squeeze %dma_start3A_184 : memref<1x128xi32, #tpu.memory_space<vmem>> -> memref<128xi32, #tpu.memory_space<vmem>>
      %dma_start3A_186 = arith.constant 0 : i32
      %dma_start3A_187 = tpu.memref_slice %arg7[%dma_start3A_186] : memref<10240xf32, #tpu.memory_space<vmem_shared>> -> memref<10240xf32, #tpu.memory_space<vmem_shared>>
      tpu.enqueue_indirect_dma source(%arg5 : memref<128xf32, #tpu.memory_space<vmem>>) target(%dma_start3A_187 : memref<10240xf32, #tpu.memory_space<vmem_shared>>) offsets(%dma_start3A_185 : memref<128xi32, #tpu.memory_space<vmem>>) semaphore(%arg8 : memref<!tpu.dma_semaphore, #tpu.memory_space<semaphore_mem>>) {add = true}
      %add3A_188 = arith.constant 2 : i32
      %add3A_189 = arith.addi %add3A_173, %add3A_188 : i32
      %dma_start3A_190 = arith.constant 0 : i32
      %dma_start3A_191 = tpu.memref_slice %arg4[%add3A_189, %dma_start3A_190] : memref<92x128xi32, #tpu.memory_space<vmem>> -> memref<1x128xi32, #tpu.memory_space<vmem>>
      %dma_start3A_192 = tpu.memref_squeeze %dma_start3A_191 : memref<1x128xi32, #tpu.memory_space<vmem>> -> memref<128xi32, #tpu.memory_space<vmem>>
      %dma_start3A_193 = arith.constant 0 : i32
      %dma_start3A_194 = tpu.memref_slice %arg7[%dma_start3A_193] : memref<10240xf32, #tpu.memory_space<vmem_shared>> -> memref<10240xf32, #tpu.memory_space<vmem_shared>>
      tpu.enqueue_indirect_dma source(%arg5 : memref<128xf32, #tpu.memory_space<vmem>>) target(%dma_start3A_194 : memref<10240xf32, #tpu.memory_space<vmem_shared>>) offsets(%dma_start3A_192 : memref<128xi32, #tpu.memory_space<vmem>>) semaphore(%arg8 : memref<!tpu.dma_semaphore, #tpu.memory_space<semaphore_mem>>) {add = true}
      %add3A_195 = arith.constant 3 : i32
      %add3A_196 = arith.addi %add3A_173, %add3A_195 : i32
      %dma_start3A_197 = arith.constant 0 : i32
      %dma_start3A_198 = tpu.memref_slice %arg4[%add3A_196, %dma_start3A_197] : memref<92x128xi32, #tpu.memory_space<vmem>> -> memref<1x128xi32, #tpu.memory_space<vmem>>
      %dma_start3A_199 = tpu.memref_squeeze %dma_start3A_198 : memref<1x128xi32, #tpu.memory_space<vmem>> -> memref<128xi32, #tpu.memory_space<vmem>>
      %dma_start3A_200 = arith.constant 0 : i32
      %dma_start3A_201 = tpu.memref_slice %arg7[%dma_start3A_200] : memref<10240xf32, #tpu.memory_space<vmem_shared>> -> memref<10240xf32, #tpu.memory_space<vmem_shared>>
      tpu.enqueue_indirect_dma source(%arg5 : memref<128xf32, #tpu.memory_space<vmem>>) target(%dma_start3A_201 : memref<10240xf32, #tpu.memory_space<vmem_shared>>) offsets(%dma_start3A_199 : memref<128xi32, #tpu.memory_space<vmem>>) semaphore(%arg8 : memref<!tpu.dma_semaphore, #tpu.memory_space<semaphore_mem>>) {add = true}
      %mul3A_202 = arith.constant 4 : i32
      %mul3A_203 = arith.muli %while3A_169, %mul3A_202 : i32
      %add3A_204 = arith.constant 0 : i32
      %add3A_205 = arith.addi %mul3A_203, %add3A_204 : i32
      %dma_wait3A_206 = arith.constant 0 : i32
      %dma_wait3A_207 = tpu.memref_slice %arg4[%add3A_205, %dma_wait3A_206] : memref<92x128xi32, #tpu.memory_space<vmem>> -> memref<1x128xi32, #tpu.memory_space<vmem>>
      %dma_wait3A_208 = tpu.memref_squeeze %dma_wait3A_207 : memref<1x128xi32, #tpu.memory_space<vmem>> -> memref<128xi32, #tpu.memory_space<vmem>>
      %dma_wait3A_209 = arith.constant 0 : i32
      %dma_wait3A_210 = tpu.memref_slice %arg7[%dma_wait3A_209] : memref<10240xf32, #tpu.memory_space<vmem_shared>> -> memref<10240xf32, #tpu.memory_space<vmem_shared>>
      tpu.wait_indirect_dma semaphore(%arg8 : memref<!tpu.dma_semaphore, #tpu.memory_space<semaphore_mem>>) src(%arg5 : memref<128xf32, #tpu.memory_space<vmem>>) dst(%dma_wait3A_210 : memref<10240xf32, #tpu.memory_space<vmem_shared>>)
      %add3A_211 = arith.constant 1 : i32
      %add3A_212 = arith.addi %mul3A_203, %add3A_211 : i32
      %dma_wait3A_213 = arith.constant 0 : i32
      %dma_wait3A_214 = tpu.memref_slice %arg4[%add3A_212, %dma_wait3A_213] : memref<92x128xi32, #tpu.memory_space<vmem>> -> memref<1x128xi32, #tpu.memory_space<vmem>>
      %dma_wait3A_215 = tpu.memref_squeeze %dma_wait3A_214 : memref<1x128xi32, #tpu.memory_space<vmem>> -> memref<128xi32, #tpu.memory_space<vmem>>
      %dma_wait3A_216 = arith.constant 0 : i32
      %dma_wait3A_217 = tpu.memref_slice %arg7[%dma_wait3A_216] : memref<10240xf32, #tpu.memory_space<vmem_shared>> -> memref<10240xf32, #tpu.memory_space<vmem_shared>>
      tpu.wait_indirect_dma semaphore(%arg8 : memref<!tpu.dma_semaphore, #tpu.memory_space<semaphore_mem>>) src(%arg5 : memref<128xf32, #tpu.memory_space<vmem>>) dst(%dma_wait3A_217 : memref<10240xf32, #tpu.memory_space<vmem_shared>>)
      %add3A_218 = arith.constant 2 : i32
      %add3A_219 = arith.addi %mul3A_203, %add3A_218 : i32
      %dma_wait3A_220 = arith.constant 0 : i32
      %dma_wait3A_221 = tpu.memref_slice %arg4[%add3A_219, %dma_wait3A_220] : memref<92x128xi32, #tpu.memory_space<vmem>> -> memref<1x128xi32, #tpu.memory_space<vmem>>
      %dma_wait3A_222 = tpu.memref_squeeze %dma_wait3A_221 : memref<1x128xi32, #tpu.memory_space<vmem>> -> memref<128xi32, #tpu.memory_space<vmem>>
      %dma_wait3A_223 = arith.constant 0 : i32
      %dma_wait3A_224 = tpu.memref_slice %arg7[%dma_wait3A_223] : memref<10240xf32, #tpu.memory_space<vmem_shared>> -> memref<10240xf32, #tpu.memory_space<vmem_shared>>
      tpu.wait_indirect_dma semaphore(%arg8 : memref<!tpu.dma_semaphore, #tpu.memory_space<semaphore_mem>>) src(%arg5 : memref<128xf32, #tpu.memory_space<vmem>>) dst(%dma_wait3A_224 : memref<10240xf32, #tpu.memory_space<vmem_shared>>)
      %add3A_225 = arith.constant 3 : i32
      %add3A_226 = arith.addi %mul3A_203, %add3A_225 : i32
      %dma_wait3A_227 = arith.constant 0 : i32
      %dma_wait3A_228 = tpu.memref_slice %arg4[%add3A_226, %dma_wait3A_227] : memref<92x128xi32, #tpu.memory_space<vmem>> -> memref<1x128xi32, #tpu.memory_space<vmem>>
      %dma_wait3A_229 = tpu.memref_squeeze %dma_wait3A_228 : memref<1x128xi32, #tpu.memory_space<vmem>> -> memref<128xi32, #tpu.memory_space<vmem>>
      %dma_wait3A_230 = arith.constant 0 : i32
      %dma_wait3A_231 = tpu.memref_slice %arg7[%dma_wait3A_230] : memref<10240xf32, #tpu.memory_space<vmem_shared>> -> memref<10240xf32, #tpu.memory_space<vmem_shared>>
      tpu.wait_indirect_dma semaphore(%arg8 : memref<!tpu.dma_semaphore, #tpu.memory_space<semaphore_mem>>) src(%arg5 : memref<128xf32, #tpu.memory_space<vmem>>) dst(%dma_wait3A_231 : memref<10240xf32, #tpu.memory_space<vmem_shared>>)
    }
    %while3A_134 = arith.constant 1 : i32
    scf.for %while3A_169 = %while3A_132 to %while3A_128 step %while3A_134  : i32 {
      %mul3A_170 = arith.constant 4 : i32
      %mul3A_171 = arith.muli %while3A_169, %mul3A_170 : i32
      %add3A_172 = arith.constant 4 : i32
      %add3A_173 = arith.addi %mul3A_171, %add3A_172 : i32
      %add3A_174 = arith.constant 0 : i32
      %add3A_175 = arith.addi %add3A_173, %add3A_174 : i32
      %dma_start3A_176 = arith.constant 0 : i32
      %dma_start3A_177 = tpu.memref_slice %arg4[%add3A_175, %dma_start3A_176] : memref<92x128xi32, #tpu.memory_space<vmem>> -> memref<1x128xi32, #tpu.memory_space<vmem>>
      %dma_start3A_178 = tpu.memref_squeeze %dma_start3A_177 : memref<1x128xi32, #tpu.memory_space<vmem>> -> memref<128xi32, #tpu.memory_space<vmem>>
      %dma_start3A_179 = arith.constant 0 : i32
      %dma_start3A_180 = tpu.memref_slice %arg7[%dma_start3A_179] : memref<10240xf32, #tpu.memory_space<vmem_shared>> -> memref<10240xf32, #tpu.memory_space<vmem_shared>>
      tpu.enqueue_indirect_dma source(%arg5 : memref<128xf32, #tpu.memory_space<vmem>>) target(%dma_start3A_180 : memref<10240xf32, #tpu.memory_space<vmem_shared>>) offsets(%dma_start3A_178 : memref<128xi32, #tpu.memory_space<vmem>>) semaphore(%arg8 : memref<!tpu.dma_semaphore, #tpu.memory_space<semaphore_mem>>) {add = true}
      %add3A_181 = arith.constant 1 : i32
      %add3A_182 = arith.addi %add3A_173, %add3A_181 : i32
      %dma_start3A_183 = arith.constant 0 : i32
      %dma_start3A_184 = tpu.memref_slice %arg4[%add3A_182, %dma_start3A_183] : memref<92x128xi32, #tpu.memory_space<vmem>> -> memref<1x128xi32, #tpu.memory_space<vmem>>
      %dma_start3A_185 = tpu.memref_squeeze %dma_start3A_184 : memref<1x128xi32, #tpu.memory_space<vmem>> -> memref<128xi32, #tpu.memory_space<vmem>>
      %dma_start3A_186 = arith.constant 0 : i32
      %dma_start3A_187 = tpu.memref_slice %arg7[%dma_start3A_186] : memref<10240xf32, #tpu.memory_space<vmem_shared>> -> memref<10240xf32, #tpu.memory_space<vmem_shared>>
      tpu.enqueue_indirect_dma source(%arg5 : memref<128xf32, #tpu.memory_space<vmem>>) target(%dma_start3A_187 : memref<10240xf32, #tpu.memory_space<vmem_shared>>) offsets(%dma_start3A_185 : memref<128xi32, #tpu.memory_space<vmem>>) semaphore(%arg8 : memref<!tpu.dma_semaphore, #tpu.memory_space<semaphore_mem>>) {add = true}
      %add3A_188 = arith.constant 2 : i32
      %add3A_189 = arith.addi %add3A_173, %add3A_188 : i32
      %dma_start3A_190 = arith.constant 0 : i32
      %dma_start3A_191 = tpu.memref_slice %arg4[%add3A_189, %dma_start3A_190] : memref<92x128xi32, #tpu.memory_space<vmem>> -> memref<1x128xi32, #tpu.memory_space<vmem>>
      %dma_start3A_192 = tpu.memref_squeeze %dma_start3A_191 : memref<1x128xi32, #tpu.memory_space<vmem>> -> memref<128xi32, #tpu.memory_space<vmem>>
      %dma_start3A_193 = arith.constant 0 : i32
      %dma_start3A_194 = tpu.memref_slice %arg7[%dma_start3A_193] : memref<10240xf32, #tpu.memory_space<vmem_shared>> -> memref<10240xf32, #tpu.memory_space<vmem_shared>>
      tpu.enqueue_indirect_dma source(%arg5 : memref<128xf32, #tpu.memory_space<vmem>>) target(%dma_start3A_194 : memref<10240xf32, #tpu.memory_space<vmem_shared>>) offsets(%dma_start3A_192 : memref<128xi32, #tpu.memory_space<vmem>>) semaphore(%arg8 : memref<!tpu.dma_semaphore, #tpu.memory_space<semaphore_mem>>) {add = true}
      %add3A_195 = arith.constant 3 : i32
      %add3A_196 = arith.addi %add3A_173, %add3A_195 : i32
      %dma_start3A_197 = arith.constant 0 : i32
      %dma_start3A_198 = tpu.memref_slice %arg4[%add3A_196, %dma_start3A_197] : memref<92x128xi32, #tpu.memory_space<vmem>> -> memref<1x128xi32, #tpu.memory_space<vmem>>
      %dma_start3A_199 = tpu.memref_squeeze %dma_start3A_198 : memref<1x128xi32, #tpu.memory_space<vmem>> -> memref<128xi32, #tpu.memory_space<vmem>>
      %dma_start3A_200 = arith.constant 0 : i32
      %dma_start3A_201 = tpu.memref_slice %arg7[%dma_start3A_200] : memref<10240xf32, #tpu.memory_space<vmem_shared>> -> memref<10240xf32, #tpu.memory_space<vmem_shared>>
      tpu.enqueue_indirect_dma source(%arg5 : memref<128xf32, #tpu.memory_space<vmem>>) target(%dma_start3A_201 : memref<10240xf32, #tpu.memory_space<vmem_shared>>) offsets(%dma_start3A_199 : memref<128xi32, #tpu.memory_space<vmem>>) semaphore(%arg8 : memref<!tpu.dma_semaphore, #tpu.memory_space<semaphore_mem>>) {add = true}
      %mul3A_202 = arith.constant 4 : i32
      %mul3A_203 = arith.muli %while3A_169, %mul3A_202 : i32
      %add3A_204 = arith.constant 0 : i32
      %add3A_205 = arith.addi %mul3A_203, %add3A_204 : i32
      %dma_wait3A_206 = arith.constant 0 : i32
      %dma_wait3A_207 = tpu.memref_slice %arg4[%add3A_205, %dma_wait3A_206] : memref<92x128xi32, #tpu.memory_space<vmem>> -> memref<1x128xi32, #tpu.memory_space<vmem>>
      %dma_wait3A_208 = tpu.memref_squeeze %dma_wait3A_207 : memref<1x128xi32, #tpu.memory_space<vmem>> -> memref<128xi32, #tpu.memory_space<vmem>>
      %dma_wait3A_209 = arith.constant 0 : i32
      %dma_wait3A_210 = tpu.memref_slice %arg7[%dma_wait3A_209] : memref<10240xf32, #tpu.memory_space<vmem_shared>> -> memref<10240xf32, #tpu.memory_space<vmem_shared>>
      tpu.wait_indirect_dma semaphore(%arg8 : memref<!tpu.dma_semaphore, #tpu.memory_space<semaphore_mem>>) src(%arg5 : memref<128xf32, #tpu.memory_space<vmem>>) dst(%dma_wait3A_210 : memref<10240xf32, #tpu.memory_space<vmem_shared>>)
      %add3A_211 = arith.constant 1 : i32
      %add3A_212 = arith.addi %mul3A_203, %add3A_211 : i32
      %dma_wait3A_213 = arith.constant 0 : i32
      %dma_wait3A_214 = tpu.memref_slice %arg4[%add3A_212, %dma_wait3A_213] : memref<92x128xi32, #tpu.memory_space<vmem>> -> memref<1x128xi32, #tpu.memory_space<vmem>>
      %dma_wait3A_215 = tpu.memref_squeeze %dma_wait3A_214 : memref<1x128xi32, #tpu.memory_space<vmem>> -> memref<128xi32, #tpu.memory_space<vmem>>
      %dma_wait3A_216 = arith.constant 0 : i32
      %dma_wait3A_217 = tpu.memref_slice %arg7[%dma_wait3A_216] : memref<10240xf32, #tpu.memory_space<vmem_shared>> -> memref<10240xf32, #tpu.memory_space<vmem_shared>>
      tpu.wait_indirect_dma semaphore(%arg8 : memref<!tpu.dma_semaphore, #tpu.memory_space<semaphore_mem>>) src(%arg5 : memref<128xf32, #tpu.memory_space<vmem>>) dst(%dma_wait3A_217 : memref<10240xf32, #tpu.memory_space<vmem_shared>>)
      %add3A_218 = arith.constant 2 : i32
      %add3A_219 = arith.addi %mul3A_203, %add3A_218 : i32
      %dma_wait3A_220 = arith.constant 0 : i32
      %dma_wait3A_221 = tpu.memref_slice %arg4[%add3A_219, %dma_wait3A_220] : memref<92x128xi32, #tpu.memory_space<vmem>> -> memref<1x128xi32, #tpu.memory_space<vmem>>
      %dma_wait3A_222 = tpu.memref_squeeze %dma_wait3A_221 : memref<1x128xi32, #tpu.memory_space<vmem>> -> memref<128xi32, #tpu.memory_space<vmem>>
      %dma_wait3A_223 = arith.constant 0 : i32
      %dma_wait3A_224 = tpu.memref_slice %arg7[%dma_wait3A_223] : memref<10240xf32, #tpu.memory_space<vmem_shared>> -> memref<10240xf32, #tpu.memory_space<vmem_shared>>
      tpu.wait_indirect_dma semaphore(%arg8 : memref<!tpu.dma_semaphore, #tpu.memory_space<semaphore_mem>>) src(%arg5 : memref<128xf32, #tpu.memory_space<vmem>>) dst(%dma_wait3A_224 : memref<10240xf32, #tpu.memory_space<vmem_shared>>)
      %add3A_225 = arith.constant 3 : i32
      %add3A_226 = arith.addi %mul3A_203, %add3A_225 : i32
      %dma_wait3A_227 = arith.constant 0 : i32
      %dma_wait3A_228 = tpu.memref_slice %arg4[%add3A_226, %dma_wait3A_227] : memref<92x128xi32, #tpu.memory_space<vmem>> -> memref<1x128xi32, #tpu.memory_space<vmem>>
      %dma_wait3A_229 = tpu.memref_squeeze %dma_wait3A_228 : memref<1x128xi32, #tpu.memory_space<vmem>> -> memref<128xi32, #tpu.memory_space<vmem>>
      %dma_wait3A_230 = arith.constant 0 : i32
      %dma_wait3A_231 = tpu.memref_slice %arg7[%dma_wait3A_230] : memref<10240xf32, #tpu.memory_space<vmem_shared>> -> memref<10240xf32, #tpu.memory_space<vmem_shared>>
      tpu.wait_indirect_dma semaphore(%arg8 : memref<!tpu.dma_semaphore, #tpu.memory_space<semaphore_mem>>) src(%arg5 : memref<128xf32, #tpu.memory_space<vmem>>) dst(%dma_wait3A_231 : memref<10240xf32, #tpu.memory_space<vmem_shared>>)
    }
    %sub3A_135 = arith.constant 4 : i32
    %sub3A_136 = arith.subi %select_n3A, %sub3A_135 : i32
    %add3A_137 = arith.constant 0 : i32
    %add3A_138 = arith.addi %sub3A_136, %add3A_137 : i32
    %dma_wait3A = arith.constant 0 : i32
    %dma_wait3A_139 = tpu.memref_slice %arg4[%add3A_138, %dma_wait3A] : memref<92x128xi32, #tpu.memory_space<vmem>> -> memref<1x128xi32, #tpu.memory_space<vmem>>
    %dma_wait3A_140 = tpu.memref_squeeze %dma_wait3A_139 : memref<1x128xi32, #tpu.memory_space<vmem>> -> memref<128xi32, #tpu.memory_space<vmem>>
    %dma_wait3A_141 = arith.constant 0 : i32
    %dma_wait3A_142 = tpu.memref_slice %arg7[%dma_wait3A_141] : memref<10240xf32, #tpu.memory_space<vmem_shared>> -> memref<10240xf32, #tpu.memory_space<vmem_shared>>
    tpu.wait_indirect_dma semaphore(%arg8 : memref<!tpu.dma_semaphore, #tpu.memory_space<semaphore_mem>>) src(%arg5 : memref<128xf32, #tpu.memory_space<vmem>>) dst(%dma_wait3A_142 : memref<10240xf32, #tpu.memory_space<vmem_shared>>)
    %add3A_143 = arith.constant 1 : i32
    %add3A_144 = arith.addi %sub3A_136, %add3A_143 : i32
    %dma_wait3A_145 = arith.constant 0 : i32
    %dma_wait3A_146 = tpu.memref_slice %arg4[%add3A_144, %dma_wait3A_145] : memref<92x128xi32, #tpu.memory_space<vmem>> -> memref<1x128xi32, #tpu.memory_space<vmem>>
    %dma_wait3A_147 = tpu.memref_squeeze %dma_wait3A_146 : memref<1x128xi32, #tpu.memory_space<vmem>> -> memref<128xi32, #tpu.memory_space<vmem>>
    %dma_wait3A_148 = arith.constant 0 : i32
    %dma_wait3A_149 = tpu.memref_slice %arg7[%dma_wait3A_148] : memref<10240xf32, #tpu.memory_space<vmem_shared>> -> memref<10240xf32, #tpu.memory_space<vmem_shared>>
    tpu.wait_indirect_dma semaphore(%arg8 : memref<!tpu.dma_semaphore, #tpu.memory_space<semaphore_mem>>) src(%arg5 : memref<128xf32, #tpu.memory_space<vmem>>) dst(%dma_wait3A_149 : memref<10240xf32, #tpu.memory_space<vmem_shared>>)
    %add3A_150 = arith.constant 2 : i32
    %add3A_151 = arith.addi %sub3A_136, %add3A_150 : i32
    %dma_wait3A_152 = arith.constant 0 : i32
    %dma_wait3A_153 = tpu.memref_slice %arg4[%add3A_151, %dma_wait3A_152] : memref<92x128xi32, #tpu.memory_space<vmem>> -> memref<1x128xi32, #tpu.memory_space<vmem>>
    %dma_wait3A_154 = tpu.memref_squeeze %dma_wait3A_153 : memref<1x128xi32, #tpu.memory_space<vmem>> -> memref<128xi32, #tpu.memory_space<vmem>>
    %dma_wait3A_155 = arith.constant 0 : i32
    %dma_wait3A_156 = tpu.memref_slice %arg7[%dma_wait3A_155] : memref<10240xf32, #tpu.memory_space<vmem_shared>> -> memref<10240xf32, #tpu.memory_space<vmem_shared>>
    tpu.wait_indirect_dma semaphore(%arg8 : memref<!tpu.dma_semaphore, #tpu.memory_space<semaphore_mem>>) src(%arg5 : memref<128xf32, #tpu.memory_space<vmem>>) dst(%dma_wait3A_156 : memref<10240xf32, #tpu.memory_space<vmem_shared>>)
    %add3A_157 = arith.constant 3 : i32
    %add3A_158 = arith.addi %sub3A_136, %add3A_157 : i32
    %dma_wait3A_159 = arith.constant 0 : i32
    %dma_wait3A_160 = tpu.memref_slice %arg4[%add3A_158, %dma_wait3A_159] : memref<92x128xi32, #tpu.memory_space<vmem>> -> memref<1x128xi32, #tpu.memory_space<vmem>>
    %dma_wait3A_161 = tpu.memref_squeeze %dma_wait3A_160 : memref<1x128xi32, #tpu.memory_space<vmem>> -> memref<128xi32, #tpu.memory_space<vmem>>
    %dma_wait3A_162 = arith.constant 0 : i32
    %dma_wait3A_163 = tpu.memref_slice %arg7[%dma_wait3A_162] : memref<10240xf32, #tpu.memory_space<vmem_shared>> -> memref<10240xf32, #tpu.memory_space<vmem_shared>>
    tpu.wait_indirect_dma semaphore(%arg8 : memref<!tpu.dma_semaphore, #tpu.memory_space<semaphore_mem>>) src(%arg5 : memref<128xf32, #tpu.memory_space<vmem>>) dst(%dma_wait3A_163 : memref<10240xf32, #tpu.memory_space<vmem_shared>>)
    %barrier3A_164 = arith.constant 0 : index
    tpu.barrier barrier_id(%barrier3A_164)
    %mul3A_165 = arith.constant 640 : i32
    %mul3A_166 = arith.muli %arg1, %mul3A_165 : i32
    "tpu.region"() ({
      %run_scoped3A = tpu.sem_alloc : memref<!tpu.dma_semaphore, #tpu.memory_space<semaphore_mem>>
      %dma_start3A_169 = tpu.memref_slice %arg7[%mul3A_166] : memref<10240xf32, #tpu.memory_space<vmem_shared>> -> memref<640xf32, #tpu.memory_space<vmem_shared>>
      %dma_start3A_170 = tpu.memref_slice %arg7[%mul3A_166] : memref<10240xf32, #tpu.memory_space<vmem_shared>> -> memref<640xf32, #tpu.memory_space<vmem_shared>>
      tpu.enqueue_dma source(%dma_start3A_170 : memref<640xf32, #tpu.memory_space<vmem_shared>>) target(%arg6 : memref<640xf32, #tpu.memory_space<vmem>>) target_semaphore(%run_scoped3A : memref<!tpu.dma_semaphore, #tpu.memory_space<semaphore_mem>>)
      %dma_wait3A_171 = tpu.memref_slice %arg7[%mul3A_166] : memref<10240xf32, #tpu.memory_space<vmem_shared>> -> memref<640xf32, #tpu.memory_space<vmem_shared>>
      %dma_wait3A_172 = tpu.memref_slice %arg7[%mul3A_166] : memref<10240xf32, #tpu.memory_space<vmem_shared>> -> memref<640xf32, #tpu.memory_space<vmem_shared>>
      tpu.wait_dma2 semaphore(%run_scoped3A : memref<!tpu.dma_semaphore, #tpu.memory_space<semaphore_mem>>) src(%dma_wait3A_172 : memref<640xf32, #tpu.memory_space<vmem_shared>>) dst(%arg6 : memref<640xf32, #tpu.memory_space<vmem>>)
      tpu.yield
    }) : () -> ()
    %mul3A_167 = arith.constant 640 : i32
    %mul3A_168 = arith.muli %arg1, %mul3A_167 : i32
    "tpu.region"() ({
      %run_scoped3A = tpu.sem_alloc : memref<!tpu.dma_semaphore, #tpu.memory_space<semaphore_mem>>
      %dma_start3A_169 = tpu.memref_slice %arg3[%arg0, %mul3A_168] : memref<2x10240xf32, #tpu.memory_space<hbm>> -> memref<1x640xf32, #tpu.memory_space<hbm>>
      %dma_start3A_170 = tpu.memref_squeeze %dma_start3A_169 : memref<1x640xf32, #tpu.memory_space<hbm>> -> memref<640xf32, #tpu.memory_space<hbm>>
      %dma_start3A_171 = tpu.memref_slice %arg3[%arg0, %mul3A_168] : memref<2x10240xf32, #tpu.memory_space<hbm>> -> memref<1x640xf32, #tpu.memory_space<hbm>>
      %dma_start3A_172 = tpu.memref_squeeze %dma_start3A_171 : memref<1x640xf32, #tpu.memory_space<hbm>> -> memref<640xf32, #tpu.memory_space<hbm>>
      tpu.enqueue_dma source(%arg6 : memref<640xf32, #tpu.memory_space<vmem>>) target(%dma_start3A_172 : memref<640xf32, #tpu.memory_space<hbm>>) target_semaphore(%run_scoped3A : memref<!tpu.dma_semaphore, #tpu.memory_space<semaphore_mem>>)
      %dma_wait3A_173 = tpu.memref_slice %arg3[%arg0, %mul3A_168] : memref<2x10240xf32, #tpu.memory_space<hbm>> -> memref<1x640xf32, #tpu.memory_space<hbm>>
      %dma_wait3A_174 = tpu.memref_squeeze %dma_wait3A_173 : memref<1x640xf32, #tpu.memory_space<hbm>> -> memref<640xf32, #tpu.memory_space<hbm>>
      %dma_wait3A_175 = tpu.memref_slice %arg3[%arg0, %mul3A_168] : memref<2x10240xf32, #tpu.memory_space<hbm>> -> memref<1x640xf32, #tpu.memory_space<hbm>>
      %dma_wait3A_176 = tpu.memref_squeeze %dma_wait3A_175 : memref<1x640xf32, #tpu.memory_space<hbm>> -> memref<640xf32, #tpu.memory_space<hbm>>
      tpu.wait_dma2 semaphore(%run_scoped3A : memref<!tpu.dma_semaphore, #tpu.memory_space<semaphore_mem>>) src(%arg6 : memref<640xf32, #tpu.memory_space<vmem>>) dst(%dma_wait3A_176 : memref<640xf32, #tpu.memory_space<hbm>>)
      tpu.yield
    }) : () -> ()
    return
  }
}

#map = affine_map<(d0, d1) -> (0, 0)>
#map1 = affine_map<(d0, d1) -> (0, 0, 0)>
module attributes {stable_mosaic.version = 14 : i64} {
  func.func @_msg_body(%arg0: i32, %arg1: i32, %arg2: memref<10000x16xf32, #tpu.memory_space<hbm>>, %arg3: memref<2x2500x128xi32, #tpu.memory_space<hbm>>, %arg4: memref<2x10240x16xf32, #tpu.memory_space<hbm>>, %arg5: memref<92x128xi32, #tpu.memory_space<vmem>>, %arg6: memref<92x128xi32, #tpu.memory_space<vmem>>, %arg7: memref<4x128x16xf32, #tpu.memory_space<vmem>>, %arg8: memref<640x16xf32, #tpu.memory_space<vmem>>, %arg9: memref<10240x16xf32, #tpu.memory_space<vmem_shared>>, %arg10: memref<!tpu.dma_semaphore, #tpu.memory_space<semaphore_mem>>, %arg11: memref<!tpu.dma_semaphore, #tpu.memory_space<semaphore_mem>>, %arg12: memref<!tpu.dma_semaphore, #tpu.memory_space<semaphore_mem>>, %arg13: memref<!tpu.dma_semaphore, #tpu.memory_space<semaphore_mem>>, %arg14: memref<!tpu.dma_semaphore, #tpu.memory_space<semaphore_mem>>, %arg15: memref<!tpu.dma_semaphore, #tpu.memory_space<semaphore_mem>>, %arg16: memref<!tpu.dma_semaphore, #tpu.memory_space<semaphore_mem>>, %arg17: memref<!tpu.dma_semaphore, #tpu.memory_space<semaphore_mem>>) attributes {dimension_semantics = [#tpu.dimension_semantics<core_parallel>, #tpu.dimension_semantics<subcore_parallel>], iteration_bounds = array<i64: 2, 16>, scalar_prefetch = 0 : i64, scratch_operands = 13 : i64, tpu.core_type = #tpu.core_type<sc_vector_subcore>, window_params = [{transform_indices = #map}, {transform_indices = #map1}, {transform_indices = #map1}]} {
    %eq3A = arith.constant 0 : i32
    %eq3A_0 = arith.cmpi eq, %arg0, %eq3A : i32
    %eq3A_1 = arith.constant 0 : i32
    %eq3A_2 = arith.cmpi eq, %arg1, %eq3A_1 : i32
    %convert_element_type3A = arith.extui %eq3A_2 : i1 to i32
    %mul3A = arith.constant 4 : i32
    %mul3A_3 = arith.muli %mul3A, %convert_element_type3A : i32
    %add3A = arith.constant 88 : i32
    %add3A_4 = arith.addi %add3A, %mul3A_3 : i32
    %jit3A = arith.constant 68 : i32
    %select_n3A = arith.select %eq3A_0, %add3A_4, %jit3A : i32
    %mul3A_5 = arith.constant 88 : i32
    %mul3A_6 = arith.muli %mul3A_5, %arg1 : i32
    %gt3A = arith.constant 0 : i32
    %gt3A_7 = arith.cmpi sgt, %arg1, %gt3A : i32
    %convert_element_type3A_8 = arith.extui %gt3A_7 : i1 to i32
    %mul3A_9 = arith.constant 4 : i32
    %mul3A_10 = arith.muli %mul3A_9, %convert_element_type3A_8 : i32
    %add3A_11 = arith.addi %mul3A_6, %mul3A_10 : i32
    %mul3A_12 = arith.constant 68 : i32
    %mul3A_13 = arith.muli %mul3A_12, %arg1 : i32
    %add3A_14 = arith.constant 1412 : i32
    %add3A_15 = arith.addi %add3A_14, %mul3A_13 : i32
    %eq3A_16 = arith.constant 0 : i32
    %eq3A_17 = arith.cmpi eq, %arg0, %eq3A_16 : i32
    %select_n3A_18 = arith.select %eq3A_17, %add3A_11, %add3A_15 : i32
    %scan3A = arith.constant 0 : i32
    %scan3A_19 = arith.constant 0 : i32
    %scan3A_20 = arith.constant 640 : i32
    %scan3A_21 = arith.addi %scan3A_19, %scan3A_20 : i32
    %scan3A_22 = arith.constant 1 : i32
    scf.for %scan3A_287 = %scan3A_19 to %scan3A_21 step %scan3A_22  : i32 {
      %broadcast_in_dim3A = arith.constant 0.000000e+00 : f32
      %broadcast_in_dim3A_288 = vector.broadcast %broadcast_in_dim3A : f32 to vector<16xf32>
      %swap3A = arith.index_cast %scan3A_287 : i32 to index
      %swap3A_289 = arith.constant 0 : index
      %swap3A_290 = tpu.vector_load %arg8[%swap3A, %swap3A_289] {strides = array<i32>} : memref<640x16xf32, #tpu.memory_space<vmem>>, vector<1x16xf32>,
      %swap3A_291 = vector.shape_cast %swap3A_290 : vector<1x16xf32> to vector<16xf32>
      %swap3A_292 = vector.shape_cast %broadcast_in_dim3A_288 : vector<16xf32> to vector<1x16xf32>
      tpu.vector_store %arg8[%swap3A, %swap3A_289], %swap3A_292 {strides = array<i32>} : memref<640x16xf32, #tpu.memory_space<vmem>>, vector<1x16xf32>,
    }
    %scan3A_23 = arith.constant 640 : i32
    %eq3A_24 = arith.constant 0 : i32
    %eq3A_25 = arith.cmpi eq, %arg0, %eq3A_24 : i32
    %convert_element_type3A_26 = arith.extui %eq3A_25 : i1 to i32
    %cond3A = arith.constant 0 : i32
    %cond3A_27 = arith.constant 0 : i32
    %cond3A_28 = arith.cmpi ne, %convert_element_type3A_26, %cond3A_27 : i32
    scf.if %cond3A_28 {
      "tpu.region"() ({
        %run_scoped3A = tpu.sem_alloc : memref<!tpu.dma_semaphore, #tpu.memory_space<semaphore_mem>>
        %dma_start3A_287 = arith.constant 0 : i32
        %dma_start3A_288 = arith.constant 0 : i32
        %dma_start3A_289 = tpu.memref_slice %arg3[%cond3A, %dma_start3A_287, %dma_start3A_288] : memref<2x2500x128xi32, #tpu.memory_space<hbm>> -> memref<1x2500x128xi32, #tpu.memory_space<hbm>>
        %dma_start3A_290 = tpu.memref_squeeze %dma_start3A_289 : memref<1x2500x128xi32, #tpu.memory_space<hbm>> -> memref<2500x128xi32, #tpu.memory_space<hbm>>
        %dma_start3A_291 = arith.constant 0 : i32
        %dma_start3A_292 = tpu.memref_slice %dma_start3A_290[%select_n3A_18, %dma_start3A_291] : memref<2500x128xi32, #tpu.memory_space<hbm>> -> memref<92x128xi32, #tpu.memory_space<hbm>>
        %dma_start3A_293 = arith.constant 0 : i32
        %dma_start3A_294 = arith.constant 0 : i32
        %dma_start3A_295 = tpu.memref_slice %arg3[%cond3A, %dma_start3A_293, %dma_start3A_294] : memref<2x2500x128xi32, #tpu.memory_space<hbm>> -> memref<1x2500x128xi32, #tpu.memory_space<hbm>>
        %dma_start3A_296 = tpu.memref_squeeze %dma_start3A_295 : memref<1x2500x128xi32, #tpu.memory_space<hbm>> -> memref<2500x128xi32, #tpu.memory_space<hbm>>
        %dma_start3A_297 = arith.constant 0 : i32
        %dma_start3A_298 = tpu.memref_slice %dma_start3A_296[%select_n3A_18, %dma_start3A_297] : memref<2500x128xi32, #tpu.memory_space<hbm>> -> memref<92x128xi32, #tpu.memory_space<hbm>>
        tpu.enqueue_dma source(%dma_start3A_298 : memref<92x128xi32, #tpu.memory_space<hbm>>) target(%arg5 : memref<92x128xi32, #tpu.memory_space<vmem>>) target_semaphore(%run_scoped3A : memref<!tpu.dma_semaphore, #tpu.memory_space<semaphore_mem>>)
        %dma_wait3A_299 = arith.constant 0 : i32
        %dma_wait3A_300 = arith.constant 0 : i32
        %dma_wait3A_301 = tpu.memref_slice %arg3[%cond3A, %dma_wait3A_299, %dma_wait3A_300] : memref<2x2500x128xi32, #tpu.memory_space<hbm>> -> memref<1x2500x128xi32, #tpu.memory_space<hbm>>
        %dma_wait3A_302 = tpu.memref_squeeze %dma_wait3A_301 : memref<1x2500x128xi32, #tpu.memory_space<hbm>> -> memref<2500x128xi32, #tpu.memory_space<hbm>>
        %dma_wait3A_303 = arith.constant 0 : i32
        %dma_wait3A_304 = tpu.memref_slice %dma_wait3A_302[%select_n3A_18, %dma_wait3A_303] : memref<2500x128xi32, #tpu.memory_space<hbm>> -> memref<92x128xi32, #tpu.memory_space<hbm>>
        %dma_wait3A_305 = arith.constant 0 : i32
        %dma_wait3A_306 = arith.constant 0 : i32
        %dma_wait3A_307 = tpu.memref_slice %arg3[%cond3A, %dma_wait3A_305, %dma_wait3A_306] : memref<2x2500x128xi32, #tpu.memory_space<hbm>> -> memref<1x2500x128xi32, #tpu.memory_space<hbm>>
        %dma_wait3A_308 = tpu.memref_squeeze %dma_wait3A_307 : memref<1x2500x128xi32, #tpu.memory_space<hbm>> -> memref<2500x128xi32, #tpu.memory_space<hbm>>
        %dma_wait3A_309 = arith.constant 0 : i32
        %dma_wait3A_310 = tpu.memref_slice %dma_wait3A_308[%select_n3A_18, %dma_wait3A_309] : memref<2500x128xi32, #tpu.memory_space<hbm>> -> memref<92x128xi32, #tpu.memory_space<hbm>>
        tpu.wait_dma2 semaphore(%run_scoped3A : memref<!tpu.dma_semaphore, #tpu.memory_space<semaphore_mem>>) src(%dma_wait3A_310 : memref<92x128xi32, #tpu.memory_space<hbm>>) dst(%arg5 : memref<92x128xi32, #tpu.memory_space<vmem>>)
        tpu.yield
      }) : () -> ()
    } else {
    }
    %ne3A = arith.constant 0 : i32
    %ne3A_29 = arith.cmpi ne, %arg0, %ne3A : i32
    %convert_element_type3A_30 = arith.extui %ne3A_29 : i1 to i32
    %cond3A_31 = arith.constant 0 : i32
    %cond3A_32 = arith.constant 0 : i32
    %cond3A_33 = arith.cmpi ne, %convert_element_type3A_30, %cond3A_32 : i32
    scf.if %cond3A_33 {
      "tpu.region"() ({
        %run_scoped3A = tpu.sem_alloc : memref<!tpu.dma_semaphore, #tpu.memory_space<semaphore_mem>>
        %dma_start3A_287 = arith.constant 0 : i32
        %dma_start3A_288 = arith.constant 0 : i32
        %dma_start3A_289 = tpu.memref_slice %arg5[%dma_start3A_287, %dma_start3A_288] : memref<92x128xi32, #tpu.memory_space<vmem>> -> memref<68x128xi32, #tpu.memory_space<vmem>>
        %dma_start3A_290 = arith.constant 0 : i32
        %dma_start3A_291 = arith.constant 0 : i32
        %dma_start3A_292 = tpu.memref_slice %arg3[%cond3A_31, %dma_start3A_290, %dma_start3A_291] : memref<2x2500x128xi32, #tpu.memory_space<hbm>> -> memref<1x2500x128xi32, #tpu.memory_space<hbm>>
        %dma_start3A_293 = tpu.memref_squeeze %dma_start3A_292 : memref<1x2500x128xi32, #tpu.memory_space<hbm>> -> memref<2500x128xi32, #tpu.memory_space<hbm>>
        %dma_start3A_294 = arith.constant 0 : i32
        %dma_start3A_295 = tpu.memref_slice %dma_start3A_293[%select_n3A_18, %dma_start3A_294] : memref<2500x128xi32, #tpu.memory_space<hbm>> -> memref<68x128xi32, #tpu.memory_space<hbm>>
        %dma_start3A_296 = arith.constant 0 : i32
        %dma_start3A_297 = arith.constant 0 : i32
        %dma_start3A_298 = tpu.memref_slice %arg5[%dma_start3A_296, %dma_start3A_297] : memref<92x128xi32, #tpu.memory_space<vmem>> -> memref<68x128xi32, #tpu.memory_space<vmem>>
        %dma_start3A_299 = arith.constant 0 : i32
        %dma_start3A_300 = arith.constant 0 : i32
        %dma_start3A_301 = tpu.memref_slice %arg3[%cond3A_31, %dma_start3A_299, %dma_start3A_300] : memref<2x2500x128xi32, #tpu.memory_space<hbm>> -> memref<1x2500x128xi32, #tpu.memory_space<hbm>>
        %dma_start3A_302 = tpu.memref_squeeze %dma_start3A_301 : memref<1x2500x128xi32, #tpu.memory_space<hbm>> -> memref<2500x128xi32, #tpu.memory_space<hbm>>
        %dma_start3A_303 = arith.constant 0 : i32
        %dma_start3A_304 = tpu.memref_slice %dma_start3A_302[%select_n3A_18, %dma_start3A_303] : memref<2500x128xi32, #tpu.memory_space<hbm>> -> memref<68x128xi32, #tpu.memory_space<hbm>>
        tpu.enqueue_dma source(%dma_start3A_304 : memref<68x128xi32, #tpu.memory_space<hbm>>) target(%dma_start3A_298 : memref<68x128xi32, #tpu.memory_space<vmem>>) target_semaphore(%run_scoped3A : memref<!tpu.dma_semaphore, #tpu.memory_space<semaphore_mem>>)
        %dma_wait3A_305 = arith.constant 0 : i32
        %dma_wait3A_306 = arith.constant 0 : i32
        %dma_wait3A_307 = tpu.memref_slice %arg5[%dma_wait3A_305, %dma_wait3A_306] : memref<92x128xi32, #tpu.memory_space<vmem>> -> memref<68x128xi32, #tpu.memory_space<vmem>>
        %dma_wait3A_308 = arith.constant 0 : i32
        %dma_wait3A_309 = arith.constant 0 : i32
        %dma_wait3A_310 = tpu.memref_slice %arg3[%cond3A_31, %dma_wait3A_308, %dma_wait3A_309] : memref<2x2500x128xi32, #tpu.memory_space<hbm>> -> memref<1x2500x128xi32, #tpu.memory_space<hbm>>
        %dma_wait3A_311 = tpu.memref_squeeze %dma_wait3A_310 : memref<1x2500x128xi32, #tpu.memory_space<hbm>> -> memref<2500x128xi32, #tpu.memory_space<hbm>>
        %dma_wait3A_312 = arith.constant 0 : i32
        %dma_wait3A_313 = tpu.memref_slice %dma_wait3A_311[%select_n3A_18, %dma_wait3A_312] : memref<2500x128xi32, #tpu.memory_space<hbm>> -> memref<68x128xi32, #tpu.memory_space<hbm>>
        %dma_wait3A_314 = arith.constant 0 : i32
        %dma_wait3A_315 = arith.constant 0 : i32
        %dma_wait3A_316 = tpu.memref_slice %arg5[%dma_wait3A_314, %dma_wait3A_315] : memref<92x128xi32, #tpu.memory_space<vmem>> -> memref<68x128xi32, #tpu.memory_space<vmem>>
        %dma_wait3A_317 = arith.constant 0 : i32
        %dma_wait3A_318 = arith.constant 0 : i32
        %dma_wait3A_319 = tpu.memref_slice %arg3[%cond3A_31, %dma_wait3A_317, %dma_wait3A_318] : memref<2x2500x128xi32, #tpu.memory_space<hbm>> -> memref<1x2500x128xi32, #tpu.memory_space<hbm>>
        %dma_wait3A_320 = tpu.memref_squeeze %dma_wait3A_319 : memref<1x2500x128xi32, #tpu.memory_space<hbm>> -> memref<2500x128xi32, #tpu.memory_space<hbm>>
        %dma_wait3A_321 = arith.constant 0 : i32
        %dma_wait3A_322 = tpu.memref_slice %dma_wait3A_320[%select_n3A_18, %dma_wait3A_321] : memref<2500x128xi32, #tpu.memory_space<hbm>> -> memref<68x128xi32, #tpu.memory_space<hbm>>
        tpu.wait_dma2 semaphore(%run_scoped3A : memref<!tpu.dma_semaphore, #tpu.memory_space<semaphore_mem>>) src(%dma_wait3A_322 : memref<68x128xi32, #tpu.memory_space<hbm>>) dst(%dma_wait3A_316 : memref<68x128xi32, #tpu.memory_space<vmem>>)
        tpu.yield
      }) : () -> ()
    } else {
    }
    %eq3A_34 = arith.constant 0 : i32
    %eq3A_35 = arith.cmpi eq, %arg0, %eq3A_34 : i32
    %convert_element_type3A_36 = arith.extui %eq3A_35 : i1 to i32
    %cond3A_37 = arith.constant 1 : i32
    %cond3A_38 = arith.constant 0 : i32
    %cond3A_39 = arith.cmpi ne, %convert_element_type3A_36, %cond3A_38 : i32
    scf.if %cond3A_39 {
      "tpu.region"() ({
        %run_scoped3A = tpu.sem_alloc : memref<!tpu.dma_semaphore, #tpu.memory_space<semaphore_mem>>
        %dma_start3A_287 = arith.constant 0 : i32
        %dma_start3A_288 = arith.constant 0 : i32
        %dma_start3A_289 = tpu.memref_slice %arg3[%cond3A_37, %dma_start3A_287, %dma_start3A_288] : memref<2x2500x128xi32, #tpu.memory_space<hbm>> -> memref<1x2500x128xi32, #tpu.memory_space<hbm>>
        %dma_start3A_290 = tpu.memref_squeeze %dma_start3A_289 : memref<1x2500x128xi32, #tpu.memory_space<hbm>> -> memref<2500x128xi32, #tpu.memory_space<hbm>>
        %dma_start3A_291 = arith.constant 0 : i32
        %dma_start3A_292 = tpu.memref_slice %dma_start3A_290[%select_n3A_18, %dma_start3A_291] : memref<2500x128xi32, #tpu.memory_space<hbm>> -> memref<92x128xi32, #tpu.memory_space<hbm>>
        %dma_start3A_293 = arith.constant 0 : i32
        %dma_start3A_294 = arith.constant 0 : i32
        %dma_start3A_295 = tpu.memref_slice %arg3[%cond3A_37, %dma_start3A_293, %dma_start3A_294] : memref<2x2500x128xi32, #tpu.memory_space<hbm>> -> memref<1x2500x128xi32, #tpu.memory_space<hbm>>
        %dma_start3A_296 = tpu.memref_squeeze %dma_start3A_295 : memref<1x2500x128xi32, #tpu.memory_space<hbm>> -> memref<2500x128xi32, #tpu.memory_space<hbm>>
        %dma_start3A_297 = arith.constant 0 : i32
        %dma_start3A_298 = tpu.memref_slice %dma_start3A_296[%select_n3A_18, %dma_start3A_297] : memref<2500x128xi32, #tpu.memory_space<hbm>> -> memref<92x128xi32, #tpu.memory_space<hbm>>
        tpu.enqueue_dma source(%dma_start3A_298 : memref<92x128xi32, #tpu.memory_space<hbm>>) target(%arg6 : memref<92x128xi32, #tpu.memory_space<vmem>>) target_semaphore(%run_scoped3A : memref<!tpu.dma_semaphore, #tpu.memory_space<semaphore_mem>>)
        %dma_wait3A_299 = arith.constant 0 : i32
        %dma_wait3A_300 = arith.constant 0 : i32
        %dma_wait3A_301 = tpu.memref_slice %arg3[%cond3A_37, %dma_wait3A_299, %dma_wait3A_300] : memref<2x2500x128xi32, #tpu.memory_space<hbm>> -> memref<1x2500x128xi32, #tpu.memory_space<hbm>>
        %dma_wait3A_302 = tpu.memref_squeeze %dma_wait3A_301 : memref<1x2500x128xi32, #tpu.memory_space<hbm>> -> memref<2500x128xi32, #tpu.memory_space<hbm>>
        %dma_wait3A_303 = arith.constant 0 : i32
        %dma_wait3A_304 = tpu.memref_slice %dma_wait3A_302[%select_n3A_18, %dma_wait3A_303] : memref<2500x128xi32, #tpu.memory_space<hbm>> -> memref<92x128xi32, #tpu.memory_space<hbm>>
        %dma_wait3A_305 = arith.constant 0 : i32
        %dma_wait3A_306 = arith.constant 0 : i32
        %dma_wait3A_307 = tpu.memref_slice %arg3[%cond3A_37, %dma_wait3A_305, %dma_wait3A_306] : memref<2x2500x128xi32, #tpu.memory_space<hbm>> -> memref<1x2500x128xi32, #tpu.memory_space<hbm>>
        %dma_wait3A_308 = tpu.memref_squeeze %dma_wait3A_307 : memref<1x2500x128xi32, #tpu.memory_space<hbm>> -> memref<2500x128xi32, #tpu.memory_space<hbm>>
        %dma_wait3A_309 = arith.constant 0 : i32
        %dma_wait3A_310 = tpu.memref_slice %dma_wait3A_308[%select_n3A_18, %dma_wait3A_309] : memref<2500x128xi32, #tpu.memory_space<hbm>> -> memref<92x128xi32, #tpu.memory_space<hbm>>
        tpu.wait_dma2 semaphore(%run_scoped3A : memref<!tpu.dma_semaphore, #tpu.memory_space<semaphore_mem>>) src(%dma_wait3A_310 : memref<92x128xi32, #tpu.memory_space<hbm>>) dst(%arg6 : memref<92x128xi32, #tpu.memory_space<vmem>>)
        tpu.yield
      }) : () -> ()
    } else {
    }
    %ne3A_40 = arith.constant 0 : i32
    %ne3A_41 = arith.cmpi ne, %arg0, %ne3A_40 : i32
    %convert_element_type3A_42 = arith.extui %ne3A_41 : i1 to i32
    %cond3A_43 = arith.constant 1 : i32
    %cond3A_44 = arith.constant 0 : i32
    %cond3A_45 = arith.cmpi ne, %convert_element_type3A_42, %cond3A_44 : i32
    scf.if %cond3A_45 {
      "tpu.region"() ({
        %run_scoped3A = tpu.sem_alloc : memref<!tpu.dma_semaphore, #tpu.memory_space<semaphore_mem>>
        %dma_start3A_287 = arith.constant 0 : i32
        %dma_start3A_288 = arith.constant 0 : i32
        %dma_start3A_289 = tpu.memref_slice %arg6[%dma_start3A_287, %dma_start3A_288] : memref<92x128xi32, #tpu.memory_space<vmem>> -> memref<68x128xi32, #tpu.memory_space<vmem>>
        %dma_start3A_290 = arith.constant 0 : i32
        %dma_start3A_291 = arith.constant 0 : i32
        %dma_start3A_292 = tpu.memref_slice %arg3[%cond3A_43, %dma_start3A_290, %dma_start3A_291] : memref<2x2500x128xi32, #tpu.memory_space<hbm>> -> memref<1x2500x128xi32, #tpu.memory_space<hbm>>
        %dma_start3A_293 = tpu.memref_squeeze %dma_start3A_292 : memref<1x2500x128xi32, #tpu.memory_space<hbm>> -> memref<2500x128xi32, #tpu.memory_space<hbm>>
        %dma_start3A_294 = arith.constant 0 : i32
        %dma_start3A_295 = tpu.memref_slice %dma_start3A_293[%select_n3A_18, %dma_start3A_294] : memref<2500x128xi32, #tpu.memory_space<hbm>> -> memref<68x128xi32, #tpu.memory_space<hbm>>
        %dma_start3A_296 = arith.constant 0 : i32
        %dma_start3A_297 = arith.constant 0 : i32
        %dma_start3A_298 = tpu.memref_slice %arg6[%dma_start3A_296, %dma_start3A_297] : memref<92x128xi32, #tpu.memory_space<vmem>> -> memref<68x128xi32, #tpu.memory_space<vmem>>
        %dma_start3A_299 = arith.constant 0 : i32
        %dma_start3A_300 = arith.constant 0 : i32
        %dma_start3A_301 = tpu.memref_slice %arg3[%cond3A_43, %dma_start3A_299, %dma_start3A_300] : memref<2x2500x128xi32, #tpu.memory_space<hbm>> -> memref<1x2500x128xi32, #tpu.memory_space<hbm>>
        %dma_start3A_302 = tpu.memref_squeeze %dma_start3A_301 : memref<1x2500x128xi32, #tpu.memory_space<hbm>> -> memref<2500x128xi32, #tpu.memory_space<hbm>>
        %dma_start3A_303 = arith.constant 0 : i32
        %dma_start3A_304 = tpu.memref_slice %dma_start3A_302[%select_n3A_18, %dma_start3A_303] : memref<2500x128xi32, #tpu.memory_space<hbm>> -> memref<68x128xi32, #tpu.memory_space<hbm>>
        tpu.enqueue_dma source(%dma_start3A_304 : memref<68x128xi32, #tpu.memory_space<hbm>>) target(%dma_start3A_298 : memref<68x128xi32, #tpu.memory_space<vmem>>) target_semaphore(%run_scoped3A : memref<!tpu.dma_semaphore, #tpu.memory_space<semaphore_mem>>)
        %dma_wait3A_305 = arith.constant 0 : i32
        %dma_wait3A_306 = arith.constant 0 : i32
        %dma_wait3A_307 = tpu.memref_slice %arg6[%dma_wait3A_305, %dma_wait3A_306] : memref<92x128xi32, #tpu.memory_space<vmem>> -> memref<68x128xi32, #tpu.memory_space<vmem>>
        %dma_wait3A_308 = arith.constant 0 : i32
        %dma_wait3A_309 = arith.constant 0 : i32
        %dma_wait3A_310 = tpu.memref_slice %arg3[%cond3A_43, %dma_wait3A_308, %dma_wait3A_309] : memref<2x2500x128xi32, #tpu.memory_space<hbm>> -> memref<1x2500x128xi32, #tpu.memory_space<hbm>>
        %dma_wait3A_311 = tpu.memref_squeeze %dma_wait3A_310 : memref<1x2500x128xi32, #tpu.memory_space<hbm>> -> memref<2500x128xi32, #tpu.memory_space<hbm>>
        %dma_wait3A_312 = arith.constant 0 : i32
        %dma_wait3A_313 = tpu.memref_slice %dma_wait3A_311[%select_n3A_18, %dma_wait3A_312] : memref<2500x128xi32, #tpu.memory_space<hbm>> -> memref<68x128xi32, #tpu.memory_space<hbm>>
        %dma_wait3A_314 = arith.constant 0 : i32
        %dma_wait3A_315 = arith.constant 0 : i32
        %dma_wait3A_316 = tpu.memref_slice %arg6[%dma_wait3A_314, %dma_wait3A_315] : memref<92x128xi32, #tpu.memory_space<vmem>> -> memref<68x128xi32, #tpu.memory_space<vmem>>
        %dma_wait3A_317 = arith.constant 0 : i32
        %dma_wait3A_318 = arith.constant 0 : i32
        %dma_wait3A_319 = tpu.memref_slice %arg3[%cond3A_43, %dma_wait3A_317, %dma_wait3A_318] : memref<2x2500x128xi32, #tpu.memory_space<hbm>> -> memref<1x2500x128xi32, #tpu.memory_space<hbm>>
        %dma_wait3A_320 = tpu.memref_squeeze %dma_wait3A_319 : memref<1x2500x128xi32, #tpu.memory_space<hbm>> -> memref<2500x128xi32, #tpu.memory_space<hbm>>
        %dma_wait3A_321 = arith.constant 0 : i32
        %dma_wait3A_322 = tpu.memref_slice %dma_wait3A_320[%select_n3A_18, %dma_wait3A_321] : memref<2500x128xi32, #tpu.memory_space<hbm>> -> memref<68x128xi32, #tpu.memory_space<hbm>>
        tpu.wait_dma2 semaphore(%run_scoped3A : memref<!tpu.dma_semaphore, #tpu.memory_space<semaphore_mem>>) src(%dma_wait3A_322 : memref<68x128xi32, #tpu.memory_space<hbm>>) dst(%dma_wait3A_316 : memref<68x128xi32, #tpu.memory_space<vmem>>)
        tpu.yield
      }) : () -> ()
    } else {
    }
    %mul3A_46 = arith.constant 640 : i32
    %mul3A_47 = arith.muli %arg1, %mul3A_46 : i32
    "tpu.region"() ({
      %run_scoped3A = tpu.sem_alloc : memref<!tpu.dma_semaphore, #tpu.memory_space<semaphore_mem>>
      %dma_start3A_287 = arith.constant 0 : i32
      %dma_start3A_288 = tpu.memref_slice %arg9[%mul3A_47, %dma_start3A_287] : memref<10240x16xf32, #tpu.memory_space<vmem_shared>> -> memref<640x16xf32, #tpu.memory_space<vmem_shared>>
      %dma_start3A_289 = arith.constant 0 : i32
      %dma_start3A_290 = tpu.memref_slice %arg9[%mul3A_47, %dma_start3A_289] : memref<10240x16xf32, #tpu.memory_space<vmem_shared>> -> memref<640x16xf32, #tpu.memory_space<vmem_shared>>
      tpu.enqueue_dma source(%arg8 : memref<640x16xf32, #tpu.memory_space<vmem>>) target(%dma_start3A_290 : memref<640x16xf32, #tpu.memory_space<vmem_shared>>) target_semaphore(%run_scoped3A : memref<!tpu.dma_semaphore, #tpu.memory_space<semaphore_mem>>)
      %dma_wait3A_291 = arith.constant 0 : i32
      %dma_wait3A_292 = tpu.memref_slice %arg9[%mul3A_47, %dma_wait3A_291] : memref<10240x16xf32, #tpu.memory_space<vmem_shared>> -> memref<640x16xf32, #tpu.memory_space<vmem_shared>>
      %dma_wait3A_293 = arith.constant 0 : i32
      %dma_wait3A_294 = tpu.memref_slice %arg9[%mul3A_47, %dma_wait3A_293] : memref<10240x16xf32, #tpu.memory_space<vmem_shared>> -> memref<640x16xf32, #tpu.memory_space<vmem_shared>>
      tpu.wait_dma2 semaphore(%run_scoped3A : memref<!tpu.dma_semaphore, #tpu.memory_space<semaphore_mem>>) src(%arg8 : memref<640x16xf32, #tpu.memory_space<vmem>>) dst(%dma_wait3A_294 : memref<640x16xf32, #tpu.memory_space<vmem_shared>>)
      tpu.yield
    }) : () -> ()
    %barrier3A = arith.constant 0 : index
    tpu.barrier barrier_id(%barrier3A)
    %dma_start3A = arith.constant 0 : i32
    %dma_start3A_48 = arith.constant 0 : i32
    %dma_start3A_49 = arith.constant 0 : i32
    %dma_start3A_50 = arith.constant 0 : i32
    %dma_start3A_51 = tpu.memref_slice %arg7[%dma_start3A_48, %dma_start3A_49, %dma_start3A_50] : memref<4x128x16xf32, #tpu.memory_space<vmem>> -> memref<1x128x16xf32, #tpu.memory_space<vmem>>
    %dma_start3A_52 = tpu.memref_squeeze %dma_start3A_51 : memref<1x128x16xf32, #tpu.memory_space<vmem>> -> memref<128x16xf32, #tpu.memory_space<vmem>>
    %dma_start3A_53 = arith.constant 0 : i32
    %dma_start3A_54 = tpu.memref_slice %arg5[%dma_start3A, %dma_start3A_53] : memref<92x128xi32, #tpu.memory_space<vmem>> -> memref<1x128xi32, #tpu.memory_space<vmem>>
    %dma_start3A_55 = tpu.memref_squeeze %dma_start3A_54 : memref<1x128xi32, #tpu.memory_space<vmem>> -> memref<128xi32, #tpu.memory_space<vmem>>
    %dma_start3A_56 = arith.constant 0 : i32
    %dma_start3A_57 = arith.constant 0 : i32
    %dma_start3A_58 = tpu.memref_slice %arg2[%dma_start3A_56, %dma_start3A_57] : memref<10000x16xf32, #tpu.memory_space<hbm>> -> memref<10000x16xf32, #tpu.memory_space<hbm>>
    tpu.enqueue_indirect_dma source(%dma_start3A_58 : memref<10000x16xf32, #tpu.memory_space<hbm>>) target(%dma_start3A_52 : memref<128x16xf32, #tpu.memory_space<vmem>>) offsets(%dma_start3A_55 : memref<128xi32, #tpu.memory_space<vmem>>) semaphore(%arg10 : memref<!tpu.dma_semaphore, #tpu.memory_space<semaphore_mem>>)
    %dma_start3A_59 = arith.constant 1 : i32
    %dma_start3A_60 = arith.constant 1 : i32
    %dma_start3A_61 = arith.constant 0 : i32
    %dma_start3A_62 = arith.constant 0 : i32
    %dma_start3A_63 = tpu.memref_slice %arg7[%dma_start3A_60, %dma_start3A_61, %dma_start3A_62] : memref<4x128x16xf32, #tpu.memory_space<vmem>> -> memref<1x128x16xf32, #tpu.memory_space<vmem>>
    %dma_start3A_64 = tpu.memref_squeeze %dma_start3A_63 : memref<1x128x16xf32, #tpu.memory_space<vmem>> -> memref<128x16xf32, #tpu.memory_space<vmem>>
    %dma_start3A_65 = arith.constant 0 : i32
    %dma_start3A_66 = tpu.memref_slice %arg5[%dma_start3A_59, %dma_start3A_65] : memref<92x128xi32, #tpu.memory_space<vmem>> -> memref<1x128xi32, #tpu.memory_space<vmem>>
    %dma_start3A_67 = tpu.memref_squeeze %dma_start3A_66 : memref<1x128xi32, #tpu.memory_space<vmem>> -> memref<128xi32, #tpu.memory_space<vmem>>
    %dma_start3A_68 = arith.constant 0 : i32
    %dma_start3A_69 = arith.constant 0 : i32
    %dma_start3A_70 = tpu.memref_slice %arg2[%dma_start3A_68, %dma_start3A_69] : memref<10000x16xf32, #tpu.memory_space<hbm>> -> memref<10000x16xf32, #tpu.memory_space<hbm>>
    tpu.enqueue_indirect_dma source(%dma_start3A_70 : memref<10000x16xf32, #tpu.memory_space<hbm>>) target(%dma_start3A_64 : memref<128x16xf32, #tpu.memory_space<vmem>>) offsets(%dma_start3A_67 : memref<128xi32, #tpu.memory_space<vmem>>) semaphore(%arg11 : memref<!tpu.dma_semaphore, #tpu.memory_space<semaphore_mem>>)
    %dma_start3A_71 = arith.constant 2 : i32
    %dma_start3A_72 = arith.constant 2 : i32
    %dma_start3A_73 = arith.constant 0 : i32
    %dma_start3A_74 = arith.constant 0 : i32
    %dma_start3A_75 = tpu.memref_slice %arg7[%dma_start3A_72, %dma_start3A_73, %dma_start3A_74] : memref<4x128x16xf32, #tpu.memory_space<vmem>> -> memref<1x128x16xf32, #tpu.memory_space<vmem>>
    %dma_start3A_76 = tpu.memref_squeeze %dma_start3A_75 : memref<1x128x16xf32, #tpu.memory_space<vmem>> -> memref<128x16xf32, #tpu.memory_space<vmem>>
    %dma_start3A_77 = arith.constant 0 : i32
    %dma_start3A_78 = tpu.memref_slice %arg5[%dma_start3A_71, %dma_start3A_77] : memref<92x128xi32, #tpu.memory_space<vmem>> -> memref<1x128xi32, #tpu.memory_space<vmem>>
    %dma_start3A_79 = tpu.memref_squeeze %dma_start3A_78 : memref<1x128xi32, #tpu.memory_space<vmem>> -> memref<128xi32, #tpu.memory_space<vmem>>
    %dma_start3A_80 = arith.constant 0 : i32
    %dma_start3A_81 = arith.constant 0 : i32
    %dma_start3A_82 = tpu.memref_slice %arg2[%dma_start3A_80, %dma_start3A_81] : memref<10000x16xf32, #tpu.memory_space<hbm>> -> memref<10000x16xf32, #tpu.memory_space<hbm>>
    tpu.enqueue_indirect_dma source(%dma_start3A_82 : memref<10000x16xf32, #tpu.memory_space<hbm>>) target(%dma_start3A_76 : memref<128x16xf32, #tpu.memory_space<vmem>>) offsets(%dma_start3A_79 : memref<128xi32, #tpu.memory_space<vmem>>) semaphore(%arg12 : memref<!tpu.dma_semaphore, #tpu.memory_space<semaphore_mem>>)
    %dma_start3A_83 = arith.constant 3 : i32
    %dma_start3A_84 = arith.constant 3 : i32
    %dma_start3A_85 = arith.constant 0 : i32
    %dma_start3A_86 = arith.constant 0 : i32
    %dma_start3A_87 = tpu.memref_slice %arg7[%dma_start3A_84, %dma_start3A_85, %dma_start3A_86] : memref<4x128x16xf32, #tpu.memory_space<vmem>> -> memref<1x128x16xf32, #tpu.memory_space<vmem>>
    %dma_start3A_88 = tpu.memref_squeeze %dma_start3A_87 : memref<1x128x16xf32, #tpu.memory_space<vmem>> -> memref<128x16xf32, #tpu.memory_space<vmem>>
    %dma_start3A_89 = arith.constant 0 : i32
    %dma_start3A_90 = tpu.memref_slice %arg5[%dma_start3A_83, %dma_start3A_89] : memref<92x128xi32, #tpu.memory_space<vmem>> -> memref<1x128xi32, #tpu.memory_space<vmem>>
    %dma_start3A_91 = tpu.memref_squeeze %dma_start3A_90 : memref<1x128xi32, #tpu.memory_space<vmem>> -> memref<128xi32, #tpu.memory_space<vmem>>
    %dma_start3A_92 = arith.constant 0 : i32
    %dma_start3A_93 = arith.constant 0 : i32
    %dma_start3A_94 = tpu.memref_slice %arg2[%dma_start3A_92, %dma_start3A_93] : memref<10000x16xf32, #tpu.memory_space<hbm>> -> memref<10000x16xf32, #tpu.memory_space<hbm>>
    tpu.enqueue_indirect_dma source(%dma_start3A_94 : memref<10000x16xf32, #tpu.memory_space<hbm>>) target(%dma_start3A_88 : memref<128x16xf32, #tpu.memory_space<vmem>>) offsets(%dma_start3A_91 : memref<128xi32, #tpu.memory_space<vmem>>) semaphore(%arg13 : memref<!tpu.dma_semaphore, #tpu.memory_space<semaphore_mem>>)
    %jit3A_95 = arith.constant 4 : i32
    %div3A = arith.divsi %select_n3A, %jit3A_95 : i32
    %sign3A = arith.constant 0 : i32
    %sign3A_96 = arith.cmpi sgt, %select_n3A, %sign3A : i32
    %sign3A_97 = arith.extui %sign3A_96 : i1 to i32
    %sign3A_98 = arith.constant 0 : i32
    %sign3A_99 = arith.cmpi slt, %select_n3A, %sign3A_98 : i32
    %sign3A_100 = arith.extui %sign3A_99 : i1 to i32
    %sign3A_101 = arith.subi %sign3A_97, %sign3A_100 : i32
    %sign3A_102 = arith.constant 0 : i32
    %sign3A_103 = arith.cmpi sgt, %jit3A_95, %sign3A_102 : i32
    %sign3A_104 = arith.extui %sign3A_103 : i1 to i32
    %sign3A_105 = arith.constant 0 : i32
    %sign3A_106 = arith.cmpi slt, %jit3A_95, %sign3A_105 : i32
    %sign3A_107 = arith.extui %sign3A_106 : i1 to i32
    %sign3A_108 = arith.subi %sign3A_104, %sign3A_107 : i32
    %ne3A_109 = arith.cmpi ne, %sign3A_101, %sign3A_108 : i32
    %rem3A = arith.remsi %select_n3A, %jit3A_95 : i32
    %ne3A_110 = arith.constant 0 : i32
    %ne3A_111 = arith.cmpi ne, %rem3A, %ne3A_110 : i32
    %and3A = arith.andi %ne3A_109, %ne3A_111 : i1
    %sub3A = arith.constant 1 : i32
    %sub3A_112 = arith.subi %div3A, %sub3A : i32
    %select_n3A_113 = arith.select %and3A, %sub3A_112, %div3A : i32
    %sub3A_114 = arith.constant 1 : i32
    %sub3A_115 = arith.subi %select_n3A_113, %sub3A_114 : i32
    %while3A = arith.constant 0 : i32
    %while3A_116 = arith.constant 0 : i32
    %while3A_117 = arith.subi %sub3A_115, %while3A_116 : i32
    %while3A_118 = arith.addi %while3A_116, %while3A_117 : i32
    %while3A_119 = arith.constant 1 : i32
    %while3A_120 = arith.divsi %while3A_117, %while3A_119 : i32
    %while3A_121 = arith.muli %while3A_120, %while3A_119 : i32
    %while3A_122 = arith.addi %while3A_116, %while3A_121 : i32
    %while3A_123 = arith.constant 1 : i32
    scf.for %while3A_287 = %while3A_116 to %while3A_122 step %while3A_123  : i32 {
      %mul3A_288 = arith.constant 4 : i32
      %mul3A_289 = arith.muli %while3A_287, %mul3A_288 : i32
      %add3A_290 = arith.constant 0 : i32
      %add3A_291 = arith.addi %mul3A_289, %add3A_290 : i32
      %dma_wait3A_292 = arith.constant 0 : i32
      %dma_wait3A_293 = arith.constant 0 : i32
      %dma_wait3A_294 = arith.constant 0 : i32
      %dma_wait3A_295 = tpu.memref_slice %arg7[%dma_wait3A_292, %dma_wait3A_293, %dma_wait3A_294] : memref<4x128x16xf32, #tpu.memory_space<vmem>> -> memref<1x128x16xf32, #tpu.memory_space<vmem>>
      %dma_wait3A_296 = tpu.memref_squeeze %dma_wait3A_295 : memref<1x128x16xf32, #tpu.memory_space<vmem>> -> memref<128x16xf32, #tpu.memory_space<vmem>>
      %dma_wait3A_297 = arith.constant 0 : i32
      %dma_wait3A_298 = tpu.memref_slice %arg5[%add3A_291, %dma_wait3A_297] : memref<92x128xi32, #tpu.memory_space<vmem>> -> memref<1x128xi32, #tpu.memory_space<vmem>>
      %dma_wait3A_299 = tpu.memref_squeeze %dma_wait3A_298 : memref<1x128xi32, #tpu.memory_space<vmem>> -> memref<128xi32, #tpu.memory_space<vmem>>
      %dma_wait3A_300 = arith.constant 0 : i32
      %dma_wait3A_301 = arith.constant 0 : i32
      %dma_wait3A_302 = tpu.memref_slice %arg2[%dma_wait3A_300, %dma_wait3A_301] : memref<10000x16xf32, #tpu.memory_space<hbm>> -> memref<10000x16xf32, #tpu.memory_space<hbm>>
      tpu.wait_indirect_dma semaphore(%arg10 : memref<!tpu.dma_semaphore, #tpu.memory_space<semaphore_mem>>) src(%dma_wait3A_302 : memref<10000x16xf32, #tpu.memory_space<hbm>>) dst(%dma_wait3A_296 : memref<128x16xf32, #tpu.memory_space<vmem>>)
      %add3A_303 = arith.constant 0 : i32
      %add3A_304 = arith.addi %mul3A_289, %add3A_303 : i32
      %dma_start3A_305 = arith.constant 0 : i32
      %dma_start3A_306 = arith.constant 0 : i32
      %dma_start3A_307 = arith.constant 0 : i32
      %dma_start3A_308 = tpu.memref_slice %arg7[%dma_start3A_305, %dma_start3A_306, %dma_start3A_307] : memref<4x128x16xf32, #tpu.memory_space<vmem>> -> memref<1x128x16xf32, #tpu.memory_space<vmem>>
      %dma_start3A_309 = tpu.memref_squeeze %dma_start3A_308 : memref<1x128x16xf32, #tpu.memory_space<vmem>> -> memref<128x16xf32, #tpu.memory_space<vmem>>
      %dma_start3A_310 = arith.constant 0 : i32
      %dma_start3A_311 = tpu.memref_slice %arg6[%add3A_304, %dma_start3A_310] : memref<92x128xi32, #tpu.memory_space<vmem>> -> memref<1x128xi32, #tpu.memory_space<vmem>>
      %dma_start3A_312 = tpu.memref_squeeze %dma_start3A_311 : memref<1x128xi32, #tpu.memory_space<vmem>> -> memref<128xi32, #tpu.memory_space<vmem>>
      %dma_start3A_313 = arith.constant 0 : i32
      %dma_start3A_314 = arith.constant 0 : i32
      %dma_start3A_315 = tpu.memref_slice %arg9[%dma_start3A_313, %dma_start3A_314] : memref<10240x16xf32, #tpu.memory_space<vmem_shared>> -> memref<10240x16xf32, #tpu.memory_space<vmem_shared>>
      tpu.enqueue_indirect_dma source(%dma_start3A_309 : memref<128x16xf32, #tpu.memory_space<vmem>>) target(%dma_start3A_315 : memref<10240x16xf32, #tpu.memory_space<vmem_shared>>) offsets(%dma_start3A_312 : memref<128xi32, #tpu.memory_space<vmem>>) semaphore(%arg14 : memref<!tpu.dma_semaphore, #tpu.memory_space<semaphore_mem>>) {add = true}
      %add3A_316 = arith.constant 1 : i32
      %add3A_317 = arith.addi %mul3A_289, %add3A_316 : i32
      %dma_wait3A_318 = arith.constant 1 : i32
      %dma_wait3A_319 = arith.constant 0 : i32
      %dma_wait3A_320 = arith.constant 0 : i32
      %dma_wait3A_321 = tpu.memref_slice %arg7[%dma_wait3A_318, %dma_wait3A_319, %dma_wait3A_320] : memref<4x128x16xf32, #tpu.memory_space<vmem>> -> memref<1x128x16xf32, #tpu.memory_space<vmem>>
      %dma_wait3A_322 = tpu.memref_squeeze %dma_wait3A_321 : memref<1x128x16xf32, #tpu.memory_space<vmem>> -> memref<128x16xf32, #tpu.memory_space<vmem>>
      %dma_wait3A_323 = arith.constant 0 : i32
      %dma_wait3A_324 = tpu.memref_slice %arg5[%add3A_317, %dma_wait3A_323] : memref<92x128xi32, #tpu.memory_space<vmem>> -> memref<1x128xi32, #tpu.memory_space<vmem>>
      %dma_wait3A_325 = tpu.memref_squeeze %dma_wait3A_324 : memref<1x128xi32, #tpu.memory_space<vmem>> -> memref<128xi32, #tpu.memory_space<vmem>>
      %dma_wait3A_326 = arith.constant 0 : i32
      %dma_wait3A_327 = arith.constant 0 : i32
      %dma_wait3A_328 = tpu.memref_slice %arg2[%dma_wait3A_326, %dma_wait3A_327] : memref<10000x16xf32, #tpu.memory_space<hbm>> -> memref<10000x16xf32, #tpu.memory_space<hbm>>
      tpu.wait_indirect_dma semaphore(%arg11 : memref<!tpu.dma_semaphore, #tpu.memory_space<semaphore_mem>>) src(%dma_wait3A_328 : memref<10000x16xf32, #tpu.memory_space<hbm>>) dst(%dma_wait3A_322 : memref<128x16xf32, #tpu.memory_space<vmem>>)
      %add3A_329 = arith.constant 1 : i32
      %add3A_330 = arith.addi %mul3A_289, %add3A_329 : i32
      %dma_start3A_331 = arith.constant 1 : i32
      %dma_start3A_332 = arith.constant 0 : i32
      %dma_start3A_333 = arith.constant 0 : i32
      %dma_start3A_334 = tpu.memref_slice %arg7[%dma_start3A_331, %dma_start3A_332, %dma_start3A_333] : memref<4x128x16xf32, #tpu.memory_space<vmem>> -> memref<1x128x16xf32, #tpu.memory_space<vmem>>
      %dma_start3A_335 = tpu.memref_squeeze %dma_start3A_334 : memref<1x128x16xf32, #tpu.memory_space<vmem>> -> memref<128x16xf32, #tpu.memory_space<vmem>>
      %dma_start3A_336 = arith.constant 0 : i32
      %dma_start3A_337 = tpu.memref_slice %arg6[%add3A_330, %dma_start3A_336] : memref<92x128xi32, #tpu.memory_space<vmem>> -> memref<1x128xi32, #tpu.memory_space<vmem>>
      %dma_start3A_338 = tpu.memref_squeeze %dma_start3A_337 : memref<1x128xi32, #tpu.memory_space<vmem>> -> memref<128xi32, #tpu.memory_space<vmem>>
      %dma_start3A_339 = arith.constant 0 : i32
      %dma_start3A_340 = arith.constant 0 : i32
      %dma_start3A_341 = tpu.memref_slice %arg9[%dma_start3A_339, %dma_start3A_340] : memref<10240x16xf32, #tpu.memory_space<vmem_shared>> -> memref<10240x16xf32, #tpu.memory_space<vmem_shared>>
      tpu.enqueue_indirect_dma source(%dma_start3A_335 : memref<128x16xf32, #tpu.memory_space<vmem>>) target(%dma_start3A_341 : memref<10240x16xf32, #tpu.memory_space<vmem_shared>>) offsets(%dma_start3A_338 : memref<128xi32, #tpu.memory_space<vmem>>) semaphore(%arg15 : memref<!tpu.dma_semaphore, #tpu.memory_space<semaphore_mem>>) {add = true}
      %add3A_342 = arith.constant 2 : i32
      %add3A_343 = arith.addi %mul3A_289, %add3A_342 : i32
      %dma_wait3A_344 = arith.constant 2 : i32
      %dma_wait3A_345 = arith.constant 0 : i32
      %dma_wait3A_346 = arith.constant 0 : i32
      %dma_wait3A_347 = tpu.memref_slice %arg7[%dma_wait3A_344, %dma_wait3A_345, %dma_wait3A_346] : memref<4x128x16xf32, #tpu.memory_space<vmem>> -> memref<1x128x16xf32, #tpu.memory_space<vmem>>
      %dma_wait3A_348 = tpu.memref_squeeze %dma_wait3A_347 : memref<1x128x16xf32, #tpu.memory_space<vmem>> -> memref<128x16xf32, #tpu.memory_space<vmem>>
      %dma_wait3A_349 = arith.constant 0 : i32
      %dma_wait3A_350 = tpu.memref_slice %arg5[%add3A_343, %dma_wait3A_349] : memref<92x128xi32, #tpu.memory_space<vmem>> -> memref<1x128xi32, #tpu.memory_space<vmem>>
      %dma_wait3A_351 = tpu.memref_squeeze %dma_wait3A_350 : memref<1x128xi32, #tpu.memory_space<vmem>> -> memref<128xi32, #tpu.memory_space<vmem>>
      %dma_wait3A_352 = arith.constant 0 : i32
      %dma_wait3A_353 = arith.constant 0 : i32
      %dma_wait3A_354 = tpu.memref_slice %arg2[%dma_wait3A_352, %dma_wait3A_353] : memref<10000x16xf32, #tpu.memory_space<hbm>> -> memref<10000x16xf32, #tpu.memory_space<hbm>>
      tpu.wait_indirect_dma semaphore(%arg12 : memref<!tpu.dma_semaphore, #tpu.memory_space<semaphore_mem>>) src(%dma_wait3A_354 : memref<10000x16xf32, #tpu.memory_space<hbm>>) dst(%dma_wait3A_348 : memref<128x16xf32, #tpu.memory_space<vmem>>)
      %add3A_355 = arith.constant 2 : i32
      %add3A_356 = arith.addi %mul3A_289, %add3A_355 : i32
      %dma_start3A_357 = arith.constant 2 : i32
      %dma_start3A_358 = arith.constant 0 : i32
      %dma_start3A_359 = arith.constant 0 : i32
      %dma_start3A_360 = tpu.memref_slice %arg7[%dma_start3A_357, %dma_start3A_358, %dma_start3A_359] : memref<4x128x16xf32, #tpu.memory_space<vmem>> -> memref<1x128x16xf32, #tpu.memory_space<vmem>>
      %dma_start3A_361 = tpu.memref_squeeze %dma_start3A_360 : memref<1x128x16xf32, #tpu.memory_space<vmem>> -> memref<128x16xf32, #tpu.memory_space<vmem>>
      %dma_start3A_362 = arith.constant 0 : i32
      %dma_start3A_363 = tpu.memref_slice %arg6[%add3A_356, %dma_start3A_362] : memref<92x128xi32, #tpu.memory_space<vmem>> -> memref<1x128xi32, #tpu.memory_space<vmem>>
      %dma_start3A_364 = tpu.memref_squeeze %dma_start3A_363 : memref<1x128xi32, #tpu.memory_space<vmem>> -> memref<128xi32, #tpu.memory_space<vmem>>
      %dma_start3A_365 = arith.constant 0 : i32
      %dma_start3A_366 = arith.constant 0 : i32
      %dma_start3A_367 = tpu.memref_slice %arg9[%dma_start3A_365, %dma_start3A_366] : memref<10240x16xf32, #tpu.memory_space<vmem_shared>> -> memref<10240x16xf32, #tpu.memory_space<vmem_shared>>
      tpu.enqueue_indirect_dma source(%dma_start3A_361 : memref<128x16xf32, #tpu.memory_space<vmem>>) target(%dma_start3A_367 : memref<10240x16xf32, #tpu.memory_space<vmem_shared>>) offsets(%dma_start3A_364 : memref<128xi32, #tpu.memory_space<vmem>>) semaphore(%arg16 : memref<!tpu.dma_semaphore, #tpu.memory_space<semaphore_mem>>) {add = true}
      %add3A_368 = arith.constant 3 : i32
      %add3A_369 = arith.addi %mul3A_289, %add3A_368 : i32
      %dma_wait3A_370 = arith.constant 3 : i32
      %dma_wait3A_371 = arith.constant 0 : i32
      %dma_wait3A_372 = arith.constant 0 : i32
      %dma_wait3A_373 = tpu.memref_slice %arg7[%dma_wait3A_370, %dma_wait3A_371, %dma_wait3A_372] : memref<4x128x16xf32, #tpu.memory_space<vmem>> -> memref<1x128x16xf32, #tpu.memory_space<vmem>>
      %dma_wait3A_374 = tpu.memref_squeeze %dma_wait3A_373 : memref<1x128x16xf32, #tpu.memory_space<vmem>> -> memref<128x16xf32, #tpu.memory_space<vmem>>
      %dma_wait3A_375 = arith.constant 0 : i32
      %dma_wait3A_376 = tpu.memref_slice %arg5[%add3A_369, %dma_wait3A_375] : memref<92x128xi32, #tpu.memory_space<vmem>> -> memref<1x128xi32, #tpu.memory_space<vmem>>
      %dma_wait3A_377 = tpu.memref_squeeze %dma_wait3A_376 : memref<1x128xi32, #tpu.memory_space<vmem>> -> memref<128xi32, #tpu.memory_space<vmem>>
      %dma_wait3A_378 = arith.constant 0 : i32
      %dma_wait3A_379 = arith.constant 0 : i32
      %dma_wait3A_380 = tpu.memref_slice %arg2[%dma_wait3A_378, %dma_wait3A_379] : memref<10000x16xf32, #tpu.memory_space<hbm>> -> memref<10000x16xf32, #tpu.memory_space<hbm>>
      tpu.wait_indirect_dma semaphore(%arg13 : memref<!tpu.dma_semaphore, #tpu.memory_space<semaphore_mem>>) src(%dma_wait3A_380 : memref<10000x16xf32, #tpu.memory_space<hbm>>) dst(%dma_wait3A_374 : memref<128x16xf32, #tpu.memory_space<vmem>>)
      %add3A_381 = arith.constant 3 : i32
      %add3A_382 = arith.addi %mul3A_289, %add3A_381 : i32
      %dma_start3A_383 = arith.constant 3 : i32
      %dma_start3A_384 = arith.constant 0 : i32
      %dma_start3A_385 = arith.constant 0 : i32
      %dma_start3A_386 = tpu.memref_slice %arg7[%dma_start3A_383, %dma_start3A_384, %dma_start3A_385] : memref<4x128x16xf32, #tpu.memory_space<vmem>> -> memref<1x128x16xf32, #tpu.memory_space<vmem>>
      %dma_start3A_387 = tpu.memref_squeeze %dma_start3A_386 : memref<1x128x16xf32, #tpu.memory_space<vmem>> -> memref<128x16xf32, #tpu.memory_space<vmem>>
      %dma_start3A_388 = arith.constant 0 : i32
      %dma_start3A_389 = tpu.memref_slice %arg6[%add3A_382, %dma_start3A_388] : memref<92x128xi32, #tpu.memory_space<vmem>> -> memref<1x128xi32, #tpu.memory_space<vmem>>
      %dma_start3A_390 = tpu.memref_squeeze %dma_start3A_389 : memref<1x128xi32, #tpu.memory_space<vmem>> -> memref<128xi32, #tpu.memory_space<vmem>>
      %dma_start3A_391 = arith.constant 0 : i32
      %dma_start3A_392 = arith.constant 0 : i32
      %dma_start3A_393 = tpu.memref_slice %arg9[%dma_start3A_391, %dma_start3A_392] : memref<10240x16xf32, #tpu.memory_space<vmem_shared>> -> memref<10240x16xf32, #tpu.memory_space<vmem_shared>>
      tpu.enqueue_indirect_dma source(%dma_start3A_387 : memref<128x16xf32, #tpu.memory_space<vmem>>) target(%dma_start3A_393 : memref<10240x16xf32, #tpu.memory_space<vmem_shared>>) offsets(%dma_start3A_390 : memref<128xi32, #tpu.memory_space<vmem>>) semaphore(%arg17 : memref<!tpu.dma_semaphore, #tpu.memory_space<semaphore_mem>>) {add = true}
      %add3A_394 = arith.constant 0 : i32
      %add3A_395 = arith.addi %mul3A_289, %add3A_394 : i32
      %dma_wait3A_396 = arith.constant 0 : i32
      %dma_wait3A_397 = arith.constant 0 : i32
      %dma_wait3A_398 = arith.constant 0 : i32
      %dma_wait3A_399 = tpu.memref_slice %arg7[%dma_wait3A_396, %dma_wait3A_397, %dma_wait3A_398] : memref<4x128x16xf32, #tpu.memory_space<vmem>> -> memref<1x128x16xf32, #tpu.memory_space<vmem>>
      %dma_wait3A_400 = tpu.memref_squeeze %dma_wait3A_399 : memref<1x128x16xf32, #tpu.memory_space<vmem>> -> memref<128x16xf32, #tpu.memory_space<vmem>>
      %dma_wait3A_401 = arith.constant 0 : i32
      %dma_wait3A_402 = tpu.memref_slice %arg6[%add3A_395, %dma_wait3A_401] : memref<92x128xi32, #tpu.memory_space<vmem>> -> memref<1x128xi32, #tpu.memory_space<vmem>>
      %dma_wait3A_403 = tpu.memref_squeeze %dma_wait3A_402 : memref<1x128xi32, #tpu.memory_space<vmem>> -> memref<128xi32, #tpu.memory_space<vmem>>
      %dma_wait3A_404 = arith.constant 0 : i32
      %dma_wait3A_405 = arith.constant 0 : i32
      %dma_wait3A_406 = tpu.memref_slice %arg9[%dma_wait3A_404, %dma_wait3A_405] : memref<10240x16xf32, #tpu.memory_space<vmem_shared>> -> memref<10240x16xf32, #tpu.memory_space<vmem_shared>>
      tpu.wait_indirect_dma semaphore(%arg14 : memref<!tpu.dma_semaphore, #tpu.memory_space<semaphore_mem>>) src(%dma_wait3A_400 : memref<128x16xf32, #tpu.memory_space<vmem>>) dst(%dma_wait3A_406 : memref<10240x16xf32, #tpu.memory_space<vmem_shared>>)
      %add3A_407 = arith.constant 4 : i32
      %add3A_408 = arith.addi %mul3A_289, %add3A_407 : i32
      %add3A_409 = arith.constant 0 : i32
      %add3A_410 = arith.addi %add3A_408, %add3A_409 : i32
      %dma_start3A_411 = arith.constant 0 : i32
      %dma_start3A_412 = arith.constant 0 : i32
      %dma_start3A_413 = arith.constant 0 : i32
      %dma_start3A_414 = tpu.memref_slice %arg7[%dma_start3A_411, %dma_start3A_412, %dma_start3A_413] : memref<4x128x16xf32, #tpu.memory_space<vmem>> -> memref<1x128x16xf32, #tpu.memory_space<vmem>>
      %dma_start3A_415 = tpu.memref_squeeze %dma_start3A_414 : memref<1x128x16xf32, #tpu.memory_space<vmem>> -> memref<128x16xf32, #tpu.memory_space<vmem>>
      %dma_start3A_416 = arith.constant 0 : i32
      %dma_start3A_417 = tpu.memref_slice %arg5[%add3A_410, %dma_start3A_416] : memref<92x128xi32, #tpu.memory_space<vmem>> -> memref<1x128xi32, #tpu.memory_space<vmem>>
      %dma_start3A_418 = tpu.memref_squeeze %dma_start3A_417 : memref<1x128xi32, #tpu.memory_space<vmem>> -> memref<128xi32, #tpu.memory_space<vmem>>
      %dma_start3A_419 = arith.constant 0 : i32
      %dma_start3A_420 = arith.constant 0 : i32
      %dma_start3A_421 = tpu.memref_slice %arg2[%dma_start3A_419, %dma_start3A_420] : memref<10000x16xf32, #tpu.memory_space<hbm>> -> memref<10000x16xf32, #tpu.memory_space<hbm>>
      tpu.enqueue_indirect_dma source(%dma_start3A_421 : memref<10000x16xf32, #tpu.memory_space<hbm>>) target(%dma_start3A_415 : memref<128x16xf32, #tpu.memory_space<vmem>>) offsets(%dma_start3A_418 : memref<128xi32, #tpu.memory_space<vmem>>) semaphore(%arg10 : memref<!tpu.dma_semaphore, #tpu.memory_space<semaphore_mem>>)
      %add3A_422 = arith.constant 1 : i32
      %add3A_423 = arith.addi %mul3A_289, %add3A_422 : i32
      %dma_wait3A_424 = arith.constant 1 : i32
      %dma_wait3A_425 = arith.constant 0 : i32
      %dma_wait3A_426 = arith.constant 0 : i32
      %dma_wait3A_427 = tpu.memref_slice %arg7[%dma_wait3A_424, %dma_wait3A_425, %dma_wait3A_426] : memref<4x128x16xf32, #tpu.memory_space<vmem>> -> memref<1x128x16xf32, #tpu.memory_space<vmem>>
      %dma_wait3A_428 = tpu.memref_squeeze %dma_wait3A_427 : memref<1x128x16xf32, #tpu.memory_space<vmem>> -> memref<128x16xf32, #tpu.memory_space<vmem>>
      %dma_wait3A_429 = arith.constant 0 : i32
      %dma_wait3A_430 = tpu.memref_slice %arg6[%add3A_423, %dma_wait3A_429] : memref<92x128xi32, #tpu.memory_space<vmem>> -> memref<1x128xi32, #tpu.memory_space<vmem>>
      %dma_wait3A_431 = tpu.memref_squeeze %dma_wait3A_430 : memref<1x128xi32, #tpu.memory_space<vmem>> -> memref<128xi32, #tpu.memory_space<vmem>>
      %dma_wait3A_432 = arith.constant 0 : i32
      %dma_wait3A_433 = arith.constant 0 : i32
      %dma_wait3A_434 = tpu.memref_slice %arg9[%dma_wait3A_432, %dma_wait3A_433] : memref<10240x16xf32, #tpu.memory_space<vmem_shared>> -> memref<10240x16xf32, #tpu.memory_space<vmem_shared>>
      tpu.wait_indirect_dma semaphore(%arg15 : memref<!tpu.dma_semaphore, #tpu.memory_space<semaphore_mem>>) src(%dma_wait3A_428 : memref<128x16xf32, #tpu.memory_space<vmem>>) dst(%dma_wait3A_434 : memref<10240x16xf32, #tpu.memory_space<vmem_shared>>)
      %add3A_435 = arith.constant 4 : i32
      %add3A_436 = arith.addi %mul3A_289, %add3A_435 : i32
      %add3A_437 = arith.constant 1 : i32
      %add3A_438 = arith.addi %add3A_436, %add3A_437 : i32
      %dma_start3A_439 = arith.constant 1 : i32
      %dma_start3A_440 = arith.constant 0 : i32
      %dma_start3A_441 = arith.constant 0 : i32
      %dma_start3A_442 = tpu.memref_slice %arg7[%dma_start3A_439, %dma_start3A_440, %dma_start3A_441] : memref<4x128x16xf32, #tpu.memory_space<vmem>> -> memref<1x128x16xf32, #tpu.memory_space<vmem>>
      %dma_start3A_443 = tpu.memref_squeeze %dma_start3A_442 : memref<1x128x16xf32, #tpu.memory_space<vmem>> -> memref<128x16xf32, #tpu.memory_space<vmem>>
      %dma_start3A_444 = arith.constant 0 : i32
      %dma_start3A_445 = tpu.memref_slice %arg5[%add3A_438, %dma_start3A_444] : memref<92x128xi32, #tpu.memory_space<vmem>> -> memref<1x128xi32, #tpu.memory_space<vmem>>
      %dma_start3A_446 = tpu.memref_squeeze %dma_start3A_445 : memref<1x128xi32, #tpu.memory_space<vmem>> -> memref<128xi32, #tpu.memory_space<vmem>>
      %dma_start3A_447 = arith.constant 0 : i32
      %dma_start3A_448 = arith.constant 0 : i32
      %dma_start3A_449 = tpu.memref_slice %arg2[%dma_start3A_447, %dma_start3A_448] : memref<10000x16xf32, #tpu.memory_space<hbm>> -> memref<10000x16xf32, #tpu.memory_space<hbm>>
      tpu.enqueue_indirect_dma source(%dma_start3A_449 : memref<10000x16xf32, #tpu.memory_space<hbm>>) target(%dma_start3A_443 : memref<128x16xf32, #tpu.memory_space<vmem>>) offsets(%dma_start3A_446 : memref<128xi32, #tpu.memory_space<vmem>>) semaphore(%arg11 : memref<!tpu.dma_semaphore, #tpu.memory_space<semaphore_mem>>)
      %add3A_450 = arith.constant 2 : i32
      %add3A_451 = arith.addi %mul3A_289, %add3A_450 : i32
      %dma_wait3A_452 = arith.constant 2 : i32
      %dma_wait3A_453 = arith.constant 0 : i32
      %dma_wait3A_454 = arith.constant 0 : i32
      %dma_wait3A_455 = tpu.memref_slice %arg7[%dma_wait3A_452, %dma_wait3A_453, %dma_wait3A_454] : memref<4x128x16xf32, #tpu.memory_space<vmem>> -> memref<1x128x16xf32, #tpu.memory_space<vmem>>
      %dma_wait3A_456 = tpu.memref_squeeze %dma_wait3A_455 : memref<1x128x16xf32, #tpu.memory_space<vmem>> -> memref<128x16xf32, #tpu.memory_space<vmem>>
      %dma_wait3A_457 = arith.constant 0 : i32
      %dma_wait3A_458 = tpu.memref_slice %arg6[%add3A_451, %dma_wait3A_457] : memref<92x128xi32, #tpu.memory_space<vmem>> -> memref<1x128xi32, #tpu.memory_space<vmem>>
      %dma_wait3A_459 = tpu.memref_squeeze %dma_wait3A_458 : memref<1x128xi32, #tpu.memory_space<vmem>> -> memref<128xi32, #tpu.memory_space<vmem>>
      %dma_wait3A_460 = arith.constant 0 : i32
      %dma_wait3A_461 = arith.constant 0 : i32
      %dma_wait3A_462 = tpu.memref_slice %arg9[%dma_wait3A_460, %dma_wait3A_461] : memref<10240x16xf32, #tpu.memory_space<vmem_shared>> -> memref<10240x16xf32, #tpu.memory_space<vmem_shared>>
      tpu.wait_indirect_dma semaphore(%arg16 : memref<!tpu.dma_semaphore, #tpu.memory_space<semaphore_mem>>) src(%dma_wait3A_456 : memref<128x16xf32, #tpu.memory_space<vmem>>) dst(%dma_wait3A_462 : memref<10240x16xf32, #tpu.memory_space<vmem_shared>>)
      %add3A_463 = arith.constant 4 : i32
      %add3A_464 = arith.addi %mul3A_289, %add3A_463 : i32
      %add3A_465 = arith.constant 2 : i32
      %add3A_466 = arith.addi %add3A_464, %add3A_465 : i32
      %dma_start3A_467 = arith.constant 2 : i32
      %dma_start3A_468 = arith.constant 0 : i32
      %dma_start3A_469 = arith.constant 0 : i32
      %dma_start3A_470 = tpu.memref_slice %arg7[%dma_start3A_467, %dma_start3A_468, %dma_start3A_469] : memref<4x128x16xf32, #tpu.memory_space<vmem>> -> memref<1x128x16xf32, #tpu.memory_space<vmem>>
      %dma_start3A_471 = tpu.memref_squeeze %dma_start3A_470 : memref<1x128x16xf32, #tpu.memory_space<vmem>> -> memref<128x16xf32, #tpu.memory_space<vmem>>
      %dma_start3A_472 = arith.constant 0 : i32
      %dma_start3A_473 = tpu.memref_slice %arg5[%add3A_466, %dma_start3A_472] : memref<92x128xi32, #tpu.memory_space<vmem>> -> memref<1x128xi32, #tpu.memory_space<vmem>>
      %dma_start3A_474 = tpu.memref_squeeze %dma_start3A_473 : memref<1x128xi32, #tpu.memory_space<vmem>> -> memref<128xi32, #tpu.memory_space<vmem>>
      %dma_start3A_475 = arith.constant 0 : i32
      %dma_start3A_476 = arith.constant 0 : i32
      %dma_start3A_477 = tpu.memref_slice %arg2[%dma_start3A_475, %dma_start3A_476] : memref<10000x16xf32, #tpu.memory_space<hbm>> -> memref<10000x16xf32, #tpu.memory_space<hbm>>
      tpu.enqueue_indirect_dma source(%dma_start3A_477 : memref<10000x16xf32, #tpu.memory_space<hbm>>) target(%dma_start3A_471 : memref<128x16xf32, #tpu.memory_space<vmem>>) offsets(%dma_start3A_474 : memref<128xi32, #tpu.memory_space<vmem>>) semaphore(%arg12 : memref<!tpu.dma_semaphore, #tpu.memory_space<semaphore_mem>>)
      %add3A_478 = arith.constant 3 : i32
      %add3A_479 = arith.addi %mul3A_289, %add3A_478 : i32
      %dma_wait3A_480 = arith.constant 3 : i32
      %dma_wait3A_481 = arith.constant 0 : i32
      %dma_wait3A_482 = arith.constant 0 : i32
      %dma_wait3A_483 = tpu.memref_slice %arg7[%dma_wait3A_480, %dma_wait3A_481, %dma_wait3A_482] : memref<4x128x16xf32, #tpu.memory_space<vmem>> -> memref<1x128x16xf32, #tpu.memory_space<vmem>>
      %dma_wait3A_484 = tpu.memref_squeeze %dma_wait3A_483 : memref<1x128x16xf32, #tpu.memory_space<vmem>> -> memref<128x16xf32, #tpu.memory_space<vmem>>
      %dma_wait3A_485 = arith.constant 0 : i32
      %dma_wait3A_486 = tpu.memref_slice %arg6[%add3A_479, %dma_wait3A_485] : memref<92x128xi32, #tpu.memory_space<vmem>> -> memref<1x128xi32, #tpu.memory_space<vmem>>
      %dma_wait3A_487 = tpu.memref_squeeze %dma_wait3A_486 : memref<1x128xi32, #tpu.memory_space<vmem>> -> memref<128xi32, #tpu.memory_space<vmem>>
      %dma_wait3A_488 = arith.constant 0 : i32
      %dma_wait3A_489 = arith.constant 0 : i32
      %dma_wait3A_490 = tpu.memref_slice %arg9[%dma_wait3A_488, %dma_wait3A_489] : memref<10240x16xf32, #tpu.memory_space<vmem_shared>> -> memref<10240x16xf32, #tpu.memory_space<vmem_shared>>
      tpu.wait_indirect_dma semaphore(%arg17 : memref<!tpu.dma_semaphore, #tpu.memory_space<semaphore_mem>>) src(%dma_wait3A_484 : memref<128x16xf32, #tpu.memory_space<vmem>>) dst(%dma_wait3A_490 : memref<10240x16xf32, #tpu.memory_space<vmem_shared>>)
      %add3A_491 = arith.constant 4 : i32
      %add3A_492 = arith.addi %mul3A_289, %add3A_491 : i32
      %add3A_493 = arith.constant 3 : i32
      %add3A_494 = arith.addi %add3A_492, %add3A_493 : i32
      %dma_start3A_495 = arith.constant 3 : i32
      %dma_start3A_496 = arith.constant 0 : i32
      %dma_start3A_497 = arith.constant 0 : i32
      %dma_start3A_498 = tpu.memref_slice %arg7[%dma_start3A_495, %dma_start3A_496, %dma_start3A_497] : memref<4x128x16xf32, #tpu.memory_space<vmem>> -> memref<1x128x16xf32, #tpu.memory_space<vmem>>
      %dma_start3A_499 = tpu.memref_squeeze %dma_start3A_498 : memref<1x128x16xf32, #tpu.memory_space<vmem>> -> memref<128x16xf32, #tpu.memory_space<vmem>>
      %dma_start3A_500 = arith.constant 0 : i32
      %dma_start3A_501 = tpu.memref_slice %arg5[%add3A_494, %dma_start3A_500] : memref<92x128xi32, #tpu.memory_space<vmem>> -> memref<1x128xi32, #tpu.memory_space<vmem>>
      %dma_start3A_502 = tpu.memref_squeeze %dma_start3A_501 : memref<1x128xi32, #tpu.memory_space<vmem>> -> memref<128xi32, #tpu.memory_space<vmem>>
      %dma_start3A_503 = arith.constant 0 : i32
      %dma_start3A_504 = arith.constant 0 : i32
      %dma_start3A_505 = tpu.memref_slice %arg2[%dma_start3A_503, %dma_start3A_504] : memref<10000x16xf32, #tpu.memory_space<hbm>> -> memref<10000x16xf32, #tpu.memory_space<hbm>>
      tpu.enqueue_indirect_dma source(%dma_start3A_505 : memref<10000x16xf32, #tpu.memory_space<hbm>>) target(%dma_start3A_499 : memref<128x16xf32, #tpu.memory_space<vmem>>) offsets(%dma_start3A_502 : memref<128xi32, #tpu.memory_space<vmem>>) semaphore(%arg13 : memref<!tpu.dma_semaphore, #tpu.memory_space<semaphore_mem>>)
    }
    %while3A_124 = arith.constant 1 : i32
    scf.for %while3A_287 = %while3A_122 to %while3A_118 step %while3A_124  : i32 {
      %mul3A_288 = arith.constant 4 : i32
      %mul3A_289 = arith.muli %while3A_287, %mul3A_288 : i32
      %add3A_290 = arith.constant 0 : i32
      %add3A_291 = arith.addi %mul3A_289, %add3A_290 : i32
      %dma_wait3A_292 = arith.constant 0 : i32
      %dma_wait3A_293 = arith.constant 0 : i32
      %dma_wait3A_294 = arith.constant 0 : i32
      %dma_wait3A_295 = tpu.memref_slice %arg7[%dma_wait3A_292, %dma_wait3A_293, %dma_wait3A_294] : memref<4x128x16xf32, #tpu.memory_space<vmem>> -> memref<1x128x16xf32, #tpu.memory_space<vmem>>
      %dma_wait3A_296 = tpu.memref_squeeze %dma_wait3A_295 : memref<1x128x16xf32, #tpu.memory_space<vmem>> -> memref<128x16xf32, #tpu.memory_space<vmem>>
      %dma_wait3A_297 = arith.constant 0 : i32
      %dma_wait3A_298 = tpu.memref_slice %arg5[%add3A_291, %dma_wait3A_297] : memref<92x128xi32, #tpu.memory_space<vmem>> -> memref<1x128xi32, #tpu.memory_space<vmem>>
      %dma_wait3A_299 = tpu.memref_squeeze %dma_wait3A_298 : memref<1x128xi32, #tpu.memory_space<vmem>> -> memref<128xi32, #tpu.memory_space<vmem>>
      %dma_wait3A_300 = arith.constant 0 : i32
      %dma_wait3A_301 = arith.constant 0 : i32
      %dma_wait3A_302 = tpu.memref_slice %arg2[%dma_wait3A_300, %dma_wait3A_301] : memref<10000x16xf32, #tpu.memory_space<hbm>> -> memref<10000x16xf32, #tpu.memory_space<hbm>>
      tpu.wait_indirect_dma semaphore(%arg10 : memref<!tpu.dma_semaphore, #tpu.memory_space<semaphore_mem>>) src(%dma_wait3A_302 : memref<10000x16xf32, #tpu.memory_space<hbm>>) dst(%dma_wait3A_296 : memref<128x16xf32, #tpu.memory_space<vmem>>)
      %add3A_303 = arith.constant 0 : i32
      %add3A_304 = arith.addi %mul3A_289, %add3A_303 : i32
      %dma_start3A_305 = arith.constant 0 : i32
      %dma_start3A_306 = arith.constant 0 : i32
      %dma_start3A_307 = arith.constant 0 : i32
      %dma_start3A_308 = tpu.memref_slice %arg7[%dma_start3A_305, %dma_start3A_306, %dma_start3A_307] : memref<4x128x16xf32, #tpu.memory_space<vmem>> -> memref<1x128x16xf32, #tpu.memory_space<vmem>>
      %dma_start3A_309 = tpu.memref_squeeze %dma_start3A_308 : memref<1x128x16xf32, #tpu.memory_space<vmem>> -> memref<128x16xf32, #tpu.memory_space<vmem>>
      %dma_start3A_310 = arith.constant 0 : i32
      %dma_start3A_311 = tpu.memref_slice %arg6[%add3A_304, %dma_start3A_310] : memref<92x128xi32, #tpu.memory_space<vmem>> -> memref<1x128xi32, #tpu.memory_space<vmem>>
      %dma_start3A_312 = tpu.memref_squeeze %dma_start3A_311 : memref<1x128xi32, #tpu.memory_space<vmem>> -> memref<128xi32, #tpu.memory_space<vmem>>
      %dma_start3A_313 = arith.constant 0 : i32
      %dma_start3A_314 = arith.constant 0 : i32
      %dma_start3A_315 = tpu.memref_slice %arg9[%dma_start3A_313, %dma_start3A_314] : memref<10240x16xf32, #tpu.memory_space<vmem_shared>> -> memref<10240x16xf32, #tpu.memory_space<vmem_shared>>
      tpu.enqueue_indirect_dma source(%dma_start3A_309 : memref<128x16xf32, #tpu.memory_space<vmem>>) target(%dma_start3A_315 : memref<10240x16xf32, #tpu.memory_space<vmem_shared>>) offsets(%dma_start3A_312 : memref<128xi32, #tpu.memory_space<vmem>>) semaphore(%arg14 : memref<!tpu.dma_semaphore, #tpu.memory_space<semaphore_mem>>) {add = true}
      %add3A_316 = arith.constant 1 : i32
      %add3A_317 = arith.addi %mul3A_289, %add3A_316 : i32
      %dma_wait3A_318 = arith.constant 1 : i32
      %dma_wait3A_319 = arith.constant 0 : i32
      %dma_wait3A_320 = arith.constant 0 : i32
      %dma_wait3A_321 = tpu.memref_slice %arg7[%dma_wait3A_318, %dma_wait3A_319, %dma_wait3A_320] : memref<4x128x16xf32, #tpu.memory_space<vmem>> -> memref<1x128x16xf32, #tpu.memory_space<vmem>>
      %dma_wait3A_322 = tpu.memref_squeeze %dma_wait3A_321 : memref<1x128x16xf32, #tpu.memory_space<vmem>> -> memref<128x16xf32, #tpu.memory_space<vmem>>
      %dma_wait3A_323 = arith.constant 0 : i32
      %dma_wait3A_324 = tpu.memref_slice %arg5[%add3A_317, %dma_wait3A_323] : memref<92x128xi32, #tpu.memory_space<vmem>> -> memref<1x128xi32, #tpu.memory_space<vmem>>
      %dma_wait3A_325 = tpu.memref_squeeze %dma_wait3A_324 : memref<1x128xi32, #tpu.memory_space<vmem>> -> memref<128xi32, #tpu.memory_space<vmem>>
      %dma_wait3A_326 = arith.constant 0 : i32
      %dma_wait3A_327 = arith.constant 0 : i32
      %dma_wait3A_328 = tpu.memref_slice %arg2[%dma_wait3A_326, %dma_wait3A_327] : memref<10000x16xf32, #tpu.memory_space<hbm>> -> memref<10000x16xf32, #tpu.memory_space<hbm>>
      tpu.wait_indirect_dma semaphore(%arg11 : memref<!tpu.dma_semaphore, #tpu.memory_space<semaphore_mem>>) src(%dma_wait3A_328 : memref<10000x16xf32, #tpu.memory_space<hbm>>) dst(%dma_wait3A_322 : memref<128x16xf32, #tpu.memory_space<vmem>>)
      %add3A_329 = arith.constant 1 : i32
      %add3A_330 = arith.addi %mul3A_289, %add3A_329 : i32
      %dma_start3A_331 = arith.constant 1 : i32
      %dma_start3A_332 = arith.constant 0 : i32
      %dma_start3A_333 = arith.constant 0 : i32
      %dma_start3A_334 = tpu.memref_slice %arg7[%dma_start3A_331, %dma_start3A_332, %dma_start3A_333] : memref<4x128x16xf32, #tpu.memory_space<vmem>> -> memref<1x128x16xf32, #tpu.memory_space<vmem>>
      %dma_start3A_335 = tpu.memref_squeeze %dma_start3A_334 : memref<1x128x16xf32, #tpu.memory_space<vmem>> -> memref<128x16xf32, #tpu.memory_space<vmem>>
      %dma_start3A_336 = arith.constant 0 : i32
      %dma_start3A_337 = tpu.memref_slice %arg6[%add3A_330, %dma_start3A_336] : memref<92x128xi32, #tpu.memory_space<vmem>> -> memref<1x128xi32, #tpu.memory_space<vmem>>
      %dma_start3A_338 = tpu.memref_squeeze %dma_start3A_337 : memref<1x128xi32, #tpu.memory_space<vmem>> -> memref<128xi32, #tpu.memory_space<vmem>>
      %dma_start3A_339 = arith.constant 0 : i32
      %dma_start3A_340 = arith.constant 0 : i32
      %dma_start3A_341 = tpu.memref_slice %arg9[%dma_start3A_339, %dma_start3A_340] : memref<10240x16xf32, #tpu.memory_space<vmem_shared>> -> memref<10240x16xf32, #tpu.memory_space<vmem_shared>>
      tpu.enqueue_indirect_dma source(%dma_start3A_335 : memref<128x16xf32, #tpu.memory_space<vmem>>) target(%dma_start3A_341 : memref<10240x16xf32, #tpu.memory_space<vmem_shared>>) offsets(%dma_start3A_338 : memref<128xi32, #tpu.memory_space<vmem>>) semaphore(%arg15 : memref<!tpu.dma_semaphore, #tpu.memory_space<semaphore_mem>>) {add = true}
      %add3A_342 = arith.constant 2 : i32
      %add3A_343 = arith.addi %mul3A_289, %add3A_342 : i32
      %dma_wait3A_344 = arith.constant 2 : i32
      %dma_wait3A_345 = arith.constant 0 : i32
      %dma_wait3A_346 = arith.constant 0 : i32
      %dma_wait3A_347 = tpu.memref_slice %arg7[%dma_wait3A_344, %dma_wait3A_345, %dma_wait3A_346] : memref<4x128x16xf32, #tpu.memory_space<vmem>> -> memref<1x128x16xf32, #tpu.memory_space<vmem>>
      %dma_wait3A_348 = tpu.memref_squeeze %dma_wait3A_347 : memref<1x128x16xf32, #tpu.memory_space<vmem>> -> memref<128x16xf32, #tpu.memory_space<vmem>>
      %dma_wait3A_349 = arith.constant 0 : i32
      %dma_wait3A_350 = tpu.memref_slice %arg5[%add3A_343, %dma_wait3A_349] : memref<92x128xi32, #tpu.memory_space<vmem>> -> memref<1x128xi32, #tpu.memory_space<vmem>>
      %dma_wait3A_351 = tpu.memref_squeeze %dma_wait3A_350 : memref<1x128xi32, #tpu.memory_space<vmem>> -> memref<128xi32, #tpu.memory_space<vmem>>
      %dma_wait3A_352 = arith.constant 0 : i32
      %dma_wait3A_353 = arith.constant 0 : i32
      %dma_wait3A_354 = tpu.memref_slice %arg2[%dma_wait3A_352, %dma_wait3A_353] : memref<10000x16xf32, #tpu.memory_space<hbm>> -> memref<10000x16xf32, #tpu.memory_space<hbm>>
      tpu.wait_indirect_dma semaphore(%arg12 : memref<!tpu.dma_semaphore, #tpu.memory_space<semaphore_mem>>) src(%dma_wait3A_354 : memref<10000x16xf32, #tpu.memory_space<hbm>>) dst(%dma_wait3A_348 : memref<128x16xf32, #tpu.memory_space<vmem>>)
      %add3A_355 = arith.constant 2 : i32
      %add3A_356 = arith.addi %mul3A_289, %add3A_355 : i32
      %dma_start3A_357 = arith.constant 2 : i32
      %dma_start3A_358 = arith.constant 0 : i32
      %dma_start3A_359 = arith.constant 0 : i32
      %dma_start3A_360 = tpu.memref_slice %arg7[%dma_start3A_357, %dma_start3A_358, %dma_start3A_359] : memref<4x128x16xf32, #tpu.memory_space<vmem>> -> memref<1x128x16xf32, #tpu.memory_space<vmem>>
      %dma_start3A_361 = tpu.memref_squeeze %dma_start3A_360 : memref<1x128x16xf32, #tpu.memory_space<vmem>> -> memref<128x16xf32, #tpu.memory_space<vmem>>
      %dma_start3A_362 = arith.constant 0 : i32
      %dma_start3A_363 = tpu.memref_slice %arg6[%add3A_356, %dma_start3A_362] : memref<92x128xi32, #tpu.memory_space<vmem>> -> memref<1x128xi32, #tpu.memory_space<vmem>>
      %dma_start3A_364 = tpu.memref_squeeze %dma_start3A_363 : memref<1x128xi32, #tpu.memory_space<vmem>> -> memref<128xi32, #tpu.memory_space<vmem>>
      %dma_start3A_365 = arith.constant 0 : i32
      %dma_start3A_366 = arith.constant 0 : i32
      %dma_start3A_367 = tpu.memref_slice %arg9[%dma_start3A_365, %dma_start3A_366] : memref<10240x16xf32, #tpu.memory_space<vmem_shared>> -> memref<10240x16xf32, #tpu.memory_space<vmem_shared>>
      tpu.enqueue_indirect_dma source(%dma_start3A_361 : memref<128x16xf32, #tpu.memory_space<vmem>>) target(%dma_start3A_367 : memref<10240x16xf32, #tpu.memory_space<vmem_shared>>) offsets(%dma_start3A_364 : memref<128xi32, #tpu.memory_space<vmem>>) semaphore(%arg16 : memref<!tpu.dma_semaphore, #tpu.memory_space<semaphore_mem>>) {add = true}
      %add3A_368 = arith.constant 3 : i32
      %add3A_369 = arith.addi %mul3A_289, %add3A_368 : i32
      %dma_wait3A_370 = arith.constant 3 : i32
      %dma_wait3A_371 = arith.constant 0 : i32
      %dma_wait3A_372 = arith.constant 0 : i32
      %dma_wait3A_373 = tpu.memref_slice %arg7[%dma_wait3A_370, %dma_wait3A_371, %dma_wait3A_372] : memref<4x128x16xf32, #tpu.memory_space<vmem>> -> memref<1x128x16xf32, #tpu.memory_space<vmem>>
      %dma_wait3A_374 = tpu.memref_squeeze %dma_wait3A_373 : memref<1x128x16xf32, #tpu.memory_space<vmem>> -> memref<128x16xf32, #tpu.memory_space<vmem>>
      %dma_wait3A_375 = arith.constant 0 : i32
      %dma_wait3A_376 = tpu.memref_slice %arg5[%add3A_369, %dma_wait3A_375] : memref<92x128xi32, #tpu.memory_space<vmem>> -> memref<1x128xi32, #tpu.memory_space<vmem>>
      %dma_wait3A_377 = tpu.memref_squeeze %dma_wait3A_376 : memref<1x128xi32, #tpu.memory_space<vmem>> -> memref<128xi32, #tpu.memory_space<vmem>>
      %dma_wait3A_378 = arith.constant 0 : i32
      %dma_wait3A_379 = arith.constant 0 : i32
      %dma_wait3A_380 = tpu.memref_slice %arg2[%dma_wait3A_378, %dma_wait3A_379] : memref<10000x16xf32, #tpu.memory_space<hbm>> -> memref<10000x16xf32, #tpu.memory_space<hbm>>
      tpu.wait_indirect_dma semaphore(%arg13 : memref<!tpu.dma_semaphore, #tpu.memory_space<semaphore_mem>>) src(%dma_wait3A_380 : memref<10000x16xf32, #tpu.memory_space<hbm>>) dst(%dma_wait3A_374 : memref<128x16xf32, #tpu.memory_space<vmem>>)
      %add3A_381 = arith.constant 3 : i32
      %add3A_382 = arith.addi %mul3A_289, %add3A_381 : i32
      %dma_start3A_383 = arith.constant 3 : i32
      %dma_start3A_384 = arith.constant 0 : i32
      %dma_start3A_385 = arith.constant 0 : i32
      %dma_start3A_386 = tpu.memref_slice %arg7[%dma_start3A_383, %dma_start3A_384, %dma_start3A_385] : memref<4x128x16xf32, #tpu.memory_space<vmem>> -> memref<1x128x16xf32, #tpu.memory_space<vmem>>
      %dma_start3A_387 = tpu.memref_squeeze %dma_start3A_386 : memref<1x128x16xf32, #tpu.memory_space<vmem>> -> memref<128x16xf32, #tpu.memory_space<vmem>>
      %dma_start3A_388 = arith.constant 0 : i32
      %dma_start3A_389 = tpu.memref_slice %arg6[%add3A_382, %dma_start3A_388] : memref<92x128xi32, #tpu.memory_space<vmem>> -> memref<1x128xi32, #tpu.memory_space<vmem>>
      %dma_start3A_390 = tpu.memref_squeeze %dma_start3A_389 : memref<1x128xi32, #tpu.memory_space<vmem>> -> memref<128xi32, #tpu.memory_space<vmem>>
      %dma_start3A_391 = arith.constant 0 : i32
      %dma_start3A_392 = arith.constant 0 : i32
      %dma_start3A_393 = tpu.memref_slice %arg9[%dma_start3A_391, %dma_start3A_392] : memref<10240x16xf32, #tpu.memory_space<vmem_shared>> -> memref<10240x16xf32, #tpu.memory_space<vmem_shared>>
      tpu.enqueue_indirect_dma source(%dma_start3A_387 : memref<128x16xf32, #tpu.memory_space<vmem>>) target(%dma_start3A_393 : memref<10240x16xf32, #tpu.memory_space<vmem_shared>>) offsets(%dma_start3A_390 : memref<128xi32, #tpu.memory_space<vmem>>) semaphore(%arg17 : memref<!tpu.dma_semaphore, #tpu.memory_space<semaphore_mem>>) {add = true}
      %add3A_394 = arith.constant 0 : i32
      %add3A_395 = arith.addi %mul3A_289, %add3A_394 : i32
      %dma_wait3A_396 = arith.constant 0 : i32
      %dma_wait3A_397 = arith.constant 0 : i32
      %dma_wait3A_398 = arith.constant 0 : i32
      %dma_wait3A_399 = tpu.memref_slice %arg7[%dma_wait3A_396, %dma_wait3A_397, %dma_wait3A_398] : memref<4x128x16xf32, #tpu.memory_space<vmem>> -> memref<1x128x16xf32, #tpu.memory_space<vmem>>
      %dma_wait3A_400 = tpu.memref_squeeze %dma_wait3A_399 : memref<1x128x16xf32, #tpu.memory_space<vmem>> -> memref<128x16xf32, #tpu.memory_space<vmem>>
      %dma_wait3A_401 = arith.constant 0 : i32
      %dma_wait3A_402 = tpu.memref_slice %arg6[%add3A_395, %dma_wait3A_401] : memref<92x128xi32, #tpu.memory_space<vmem>> -> memref<1x128xi32, #tpu.memory_space<vmem>>
      %dma_wait3A_403 = tpu.memref_squeeze %dma_wait3A_402 : memref<1x128xi32, #tpu.memory_space<vmem>> -> memref<128xi32, #tpu.memory_space<vmem>>
      %dma_wait3A_404 = arith.constant 0 : i32
      %dma_wait3A_405 = arith.constant 0 : i32
      %dma_wait3A_406 = tpu.memref_slice %arg9[%dma_wait3A_404, %dma_wait3A_405] : memref<10240x16xf32, #tpu.memory_space<vmem_shared>> -> memref<10240x16xf32, #tpu.memory_space<vmem_shared>>
      tpu.wait_indirect_dma semaphore(%arg14 : memref<!tpu.dma_semaphore, #tpu.memory_space<semaphore_mem>>) src(%dma_wait3A_400 : memref<128x16xf32, #tpu.memory_space<vmem>>) dst(%dma_wait3A_406 : memref<10240x16xf32, #tpu.memory_space<vmem_shared>>)
      %add3A_407 = arith.constant 4 : i32
      %add3A_408 = arith.addi %mul3A_289, %add3A_407 : i32
      %add3A_409 = arith.constant 0 : i32
      %add3A_410 = arith.addi %add3A_408, %add3A_409 : i32
      %dma_start3A_411 = arith.constant 0 : i32
      %dma_start3A_412 = arith.constant 0 : i32
      %dma_start3A_413 = arith.constant 0 : i32
      %dma_start3A_414 = tpu.memref_slice %arg7[%dma_start3A_411, %dma_start3A_412, %dma_start3A_413] : memref<4x128x16xf32, #tpu.memory_space<vmem>> -> memref<1x128x16xf32, #tpu.memory_space<vmem>>
      %dma_start3A_415 = tpu.memref_squeeze %dma_start3A_414 : memref<1x128x16xf32, #tpu.memory_space<vmem>> -> memref<128x16xf32, #tpu.memory_space<vmem>>
      %dma_start3A_416 = arith.constant 0 : i32
      %dma_start3A_417 = tpu.memref_slice %arg5[%add3A_410, %dma_start3A_416] : memref<92x128xi32, #tpu.memory_space<vmem>> -> memref<1x128xi32, #tpu.memory_space<vmem>>
      %dma_start3A_418 = tpu.memref_squeeze %dma_start3A_417 : memref<1x128xi32, #tpu.memory_space<vmem>> -> memref<128xi32, #tpu.memory_space<vmem>>
      %dma_start3A_419 = arith.constant 0 : i32
      %dma_start3A_420 = arith.constant 0 : i32
      %dma_start3A_421 = tpu.memref_slice %arg2[%dma_start3A_419, %dma_start3A_420] : memref<10000x16xf32, #tpu.memory_space<hbm>> -> memref<10000x16xf32, #tpu.memory_space<hbm>>
      tpu.enqueue_indirect_dma source(%dma_start3A_421 : memref<10000x16xf32, #tpu.memory_space<hbm>>) target(%dma_start3A_415 : memref<128x16xf32, #tpu.memory_space<vmem>>) offsets(%dma_start3A_418 : memref<128xi32, #tpu.memory_space<vmem>>) semaphore(%arg10 : memref<!tpu.dma_semaphore, #tpu.memory_space<semaphore_mem>>)
      %add3A_422 = arith.constant 1 : i32
      %add3A_423 = arith.addi %mul3A_289, %add3A_422 : i32
      %dma_wait3A_424 = arith.constant 1 : i32
      %dma_wait3A_425 = arith.constant 0 : i32
      %dma_wait3A_426 = arith.constant 0 : i32
      %dma_wait3A_427 = tpu.memref_slice %arg7[%dma_wait3A_424, %dma_wait3A_425, %dma_wait3A_426] : memref<4x128x16xf32, #tpu.memory_space<vmem>> -> memref<1x128x16xf32, #tpu.memory_space<vmem>>
      %dma_wait3A_428 = tpu.memref_squeeze %dma_wait3A_427 : memref<1x128x16xf32, #tpu.memory_space<vmem>> -> memref<128x16xf32, #tpu.memory_space<vmem>>
      %dma_wait3A_429 = arith.constant 0 : i32
      %dma_wait3A_430 = tpu.memref_slice %arg6[%add3A_423, %dma_wait3A_429] : memref<92x128xi32, #tpu.memory_space<vmem>> -> memref<1x128xi32, #tpu.memory_space<vmem>>
      %dma_wait3A_431 = tpu.memref_squeeze %dma_wait3A_430 : memref<1x128xi32, #tpu.memory_space<vmem>> -> memref<128xi32, #tpu.memory_space<vmem>>
      %dma_wait3A_432 = arith.constant 0 : i32
      %dma_wait3A_433 = arith.constant 0 : i32
      %dma_wait3A_434 = tpu.memref_slice %arg9[%dma_wait3A_432, %dma_wait3A_433] : memref<10240x16xf32, #tpu.memory_space<vmem_shared>> -> memref<10240x16xf32, #tpu.memory_space<vmem_shared>>
      tpu.wait_indirect_dma semaphore(%arg15 : memref<!tpu.dma_semaphore, #tpu.memory_space<semaphore_mem>>) src(%dma_wait3A_428 : memref<128x16xf32, #tpu.memory_space<vmem>>) dst(%dma_wait3A_434 : memref<10240x16xf32, #tpu.memory_space<vmem_shared>>)
      %add3A_435 = arith.constant 4 : i32
      %add3A_436 = arith.addi %mul3A_289, %add3A_435 : i32
      %add3A_437 = arith.constant 1 : i32
      %add3A_438 = arith.addi %add3A_436, %add3A_437 : i32
      %dma_start3A_439 = arith.constant 1 : i32
      %dma_start3A_440 = arith.constant 0 : i32
      %dma_start3A_441 = arith.constant 0 : i32
      %dma_start3A_442 = tpu.memref_slice %arg7[%dma_start3A_439, %dma_start3A_440, %dma_start3A_441] : memref<4x128x16xf32, #tpu.memory_space<vmem>> -> memref<1x128x16xf32, #tpu.memory_space<vmem>>
      %dma_start3A_443 = tpu.memref_squeeze %dma_start3A_442 : memref<1x128x16xf32, #tpu.memory_space<vmem>> -> memref<128x16xf32, #tpu.memory_space<vmem>>
      %dma_start3A_444 = arith.constant 0 : i32
      %dma_start3A_445 = tpu.memref_slice %arg5[%add3A_438, %dma_start3A_444] : memref<92x128xi32, #tpu.memory_space<vmem>> -> memref<1x128xi32, #tpu.memory_space<vmem>>
      %dma_start3A_446 = tpu.memref_squeeze %dma_start3A_445 : memref<1x128xi32, #tpu.memory_space<vmem>> -> memref<128xi32, #tpu.memory_space<vmem>>
      %dma_start3A_447 = arith.constant 0 : i32
      %dma_start3A_448 = arith.constant 0 : i32
      %dma_start3A_449 = tpu.memref_slice %arg2[%dma_start3A_447, %dma_start3A_448] : memref<10000x16xf32, #tpu.memory_space<hbm>> -> memref<10000x16xf32, #tpu.memory_space<hbm>>
      tpu.enqueue_indirect_dma source(%dma_start3A_449 : memref<10000x16xf32, #tpu.memory_space<hbm>>) target(%dma_start3A_443 : memref<128x16xf32, #tpu.memory_space<vmem>>) offsets(%dma_start3A_446 : memref<128xi32, #tpu.memory_space<vmem>>) semaphore(%arg11 : memref<!tpu.dma_semaphore, #tpu.memory_space<semaphore_mem>>)
      %add3A_450 = arith.constant 2 : i32
      %add3A_451 = arith.addi %mul3A_289, %add3A_450 : i32
      %dma_wait3A_452 = arith.constant 2 : i32
      %dma_wait3A_453 = arith.constant 0 : i32
      %dma_wait3A_454 = arith.constant 0 : i32
      %dma_wait3A_455 = tpu.memref_slice %arg7[%dma_wait3A_452, %dma_wait3A_453, %dma_wait3A_454] : memref<4x128x16xf32, #tpu.memory_space<vmem>> -> memref<1x128x16xf32, #tpu.memory_space<vmem>>
      %dma_wait3A_456 = tpu.memref_squeeze %dma_wait3A_455 : memref<1x128x16xf32, #tpu.memory_space<vmem>> -> memref<128x16xf32, #tpu.memory_space<vmem>>
      %dma_wait3A_457 = arith.constant 0 : i32
      %dma_wait3A_458 = tpu.memref_slice %arg6[%add3A_451, %dma_wait3A_457] : memref<92x128xi32, #tpu.memory_space<vmem>> -> memref<1x128xi32, #tpu.memory_space<vmem>>
      %dma_wait3A_459 = tpu.memref_squeeze %dma_wait3A_458 : memref<1x128xi32, #tpu.memory_space<vmem>> -> memref<128xi32, #tpu.memory_space<vmem>>
      %dma_wait3A_460 = arith.constant 0 : i32
      %dma_wait3A_461 = arith.constant 0 : i32
      %dma_wait3A_462 = tpu.memref_slice %arg9[%dma_wait3A_460, %dma_wait3A_461] : memref<10240x16xf32, #tpu.memory_space<vmem_shared>> -> memref<10240x16xf32, #tpu.memory_space<vmem_shared>>
      tpu.wait_indirect_dma semaphore(%arg16 : memref<!tpu.dma_semaphore, #tpu.memory_space<semaphore_mem>>) src(%dma_wait3A_456 : memref<128x16xf32, #tpu.memory_space<vmem>>) dst(%dma_wait3A_462 : memref<10240x16xf32, #tpu.memory_space<vmem_shared>>)
      %add3A_463 = arith.constant 4 : i32
      %add3A_464 = arith.addi %mul3A_289, %add3A_463 : i32
      %add3A_465 = arith.constant 2 : i32
      %add3A_466 = arith.addi %add3A_464, %add3A_465 : i32
      %dma_start3A_467 = arith.constant 2 : i32
      %dma_start3A_468 = arith.constant 0 : i32
      %dma_start3A_469 = arith.constant 0 : i32
      %dma_start3A_470 = tpu.memref_slice %arg7[%dma_start3A_467, %dma_start3A_468, %dma_start3A_469] : memref<4x128x16xf32, #tpu.memory_space<vmem>> -> memref<1x128x16xf32, #tpu.memory_space<vmem>>
      %dma_start3A_471 = tpu.memref_squeeze %dma_start3A_470 : memref<1x128x16xf32, #tpu.memory_space<vmem>> -> memref<128x16xf32, #tpu.memory_space<vmem>>
      %dma_start3A_472 = arith.constant 0 : i32
      %dma_start3A_473 = tpu.memref_slice %arg5[%add3A_466, %dma_start3A_472] : memref<92x128xi32, #tpu.memory_space<vmem>> -> memref<1x128xi32, #tpu.memory_space<vmem>>
      %dma_start3A_474 = tpu.memref_squeeze %dma_start3A_473 : memref<1x128xi32, #tpu.memory_space<vmem>> -> memref<128xi32, #tpu.memory_space<vmem>>
      %dma_start3A_475 = arith.constant 0 : i32
      %dma_start3A_476 = arith.constant 0 : i32
      %dma_start3A_477 = tpu.memref_slice %arg2[%dma_start3A_475, %dma_start3A_476] : memref<10000x16xf32, #tpu.memory_space<hbm>> -> memref<10000x16xf32, #tpu.memory_space<hbm>>
      tpu.enqueue_indirect_dma source(%dma_start3A_477 : memref<10000x16xf32, #tpu.memory_space<hbm>>) target(%dma_start3A_471 : memref<128x16xf32, #tpu.memory_space<vmem>>) offsets(%dma_start3A_474 : memref<128xi32, #tpu.memory_space<vmem>>) semaphore(%arg12 : memref<!tpu.dma_semaphore, #tpu.memory_space<semaphore_mem>>)
      %add3A_478 = arith.constant 3 : i32
      %add3A_479 = arith.addi %mul3A_289, %add3A_478 : i32
      %dma_wait3A_480 = arith.constant 3 : i32
      %dma_wait3A_481 = arith.constant 0 : i32
      %dma_wait3A_482 = arith.constant 0 : i32
      %dma_wait3A_483 = tpu.memref_slice %arg7[%dma_wait3A_480, %dma_wait3A_481, %dma_wait3A_482] : memref<4x128x16xf32, #tpu.memory_space<vmem>> -> memref<1x128x16xf32, #tpu.memory_space<vmem>>
      %dma_wait3A_484 = tpu.memref_squeeze %dma_wait3A_483 : memref<1x128x16xf32, #tpu.memory_space<vmem>> -> memref<128x16xf32, #tpu.memory_space<vmem>>
      %dma_wait3A_485 = arith.constant 0 : i32
      %dma_wait3A_486 = tpu.memref_slice %arg6[%add3A_479, %dma_wait3A_485] : memref<92x128xi32, #tpu.memory_space<vmem>> -> memref<1x128xi32, #tpu.memory_space<vmem>>
      %dma_wait3A_487 = tpu.memref_squeeze %dma_wait3A_486 : memref<1x128xi32, #tpu.memory_space<vmem>> -> memref<128xi32, #tpu.memory_space<vmem>>
      %dma_wait3A_488 = arith.constant 0 : i32
      %dma_wait3A_489 = arith.constant 0 : i32
      %dma_wait3A_490 = tpu.memref_slice %arg9[%dma_wait3A_488, %dma_wait3A_489] : memref<10240x16xf32, #tpu.memory_space<vmem_shared>> -> memref<10240x16xf32, #tpu.memory_space<vmem_shared>>
      tpu.wait_indirect_dma semaphore(%arg17 : memref<!tpu.dma_semaphore, #tpu.memory_space<semaphore_mem>>) src(%dma_wait3A_484 : memref<128x16xf32, #tpu.memory_space<vmem>>) dst(%dma_wait3A_490 : memref<10240x16xf32, #tpu.memory_space<vmem_shared>>)
      %add3A_491 = arith.constant 4 : i32
      %add3A_492 = arith.addi %mul3A_289, %add3A_491 : i32
      %add3A_493 = arith.constant 3 : i32
      %add3A_494 = arith.addi %add3A_492, %add3A_493 : i32
      %dma_start3A_495 = arith.constant 3 : i32
      %dma_start3A_496 = arith.constant 0 : i32
      %dma_start3A_497 = arith.constant 0 : i32
      %dma_start3A_498 = tpu.memref_slice %arg7[%dma_start3A_495, %dma_start3A_496, %dma_start3A_497] : memref<4x128x16xf32, #tpu.memory_space<vmem>> -> memref<1x128x16xf32, #tpu.memory_space<vmem>>
      %dma_start3A_499 = tpu.memref_squeeze %dma_start3A_498 : memref<1x128x16xf32, #tpu.memory_space<vmem>> -> memref<128x16xf32, #tpu.memory_space<vmem>>
      %dma_start3A_500 = arith.constant 0 : i32
      %dma_start3A_501 = tpu.memref_slice %arg5[%add3A_494, %dma_start3A_500] : memref<92x128xi32, #tpu.memory_space<vmem>> -> memref<1x128xi32, #tpu.memory_space<vmem>>
      %dma_start3A_502 = tpu.memref_squeeze %dma_start3A_501 : memref<1x128xi32, #tpu.memory_space<vmem>> -> memref<128xi32, #tpu.memory_space<vmem>>
      %dma_start3A_503 = arith.constant 0 : i32
      %dma_start3A_504 = arith.constant 0 : i32
      %dma_start3A_505 = tpu.memref_slice %arg2[%dma_start3A_503, %dma_start3A_504] : memref<10000x16xf32, #tpu.memory_space<hbm>> -> memref<10000x16xf32, #tpu.memory_space<hbm>>
      tpu.enqueue_indirect_dma source(%dma_start3A_505 : memref<10000x16xf32, #tpu.memory_space<hbm>>) target(%dma_start3A_499 : memref<128x16xf32, #tpu.memory_space<vmem>>) offsets(%dma_start3A_502 : memref<128xi32, #tpu.memory_space<vmem>>) semaphore(%arg13 : memref<!tpu.dma_semaphore, #tpu.memory_space<semaphore_mem>>)
    }
    %sub3A_125 = arith.constant 4 : i32
    %sub3A_126 = arith.subi %select_n3A, %sub3A_125 : i32
    %add3A_127 = arith.constant 0 : i32
    %add3A_128 = arith.addi %sub3A_126, %add3A_127 : i32
    %dma_wait3A = arith.constant 0 : i32
    %dma_wait3A_129 = arith.constant 0 : i32
    %dma_wait3A_130 = arith.constant 0 : i32
    %dma_wait3A_131 = tpu.memref_slice %arg7[%dma_wait3A, %dma_wait3A_129, %dma_wait3A_130] : memref<4x128x16xf32, #tpu.memory_space<vmem>> -> memref<1x128x16xf32, #tpu.memory_space<vmem>>
    %dma_wait3A_132 = tpu.memref_squeeze %dma_wait3A_131 : memref<1x128x16xf32, #tpu.memory_space<vmem>> -> memref<128x16xf32, #tpu.memory_space<vmem>>
    %dma_wait3A_133 = arith.constant 0 : i32
    %dma_wait3A_134 = tpu.memref_slice %arg5[%add3A_128, %dma_wait3A_133] : memref<92x128xi32, #tpu.memory_space<vmem>> -> memref<1x128xi32, #tpu.memory_space<vmem>>
    %dma_wait3A_135 = tpu.memref_squeeze %dma_wait3A_134 : memref<1x128xi32, #tpu.memory_space<vmem>> -> memref<128xi32, #tpu.memory_space<vmem>>
    %dma_wait3A_136 = arith.constant 0 : i32
    %dma_wait3A_137 = arith.constant 0 : i32
    %dma_wait3A_138 = tpu.memref_slice %arg2[%dma_wait3A_136, %dma_wait3A_137] : memref<10000x16xf32, #tpu.memory_space<hbm>> -> memref<10000x16xf32, #tpu.memory_space<hbm>>
    tpu.wait_indirect_dma semaphore(%arg10 : memref<!tpu.dma_semaphore, #tpu.memory_space<semaphore_mem>>) src(%dma_wait3A_138 : memref<10000x16xf32, #tpu.memory_space<hbm>>) dst(%dma_wait3A_132 : memref<128x16xf32, #tpu.memory_space<vmem>>)
    %add3A_139 = arith.constant 0 : i32
    %add3A_140 = arith.addi %sub3A_126, %add3A_139 : i32
    %dma_start3A_141 = arith.constant 0 : i32
    %dma_start3A_142 = arith.constant 0 : i32
    %dma_start3A_143 = arith.constant 0 : i32
    %dma_start3A_144 = tpu.memref_slice %arg7[%dma_start3A_141, %dma_start3A_142, %dma_start3A_143] : memref<4x128x16xf32, #tpu.memory_space<vmem>> -> memref<1x128x16xf32, #tpu.memory_space<vmem>>
    %dma_start3A_145 = tpu.memref_squeeze %dma_start3A_144 : memref<1x128x16xf32, #tpu.memory_space<vmem>> -> memref<128x16xf32, #tpu.memory_space<vmem>>
    %dma_start3A_146 = arith.constant 0 : i32
    %dma_start3A_147 = tpu.memref_slice %arg6[%add3A_140, %dma_start3A_146] : memref<92x128xi32, #tpu.memory_space<vmem>> -> memref<1x128xi32, #tpu.memory_space<vmem>>
    %dma_start3A_148 = tpu.memref_squeeze %dma_start3A_147 : memref<1x128xi32, #tpu.memory_space<vmem>> -> memref<128xi32, #tpu.memory_space<vmem>>
    %dma_start3A_149 = arith.constant 0 : i32
    %dma_start3A_150 = arith.constant 0 : i32
    %dma_start3A_151 = tpu.memref_slice %arg9[%dma_start3A_149, %dma_start3A_150] : memref<10240x16xf32, #tpu.memory_space<vmem_shared>> -> memref<10240x16xf32, #tpu.memory_space<vmem_shared>>
    tpu.enqueue_indirect_dma source(%dma_start3A_145 : memref<128x16xf32, #tpu.memory_space<vmem>>) target(%dma_start3A_151 : memref<10240x16xf32, #tpu.memory_space<vmem_shared>>) offsets(%dma_start3A_148 : memref<128xi32, #tpu.memory_space<vmem>>) semaphore(%arg14 : memref<!tpu.dma_semaphore, #tpu.memory_space<semaphore_mem>>) {add = true}
    %add3A_152 = arith.constant 1 : i32
    %add3A_153 = arith.addi %sub3A_126, %add3A_152 : i32
    %dma_wait3A_154 = arith.constant 1 : i32
    %dma_wait3A_155 = arith.constant 0 : i32
    %dma_wait3A_156 = arith.constant 0 : i32
    %dma_wait3A_157 = tpu.memref_slice %arg7[%dma_wait3A_154, %dma_wait3A_155, %dma_wait3A_156] : memref<4x128x16xf32, #tpu.memory_space<vmem>> -> memref<1x128x16xf32, #tpu.memory_space<vmem>>
    %dma_wait3A_158 = tpu.memref_squeeze %dma_wait3A_157 : memref<1x128x16xf32, #tpu.memory_space<vmem>> -> memref<128x16xf32, #tpu.memory_space<vmem>>
    %dma_wait3A_159 = arith.constant 0 : i32
    %dma_wait3A_160 = tpu.memref_slice %arg5[%add3A_153, %dma_wait3A_159] : memref<92x128xi32, #tpu.memory_space<vmem>> -> memref<1x128xi32, #tpu.memory_space<vmem>>
    %dma_wait3A_161 = tpu.memref_squeeze %dma_wait3A_160 : memref<1x128xi32, #tpu.memory_space<vmem>> -> memref<128xi32, #tpu.memory_space<vmem>>
    %dma_wait3A_162 = arith.constant 0 : i32
    %dma_wait3A_163 = arith.constant 0 : i32
    %dma_wait3A_164 = tpu.memref_slice %arg2[%dma_wait3A_162, %dma_wait3A_163] : memref<10000x16xf32, #tpu.memory_space<hbm>> -> memref<10000x16xf32, #tpu.memory_space<hbm>>
    tpu.wait_indirect_dma semaphore(%arg11 : memref<!tpu.dma_semaphore, #tpu.memory_space<semaphore_mem>>) src(%dma_wait3A_164 : memref<10000x16xf32, #tpu.memory_space<hbm>>) dst(%dma_wait3A_158 : memref<128x16xf32, #tpu.memory_space<vmem>>)
    %add3A_165 = arith.constant 1 : i32
    %add3A_166 = arith.addi %sub3A_126, %add3A_165 : i32
    %dma_start3A_167 = arith.constant 1 : i32
    %dma_start3A_168 = arith.constant 0 : i32
    %dma_start3A_169 = arith.constant 0 : i32
    %dma_start3A_170 = tpu.memref_slice %arg7[%dma_start3A_167, %dma_start3A_168, %dma_start3A_169] : memref<4x128x16xf32, #tpu.memory_space<vmem>> -> memref<1x128x16xf32, #tpu.memory_space<vmem>>
    %dma_start3A_171 = tpu.memref_squeeze %dma_start3A_170 : memref<1x128x16xf32, #tpu.memory_space<vmem>> -> memref<128x16xf32, #tpu.memory_space<vmem>>
    %dma_start3A_172 = arith.constant 0 : i32
    %dma_start3A_173 = tpu.memref_slice %arg6[%add3A_166, %dma_start3A_172] : memref<92x128xi32, #tpu.memory_space<vmem>> -> memref<1x128xi32, #tpu.memory_space<vmem>>
    %dma_start3A_174 = tpu.memref_squeeze %dma_start3A_173 : memref<1x128xi32, #tpu.memory_space<vmem>> -> memref<128xi32, #tpu.memory_space<vmem>>
    %dma_start3A_175 = arith.constant 0 : i32
    %dma_start3A_176 = arith.constant 0 : i32
    %dma_start3A_177 = tpu.memref_slice %arg9[%dma_start3A_175, %dma_start3A_176] : memref<10240x16xf32, #tpu.memory_space<vmem_shared>> -> memref<10240x16xf32, #tpu.memory_space<vmem_shared>>
    tpu.enqueue_indirect_dma source(%dma_start3A_171 : memref<128x16xf32, #tpu.memory_space<vmem>>) target(%dma_start3A_177 : memref<10240x16xf32, #tpu.memory_space<vmem_shared>>) offsets(%dma_start3A_174 : memref<128xi32, #tpu.memory_space<vmem>>) semaphore(%arg15 : memref<!tpu.dma_semaphore, #tpu.memory_space<semaphore_mem>>) {add = true}
    %add3A_178 = arith.constant 2 : i32
    %add3A_179 = arith.addi %sub3A_126, %add3A_178 : i32
    %dma_wait3A_180 = arith.constant 2 : i32
    %dma_wait3A_181 = arith.constant 0 : i32
    %dma_wait3A_182 = arith.constant 0 : i32
    %dma_wait3A_183 = tpu.memref_slice %arg7[%dma_wait3A_180, %dma_wait3A_181, %dma_wait3A_182] : memref<4x128x16xf32, #tpu.memory_space<vmem>> -> memref<1x128x16xf32, #tpu.memory_space<vmem>>
    %dma_wait3A_184 = tpu.memref_squeeze %dma_wait3A_183 : memref<1x128x16xf32, #tpu.memory_space<vmem>> -> memref<128x16xf32, #tpu.memory_space<vmem>>
    %dma_wait3A_185 = arith.constant 0 : i32
    %dma_wait3A_186 = tpu.memref_slice %arg5[%add3A_179, %dma_wait3A_185] : memref<92x128xi32, #tpu.memory_space<vmem>> -> memref<1x128xi32, #tpu.memory_space<vmem>>
    %dma_wait3A_187 = tpu.memref_squeeze %dma_wait3A_186 : memref<1x128xi32, #tpu.memory_space<vmem>> -> memref<128xi32, #tpu.memory_space<vmem>>
    %dma_wait3A_188 = arith.constant 0 : i32
    %dma_wait3A_189 = arith.constant 0 : i32
    %dma_wait3A_190 = tpu.memref_slice %arg2[%dma_wait3A_188, %dma_wait3A_189] : memref<10000x16xf32, #tpu.memory_space<hbm>> -> memref<10000x16xf32, #tpu.memory_space<hbm>>
    tpu.wait_indirect_dma semaphore(%arg12 : memref<!tpu.dma_semaphore, #tpu.memory_space<semaphore_mem>>) src(%dma_wait3A_190 : memref<10000x16xf32, #tpu.memory_space<hbm>>) dst(%dma_wait3A_184 : memref<128x16xf32, #tpu.memory_space<vmem>>)
    %add3A_191 = arith.constant 2 : i32
    %add3A_192 = arith.addi %sub3A_126, %add3A_191 : i32
    %dma_start3A_193 = arith.constant 2 : i32
    %dma_start3A_194 = arith.constant 0 : i32
    %dma_start3A_195 = arith.constant 0 : i32
    %dma_start3A_196 = tpu.memref_slice %arg7[%dma_start3A_193, %dma_start3A_194, %dma_start3A_195] : memref<4x128x16xf32, #tpu.memory_space<vmem>> -> memref<1x128x16xf32, #tpu.memory_space<vmem>>
    %dma_start3A_197 = tpu.memref_squeeze %dma_start3A_196 : memref<1x128x16xf32, #tpu.memory_space<vmem>> -> memref<128x16xf32, #tpu.memory_space<vmem>>
    %dma_start3A_198 = arith.constant 0 : i32
    %dma_start3A_199 = tpu.memref_slice %arg6[%add3A_192, %dma_start3A_198] : memref<92x128xi32, #tpu.memory_space<vmem>> -> memref<1x128xi32, #tpu.memory_space<vmem>>
    %dma_start3A_200 = tpu.memref_squeeze %dma_start3A_199 : memref<1x128xi32, #tpu.memory_space<vmem>> -> memref<128xi32, #tpu.memory_space<vmem>>
    %dma_start3A_201 = arith.constant 0 : i32
    %dma_start3A_202 = arith.constant 0 : i32
    %dma_start3A_203 = tpu.memref_slice %arg9[%dma_start3A_201, %dma_start3A_202] : memref<10240x16xf32, #tpu.memory_space<vmem_shared>> -> memref<10240x16xf32, #tpu.memory_space<vmem_shared>>
    tpu.enqueue_indirect_dma source(%dma_start3A_197 : memref<128x16xf32, #tpu.memory_space<vmem>>) target(%dma_start3A_203 : memref<10240x16xf32, #tpu.memory_space<vmem_shared>>) offsets(%dma_start3A_200 : memref<128xi32, #tpu.memory_space<vmem>>) semaphore(%arg16 : memref<!tpu.dma_semaphore, #tpu.memory_space<semaphore_mem>>) {add = true}
    %add3A_204 = arith.constant 3 : i32
    %add3A_205 = arith.addi %sub3A_126, %add3A_204 : i32
    %dma_wait3A_206 = arith.constant 3 : i32
    %dma_wait3A_207 = arith.constant 0 : i32
    %dma_wait3A_208 = arith.constant 0 : i32
    %dma_wait3A_209 = tpu.memref_slice %arg7[%dma_wait3A_206, %dma_wait3A_207, %dma_wait3A_208] : memref<4x128x16xf32, #tpu.memory_space<vmem>> -> memref<1x128x16xf32, #tpu.memory_space<vmem>>
    %dma_wait3A_210 = tpu.memref_squeeze %dma_wait3A_209 : memref<1x128x16xf32, #tpu.memory_space<vmem>> -> memref<128x16xf32, #tpu.memory_space<vmem>>
    %dma_wait3A_211 = arith.constant 0 : i32
    %dma_wait3A_212 = tpu.memref_slice %arg5[%add3A_205, %dma_wait3A_211] : memref<92x128xi32, #tpu.memory_space<vmem>> -> memref<1x128xi32, #tpu.memory_space<vmem>>
    %dma_wait3A_213 = tpu.memref_squeeze %dma_wait3A_212 : memref<1x128xi32, #tpu.memory_space<vmem>> -> memref<128xi32, #tpu.memory_space<vmem>>
    %dma_wait3A_214 = arith.constant 0 : i32
    %dma_wait3A_215 = arith.constant 0 : i32
    %dma_wait3A_216 = tpu.memref_slice %arg2[%dma_wait3A_214, %dma_wait3A_215] : memref<10000x16xf32, #tpu.memory_space<hbm>> -> memref<10000x16xf32, #tpu.memory_space<hbm>>
    tpu.wait_indirect_dma semaphore(%arg13 : memref<!tpu.dma_semaphore, #tpu.memory_space<semaphore_mem>>) src(%dma_wait3A_216 : memref<10000x16xf32, #tpu.memory_space<hbm>>) dst(%dma_wait3A_210 : memref<128x16xf32, #tpu.memory_space<vmem>>)
    %add3A_217 = arith.constant 3 : i32
    %add3A_218 = arith.addi %sub3A_126, %add3A_217 : i32
    %dma_start3A_219 = arith.constant 3 : i32
    %dma_start3A_220 = arith.constant 0 : i32
    %dma_start3A_221 = arith.constant 0 : i32
    %dma_start3A_222 = tpu.memref_slice %arg7[%dma_start3A_219, %dma_start3A_220, %dma_start3A_221] : memref<4x128x16xf32, #tpu.memory_space<vmem>> -> memref<1x128x16xf32, #tpu.memory_space<vmem>>
    %dma_start3A_223 = tpu.memref_squeeze %dma_start3A_222 : memref<1x128x16xf32, #tpu.memory_space<vmem>> -> memref<128x16xf32, #tpu.memory_space<vmem>>
    %dma_start3A_224 = arith.constant 0 : i32
    %dma_start3A_225 = tpu.memref_slice %arg6[%add3A_218, %dma_start3A_224] : memref<92x128xi32, #tpu.memory_space<vmem>> -> memref<1x128xi32, #tpu.memory_space<vmem>>
    %dma_start3A_226 = tpu.memref_squeeze %dma_start3A_225 : memref<1x128xi32, #tpu.memory_space<vmem>> -> memref<128xi32, #tpu.memory_space<vmem>>
    %dma_start3A_227 = arith.constant 0 : i32
    %dma_start3A_228 = arith.constant 0 : i32
    %dma_start3A_229 = tpu.memref_slice %arg9[%dma_start3A_227, %dma_start3A_228] : memref<10240x16xf32, #tpu.memory_space<vmem_shared>> -> memref<10240x16xf32, #tpu.memory_space<vmem_shared>>
    tpu.enqueue_indirect_dma source(%dma_start3A_223 : memref<128x16xf32, #tpu.memory_space<vmem>>) target(%dma_start3A_229 : memref<10240x16xf32, #tpu.memory_space<vmem_shared>>) offsets(%dma_start3A_226 : memref<128xi32, #tpu.memory_space<vmem>>) semaphore(%arg17 : memref<!tpu.dma_semaphore, #tpu.memory_space<semaphore_mem>>) {add = true}
    %add3A_230 = arith.constant 0 : i32
    %add3A_231 = arith.addi %sub3A_126, %add3A_230 : i32
    %dma_wait3A_232 = arith.constant 0 : i32
    %dma_wait3A_233 = arith.constant 0 : i32
    %dma_wait3A_234 = arith.constant 0 : i32
    %dma_wait3A_235 = tpu.memref_slice %arg7[%dma_wait3A_232, %dma_wait3A_233, %dma_wait3A_234] : memref<4x128x16xf32, #tpu.memory_space<vmem>> -> memref<1x128x16xf32, #tpu.memory_space<vmem>>
    %dma_wait3A_236 = tpu.memref_squeeze %dma_wait3A_235 : memref<1x128x16xf32, #tpu.memory_space<vmem>> -> memref<128x16xf32, #tpu.memory_space<vmem>>
    %dma_wait3A_237 = arith.constant 0 : i32
    %dma_wait3A_238 = tpu.memref_slice %arg6[%add3A_231, %dma_wait3A_237] : memref<92x128xi32, #tpu.memory_space<vmem>> -> memref<1x128xi32, #tpu.memory_space<vmem>>
    %dma_wait3A_239 = tpu.memref_squeeze %dma_wait3A_238 : memref<1x128xi32, #tpu.memory_space<vmem>> -> memref<128xi32, #tpu.memory_space<vmem>>
    %dma_wait3A_240 = arith.constant 0 : i32
    %dma_wait3A_241 = arith.constant 0 : i32
    %dma_wait3A_242 = tpu.memref_slice %arg9[%dma_wait3A_240, %dma_wait3A_241] : memref<10240x16xf32, #tpu.memory_space<vmem_shared>> -> memref<10240x16xf32, #tpu.memory_space<vmem_shared>>
    tpu.wait_indirect_dma semaphore(%arg14 : memref<!tpu.dma_semaphore, #tpu.memory_space<semaphore_mem>>) src(%dma_wait3A_236 : memref<128x16xf32, #tpu.memory_space<vmem>>) dst(%dma_wait3A_242 : memref<10240x16xf32, #tpu.memory_space<vmem_shared>>)
    %add3A_243 = arith.constant 1 : i32
    %add3A_244 = arith.addi %sub3A_126, %add3A_243 : i32
    %dma_wait3A_245 = arith.constant 1 : i32
    %dma_wait3A_246 = arith.constant 0 : i32
    %dma_wait3A_247 = arith.constant 0 : i32
    %dma_wait3A_248 = tpu.memref_slice %arg7[%dma_wait3A_245, %dma_wait3A_246, %dma_wait3A_247] : memref<4x128x16xf32, #tpu.memory_space<vmem>> -> memref<1x128x16xf32, #tpu.memory_space<vmem>>
    %dma_wait3A_249 = tpu.memref_squeeze %dma_wait3A_248 : memref<1x128x16xf32, #tpu.memory_space<vmem>> -> memref<128x16xf32, #tpu.memory_space<vmem>>
    %dma_wait3A_250 = arith.constant 0 : i32
    %dma_wait3A_251 = tpu.memref_slice %arg6[%add3A_244, %dma_wait3A_250] : memref<92x128xi32, #tpu.memory_space<vmem>> -> memref<1x128xi32, #tpu.memory_space<vmem>>
    %dma_wait3A_252 = tpu.memref_squeeze %dma_wait3A_251 : memref<1x128xi32, #tpu.memory_space<vmem>> -> memref<128xi32, #tpu.memory_space<vmem>>
    %dma_wait3A_253 = arith.constant 0 : i32
    %dma_wait3A_254 = arith.constant 0 : i32
    %dma_wait3A_255 = tpu.memref_slice %arg9[%dma_wait3A_253, %dma_wait3A_254] : memref<10240x16xf32, #tpu.memory_space<vmem_shared>> -> memref<10240x16xf32, #tpu.memory_space<vmem_shared>>
    tpu.wait_indirect_dma semaphore(%arg15 : memref<!tpu.dma_semaphore, #tpu.memory_space<semaphore_mem>>) src(%dma_wait3A_249 : memref<128x16xf32, #tpu.memory_space<vmem>>) dst(%dma_wait3A_255 : memref<10240x16xf32, #tpu.memory_space<vmem_shared>>)
    %add3A_256 = arith.constant 2 : i32
    %add3A_257 = arith.addi %sub3A_126, %add3A_256 : i32
    %dma_wait3A_258 = arith.constant 2 : i32
    %dma_wait3A_259 = arith.constant 0 : i32
    %dma_wait3A_260 = arith.constant 0 : i32
    %dma_wait3A_261 = tpu.memref_slice %arg7[%dma_wait3A_258, %dma_wait3A_259, %dma_wait3A_260] : memref<4x128x16xf32, #tpu.memory_space<vmem>> -> memref<1x128x16xf32, #tpu.memory_space<vmem>>
    %dma_wait3A_262 = tpu.memref_squeeze %dma_wait3A_261 : memref<1x128x16xf32, #tpu.memory_space<vmem>> -> memref<128x16xf32, #tpu.memory_space<vmem>>
    %dma_wait3A_263 = arith.constant 0 : i32
    %dma_wait3A_264 = tpu.memref_slice %arg6[%add3A_257, %dma_wait3A_263] : memref<92x128xi32, #tpu.memory_space<vmem>> -> memref<1x128xi32, #tpu.memory_space<vmem>>
    %dma_wait3A_265 = tpu.memref_squeeze %dma_wait3A_264 : memref<1x128xi32, #tpu.memory_space<vmem>> -> memref<128xi32, #tpu.memory_space<vmem>>
    %dma_wait3A_266 = arith.constant 0 : i32
    %dma_wait3A_267 = arith.constant 0 : i32
    %dma_wait3A_268 = tpu.memref_slice %arg9[%dma_wait3A_266, %dma_wait3A_267] : memref<10240x16xf32, #tpu.memory_space<vmem_shared>> -> memref<10240x16xf32, #tpu.memory_space<vmem_shared>>
    tpu.wait_indirect_dma semaphore(%arg16 : memref<!tpu.dma_semaphore, #tpu.memory_space<semaphore_mem>>) src(%dma_wait3A_262 : memref<128x16xf32, #tpu.memory_space<vmem>>) dst(%dma_wait3A_268 : memref<10240x16xf32, #tpu.memory_space<vmem_shared>>)
    %add3A_269 = arith.constant 3 : i32
    %add3A_270 = arith.addi %sub3A_126, %add3A_269 : i32
    %dma_wait3A_271 = arith.constant 3 : i32
    %dma_wait3A_272 = arith.constant 0 : i32
    %dma_wait3A_273 = arith.constant 0 : i32
    %dma_wait3A_274 = tpu.memref_slice %arg7[%dma_wait3A_271, %dma_wait3A_272, %dma_wait3A_273] : memref<4x128x16xf32, #tpu.memory_space<vmem>> -> memref<1x128x16xf32, #tpu.memory_space<vmem>>
    %dma_wait3A_275 = tpu.memref_squeeze %dma_wait3A_274 : memref<1x128x16xf32, #tpu.memory_space<vmem>> -> memref<128x16xf32, #tpu.memory_space<vmem>>
    %dma_wait3A_276 = arith.constant 0 : i32
    %dma_wait3A_277 = tpu.memref_slice %arg6[%add3A_270, %dma_wait3A_276] : memref<92x128xi32, #tpu.memory_space<vmem>> -> memref<1x128xi32, #tpu.memory_space<vmem>>
    %dma_wait3A_278 = tpu.memref_squeeze %dma_wait3A_277 : memref<1x128xi32, #tpu.memory_space<vmem>> -> memref<128xi32, #tpu.memory_space<vmem>>
    %dma_wait3A_279 = arith.constant 0 : i32
    %dma_wait3A_280 = arith.constant 0 : i32
    %dma_wait3A_281 = tpu.memref_slice %arg9[%dma_wait3A_279, %dma_wait3A_280] : memref<10240x16xf32, #tpu.memory_space<vmem_shared>> -> memref<10240x16xf32, #tpu.memory_space<vmem_shared>>
    tpu.wait_indirect_dma semaphore(%arg17 : memref<!tpu.dma_semaphore, #tpu.memory_space<semaphore_mem>>) src(%dma_wait3A_275 : memref<128x16xf32, #tpu.memory_space<vmem>>) dst(%dma_wait3A_281 : memref<10240x16xf32, #tpu.memory_space<vmem_shared>>)
    %barrier3A_282 = arith.constant 0 : index
    tpu.barrier barrier_id(%barrier3A_282)
    %mul3A_283 = arith.constant 640 : i32
    %mul3A_284 = arith.muli %arg1, %mul3A_283 : i32
    "tpu.region"() ({
      %run_scoped3A = tpu.sem_alloc : memref<!tpu.dma_semaphore, #tpu.memory_space<semaphore_mem>>
      %dma_start3A_287 = arith.constant 0 : i32
      %dma_start3A_288 = tpu.memref_slice %arg9[%mul3A_284, %dma_start3A_287] : memref<10240x16xf32, #tpu.memory_space<vmem_shared>> -> memref<640x16xf32, #tpu.memory_space<vmem_shared>>
      %dma_start3A_289 = arith.constant 0 : i32
      %dma_start3A_290 = tpu.memref_slice %arg9[%mul3A_284, %dma_start3A_289] : memref<10240x16xf32, #tpu.memory_space<vmem_shared>> -> memref<640x16xf32, #tpu.memory_space<vmem_shared>>
      tpu.enqueue_dma source(%dma_start3A_290 : memref<640x16xf32, #tpu.memory_space<vmem_shared>>) target(%arg8 : memref<640x16xf32, #tpu.memory_space<vmem>>) target_semaphore(%run_scoped3A : memref<!tpu.dma_semaphore, #tpu.memory_space<semaphore_mem>>)
      %dma_wait3A_291 = arith.constant 0 : i32
      %dma_wait3A_292 = tpu.memref_slice %arg9[%mul3A_284, %dma_wait3A_291] : memref<10240x16xf32, #tpu.memory_space<vmem_shared>> -> memref<640x16xf32, #tpu.memory_space<vmem_shared>>
      %dma_wait3A_293 = arith.constant 0 : i32
      %dma_wait3A_294 = tpu.memref_slice %arg9[%mul3A_284, %dma_wait3A_293] : memref<10240x16xf32, #tpu.memory_space<vmem_shared>> -> memref<640x16xf32, #tpu.memory_space<vmem_shared>>
      tpu.wait_dma2 semaphore(%run_scoped3A : memref<!tpu.dma_semaphore, #tpu.memory_space<semaphore_mem>>) src(%dma_wait3A_294 : memref<640x16xf32, #tpu.memory_space<vmem_shared>>) dst(%arg8 : memref<640x16xf32, #tpu.memory_space<vmem>>)
      tpu.yield
    }) : () -> ()
    %mul3A_285 = arith.constant 640 : i32
    %mul3A_286 = arith.muli %arg1, %mul3A_285 : i32
    "tpu.region"() ({
      %run_scoped3A = tpu.sem_alloc : memref<!tpu.dma_semaphore, #tpu.memory_space<semaphore_mem>>
      %dma_start3A_287 = arith.constant 0 : i32
      %dma_start3A_288 = tpu.memref_slice %arg4[%arg0, %mul3A_286, %dma_start3A_287] : memref<2x10240x16xf32, #tpu.memory_space<hbm>> -> memref<1x640x16xf32, #tpu.memory_space<hbm>>
      %dma_start3A_289 = tpu.memref_squeeze %dma_start3A_288 : memref<1x640x16xf32, #tpu.memory_space<hbm>> -> memref<640x16xf32, #tpu.memory_space<hbm>>
      %dma_start3A_290 = arith.constant 0 : i32
      %dma_start3A_291 = tpu.memref_slice %arg4[%arg0, %mul3A_286, %dma_start3A_290] : memref<2x10240x16xf32, #tpu.memory_space<hbm>> -> memref<1x640x16xf32, #tpu.memory_space<hbm>>
      %dma_start3A_292 = tpu.memref_squeeze %dma_start3A_291 : memref<1x640x16xf32, #tpu.memory_space<hbm>> -> memref<640x16xf32, #tpu.memory_space<hbm>>
      tpu.enqueue_dma source(%arg8 : memref<640x16xf32, #tpu.memory_space<vmem>>) target(%dma_start3A_292 : memref<640x16xf32, #tpu.memory_space<hbm>>) target_semaphore(%run_scoped3A : memref<!tpu.dma_semaphore, #tpu.memory_space<semaphore_mem>>)
      %dma_wait3A_293 = arith.constant 0 : i32
      %dma_wait3A_294 = tpu.memref_slice %arg4[%arg0, %mul3A_286, %dma_wait3A_293] : memref<2x10240x16xf32, #tpu.memory_space<hbm>> -> memref<1x640x16xf32, #tpu.memory_space<hbm>>
      %dma_wait3A_295 = tpu.memref_squeeze %dma_wait3A_294 : memref<1x640x16xf32, #tpu.memory_space<hbm>> -> memref<640x16xf32, #tpu.memory_space<hbm>>
      %dma_wait3A_296 = arith.constant 0 : i32
      %dma_wait3A_297 = tpu.memref_slice %arg4[%arg0, %mul3A_286, %dma_wait3A_296] : memref<2x10240x16xf32, #tpu.memory_space<hbm>> -> memref<1x640x16xf32, #tpu.memory_space<hbm>>
      %dma_wait3A_298 = tpu.memref_squeeze %dma_wait3A_297 : memref<1x640x16xf32, #tpu.memory_space<hbm>> -> memref<640x16xf32, #tpu.memory_space<hbm>>
      tpu.wait_dma2 semaphore(%run_scoped3A : memref<!tpu.dma_semaphore, #tpu.memory_space<semaphore_mem>>) src(%arg8 : memref<640x16xf32, #tpu.memory_space<vmem>>) dst(%dma_wait3A_298 : memref<640x16xf32, #tpu.memory_space<hbm>>)
      tpu.yield
    }) : () -> ()
    return
  }
}

module attributes {stable_mosaic.version = 14 : i64} {
  func.func @_scale_body(%arg0: memref<10000x16xf32, #tpu.memory_space<vmem>>, %arg1: memref<2x10240xf32, #tpu.memory_space<vmem>>, %arg2: memref<10000x16xf32, #tpu.memory_space<vmem>>, %arg3: memref<10000x16xf32, #tpu.memory_space<vmem>>) attributes {dimension_semantics = [], scalar_prefetch = 0 : i64, scratch_operands = 0 : i64, tpu.core_type = #tpu.core_type<tc>} {
    %get3A = arith.constant 0 : index
    %get3A_0 = arith.constant 0 : index
    %get3A_1 = vector.load %arg1[%get3A, %get3A_0] : memref<2x10240xf32, #tpu.memory_space<vmem>>, vector<1x10000xf32>
    %add3A = arith.constant 1.000000e+00 : f32
    %add3A_2 = vector.broadcast %add3A : f32 to vector<1x10000xf32>
    %add3A_3 = arith.addf %add3A_2, %get3A_1 : vector<1x10000xf32>
    %get3A_4 = arith.constant 1 : index
    %get3A_5 = arith.constant 0 : index
    %get3A_6 = vector.load %arg1[%get3A_4, %get3A_5] : memref<2x10240xf32, #tpu.memory_space<vmem>>, vector<1x10000xf32>
    %add3A_7 = arith.addf %add3A_3, %get3A_6 : vector<1x10000xf32>
    %rsqrt3A = math.rsqrt %add3A_7 : vector<1x10000xf32>
    %transpose3A = tpu.transpose %rsqrt3A, [1, 0] : vector<1x10000xf32> -> vector<10000x1xf32>
    %broadcast_in_dim3A = arith.constant 1.000000e+00 : f32
    %broadcast_in_dim3A_8 = vector.broadcast %broadcast_in_dim3A : f32 to vector<1x16xf32>
    %mul3A = vector.broadcast %transpose3A : vector<10000x1xf32> to vector<10000x16xf32>
    %mul3A_9 = vector.broadcast %broadcast_in_dim3A_8 : vector<1x16xf32> to vector<10000x16xf32>
    %mul3A_10 = arith.mulf %mul3A, %mul3A_9 : vector<10000x16xf32>
    %swap3A = arith.constant 0 : index
    %swap3A_11 = arith.constant 0 : index
    %swap3A_12 = vector.load %arg3[%swap3A, %swap3A_11] : memref<10000x16xf32, #tpu.memory_space<vmem>>, vector<10000x16xf32>
    tpu.vector_store %arg3[%swap3A, %swap3A_11], %mul3A_10 {strides = array<i32>} : memref<10000x16xf32, #tpu.memory_space<vmem>>, vector<10000x16xf32>,
    %get3A_13 = arith.constant 0 : index
    %get3A_14 = arith.constant 0 : index
    %get3A_15 = vector.load %arg0[%get3A_13, %get3A_14] : memref<10000x16xf32, #tpu.memory_space<vmem>>, vector<10000x16xf32>
    %mul3A_16 = arith.mulf %get3A_15, %mul3A_10 : vector<10000x16xf32>
    %swap3A_17 = arith.constant 0 : index
    %swap3A_18 = arith.constant 0 : index
    %swap3A_19 = vector.load %arg2[%swap3A_17, %swap3A_18] : memref<10000x16xf32, #tpu.memory_space<vmem>>, vector<10000x16xf32>
    tpu.vector_store %arg2[%swap3A_17, %swap3A_18], %mul3A_16 {strides = array<i32>} : memref<10000x16xf32, #tpu.memory_space<vmem>>, vector<10000x16xf32>,
    return
  }
}

module attributes {stable_mosaic.version = 14 : i64} {
  func.func @_mm1_body(%arg0: memref<10000x128xf32, #tpu.memory_space<vmem>>, %arg1: memref<128x16xf32, #tpu.memory_space<vmem>>, %arg2: memref<10000x16xf32, #tpu.memory_space<vmem>>) attributes {dimension_semantics = [], scalar_prefetch = 0 : i64, scratch_operands = 0 : i64, tpu.core_type = #tpu.core_type<tc>} {
    %get3A = arith.constant 0 : index
    %get3A_0 = arith.constant 0 : index
    %get3A_1 = vector.load %arg0[%get3A, %get3A_0] : memref<10000x128xf32, #tpu.memory_space<vmem>>, vector<10000x128xf32>
    %get3A_2 = arith.constant 0 : index
    %get3A_3 = arith.constant 0 : index
    %get3A_4 = vector.load %arg1[%get3A_2, %get3A_3] : memref<128x16xf32, #tpu.memory_space<vmem>>, vector<128x16xf32>
    %dot_general3A = arith.constant dense<0.000000e+00> : vector<10000x16xf32>
    %dot_general3A_5 = tpu.matmul %get3A_1, %get3A_4, %dot_general3A {dimension_numbers = #tpu.dot_dimension_numbers<[1], [0], [0], [1], [0, 0, 1, 1], [], []>, transpose_lhs_hint = false} : vector<10000x128xf32>, vector<128x16xf32>, vector<10000x16xf32> -> vector<10000x16xf32>
    %swap3A = arith.constant 0 : index
    %swap3A_6 = arith.constant 0 : index
    %swap3A_7 = vector.load %arg2[%swap3A, %swap3A_6] : memref<10000x16xf32, #tpu.memory_space<vmem>>, vector<10000x16xf32>
    tpu.vector_store %arg2[%swap3A, %swap3A_6], %dot_general3A_5 {strides = array<i32>} : memref<10000x16xf32, #tpu.memory_space<vmem>>, vector<10000x16xf32>,
    return
  }
}

module attributes {stable_mosaic.version = 14 : i64} {
  func.func @_mid_body(%arg0: memref<2x10240x16xf32, #tpu.memory_space<vmem>>, %arg1: memref<10000x16xf32, #tpu.memory_space<vmem>>, %arg2: memref<10000x16xf32, #tpu.memory_space<vmem>>, %arg3: memref<1x16xf32, #tpu.memory_space<vmem>>, %arg4: memref<16x16xf32, #tpu.memory_space<vmem>>, %arg5: memref<10000x16xf32, #tpu.memory_space<vmem>>) attributes {dimension_semantics = [], scalar_prefetch = 0 : i64, scratch_operands = 0 : i64, tpu.core_type = #tpu.core_type<tc>} {
    %get3A = arith.constant 0 : index
    %get3A_0 = arith.constant 0 : index
    %get3A_1 = arith.constant 0 : index
    %get3A_2 = vector.load %arg0[%get3A, %get3A_0, %get3A_1] : memref<2x10240x16xf32, #tpu.memory_space<vmem>>, vector<1x10000x16xf32>
    %get3A_3 = vector.shape_cast %get3A_2 : vector<1x10000x16xf32> to vector<10000x16xf32>
    %get3A_4 = arith.constant 1 : index
    %get3A_5 = arith.constant 0 : index
    %get3A_6 = arith.constant 0 : index
    %get3A_7 = vector.load %arg0[%get3A_4, %get3A_5, %get3A_6] : memref<2x10240x16xf32, #tpu.memory_space<vmem>>, vector<1x10000x16xf32>
    %get3A_8 = vector.shape_cast %get3A_7 : vector<1x10000x16xf32> to vector<10000x16xf32>
    %add3A = arith.addf %get3A_3, %get3A_8 : vector<10000x16xf32>
    %get3A_9 = arith.constant 0 : index
    %get3A_10 = arith.constant 0 : index
    %get3A_11 = vector.load %arg1[%get3A_9, %get3A_10] : memref<10000x16xf32, #tpu.memory_space<vmem>>, vector<10000x16xf32>
    %add3A_12 = arith.addf %add3A, %get3A_11 : vector<10000x16xf32>
    %get3A_13 = arith.constant 0 : index
    %get3A_14 = arith.constant 0 : index
    %get3A_15 = vector.load %arg2[%get3A_13, %get3A_14] : memref<10000x16xf32, #tpu.memory_space<vmem>>, vector<10000x16xf32>
    %mul3A = arith.mulf %add3A_12, %get3A_15 : vector<10000x16xf32>
    %get3A_16 = arith.constant 0 : index
    %get3A_17 = arith.constant 0 : index
    %get3A_18 = vector.load %arg3[%get3A_16, %get3A_17] : memref<1x16xf32, #tpu.memory_space<vmem>>, vector<1x16xf32>
    %add3A_19 = vector.broadcast %get3A_18 : vector<1x16xf32> to vector<10000x16xf32>
    %add3A_20 = arith.addf %mul3A, %add3A_19 : vector<10000x16xf32>
    %max3A = arith.constant 0.000000e+00 : f32
    %max3A_21 = vector.broadcast %max3A : f32 to vector<10000x16xf32>
    %max3A_22 = arith.maximumf %add3A_20, %max3A_21 : vector<10000x16xf32>
    %get3A_23 = arith.constant 0 : index
    %get3A_24 = arith.constant 0 : index
    %get3A_25 = vector.load %arg4[%get3A_23, %get3A_24] : memref<16x16xf32, #tpu.memory_space<vmem>>, vector<16x16xf32>
    %dot_general3A = arith.constant dense<0.000000e+00> : vector<10000x16xf32>
    %dot_general3A_26 = tpu.matmul %max3A_22, %get3A_25, %dot_general3A {dimension_numbers = #tpu.dot_dimension_numbers<[1], [0], [0], [1], [0, 0, 1, 1], [], []>, transpose_lhs_hint = false} : vector<10000x16xf32>, vector<16x16xf32>, vector<10000x16xf32> -> vector<10000x16xf32>
    %mul3A_27 = arith.mulf %dot_general3A_26, %get3A_15 : vector<10000x16xf32>
    %swap3A = arith.constant 0 : index
    %swap3A_28 = arith.constant 0 : index
    %swap3A_29 = vector.load %arg5[%swap3A, %swap3A_28] : memref<10000x16xf32, #tpu.memory_space<vmem>>, vector<10000x16xf32>
    tpu.vector_store %arg5[%swap3A, %swap3A_28], %mul3A_27 {strides = array<i32>} : memref<10000x16xf32, #tpu.memory_space<vmem>>, vector<10000x16xf32>,
    return
  }
}

module attributes {stable_mosaic.version = 14 : i64} {
  func.func @_fin_body(%arg0: memref<2x10240x16xf32, #tpu.memory_space<vmem>>, %arg1: memref<10000x16xf32, #tpu.memory_space<vmem>>, %arg2: memref<10000x16xf32, #tpu.memory_space<vmem>>, %arg3: memref<1x16xf32, #tpu.memory_space<vmem>>, %arg4: memref<16x2xf32, #tpu.memory_space<vmem>>, %arg5: memref<1x2xf32, #tpu.memory_space<vmem>>, %arg6: memref<10000x2xf32, #tpu.memory_space<vmem>>) attributes {dimension_semantics = [], scalar_prefetch = 0 : i64, scratch_operands = 0 : i64, tpu.core_type = #tpu.core_type<tc>} {
    %get3A = arith.constant 0 : index
    %get3A_0 = arith.constant 0 : index
    %get3A_1 = arith.constant 0 : index
    %get3A_2 = vector.load %arg0[%get3A, %get3A_0, %get3A_1] : memref<2x10240x16xf32, #tpu.memory_space<vmem>>, vector<1x10000x16xf32>
    %get3A_3 = vector.shape_cast %get3A_2 : vector<1x10000x16xf32> to vector<10000x16xf32>
    %get3A_4 = arith.constant 1 : index
    %get3A_5 = arith.constant 0 : index
    %get3A_6 = arith.constant 0 : index
    %get3A_7 = vector.load %arg0[%get3A_4, %get3A_5, %get3A_6] : memref<2x10240x16xf32, #tpu.memory_space<vmem>>, vector<1x10000x16xf32>
    %get3A_8 = vector.shape_cast %get3A_7 : vector<1x10000x16xf32> to vector<10000x16xf32>
    %add3A = arith.addf %get3A_3, %get3A_8 : vector<10000x16xf32>
    %get3A_9 = arith.constant 0 : index
    %get3A_10 = arith.constant 0 : index
    %get3A_11 = vector.load %arg1[%get3A_9, %get3A_10] : memref<10000x16xf32, #tpu.memory_space<vmem>>, vector<10000x16xf32>
    %add3A_12 = arith.addf %add3A, %get3A_11 : vector<10000x16xf32>
    %get3A_13 = arith.constant 0 : index
    %get3A_14 = arith.constant 0 : index
    %get3A_15 = vector.load %arg2[%get3A_13, %get3A_14] : memref<10000x16xf32, #tpu.memory_space<vmem>>, vector<10000x16xf32>
    %mul3A = arith.mulf %add3A_12, %get3A_15 : vector<10000x16xf32>
    %get3A_16 = arith.constant 0 : index
    %get3A_17 = arith.constant 0 : index
    %get3A_18 = vector.load %arg3[%get3A_16, %get3A_17] : memref<1x16xf32, #tpu.memory_space<vmem>>, vector<1x16xf32>
    %add3A_19 = vector.broadcast %get3A_18 : vector<1x16xf32> to vector<10000x16xf32>
    %add3A_20 = arith.addf %mul3A, %add3A_19 : vector<10000x16xf32>
    %max3A = arith.constant 0.000000e+00 : f32
    %max3A_21 = vector.broadcast %max3A : f32 to vector<10000x16xf32>
    %max3A_22 = arith.maximumf %add3A_20, %max3A_21 : vector<10000x16xf32>
    %get3A_23 = arith.constant 0 : index
    %get3A_24 = arith.constant 0 : index
    %get3A_25 = vector.load %arg4[%get3A_23, %get3A_24] : memref<16x2xf32, #tpu.memory_space<vmem>>, vector<16x2xf32>
    %dot_general3A = arith.constant dense<0.000000e+00> : vector<10000x2xf32>
    %dot_general3A_26 = tpu.matmul %max3A_22, %get3A_25, %dot_general3A {dimension_numbers = #tpu.dot_dimension_numbers<[1], [0], [0], [1], [0, 0, 1, 1], [], []>, transpose_lhs_hint = false} : vector<10000x16xf32>, vector<16x2xf32>, vector<10000x2xf32> -> vector<10000x2xf32>
    %get3A_27 = arith.constant 0 : index
    %get3A_28 = arith.constant 0 : index
    %get3A_29 = vector.load %arg5[%get3A_27, %get3A_28] : memref<1x2xf32, #tpu.memory_space<vmem>>, vector<1x2xf32>
    %add3A_30 = vector.broadcast %get3A_29 : vector<1x2xf32> to vector<10000x2xf32>
    %add3A_31 = arith.addf %dot_general3A_26, %add3A_30 : vector<10000x2xf32>
    %reduce_max3A = arith.constant dense<0xFF800000> : vector<10000xf32>
    %reduce_max3A_32 = vector.multi_reduction <maximumf>, %add3A_31, %reduce_max3A [1] : vector<10000x2xf32> to vector<10000xf32>
    %broadcast_in_dim3A = vector.shape_cast %reduce_max3A_32 : vector<10000xf32> to vector<10000x1xf32>
    %sub3A = vector.broadcast %broadcast_in_dim3A : vector<10000x1xf32> to vector<10000x2xf32>
    %sub3A_33 = arith.subf %add3A_31, %sub3A : vector<10000x2xf32>
    %exp3A = math.exp %sub3A_33 : vector<10000x2xf32>
    %reduce_sum3A = arith.constant dense<0.000000e+00> : vector<10000xf32>
    %reduce_sum3A_34 = vector.multi_reduction <add>, %exp3A, %reduce_sum3A [1] : vector<10000x2xf32> to vector<10000xf32>
    %broadcast_in_dim3A_35 = vector.shape_cast %reduce_sum3A_34 : vector<10000xf32> to vector<10000x1xf32>
    %log3A = math.log %broadcast_in_dim3A_35 : vector<10000x1xf32>
    %add3A_36 = arith.addf %broadcast_in_dim3A, %log3A : vector<10000x1xf32>
    %sub3A_37 = vector.broadcast %add3A_36 : vector<10000x1xf32> to vector<10000x2xf32>
    %sub3A_38 = arith.subf %add3A_31, %sub3A_37 : vector<10000x2xf32>
    %swap3A = arith.constant 0 : index
    %swap3A_39 = arith.constant 0 : index
    %swap3A_40 = vector.load %arg6[%swap3A, %swap3A_39] : memref<10000x2xf32, #tpu.memory_space<vmem>>, vector<10000x2xf32>
    tpu.vector_store %arg6[%swap3A, %swap3A_39], %sub3A_38 {strides = array<i32>} : memref<10000x2xf32, #tpu.memory_space<vmem>>, vector<10000x2xf32>,
    return
  }
}

</mosaic_0001>

<sc_bundles>
// kernel: kernel.12.cloned.1.call-start
scs
__scs_entry_jumppad:
0x0: {  	(pc) =	sbr.rel $0x88, $3  }
0x1: {  	(tag) =	ssettag $0x0;
	lr =	simm.s32 $0x1  }
0x2: {  	[smem:$0x3F99] =	sst lr;
	_ =	strace $0xD0000000  }
0x3: {  	_ = 	snop  }
0x4: {  	_ = 	snop  }
0x5: {  	_ = 	snop  }
0x6: {  	_ = 	snop  }
0x7: {  	_ = 	snop  }
__scs_overlays_trampoline_lowered:
0x8: {  	[smem:$0x3FA8] =	sst s0  }
0x9: {  	[smem:$0x3FA9] =	sst s1  }
0xa: {  	[smem:$0x3FAA] =	sst s2  }
0xb: {  	[smem:$0x3FAB] =	sst s3  }
0xc: {  	[smem:$0x3FAC] =	sst s4  }
0xd: {  	[smem:$0x3FAD] =	sst s5  }
0xe: {  	[smem:$0x3FAE] =	sst s6  }
0xf: {  	[smem:$0x3FAF] =	sst s7  }
0x10: {  	[smem:$0x3FB0] =	sst s8  }
0x11: {  	[smem:$0x3FB1] =	sst s9;
	s0 =	simm.s32 @!p0 $0x0  }
0x12: {  	s1 =	sld [smem:$0x3F97];
	s0 =	simm.s32 @p0 $0x1  }
0x13: {  	[smem:$0x3FB2] =	sst s0;
	s0 =	simm.s32 @!p1 $0x0  }
0x14: {  	s2 =	sld [smem:$0x3F96];
	s0 =	simm.s32 @p1 $0x1  }
0x15: {  	[smem:$0x3FB3] =	sst s0;
	s0 =	simm.s32 @!p2 $0x0  }
0x16: {  	s3 =	sld [smem:$0x3FDB];
	s0 =	simm.s32 @p2 $0x1  }
0x17: {  	s4 =	simm.s32 $0x1BF5;
	[smem:$0x3FB5] =	sst s0  }
0x18: {  	s0 =	sld [smem:$0x3F98];
	_ =	swait.ge [sflag:s4], $0x0  }
0x19: {  	s7 =	sld [smem:$0x3F99]  }
0x1a: {  	s8 =	sadd.s32 $0xFFFFE003, lr  }
0x1b: {  	s9 =	sadd.s32 $0xFFFFFEF7, lr;
	s5 =	simm.s32 $0xFFFFFFFF;
	p2 =	slt.u32 s8, $0xFFFFF086  }
0x1c: {  	p1 =	slt.u32 s9, $0xF7A;
	s5 =	simm.s32 @!p2 $0x0  }
0x1d: {  	s5 =	simm.s32 @p1 $0x1;
	p0 =	seq.s32 s7, s2  }
0x1e: {  	s7 =	smul.u32 @!p0 $0xF7A, s2;
	p2 =	seq.s32 @!p0 s5, $0x0  }
0x1f: {  	s9 =	smul.u32 $0xF7A, s1;
	s8 =	simm.s32 @!p0 $0x1BF5;
	p2 =	por !p2, p0  }
0x20: {  	[sflag:s8] =	ssyncset.s32 @!p0 $0xFFFFF086;
	s6 =	sadd.s32 @!p0 s3, s7;
	s7 =	simm.s32 @!p0 $0x108  }
0x21: {  	s3 =	sadd.s32 s3, s9;
	s6 =	sadd.s32 @!p0 $0x88, s6;
	s7 =	simm.s32 @p2 $0x1082  }
0x22: {  	[simem:s7], [sflag:s8] =	dma.local @!p0 [hbm:s6], $0xF7A  }
0x23: {  	s9 =	sor.u32 $0xD0000000, s2;
	s6 =	simm.s32 $0x108;
	_ =	swait.ge @!p0 [sflag:s8], $0x0  }
0x24: {  	s3 =	sadd.s32 $0x88, s3;
	s6 =	simm.s32 @!p1 $0x1082;
	[sflag:s4] =	ssyncset.s32 $0xFFFFF086  }
0x25: {  	[simem:s6], [sflag:s4] =	dma.local [hbm:s3], $0xF7A  }
0x26: {  	[smem:$0x3F99] =	sst s1;
	(tag) =	ssettag s2;
	_ =	strace s9  }
0x27: {  	s1 =	sld [smem:$0x3FA9]  }
0x28: {  	s2 =	sld [smem:$0x3FAA]  }
0x29: {  	s4 =	sld [smem:$0x3FAC]  }
0x2a: {  	p0 =	seq.s32 s5, $0x0;
	s5 =	sld [smem:$0x3FAD]  }
0x2b: {  	s6 =	sld [smem:$0x3FAE]  }
0x2c: {  	s7 =	sld [smem:$0x3FAF]  }
0x2d: {  	s3 =	simm.s32 $0x108;
	s8 =	sld [smem:$0x3FB0]  }
0x2e: {  	s3 =	simm.s32 @!p0 $0x1082;
	s9 =	sld [smem:$0x3FB1]  }
0x2f: {  	lr =	sadd.s32 s0, s3;
	s0 =	sld [smem:$0x3FA8]  }
0x30: {  	s3 =	sld [smem:$0x3FAB]  }
0x31: {  	[smem:$0x3FB4] =	sst s10  }
0x32: {  	s10 =	sld [smem:$0x3FB2];
	_ =	sdelay $0x3  }
0x33: {  	p0 =	seq.s32 s10, $0x1;
	s10 =	sld [smem:$0x3FB4];
	_ =	sdelay $0x3  }
0x34: {  	[smem:$0x3FB4] =	sst s10  }
0x35: {  	s10 =	sld [smem:$0x3FB3];
	_ =	sdelay $0x3  }
0x36: {  	p1 =	seq.s32 s10, $0x1;
	s10 =	sld [smem:$0x3FB4];
	_ =	sdelay $0x3  }
0x37: {  	[smem:$0x3FB4] =	sst s10  }
0x38: {  	s10 =	sld [smem:$0x3FB5]  }
0x39: {  	_ = 	snop;
	(pc) =	sbr.ind lr, $3  }
0x3a: {  	_ = 	snop  }
0x3b: {  	_ = 	snop  }
0x3c: {  	p2 =	seq.s32 s10, $0x1;
	s10 =	sld [smem:$0x3FB4]  }
0x3d: {  	_ =	shalt  }
0x3e: {  	_ =	shalt  }
0x3f: {  	_ =	shalt  }
0x40: {  	_ =	shalt  }
0x41: {  	_ =	shalt  }
0x42: {  	_ =	shalt  }
0x43: {  	_ =	shalt  }
0x44: {  	_ =	shalt  }
0x45: {  	_ =	shalt  }
0x46: {  	_ =	shalt  }
0x47: {  	_ =	shalt  }
0x48: {  	_ =	shalt  }
0x49: {  	_ =	shalt  }
0x4a: {  	_ =	shalt  }
0x4b: {  	_ =	shalt  }
0x4c: {  	_ =	shalt  }
0x4d: {  	_ =	shalt  }
0x4e: {  	_ =	shalt  }
0x4f: {  	_ =	shalt  }
0x50: {  	_ =	shalt  }
0x51: {  	_ =	shalt  }
0x52: {  	_ =	shalt  }
0x53: {  	_ =	shalt  }
0x54: {  	_ =	shalt  }
0x55: {  	_ =	shalt  }
0x56: {  	_ =	shalt  }
0x57: {  	_ =	shalt  }
0x58: {  	_ =	shalt  }
0x59: {  	_ =	shalt  }
0x5a: {  	_ =	shalt  }
0x5b: {  	_ =	shalt  }
0x5c: {  	_ =	shalt  }
0x5d: {  	_ =	shalt  }
0x5e: {  	_ =	shalt  }
0x5f: {  	_ =	shalt  }
0x60: {  	_ =	shalt  }
0x61: {  	_ =	shalt  }
0x62: {  	_ =	shalt  }
0x63: {  	_ =	shalt  }
0x64: {  	_ =	shalt  }
0x65: {  	_ =	shalt  }
0x66: {  	_ =	shalt  }
0x67: {  	_ =	shalt  }
0x68: {  	_ =	shalt  }
0x69: {  	_ =	shalt  }
0x6a: {  	_ =	shalt  }
0x6b: {  	_ =	shalt  }
0x6c: {  	_ =	shalt  }
0x6d: {  	_ =	shalt  }
0x6e: {  	_ =	shalt  }
0x6f: {  	_ =	shalt  }
0x70: {  	_ =	shalt  }
0x71: {  	_ =	shalt  }
0x72: {  	_ =	shalt  }
0x73: {  	_ =	shalt  }
0x74: {  	_ =	shalt  }
0x75: {  	_ =	shalt  }
0x76: {  	_ =	shalt  }
0x77: {  	_ =	shalt  }
0x78: {  	_ =	shalt  }
0x79: {  	_ =	shalt  }
0x7a: {  	_ =	shalt  }
0x7b: {  	_ =	shalt  }
0x7c: {  	_ =	shalt  }
0x7d: {  	_ =	shalt  }
0x7e: {  	_ =	shalt  }
0x7f: {  	_ =	shalt  }
0x80: {  	_ =	shalt  }
0x81: {  	_ =	shalt  }
0x82: {  	_ =	shalt  }
0x83: {  	_ =	shalt  }
0x84: {  	_ =	shalt  }
0x85: {  	_ =	shalt  }
0x86: {  	_ =	shalt  }
0x87: {  	_ =	shalt  }
.Lfunc_end0:
.L_simem_size_0:
called_computation.1_lowered:
.L_overlay_start_0:
0x88: {  	s2 =	sld [smem:$0x3FD9]  }
0x89: {  	s3 =	sld [smem:$0x3FFE];
	_ =	sdelay $0x1  }
0x8a: {  	s1 =	srdreg.scid  }
0x8b: {  	s0 =	sand.u32 $0x1, s1  }
0x8c: {  	s16 =	sshll.u32 s0, $0xA;
	s2 =	sadd.s32 s3, s2  }
0x8d: {  	s2 =	sadd.s32 s2, s16  }
0x8e: {  	[smem:$0x3FC0] =	sst s2  }
0x8f: {  	_ = 	snop  }
0x90: {  	(tm) =	ssettm $0x1  }
0x91: {  	s17 =	sld [smem:$0x3FFB];
	_ =	sdelay $0x3  }
0x92: {  	_ =	strace s17  }
0x93: {  	s2 =	sld [smem:$0x3FFC];
	_ =	sdelay $0x3  }
0x94: {  	_ =	strace s2  }
0x95: {  	s2 =	sld [smem:$0x3FFD];
	_ =	sdelay $0x3  }
0x96: {  	_ =	strace s2  }
0x97: {  	_ =	strace $0x8FFFFFFF  }
0x98: {  	s18 =	sld [smem:$0x3FDB];
	_ =	sdelay $0x1  }
0x99: {  	s19 =	simm.s32 $_scs_section_size  }
0x9a: {  	s4 =	simm.s32 $_size__tile_overlayer_lowered;
	s5 =	simm.s32 $_tile_overlayer_lowered  }
0x9b: {  	s22 =	simm.s32 $0x1BFF;
	s21 =	sshll.u32 s5, $0x1;
	s2 =	sadd.s32 s19, s18  }
0x9c: {  	s6 =	simm.s32 $0x0;
	s20 =	sshll.u32 s4, $0x1;
	s4 =	sadd.s32 s21, s2  }
0x9d: {  	[timem:s6], [sflag:s22] =	dma.local [hbm:s4], s20  }
0x9e: {  	_ =	swait.ge [sflag:s22], s20  }
0x9f: {  	s3 =	ssub.s32 $0x0, s20;
	[sflag:s22] =	ssyncset.done $0x0  }
0xa0: {  	[sflag:s22] =	ssyncadd.s32 s3;
	_ =	sdelay $0x1  }
0xa1: {  	s23 =	simm.s32 $0x1B8B  }
0xa2: {  	_ =	swait.ge [sflag:s23], $0x1  }
0xa3: {  	[sflag:s23] =	ssyncset.done $0x0  }
0xa4: {  	s25 =	simm.s32 $0x1B8E;
	s24 =	sld [smem:$0x3FFE];
	[sflag:s23] =	ssyncadd.s32 $0xFFFFFFFF  }
0xa5: {  	s26 =	simm.s32 $execute0_lowered;
	[smem:$0x3FD2] =	sst s25  }
0xa6: {  	s4 =	sshll.u32 s26, $0x1;
	_ =	strace $0x80000049;
	[dreg:$0x1] =	wrdreg $0xFFFFFFFF  }
0xa7: {  	s28 =	simm.s32 $_size_execute0_lowered;
	s2 =	sadd.s32 s2, s4;
	[dreg:$0x0] =	wrdreg $0x0  }
0xa8: {  	s4 =	sshll.u32 s28, $0x1;
	[dreg:$0x2] =	wrdreg s2  }
0xa9: {  	[dreg:$0x3] =	wrdreg s4  }
0xaa: {  	[dreg:$0x4] =	wrdreg $0xC0  }
0xab: {  	_ =	task [dreg:s6], $0x5FFFF  }
0xac: {  	[dreg:$0x1] =	wrdreg $0xFFFFFFFF  }
0xad: {  	[dreg:$0x0] =	wrdreg $0x60  }
0xae: {  	[dreg:$0x2] =	wrdreg s24  }
0xaf: {  	[dreg:$0x3] =	wrdreg $0xA4000  }
0xb0: {  	[dreg:$0x4] =	wrdreg $0x9  }
0xb1: {  	_ =	task.clear_ibuf [dreg:s6], $0x5FFFF;
	_ =	strace $0x90000049  }
0xb2: {  	s29 =	simm.s32 $0x9;
	_ =	strace $0x8000004B  }
0xb3: {  	_ =	swait.ge [sflag:s29], $0x1  }
0xb4: {  	[sflag:s29] =	ssyncadd.s32 $0xFFFFFFFF  }
0xb5: {  	_ =	strace $0x9000004B  }
0xb6: {  	_ =	sfence  }
0xb7: {  	s30 =	sld [smem:$0x0];
	_ =	sdelay $0x2  }
0xb8: {  	s31 =	sshll.u32 s1, $0xD;
	s1 =	sshrl.u32 s1, $0x2  }
0xb9: {  	s3 =	sand.u32 $0x4000, s31;
	s1 =	sadd.s32 s1, s30  }
0xba: {  	s0 =	sor.u32 s3, s0;
	s1 =	sshll.u32 s1, $0x11  }
0xbb: {  	s0 =	sor.u32 s1, s0  }
0xbc: {  	s0 =	sadd.s32 $0x8F2B, s0  }
0xbd: {  	[sflag:s0] =	ssyncadd.remote.s32 $0x1  }
0xbe: {  	_ =	sfence.sel $0xFFFF  }
0xbf: {  	[dreg:$0x0] =	wrdreg $0xFFFFFFFF;
	(pc) =	sbr.abs _section_cstart, $3  }
0xc0: {  	[dreg:$0x1] =	wrdreg $0xFFFFFFFF  }
0xc1: {  	_ =	task.clear_ibuf [dreg:s6], $0x2FFFF;
	_ =	strace $0x9FFFFFFF  }
0xc2: {  	(tm) =	ssettm $0x7FFFFFFF  }
0xc3: {  	_ =	shalt  }
tec
execute0_lowered:
.L_overlay_start_1:
0x0: {  	(tag) =	ssettag $0x1  }
0x1: {  	s0 =	rddreg [dreg:$0x0]  }
0x2: {  	s2 =	rddreg [dreg:$0x1]  }
0x3: {  	s1 =	srdreg.scid;
	s9 =	stileid.u32  }
0x4: {  	s4 =	simm.s32 $0x0;
	s10 =	simm.s32 $0x0;
	s17 =	simm.s32 $0x7C00  }
0x5: {  	s18 =	simm.s32 $0x9;
	s19 =	simm.s32 $0x80;
	s20 =	simm.s32 $0x5C00  }
0x6: {  	s21 =	simm.s32 $0x6400;
	s28 =	simm.s32 $0x2;
	s29 =	simm.s32 $0x3  }
0x7: {  	s30 =	simm.s32 $0x4;
	s31 =	simm.s32 $0x5;
	s3 =	smul.u32 $0x2800, s9  }
0x8: {  	s22 =	simm.s32 $0x0;
	s1 =	sand.u32 $0x1, s1;
	s23 =	smul.u32 $0x440, s9  }
0x9: {  	[smem:$0x7FF] =	sst s4;
	p1 =	seq.s32 s9, $0x0;
	s9 =	smul.u32 $0x58, s9  }
0xa: {  	s4 =	sadd.s32 $0x15C00, s0;
	s7 =	sadd.s32 $0x2200, s0;
	s5 =	smul.u32 $0x28000, s1  }
0xb: {  	_ =	strace $0x8000004A;
	s6 =	ssub.s32 $0x2, s1;
	p0 =	seq.s32 s1, $0x0  }
0xc: {  	s10 =	simm.s32 @!p1 $0x4;
	s8 =	sshrl.u32 s6, $0x1;
	s15 =	sadd.s32 $0x5840, s23  }
0xd: {  	s24 =	sor.u32 s9, s10;
	s23 =	simm.s32 $0x6C00;
	s5 =	sadd.s32 s3, s5  }
0xe: {  	s13 =	ssub.s32 s6, s8;
	s6 =	simm.s32 $0x5C;
	s25 =	sadd.s32 s7, s15  }
0xf: {  	s16 =	sshll.u32 s24, $0x4;
	s5 =	sshrl.u32 s5, $0x3;
	s6 =	simm.s32 @!p1 $0x58  }
0x10: {  	[dreg:$0x3] =	wrdreg s25;
	s26 =	sadd.s32 s7, s16;
	s7 =	sadd.s32 s3, s2  }
0x11: {  	s13 =	smax.u32 s13, $0x1;
	s25 =	simm.s32 $0x7400;
	s3 =	simm.s32 $0x8  }
0x12: {  	s5 =	sadd.s32 s5, s0;
	s6 =	simm.s32 @!p0 $0x44;
	s0 =	sadd.s32 $0xBE40, s0  }
0x13: {  	[dreg:$0x4] =	wrdreg s26;
	p0 =	sne.s32 s1, $0x0;
	s26 =	simm.s32 $0x1  }
0x14: {  	s1 =	simm.s32 $0x7;
	s14 =	sshll.u32 s6, $0x9;
	s12 =	sadd.s32 $0x1AC00, s5  }
0x15: {  	s15 =	sadd.s32 @p0 s15, s0;
	s16 =	sadd.s32 @!p0 s16, s0;
	s11 =	sshrl.u32 s14, $0x2  }
0x16: {  	s0 =	simm.s32 $0x6;
	s14 =	sadd.s32 $0xFFFFF800, s14;
	s8 =	sadd.s32 $0x2C00, s11  }
0x17: {  	v0 =	vimm.f32 $0.0e+00;
	s9 =	sadd.s32 $0x2C80, s11;
	s10 =	sadd.s32 $0x2D00, s11;
	s11 =	sadd.s32 $0x2D80, s11  }
.LBB2_1:
0x18: {  	s5 =	simm.s32 $0x40;
	s24 =	simm.s32 $0x0  }
.LBB2_2:
0x19: {  	p1 =	sne.s32 s5, $0x9FC0;
	[tilespmem:s24+$0x7C00] =	vst v0;
	s24 =	smov.u32 s5;
	s5 =	sadd.s32 $0x40, s5  }
.Ltmp0:
0x1a: {  	(pc) =	sbr.rel @p1 .LBB2_2-.Ltmp0, $2  }
0x1b: {  	_ =	sdelay $0x2  }
0x1c: {  	s24 =	sshra.s32 s24, $0x2  }
0x1d: {  	[tilespmem:s24+$0x7C00] =	vst v0;
	s5 =	simm.s32 @p0 $0x0;
	s6 =	rddreg [dreg:$0x3];
	s24 =	simm.s32 @p0 $0x9  }
0x1e: {  	[tilespmem:s5], [sflag:$0x9] =	stream.linear.gather @p0 [hbm4b:s6+s5], $0x2200, $0x38;
	[tilespmem:$0xCC00] =	vst v63  }
0x1f: {  	_ =	swait.ge @p0 [sflag:s24], $0x2200  }
0x20: {  	[sflag:s24] =	ssyncset.done @p0 $0x0  }
0x21: {  	s6 =	simm.s32 @p0 $0x2E00;
	[sflag:s24] =	ssyncadd.s32 @p0 $0xFFFFDE00  }
0x22: {  	[tilespmem:s6], [sflag:$0x9] =	stream.linear.gather @p0 [hbm4b:s15+s5], $0x2200, $0x38;
	[tilespmem:$0xCC00] =	vst v63  }
0x23: {  	_ =	swait.ge @p0 [sflag:s24], $0x2200  }
0x24: {  	[sflag:s24] =	ssyncset.done @p0 $0x0  }
0x25: {  	s5 =	simm.s32 @!p0 $0x0;
	s6 =	rddreg [dreg:$0x4];
	[sflag:s24] =	ssyncadd.s32 @p0 $0xFFFFDE00  }
0x26: {  	[tilespmem:s5], [sflag:$0x9] =	stream.linear.gather @!p0 [hbm4b:s6+s5], $0x2E00, $0x38;
	[tilespmem:$0xCC00] =	vst v63  }
0x27: {  	s6 =	simm.s32 @!p0 $0x9  }
0x28: {  	_ =	swait.ge @!p0 [sflag:s6], $0x2E00  }
0x29: {  	[sflag:s6] =	ssyncset.done @!p0 $0x0  }
0x2a: {  	s24 =	simm.s32 @!p0 $0x2E00;
	[sflag:s6] =	ssyncadd.s32 @!p0 $0xFFFFD200  }
0x2b: {  	[tilespmem:s24], [sflag:$0x9] =	stream.linear.gather @!p0 [hbm4b:s16+s5], $0x2E00, $0x38;
	[tilespmem:$0xCC00] =	vst v63  }
0x2c: {  	_ =	swait.ge @!p0 [sflag:s6], $0x2E00  }
0x2d: {  	[sflag:s6] =	ssyncset.done @!p0 $0x0  }
0x2e: {  	[sflag:s6] =	ssyncadd.s32 @!p0 $0xFFFFD200  }
0x2f: {  	[spmem:s7] =	stream.linear.scatter [tilespmem:s17], [sflag:$0x9], $0x2800, $0x38;
	[tilespmem:$0xCC00] =	vst v63  }
0x30: {  	_ =	swait.ge [sflag:s18], $0x2800  }
0x31: {  	[sflag:s18] =	ssyncset.done $0x0  }
0x32: {  	[sflag:s18] =	ssyncadd.s32 $0xFFFFD800  }
0x33: {  	s6 =	simm.s32 $0x0;
	[bflag:$0x0] =	sbarrier.arrive $0xFFFF  }
0x34: {  	[tilespmem:s20], [sflag:$0x1] =	stream.indirect.gather [hbm4b:s4+s19], $0x10, s6, s19, $0xb8;
	[tilespmem:$0xCC00] =	vst v63  }
0x35: {  	_ = 	snop  }
0x36: {  	[tilespmem:s21], [sflag:$0x2] =	stream.indirect.gather [hbm4b:s4+s19], $0x10, s19, s19, $0xb8;
	[tilespmem:$0xCC00] =	vst v63  }
0x37: {  	s24 =	simm.s32 $0x100  }
0x38: {  	[tilespmem:s23], [sflag:$0x3] =	stream.indirect.gather [hbm4b:s4+s19], $0x10, s24, s19, $0xb8;
	[tilespmem:$0xCC00] =	vst v63  }
0x39: {  	s6 =	simm.s32 $0x180  }
0x3a: {  	[tilespmem:s25], [sflag:$0x4] =	stream.indirect.gather [hbm4b:s4+s19], $0x10, s6, s19, $0xb8;
	[tilespmem:$0xCC00] =	vst v63  }
0x3b: {  	_ =	swait.ge [sflag:s26], $0x800  }
0x3c: {  	[sflag:s26] =	ssyncset.done $0x0  }
0x3d: {  	s24 =	simm.s32 $0x2E00;
	[sflag:s26] =	ssyncadd.s32 $0xFFFFF800  }
0x3e: {  	[spmem:s2] =	stream.indirect.scatter.add.f32 [tilespmem:s20], [sflag:$0x5], $0x10, s24, s19, $0xb8;
	[tilespmem:$0xCC00] =	vst v63  }
0x3f: {  	_ =	swait.ge [sflag:s28], $0x800  }
0x40: {  	[sflag:s28] =	ssyncset.done $0x0  }
0x41: {  	s6 =	simm.s32 $0x2E80;
	[sflag:s28] =	ssyncadd.s32 $0xFFFFF800  }
0x42: {  	[spmem:s2] =	stream.indirect.scatter.add.f32 [tilespmem:s21], [sflag:$0x6], $0x10, s6, s19, $0xb8;
	[tilespmem:$0xCC00] =	vst v63  }
0x43: {  	_ =	swait.ge [sflag:s29], $0x800  }
0x44: {  	[sflag:s29] =	ssyncset.done $0x0  }
0x45: {  	s24 =	simm.s32 $0x2F00;
	[sflag:s29] =	ssyncadd.s32 $0xFFFFF800  }
0x46: {  	[spmem:s2] =	stream.indirect.scatter.add.f32 [tilespmem:s23], [sflag:$0x7], $0x10, s24, s19, $0xb8;
	[tilespmem:$0xCC00] =	vst v63  }
0x47: {  	_ =	swait.ge [sflag:s30], $0x800  }
0x48: {  	[sflag:s30] =	ssyncset.done $0x0  }
0x49: {  	s6 =	simm.s32 $0x2F80;
	[sflag:s30] =	ssyncadd.s32 $0xFFFFF800  }
0x4a: {  	[spmem:s2] =	stream.indirect.scatter.add.f32 [tilespmem:s25], [sflag:$0x8], $0x10, s6, s19, $0xb8;
	[tilespmem:$0xCC00] =	vst v63  }
0x4b: {  	_ =	swait.ge [sflag:s31], $0x800  }
0x4c: {  	[sflag:s31] =	ssyncset.done $0x0  }
0x4d: {  	s24 =	simm.s32 $0x200;
	[sflag:s31] =	ssyncadd.s32 $0xFFFFF800  }
0x4e: {  	[tilespmem:s20], [sflag:$0x1] =	stream.indirect.gather [hbm4b:s4+s19], $0x10, s24, s19, $0xb8;
	[tilespmem:$0xCC00] =	vst v63  }
0x4f: {  	_ =	swait.ge [sflag:s0], $0x800  }
0x50: {  	[sflag:s0] =	ssyncset.done $0x0  }
0x51: {  	s6 =	simm.s32 $0x280;
	[sflag:s0] =	ssyncadd.s32 $0xFFFFF800  }
0x52: {  	[tilespmem:s21], [sflag:$0x2] =	stream.indirect.gather [hbm4b:s4+s19], $0x10, s6, s19, $0xb8;
	[tilespmem:$0xCC00] =	vst v63  }
0x53: {  	_ =	swait.ge [sflag:s1], $0x800  }
0x54: {  	p1 =	sne.s32 s14, $0x800;
	[sflag:s1] =	ssyncset.done $0x0  }
.Ltmp1:
0x55: {  	s24 =	simm.s32 $0x300;
	[sflag:s1] =	ssyncadd.s32 $0xFFFFF800;
	(pc) =	sbr.rel @!p1 .LBB2_5-.Ltmp1, $4  }
0x56: {  	[tilespmem:s23], [sflag:$0x3] =	stream.indirect.gather [hbm4b:s4+s19], $0x10, s24, s19, $0xb8;
	[tilespmem:$0xCC00] =	vst v63  }
0x57: {  	_ =	swait.ge [sflag:s3], $0x800  }
0x58: {  	[sflag:s3] =	ssyncset.done $0x0  }
0x59: {  	s5 =	simm.s32 $0x380;
	s24 =	simm.s32 $0x800;
	[sflag:s3] =	ssyncadd.s32 $0xFFFFF800  }
.LBB2_4:
0x5a: {  	[tilespmem:s25], [sflag:$0x4] =	stream.indirect.gather [hbm4b:s4+s19], $0x10, s5, s19, $0xb8;
	[tilespmem:$0xCC00] =	vst v63  }
0x5b: {  	s5 =	smov.u32 s24;
	s24 =	sadd.s32 $0x800, s24;
	_ =	swait.ge [sflag:s26], $0x800  }
0x5c: {  	s5 =	sshra.s32 s5, $0x2;
	p1 =	sne.s32 s14, s24;
	[sflag:s26] =	ssyncset.done $0x0  }
0x5d: {  	s6 =	sadd.s32 $0x2E00, s5;
	[sflag:s26] =	ssyncadd.s32 $0xFFFFF800  }
0x5e: {  	[spmem:s2] =	stream.indirect.scatter.add.f32 [tilespmem:s20], [sflag:$0x5], $0x10, s6, s19, $0xb8;
	[tilespmem:$0xCC00] =	vst v63  }
0x5f: {  	_ =	swait.ge [sflag:s28], $0x800  }
0x60: {  	[sflag:s28] =	ssyncset.done $0x0  }
0x61: {  	s6 =	sadd.s32 $0x2E80, s5;
	[sflag:s28] =	ssyncadd.s32 $0xFFFFF800  }
0x62: {  	[spmem:s2] =	stream.indirect.scatter.add.f32 [tilespmem:s21], [sflag:$0x6], $0x10, s6, s19, $0xb8;
	[tilespmem:$0xCC00] =	vst v63  }
0x63: {  	_ =	swait.ge [sflag:s29], $0x800  }
0x64: {  	[sflag:s29] =	ssyncset.done $0x0  }
0x65: {  	s6 =	sadd.s32 $0x2F00, s5;
	[sflag:s29] =	ssyncadd.s32 $0xFFFFF800  }
0x66: {  	[spmem:s2] =	stream.indirect.scatter.add.f32 [tilespmem:s23], [sflag:$0x7], $0x10, s6, s19, $0xb8;
	[tilespmem:$0xCC00] =	vst v63  }
0x67: {  	_ =	swait.ge [sflag:s30], $0x800  }
0x68: {  	[sflag:s30] =	ssyncset.done $0x0  }
0x69: {  	s6 =	sadd.s32 $0x2F80, s5;
	[sflag:s30] =	ssyncadd.s32 $0xFFFFF800  }
0x6a: {  	[spmem:s2] =	stream.indirect.scatter.add.f32 [tilespmem:s25], [sflag:$0x8], $0x10, s6, s19, $0xb8;
	[tilespmem:$0xCC00] =	vst v63  }
0x6b: {  	_ =	swait.ge [sflag:s31], $0x800  }
0x6c: {  	[sflag:s31] =	ssyncset.done $0x0  }
0x6d: {  	s6 =	sadd.s32 $0x200, s5;
	[sflag:s31] =	ssyncadd.s32 $0xFFFFF800  }
0x6e: {  	[tilespmem:s20], [sflag:$0x1] =	stream.indirect.gather [hbm4b:s4+s19], $0x10, s6, s19, $0xb8;
	[tilespmem:$0xCC00] =	vst v63  }
0x6f: {  	_ =	swait.ge [sflag:s0], $0x800  }
0x70: {  	[sflag:s0] =	ssyncset.done $0x0  }
0x71: {  	s6 =	sadd.s32 $0x280, s5;
	[sflag:s0] =	ssyncadd.s32 $0xFFFFF800  }
0x72: {  	[tilespmem:s21], [sflag:$0x2] =	stream.indirect.gather [hbm4b:s4+s19], $0x10, s6, s19, $0xb8;
	[tilespmem:$0xCC00] =	vst v63  }
0x73: {  	_ =	swait.ge [sflag:s1], $0x800  }
0x74: {  	[sflag:s1] =	ssyncset.done $0x0  }
.Ltmp2:
0x75: {  	s6 =	sadd.s32 $0x300, s5;
	[sflag:s1] =	ssyncadd.s32 $0xFFFFF800;
	(pc) =	sbr.rel @p1 .LBB2_4-.Ltmp2, $4  }
0x76: {  	[tilespmem:s23], [sflag:$0x3] =	stream.indirect.gather [hbm4b:s4+s19], $0x10, s6, s19, $0xb8;
	[tilespmem:$0xCC00] =	vst v63  }
0x77: {  	_ =	swait.ge [sflag:s3], $0x800  }
0x78: {  	[sflag:s3] =	ssyncset.done $0x0  }
0x79: {  	s5 =	sadd.s32 $0x380, s5;
	[sflag:s3] =	ssyncadd.s32 $0xFFFFF800  }
.LBB2_5:
0x7a: {  	[tilespmem:s25], [sflag:$0x4] =	stream.indirect.gather [hbm4b:s4+s19], $0x10, s5, s19, $0xb8;
	[tilespmem:$0xCC00] =	vst v63  }
0x7b: {  	_ =	swait.ge [sflag:s26], $0x800  }
0x7c: {  	[sflag:s26] =	ssyncset.done $0x0  }
0x7d: {  	[sflag:s26] =	ssyncadd.s32 $0xFFFFF800  }
0x7e: {  	[spmem:s2] =	stream.indirect.scatter.add.f32 [tilespmem:s20], [sflag:$0x5], $0x10, s8, s19, $0xb8;
	[tilespmem:$0xCC00] =	vst v63  }
0x7f: {  	_ =	swait.ge [sflag:s28], $0x800  }
0x80: {  	[sflag:s28] =	ssyncset.done $0x0  }
0x81: {  	[sflag:s28] =	ssyncadd.s32 $0xFFFFF800  }
0x82: {  	[spmem:s2] =	stream.indirect.scatter.add.f32 [tilespmem:s21], [sflag:$0x6], $0x10, s9, s19, $0xb8;
	[tilespmem:$0xCC00] =	vst v63  }
0x83: {  	_ =	swait.ge [sflag:s29], $0x800  }
0x84: {  	[sflag:s29] =	ssyncset.done $0x0  }
0x85: {  	[sflag:s29] =	ssyncadd.s32 $0xFFFFF800  }
0x86: {  	[spmem:s2] =	stream.indirect.scatter.add.f32 [tilespmem:s23], [sflag:$0x7], $0x10, s10, s19, $0xb8;
	[tilespmem:$0xCC00] =	vst v63  }
0x87: {  	_ =	swait.ge [sflag:s30], $0x800  }
0x88: {  	[sflag:s30] =	ssyncset.done $0x0  }
0x89: {  	[sflag:s30] =	ssyncadd.s32 $0xFFFFF800  }
0x8a: {  	[spmem:s2] =	stream.indirect.scatter.add.f32 [tilespmem:s25], [sflag:$0x8], $0x10, s11, s19, $0xb8;
	[tilespmem:$0xCC00] =	vst v63  }
0x8b: {  	_ =	swait.ge [sflag:s31], $0x800  }
0x8c: {  	[sflag:s31] =	ssyncset.done $0x0  }
0x8d: {  	[sflag:s31] =	ssyncadd.s32 $0xFFFFF800  }
0x8e: {  	_ =	swait.ge [sflag:s0], $0x800  }
0x8f: {  	[sflag:s0] =	ssyncset.done $0x0  }
0x90: {  	[sflag:s0] =	ssyncadd.s32 $0xFFFFF800  }
0x91: {  	_ =	swait.ge [sflag:s1], $0x800  }
0x92: {  	[sflag:s1] =	ssyncset.done $0x0  }
0x93: {  	[sflag:s1] =	ssyncadd.s32 $0xFFFFF800  }
0x94: {  	_ =	swait.ge [sflag:s3], $0x800  }
0x95: {  	[sflag:s3] =	ssyncset.done $0x0  }
0x96: {  	[sflag:s3] =	ssyncadd.s32 $0xFFFFF800  }
0x97: {  	[bflag:$0x0] =	sbarrier.arrive $0xFFFF  }
0x98: {  	[tilespmem:s17], [sflag:$0x9] =	stream.linear.gather [spmem:s7], $0x2800, $0x38;
	[tilespmem:$0xCC00] =	vst v63  }
0x99: {  	s22 =	sadd.s32 $0x1, s22;
	_ =	swait.ge [sflag:s18], $0x2800  }
0x9a: {  	p1 =	sne.s32 s22, s13;
	[sflag:s18] =	ssyncset.done $0x0  }
.Ltmp3:
0x9b: {  	s24 =	simm.s32 $0x0;
	[sflag:s18] =	ssyncadd.s32 $0xFFFFD800;
	(pc) =	sbr.rel @p1 .LBB2_1-.Ltmp3, $4  }
0x9c: {  	[hbm4b:s12+s24] =	stream.linear.scatter [tilespmem:s17], [sflag:$0x9], $0x2800, $0x38;
	[tilespmem:$0xCC00] =	vst v63  }
0x9d: {  	_ =	swait.ge [sflag:s18], $0x2800  }
0x9e: {  	[sflag:s18] =	ssyncset.done $0x0  }
0x9f: {  	[sflag:s18] =	ssyncadd.s32 $0xFFFFD800  }
0xa0: {  	_ =	sfence.sel $0x180000  }
0xa1: {  	[bflag:$0x0] =	sbarrier.arrive $0xFFFF  }
0xa2: {  	_ =	strace $0x9000004A  }
0xa3: {  	s0 =	stileid.u32;
	[bflag:$0x2] =	sbarrier.arrive $0xFFFF  }
0xa4: {  	p0 =	sne.s32 s0, $0x0;
	s0 =	rddreg [dreg:$0x2]  }
0xa5: {  	s0 =	sadd.s32 @!p0 $0x100000, s0  }
0xa6: {  	[sflag:s0] =	ssyncadd.tile.s32 @!p0 $0x1;
	_ =	shalt  }
.Lfunc_end2:
_tile_overlayer_lowered:
.L_overlay_start_2:
0xa7: {  	(tag) =	ssettag $0x2  }
0xa8: {  	s0 =	rddreg [dreg:$0x0];
	s2 =	stileid.u32  }
0xa9: {  	s1 =	rddreg [dreg:$0x1];
	p0 =	sne.s32 s2, $0x0  }
0xaa: {  	s3 =	rddreg [dreg:$0x2];
	[bflag:$0x3] =	sbarrier.arrive $0xFFFF;
	s2 =	simm.s32 @!p0 $0x1C09  }
0xab: {  	[timem:s3], [sflag:s2] =	dma.local @!p0 [hbm:s0], s1  }
0xac: {  	s0 =	simm.s32 @!p0 $0x9  }
0xad: {  	_ =	swait.ge @!p0 [sflag:s0], s1  }
0xae: {  	s1 =	ssub.s32 @!p0 $0x0, s1;
	[sflag:s0] =	ssyncset.done @!p0 $0x0  }
0xaf: {  	[sflag:s0] =	ssyncadd.s32 @!p0 s1  }
0xb0: {  	[bflag:$0x3] =	sbarrier.arrive $0xFFFF  }
0xb1: {  	_ =	shalt  }

// kernel: kernel.15.cloned.1.call-start
scs
__scs_entry_jumppad:
0x0: {  	(pc) =	sbr.rel $0x88, $3  }
0x1: {  	(tag) =	ssettag $0x0;
	lr =	simm.s32 $0x1  }
0x2: {  	[smem:$0x3F99] =	sst lr;
	_ =	strace $0xD0000000  }
0x3: {  	_ = 	snop  }
0x4: {  	_ = 	snop  }
0x5: {  	_ = 	snop  }
0x6: {  	_ = 	snop  }
0x7: {  	_ = 	snop  }
__scs_overlays_trampoline_lowered:
0x8: {  	[smem:$0x3FA8] =	sst s0  }
0x9: {  	[smem:$0x3FA9] =	sst s1  }
0xa: {  	[smem:$0x3FAA] =	sst s2  }
0xb: {  	[smem:$0x3FAB] =	sst s3  }
0xc: {  	[smem:$0x3FAC] =	sst s4  }
0xd: {  	[smem:$0x3FAD] =	sst s5  }
0xe: {  	[smem:$0x3FAE] =	sst s6  }
0xf: {  	[smem:$0x3FAF] =	sst s7  }
0x10: {  	[smem:$0x3FB0] =	sst s8  }
0x11: {  	[smem:$0x3FB1] =	sst s9;
	s0 =	simm.s32 @!p0 $0x0  }
0x12: {  	s1 =	sld [smem:$0x3F97];
	s0 =	simm.s32 @p0 $0x1  }
0x13: {  	[smem:$0x3FB2] =	sst s0;
	s0 =	simm.s32 @!p1 $0x0  }
0x14: {  	s2 =	sld [smem:$0x3F96];
	s0 =	simm.s32 @p1 $0x1  }
0x15: {  	[smem:$0x3FB3] =	sst s0;
	s0 =	simm.s32 @!p2 $0x0  }
0x16: {  	s3 =	sld [smem:$0x3FDB];
	s0 =	simm.s32 @p2 $0x1  }
0x17: {  	s4 =	simm.s32 $0x1BF5;
	[smem:$0x3FB5] =	sst s0  }
0x18: {  	s0 =	sld [smem:$0x3F98];
	_ =	swait.ge [sflag:s4], $0x0  }
0x19: {  	s7 =	sld [smem:$0x3F99]  }
0x1a: {  	s8 =	sadd.s32 $0xFFFFE003, lr  }
0x1b: {  	s9 =	sadd.s32 $0xFFFFFEF7, lr;
	s5 =	simm.s32 $0xFFFFFFFF;
	p2 =	slt.u32 s8, $0xFFFFF086  }
0x1c: {  	p1 =	slt.u32 s9, $0xF7A;
	s5 =	simm.s32 @!p2 $0x0  }
0x1d: {  	s5 =	simm.s32 @p1 $0x1;
	p0 =	seq.s32 s7, s2  }
0x1e: {  	s7 =	smul.u32 @!p0 $0xF7A, s2;
	p2 =	seq.s32 @!p0 s5, $0x0  }
0x1f: {  	s9 =	smul.u32 $0xF7A, s1;
	s8 =	simm.s32 @!p0 $0x1BF5;
	p2 =	por !p2, p0  }
0x20: {  	[sflag:s8] =	ssyncset.s32 @!p0 $0xFFFFF086;
	s6 =	sadd.s32 @!p0 s3, s7;
	s7 =	simm.s32 @!p0 $0x108  }
0x21: {  	s3 =	sadd.s32 s3, s9;
	s6 =	sadd.s32 @!p0 $0x88, s6;
	s7 =	simm.s32 @p2 $0x1082  }
0x22: {  	[simem:s7], [sflag:s8] =	dma.local @!p0 [hbm:s6], $0xF7A  }
0x23: {  	s9 =	sor.u32 $0xD0000000, s2;
	s6 =	simm.s32 $0x108;
	_ =	swait.ge @!p0 [sflag:s8], $0x0  }
0x24: {  	s3 =	sadd.s32 $0x88, s3;
	s6 =	simm.s32 @!p1 $0x1082;
	[sflag:s4] =	ssyncset.s32 $0xFFFFF086  }
0x25: {  	[simem:s6], [sflag:s4] =	dma.local [hbm:s3], $0xF7A  }
0x26: {  	[smem:$0x3F99] =	sst s1;
	(tag) =	ssettag s2;
	_ =	strace s9  }
0x27: {  	s1 =	sld [smem:$0x3FA9]  }
0x28: {  	s2 =	sld [smem:$0x3FAA]  }
0x29: {  	s4 =	sld [smem:$0x3FAC]  }
0x2a: {  	p0 =	seq.s32 s5, $0x0;
	s5 =	sld [smem:$0x3FAD]  }
0x2b: {  	s6 =	sld [smem:$0x3FAE]  }
0x2c: {  	s7 =	sld [smem:$0x3FAF]  }
0x2d: {  	s3 =	simm.s32 $0x108;
	s8 =	sld [smem:$0x3FB0]  }
0x2e: {  	s3 =	simm.s32 @!p0 $0x1082;
	s9 =	sld [smem:$0x3FB1]  }
0x2f: {  	lr =	sadd.s32 s0, s3;
	s0 =	sld [smem:$0x3FA8]  }
0x30: {  	s3 =	sld [smem:$0x3FAB]  }
0x31: {  	[smem:$0x3FB4] =	sst s10  }
0x32: {  	s10 =	sld [smem:$0x3FB2];
	_ =	sdelay $0x3  }
0x33: {  	p0 =	seq.s32 s10, $0x1;
	s10 =	sld [smem:$0x3FB4];
	_ =	sdelay $0x3  }
0x34: {  	[smem:$0x3FB4] =	sst s10  }
0x35: {  	s10 =	sld [smem:$0x3FB3];
	_ =	sdelay $0x3  }
0x36: {  	p1 =	seq.s32 s10, $0x1;
	s10 =	sld [smem:$0x3FB4];
	_ =	sdelay $0x3  }
0x37: {  	[smem:$0x3FB4] =	sst s10  }
0x38: {  	s10 =	sld [smem:$0x3FB5]  }
0x39: {  	_ = 	snop;
	(pc) =	sbr.ind lr, $3  }
0x3a: {  	_ = 	snop  }
0x3b: {  	_ = 	snop  }
0x3c: {  	p2 =	seq.s32 s10, $0x1;
	s10 =	sld [smem:$0x3FB4]  }
0x3d: {  	_ =	shalt  }
0x3e: {  	_ =	shalt  }
0x3f: {  	_ =	shalt  }
0x40: {  	_ =	shalt  }
0x41: {  	_ =	shalt  }
0x42: {  	_ =	shalt  }
0x43: {  	_ =	shalt  }
0x44: {  	_ =	shalt  }
0x45: {  	_ =	shalt  }
0x46: {  	_ =	shalt  }
0x47: {  	_ =	shalt  }
0x48: {  	_ =	shalt  }
0x49: {  	_ =	shalt  }
0x4a: {  	_ =	shalt  }
0x4b: {  	_ =	shalt  }
0x4c: {  	_ =	shalt  }
0x4d: {  	_ =	shalt  }
0x4e: {  	_ =	shalt  }
0x4f: {  	_ =	shalt  }
0x50: {  	_ =	shalt  }
0x51: {  	_ =	shalt  }
0x52: {  	_ =	shalt  }
0x53: {  	_ =	shalt  }
0x54: {  	_ =	shalt  }
0x55: {  	_ =	shalt  }
0x56: {  	_ =	shalt  }
0x57: {  	_ =	shalt  }
0x58: {  	_ =	shalt  }
0x59: {  	_ =	shalt  }
0x5a: {  	_ =	shalt  }
0x5b: {  	_ =	shalt  }
0x5c: {  	_ =	shalt  }
0x5d: {  	_ =	shalt  }
0x5e: {  	_ =	shalt  }
0x5f: {  	_ =	shalt  }
0x60: {  	_ =	shalt  }
0x61: {  	_ =	shalt  }
0x62: {  	_ =	shalt  }
0x63: {  	_ =	shalt  }
0x64: {  	_ =	shalt  }
0x65: {  	_ =	shalt  }
0x66: {  	_ =	shalt  }
0x67: {  	_ =	shalt  }
0x68: {  	_ =	shalt  }
0x69: {  	_ =	shalt  }
0x6a: {  	_ =	shalt  }
0x6b: {  	_ =	shalt  }
0x6c: {  	_ =	shalt  }
0x6d: {  	_ =	shalt  }
0x6e: {  	_ =	shalt  }
0x6f: {  	_ =	shalt  }
0x70: {  	_ =	shalt  }
0x71: {  	_ =	shalt  }
0x72: {  	_ =	shalt  }
0x73: {  	_ =	shalt  }
0x74: {  	_ =	shalt  }
0x75: {  	_ =	shalt  }
0x76: {  	_ =	shalt  }
0x77: {  	_ =	shalt  }
0x78: {  	_ =	shalt  }
0x79: {  	_ =	shalt  }
0x7a: {  	_ =	shalt  }
0x7b: {  	_ =	shalt  }
0x7c: {  	_ =	shalt  }
0x7d: {  	_ =	shalt  }
0x7e: {  	_ =	shalt  }
0x7f: {  	_ =	shalt  }
0x80: {  	_ =	shalt  }
0x81: {  	_ =	shalt  }
0x82: {  	_ =	shalt  }
0x83: {  	_ =	shalt  }
0x84: {  	_ =	shalt  }
0x85: {  	_ =	shalt  }
0x86: {  	_ =	shalt  }
0x87: {  	_ =	shalt  }
.Lfunc_end0:
.L_simem_size_0:
called_computation.2_lowered:
.L_overlay_start_0:
0x88: {  	s2 =	sld [smem:$0x3FD9]  }
0x89: {  	s3 =	sld [smem:$0x3FFE];
	_ =	sdelay $0x1  }
0x8a: {  	s1 =	srdreg.scid  }
0x8b: {  	s0 =	sand.u32 $0x1, s1  }
0x8c: {  	s16 =	sshll.u32 s0, $0xA;
	s2 =	sadd.s32 s3, s2  }
0x8d: {  	s2 =	sadd.s32 s2, s16  }
0x8e: {  	[smem:$0x3FC0] =	sst s2  }
0x8f: {  	_ = 	snop  }
0x90: {  	(tm) =	ssettm $0x1  }
0x91: {  	s17 =	sld [smem:$0x3FFB];
	_ =	sdelay $0x3  }
0x92: {  	_ =	strace s17  }
0x93: {  	s2 =	sld [smem:$0x3FFC];
	_ =	sdelay $0x3  }
0x94: {  	_ =	strace s2  }
0x95: {  	s2 =	sld [smem:$0x3FFD];
	_ =	sdelay $0x3  }
0x96: {  	_ =	strace s2  }
0x97: {  	_ =	strace $0x8FFFFFFF  }
0x98: {  	s18 =	sld [smem:$0x3FDB];
	_ =	sdelay $0x1  }
0x99: {  	s19 =	simm.s32 $_scs_section_size  }
0x9a: {  	s4 =	simm.s32 $_size__tile_overlayer_lowered;
	s5 =	simm.s32 $_tile_overlayer_lowered  }
0x9b: {  	s22 =	simm.s32 $0x1BFF;
	s21 =	sshll.u32 s5, $0x1;
	s2 =	sadd.s32 s19, s18  }
0x9c: {  	s6 =	simm.s32 $0x0;
	s20 =	sshll.u32 s4, $0x1;
	s4 =	sadd.s32 s21, s2  }
0x9d: {  	[timem:s6], [sflag:s22] =	dma.local [hbm:s4], s20  }
0x9e: {  	_ =	swait.ge [sflag:s22], s20  }
0x9f: {  	s3 =	ssub.s32 $0x0, s20;
	[sflag:s22] =	ssyncset.done $0x0  }
0xa0: {  	[sflag:s22] =	ssyncadd.s32 s3;
	_ =	sdelay $0x1  }
0xa1: {  	s23 =	simm.s32 $0x1B8B  }
0xa2: {  	_ =	swait.ge [sflag:s23], $0x1  }
0xa3: {  	[sflag:s23] =	ssyncset.done $0x0  }
0xa4: {  	s25 =	simm.s32 $0x1B8E;
	s24 =	sld [smem:$0x3FFE];
	[sflag:s23] =	ssyncadd.s32 $0xFFFFFFFF  }
0xa5: {  	s26 =	simm.s32 $execute0_lowered;
	[smem:$0x3FD2] =	sst s25  }
0xa6: {  	s4 =	sshll.u32 s26, $0x1;
	_ =	strace $0x8000004C;
	[dreg:$0x1] =	wrdreg $0xFFFFFFFF  }
0xa7: {  	s28 =	simm.s32 $_size_execute0_lowered;
	s2 =	sadd.s32 s2, s4;
	[dreg:$0x0] =	wrdreg $0x0  }
0xa8: {  	s4 =	sshll.u32 s28, $0x1;
	[dreg:$0x2] =	wrdreg s2  }
0xa9: {  	[dreg:$0x3] =	wrdreg s4  }
0xaa: {  	[dreg:$0x4] =	wrdreg $0xC0  }
0xab: {  	_ =	task [dreg:s6], $0x5FFFF  }
0xac: {  	[dreg:$0x1] =	wrdreg $0xFFFFFFFF  }
0xad: {  	[dreg:$0x0] =	wrdreg $0x60  }
0xae: {  	[dreg:$0x2] =	wrdreg s24  }
0xaf: {  	[dreg:$0x3] =	wrdreg $0xA4000  }
0xb0: {  	[dreg:$0x4] =	wrdreg $0x9  }
0xb1: {  	_ =	task.clear_ibuf [dreg:s6], $0x5FFFF;
	_ =	strace $0x9000004C  }
0xb2: {  	s29 =	simm.s32 $0x9;
	_ =	strace $0x8000004E  }
0xb3: {  	_ =	swait.ge [sflag:s29], $0x1  }
0xb4: {  	[sflag:s29] =	ssyncadd.s32 $0xFFFFFFFF  }
0xb5: {  	_ =	strace $0x9000004E  }
0xb6: {  	_ =	sfence  }
0xb7: {  	s30 =	sld [smem:$0x0];
	_ =	sdelay $0x2  }
0xb8: {  	s31 =	sshll.u32 s1, $0xD;
	s1 =	sshrl.u32 s1, $0x2  }
0xb9: {  	s3 =	sand.u32 $0x4000, s31;
	s1 =	sadd.s32 s1, s30  }
0xba: {  	s0 =	sor.u32 s3, s0;
	s1 =	sshll.u32 s1, $0x11  }
0xbb: {  	s0 =	sor.u32 s1, s0  }
0xbc: {  	s0 =	sadd.s32 $0x8F2B, s0  }
0xbd: {  	[sflag:s0] =	ssyncadd.remote.s32 $0x1  }
0xbe: {  	_ =	sfence.sel $0xFFFF  }
0xbf: {  	[dreg:$0x0] =	wrdreg $0xFFFFFFFF;
	(pc) =	sbr.abs _section_cstart, $3  }
0xc0: {  	[dreg:$0x1] =	wrdreg $0xFFFFFFFF  }
0xc1: {  	_ =	task.clear_ibuf [dreg:s6], $0x2FFFF;
	_ =	strace $0x9FFFFFFF  }
0xc2: {  	(tm) =	ssettm $0x7FFFFFFF  }
0xc3: {  	_ =	shalt  }
tec
execute0_lowered:
.L_overlay_start_1:
0x0: {  	(tag) =	ssettag $0x1  }
0x1: {  	s0 =	rddreg [dreg:$0x0]  }
0x2: {  	s2 =	rddreg [dreg:$0x1]  }
0x3: {  	s1 =	srdreg.scid;
	s9 =	stileid.u32  }
0x4: {  	s4 =	simm.s32 $0x0;
	s10 =	simm.s32 $0x0;
	s17 =	simm.s32 $0x7C00  }
0x5: {  	s18 =	simm.s32 $0x9;
	s19 =	simm.s32 $0x80;
	s20 =	simm.s32 $0x5C00  }
0x6: {  	s21 =	simm.s32 $0x6400;
	s28 =	simm.s32 $0x2;
	s29 =	simm.s32 $0x3  }
0x7: {  	s30 =	simm.s32 $0x4;
	s31 =	simm.s32 $0x5;
	s3 =	smul.u32 $0x2800, s9  }
0x8: {  	s22 =	simm.s32 $0x0;
	s1 =	sand.u32 $0x1, s1;
	s23 =	smul.u32 $0x440, s9  }
0x9: {  	[smem:$0x7FF] =	sst s4;
	p1 =	seq.s32 s9, $0x0;
	s9 =	smul.u32 $0x58, s9  }
0xa: {  	s4 =	sadd.s32 $0x15C00, s0;
	s7 =	sadd.s32 $0x2200, s0;
	s5 =	smul.u32 $0x28000, s1  }
0xb: {  	_ =	strace $0x8000004D;
	s6 =	ssub.s32 $0x2, s1;
	p0 =	seq.s32 s1, $0x0  }
0xc: {  	s10 =	simm.s32 @!p1 $0x4;
	s8 =	sshrl.u32 s6, $0x1;
	s15 =	sadd.s32 $0x5840, s23  }
0xd: {  	s24 =	sor.u32 s9, s10;
	s23 =	simm.s32 $0x6C00;
	s5 =	sadd.s32 s3, s5  }
0xe: {  	s13 =	ssub.s32 s6, s8;
	s6 =	simm.s32 $0x5C;
	s25 =	sadd.s32 s7, s15  }
0xf: {  	s16 =	sshll.u32 s24, $0x4;
	s5 =	sshrl.u32 s5, $0x3;
	s6 =	simm.s32 @!p1 $0x58  }
0x10: {  	[dreg:$0x3] =	wrdreg s25;
	s26 =	sadd.s32 s7, s16;
	s7 =	sadd.s32 s3, s2  }
0x11: {  	s13 =	smax.u32 s13, $0x1;
	s25 =	simm.s32 $0x7400;
	s3 =	simm.s32 $0x8  }
0x12: {  	s5 =	sadd.s32 s5, s0;
	s6 =	simm.s32 @!p0 $0x44;
	s0 =	sadd.s32 $0xBE40, s0  }
0x13: {  	[dreg:$0x4] =	wrdreg s26;
	p0 =	sne.s32 s1, $0x0;
	s26 =	simm.s32 $0x1  }
0x14: {  	s1 =	simm.s32 $0x7;
	s14 =	sshll.u32 s6, $0x9;
	s12 =	sadd.s32 $0x1AC00, s5  }
0x15: {  	s15 =	sadd.s32 @p0 s15, s0;
	s16 =	sadd.s32 @!p0 s16, s0;
	s11 =	sshrl.u32 s14, $0x2  }
0x16: {  	s0 =	simm.s32 $0x6;
	s14 =	sadd.s32 $0xFFFFF800, s14;
	s8 =	sadd.s32 $0x2C00, s11  }
0x17: {  	v0 =	vimm.f32 $0.0e+00;
	s9 =	sadd.s32 $0x2C80, s11;
	s10 =	sadd.s32 $0x2D00, s11;
	s11 =	sadd.s32 $0x2D80, s11  }
.LBB2_1:
0x18: {  	s5 =	simm.s32 $0x40;
	s24 =	simm.s32 $0x0  }
.LBB2_2:
0x19: {  	p1 =	sne.s32 s5, $0x9FC0;
	[tilespmem:s24+$0x7C00] =	vst v0;
	s24 =	smov.u32 s5;
	s5 =	sadd.s32 $0x40, s5  }
.Ltmp0:
0x1a: {  	(pc) =	sbr.rel @p1 .LBB2_2-.Ltmp0, $2  }
0x1b: {  	_ =	sdelay $0x2  }
0x1c: {  	s24 =	sshra.s32 s24, $0x2  }
0x1d: {  	[tilespmem:s24+$0x7C00] =	vst v0;
	s5 =	simm.s32 @p0 $0x0;
	s6 =	rddreg [dreg:$0x3];
	s24 =	simm.s32 @p0 $0x9  }
0x1e: {  	[tilespmem:s5], [sflag:$0x9] =	stream.linear.gather @p0 [hbm4b:s6+s5], $0x2200, $0x38;
	[tilespmem:$0xCC00] =	vst v63  }
0x1f: {  	_ =	swait.ge @p0 [sflag:s24], $0x2200  }
0x20: {  	[sflag:s24] =	ssyncset.done @p0 $0x0  }
0x21: {  	s6 =	simm.s32 @p0 $0x2E00;
	[sflag:s24] =	ssyncadd.s32 @p0 $0xFFFFDE00  }
0x22: {  	[tilespmem:s6], [sflag:$0x9] =	stream.linear.gather @p0 [hbm4b:s15+s5], $0x2200, $0x38;
	[tilespmem:$0xCC00] =	vst v63  }
0x23: {  	_ =	swait.ge @p0 [sflag:s24], $0x2200  }
0x24: {  	[sflag:s24] =	ssyncset.done @p0 $0x0  }
0x25: {  	s5 =	simm.s32 @!p0 $0x0;
	s6 =	rddreg [dreg:$0x4];
	[sflag:s24] =	ssyncadd.s32 @p0 $0xFFFFDE00  }
0x26: {  	[tilespmem:s5], [sflag:$0x9] =	stream.linear.gather @!p0 [hbm4b:s6+s5], $0x2E00, $0x38;
	[tilespmem:$0xCC00] =	vst v63  }
0x27: {  	s6 =	simm.s32 @!p0 $0x9  }
0x28: {  	_ =	swait.ge @!p0 [sflag:s6], $0x2E00  }
0x29: {  	[sflag:s6] =	ssyncset.done @!p0 $0x0  }
0x2a: {  	s24 =	simm.s32 @!p0 $0x2E00;
	[sflag:s6] =	ssyncadd.s32 @!p0 $0xFFFFD200  }
0x2b: {  	[tilespmem:s24], [sflag:$0x9] =	stream.linear.gather @!p0 [hbm4b:s16+s5], $0x2E00, $0x38;
	[tilespmem:$0xCC00] =	vst v63  }
0x2c: {  	_ =	swait.ge @!p0 [sflag:s6], $0x2E00  }
0x2d: {  	[sflag:s6] =	ssyncset.done @!p0 $0x0  }
0x2e: {  	[sflag:s6] =	ssyncadd.s32 @!p0 $0xFFFFD200  }
0x2f: {  	[spmem:s7] =	stream.linear.scatter [tilespmem:s17], [sflag:$0x9], $0x2800, $0x38;
	[tilespmem:$0xCC00] =	vst v63  }
0x30: {  	_ =	swait.ge [sflag:s18], $0x2800  }
0x31: {  	[sflag:s18] =	ssyncset.done $0x0  }
0x32: {  	[sflag:s18] =	ssyncadd.s32 $0xFFFFD800  }
0x33: {  	s6 =	simm.s32 $0x0;
	[bflag:$0x0] =	sbarrier.arrive $0xFFFF  }
0x34: {  	[tilespmem:s20], [sflag:$0x1] =	stream.indirect.gather [hbm4b:s4+s19], $0x10, s6, s19, $0xb8;
	[tilespmem:$0xCC00] =	vst v63  }
0x35: {  	_ = 	snop  }
0x36: {  	[tilespmem:s21], [sflag:$0x2] =	stream.indirect.gather [hbm4b:s4+s19], $0x10, s19, s19, $0xb8;
	[tilespmem:$0xCC00] =	vst v63  }
0x37: {  	s24 =	simm.s32 $0x100  }
0x38: {  	[tilespmem:s23], [sflag:$0x3] =	stream.indirect.gather [hbm4b:s4+s19], $0x10, s24, s19, $0xb8;
	[tilespmem:$0xCC00] =	vst v63  }
0x39: {  	s6 =	simm.s32 $0x180  }
0x3a: {  	[tilespmem:s25], [sflag:$0x4] =	stream.indirect.gather [hbm4b:s4+s19], $0x10, s6, s19, $0xb8;
	[tilespmem:$0xCC00] =	vst v63  }
0x3b: {  	_ =	swait.ge [sflag:s26], $0x800  }
0x3c: {  	[sflag:s26] =	ssyncset.done $0x0  }
0x3d: {  	s24 =	simm.s32 $0x2E00;
	[sflag:s26] =	ssyncadd.s32 $0xFFFFF800  }
0x3e: {  	[spmem:s2] =	stream.indirect.scatter.add.f32 [tilespmem:s20], [sflag:$0x5], $0x10, s24, s19, $0xb8;
	[tilespmem:$0xCC00] =	vst v63  }
0x3f: {  	_ =	swait.ge [sflag:s28], $0x800  }
0x40: {  	[sflag:s28] =	ssyncset.done $0x0  }
0x41: {  	s6 =	simm.s32 $0x2E80;
	[sflag:s28] =	ssyncadd.s32 $0xFFFFF800  }
0x42: {  	[spmem:s2] =	stream.indirect.scatter.add.f32 [tilespmem:s21], [sflag:$0x6], $0x10, s6, s19, $0xb8;
	[tilespmem:$0xCC00] =	vst v63  }
0x43: {  	_ =	swait.ge [sflag:s29], $0x800  }
0x44: {  	[sflag:s29] =	ssyncset.done $0x0  }
0x45: {  	s24 =	simm.s32 $0x2F00;
	[sflag:s29] =	ssyncadd.s32 $0xFFFFF800  }
0x46: {  	[spmem:s2] =	stream.indirect.scatter.add.f32 [tilespmem:s23], [sflag:$0x7], $0x10, s24, s19, $0xb8;
	[tilespmem:$0xCC00] =	vst v63  }
0x47: {  	_ =	swait.ge [sflag:s30], $0x800  }
0x48: {  	[sflag:s30] =	ssyncset.done $0x0  }
0x49: {  	s6 =	simm.s32 $0x2F80;
	[sflag:s30] =	ssyncadd.s32 $0xFFFFF800  }
0x4a: {  	[spmem:s2] =	stream.indirect.scatter.add.f32 [tilespmem:s25], [sflag:$0x8], $0x10, s6, s19, $0xb8;
	[tilespmem:$0xCC00] =	vst v63  }
0x4b: {  	_ =	swait.ge [sflag:s31], $0x800  }
0x4c: {  	[sflag:s31] =	ssyncset.done $0x0  }
0x4d: {  	s24 =	simm.s32 $0x200;
	[sflag:s31] =	ssyncadd.s32 $0xFFFFF800  }
0x4e: {  	[tilespmem:s20], [sflag:$0x1] =	stream.indirect.gather [hbm4b:s4+s19], $0x10, s24, s19, $0xb8;
	[tilespmem:$0xCC00] =	vst v63  }
0x4f: {  	_ =	swait.ge [sflag:s0], $0x800  }
0x50: {  	[sflag:s0] =	ssyncset.done $0x0  }
0x51: {  	s6 =	simm.s32 $0x280;
	[sflag:s0] =	ssyncadd.s32 $0xFFFFF800  }
0x52: {  	[tilespmem:s21], [sflag:$0x2] =	stream.indirect.gather [hbm4b:s4+s19], $0x10, s6, s19, $0xb8;
	[tilespmem:$0xCC00] =	vst v63  }
0x53: {  	_ =	swait.ge [sflag:s1], $0x800  }
0x54: {  	p1 =	sne.s32 s14, $0x800;
	[sflag:s1] =	ssyncset.done $0x0  }
.Ltmp1:
0x55: {  	s24 =	simm.s32 $0x300;
	[sflag:s1] =	ssyncadd.s32 $0xFFFFF800;
	(pc) =	sbr.rel @!p1 .LBB2_5-.Ltmp1, $4  }
0x56: {  	[tilespmem:s23], [sflag:$0x3] =	stream.indirect.gather [hbm4b:s4+s19], $0x10, s24, s19, $0xb8;
	[tilespmem:$0xCC00] =	vst v63  }
0x57: {  	_ =	swait.ge [sflag:s3], $0x800  }
0x58: {  	[sflag:s3] =	ssyncset.done $0x0  }
0x59: {  	s5 =	simm.s32 $0x380;
	s24 =	simm.s32 $0x800;
	[sflag:s3] =	ssyncadd.s32 $0xFFFFF800  }
.LBB2_4:
0x5a: {  	[tilespmem:s25], [sflag:$0x4] =	stream.indirect.gather [hbm4b:s4+s19], $0x10, s5, s19, $0xb8;
	[tilespmem:$0xCC00] =	vst v63  }
0x5b: {  	s5 =	smov.u32 s24;
	s24 =	sadd.s32 $0x800, s24;
	_ =	swait.ge [sflag:s26], $0x800  }
0x5c: {  	s5 =	sshra.s32 s5, $0x2;
	p1 =	sne.s32 s14, s24;
	[sflag:s26] =	ssyncset.done $0x0  }
0x5d: {  	s6 =	sadd.s32 $0x2E00, s5;
	[sflag:s26] =	ssyncadd.s32 $0xFFFFF800  }
0x5e: {  	[spmem:s2] =	stream.indirect.scatter.add.f32 [tilespmem:s20], [sflag:$0x5], $0x10, s6, s19, $0xb8;
	[tilespmem:$0xCC00] =	vst v63  }
0x5f: {  	_ =	swait.ge [sflag:s28], $0x800  }
0x60: {  	[sflag:s28] =	ssyncset.done $0x0  }
0x61: {  	s6 =	sadd.s32 $0x2E80, s5;
	[sflag:s28] =	ssyncadd.s32 $0xFFFFF800  }
0x62: {  	[spmem:s2] =	stream.indirect.scatter.add.f32 [tilespmem:s21], [sflag:$0x6], $0x10, s6, s19, $0xb8;
	[tilespmem:$0xCC00] =	vst v63  }
0x63: {  	_ =	swait.ge [sflag:s29], $0x800  }
0x64: {  	[sflag:s29] =	ssyncset.done $0x0  }
0x65: {  	s6 =	sadd.s32 $0x2F00, s5;
	[sflag:s29] =	ssyncadd.s32 $0xFFFFF800  }
0x66: {  	[spmem:s2] =	stream.indirect.scatter.add.f32 [tilespmem:s23], [sflag:$0x7], $0x10, s6, s19, $0xb8;
	[tilespmem:$0xCC00] =	vst v63  }
0x67: {  	_ =	swait.ge [sflag:s30], $0x800  }
0x68: {  	[sflag:s30] =	ssyncset.done $0x0  }
0x69: {  	s6 =	sadd.s32 $0x2F80, s5;
	[sflag:s30] =	ssyncadd.s32 $0xFFFFF800  }
0x6a: {  	[spmem:s2] =	stream.indirect.scatter.add.f32 [tilespmem:s25], [sflag:$0x8], $0x10, s6, s19, $0xb8;
	[tilespmem:$0xCC00] =	vst v63  }
0x6b: {  	_ =	swait.ge [sflag:s31], $0x800  }
0x6c: {  	[sflag:s31] =	ssyncset.done $0x0  }
0x6d: {  	s6 =	sadd.s32 $0x200, s5;
	[sflag:s31] =	ssyncadd.s32 $0xFFFFF800  }
0x6e: {  	[tilespmem:s20], [sflag:$0x1] =	stream.indirect.gather [hbm4b:s4+s19], $0x10, s6, s19, $0xb8;
	[tilespmem:$0xCC00] =	vst v63  }
0x6f: {  	_ =	swait.ge [sflag:s0], $0x800  }
0x70: {  	[sflag:s0] =	ssyncset.done $0x0  }
0x71: {  	s6 =	sadd.s32 $0x280, s5;
	[sflag:s0] =	ssyncadd.s32 $0xFFFFF800  }
0x72: {  	[tilespmem:s21], [sflag:$0x2] =	stream.indirect.gather [hbm4b:s4+s19], $0x10, s6, s19, $0xb8;
	[tilespmem:$0xCC00] =	vst v63  }
0x73: {  	_ =	swait.ge [sflag:s1], $0x800  }
0x74: {  	[sflag:s1] =	ssyncset.done $0x0  }
.Ltmp2:
0x75: {  	s6 =	sadd.s32 $0x300, s5;
	[sflag:s1] =	ssyncadd.s32 $0xFFFFF800;
	(pc) =	sbr.rel @p1 .LBB2_4-.Ltmp2, $4  }
0x76: {  	[tilespmem:s23], [sflag:$0x3] =	stream.indirect.gather [hbm4b:s4+s19], $0x10, s6, s19, $0xb8;
	[tilespmem:$0xCC00] =	vst v63  }
0x77: {  	_ =	swait.ge [sflag:s3], $0x800  }
0x78: {  	[sflag:s3] =	ssyncset.done $0x0  }
0x79: {  	s5 =	sadd.s32 $0x380, s5;
	[sflag:s3] =	ssyncadd.s32 $0xFFFFF800  }
.LBB2_5:
0x7a: {  	[tilespmem:s25], [sflag:$0x4] =	stream.indirect.gather [hbm4b:s4+s19], $0x10, s5, s19, $0xb8;
	[tilespmem:$0xCC00] =	vst v63  }
0x7b: {  	_ =	swait.ge [sflag:s26], $0x800  }
0x7c: {  	[sflag:s26] =	ssyncset.done $0x0  }
0x7d: {  	[sflag:s26] =	ssyncadd.s32 $0xFFFFF800  }
0x7e: {  	[spmem:s2] =	stream.indirect.scatter.add.f32 [tilespmem:s20], [sflag:$0x5], $0x10, s8, s19, $0xb8;
	[tilespmem:$0xCC00] =	vst v63  }
0x7f: {  	_ =	swait.ge [sflag:s28], $0x800  }
0x80: {  	[sflag:s28] =	ssyncset.done $0x0  }
0x81: {  	[sflag:s28] =	ssyncadd.s32 $0xFFFFF800  }
0x82: {  	[spmem:s2] =	stream.indirect.scatter.add.f32 [tilespmem:s21], [sflag:$0x6], $0x10, s9, s19, $0xb8;
	[tilespmem:$0xCC00] =	vst v63  }
0x83: {  	_ =	swait.ge [sflag:s29], $0x800  }
0x84: {  	[sflag:s29] =	ssyncset.done $0x0  }
0x85: {  	[sflag:s29] =	ssyncadd.s32 $0xFFFFF800  }
0x86: {  	[spmem:s2] =	stream.indirect.scatter.add.f32 [tilespmem:s23], [sflag:$0x7], $0x10, s10, s19, $0xb8;
	[tilespmem:$0xCC00] =	vst v63  }
0x87: {  	_ =	swait.ge [sflag:s30], $0x800  }
0x88: {  	[sflag:s30] =	ssyncset.done $0x0  }
0x89: {  	[sflag:s30] =	ssyncadd.s32 $0xFFFFF800  }
0x8a: {  	[spmem:s2] =	stream.indirect.scatter.add.f32 [tilespmem:s25], [sflag:$0x8], $0x10, s11, s19, $0xb8;
	[tilespmem:$0xCC00] =	vst v63  }
0x8b: {  	_ =	swait.ge [sflag:s31], $0x800  }
0x8c: {  	[sflag:s31] =	ssyncset.done $0x0  }
0x8d: {  	[sflag:s31] =	ssyncadd.s32 $0xFFFFF800  }
0x8e: {  	_ =	swait.ge [sflag:s0], $0x800  }
0x8f: {  	[sflag:s0] =	ssyncset.done $0x0  }
0x90: {  	[sflag:s0] =	ssyncadd.s32 $0xFFFFF800  }
0x91: {  	_ =	swait.ge [sflag:s1], $0x800  }
0x92: {  	[sflag:s1] =	ssyncset.done $0x0  }
0x93: {  	[sflag:s1] =	ssyncadd.s32 $0xFFFFF800  }
0x94: {  	_ =	swait.ge [sflag:s3], $0x800  }
0x95: {  	[sflag:s3] =	ssyncset.done $0x0  }
0x96: {  	[sflag:s3] =	ssyncadd.s32 $0xFFFFF800  }
0x97: {  	[bflag:$0x0] =	sbarrier.arrive $0xFFFF  }
0x98: {  	[tilespmem:s17], [sflag:$0x9] =	stream.linear.gather [spmem:s7], $0x2800, $0x38;
	[tilespmem:$0xCC00] =	vst v63  }
0x99: {  	s22 =	sadd.s32 $0x1, s22;
	_ =	swait.ge [sflag:s18], $0x2800  }
0x9a: {  	p1 =	sne.s32 s22, s13;
	[sflag:s18] =	ssyncset.done $0x0  }
.Ltmp3:
0x9b: {  	s24 =	simm.s32 $0x0;
	[sflag:s18] =	ssyncadd.s32 $0xFFFFD800;
	(pc) =	sbr.rel @p1 .LBB2_1-.Ltmp3, $4  }
0x9c: {  	[hbm4b:s12+s24] =	stream.linear.scatter [tilespmem:s17], [sflag:$0x9], $0x2800, $0x38;
	[tilespmem:$0xCC00] =	vst v63  }
0x9d: {  	_ =	swait.ge [sflag:s18], $0x2800  }
0x9e: {  	[sflag:s18] =	ssyncset.done $0x0  }
0x9f: {  	[sflag:s18] =	ssyncadd.s32 $0xFFFFD800  }
0xa0: {  	_ =	sfence.sel $0x180000  }
0xa1: {  	[bflag:$0x0] =	sbarrier.arrive $0xFFFF  }
0xa2: {  	_ =	strace $0x9000004D  }
0xa3: {  	s0 =	stileid.u32;
	[bflag:$0x2] =	sbarrier.arrive $0xFFFF  }
0xa4: {  	p0 =	sne.s32 s0, $0x0;
	s0 =	rddreg [dreg:$0x2]  }
0xa5: {  	s0 =	sadd.s32 @!p0 $0x100000, s0  }
0xa6: {  	[sflag:s0] =	ssyncadd.tile.s32 @!p0 $0x1;
	_ =	shalt  }
.Lfunc_end2:
_tile_overlayer_lowered:
.L_overlay_start_2:
0xa7: {  	(tag) =	ssettag $0x2  }
0xa8: {  	s0 =	rddreg [dreg:$0x0];
	s2 =	stileid.u32  }
0xa9: {  	s1 =	rddreg [dreg:$0x1];
	p0 =	sne.s32 s2, $0x0  }
0xaa: {  	s3 =	rddreg [dreg:$0x2];
	[bflag:$0x3] =	sbarrier.arrive $0xFFFF;
	s2 =	simm.s32 @!p0 $0x1C09  }
0xab: {  	[timem:s3], [sflag:s2] =	dma.local @!p0 [hbm:s0], s1  }
0xac: {  	s0 =	simm.s32 @!p0 $0x9  }
0xad: {  	_ =	swait.ge @!p0 [sflag:s0], s1  }
0xae: {  	s1 =	ssub.s32 @!p0 $0x0, s1;
	[sflag:s0] =	ssyncset.done @!p0 $0x0  }
0xaf: {  	[sflag:s0] =	ssyncadd.s32 @!p0 s1  }
0xb0: {  	[bflag:$0x3] =	sbarrier.arrive $0xFFFF  }
0xb1: {  	_ =	shalt  }

// kernel: kernel.9.cloned.1.call-start
scs
__scs_entry_jumppad:
0x0: {  	(pc) =	sbr.rel $0x88, $3  }
0x1: {  	(tag) =	ssettag $0x0;
	lr =	simm.s32 $0x1  }
0x2: {  	[smem:$0x3F99] =	sst lr;
	_ =	strace $0xD0000000  }
0x3: {  	_ = 	snop  }
0x4: {  	_ = 	snop  }
0x5: {  	_ = 	snop  }
0x6: {  	_ = 	snop  }
0x7: {  	_ = 	snop  }
__scs_overlays_trampoline_lowered:
0x8: {  	[smem:$0x3FA8] =	sst s0  }
0x9: {  	[smem:$0x3FA9] =	sst s1  }
0xa: {  	[smem:$0x3FAA] =	sst s2  }
0xb: {  	[smem:$0x3FAB] =	sst s3  }
0xc: {  	[smem:$0x3FAC] =	sst s4  }
0xd: {  	[smem:$0x3FAD] =	sst s5  }
0xe: {  	[smem:$0x3FAE] =	sst s6  }
0xf: {  	[smem:$0x3FAF] =	sst s7  }
0x10: {  	[smem:$0x3FB0] =	sst s8  }
0x11: {  	[smem:$0x3FB1] =	sst s9;
	s0 =	simm.s32 @!p0 $0x0  }
0x12: {  	s1 =	sld [smem:$0x3F97];
	s0 =	simm.s32 @p0 $0x1  }
0x13: {  	[smem:$0x3FB2] =	sst s0;
	s0 =	simm.s32 @!p1 $0x0  }
0x14: {  	s2 =	sld [smem:$0x3F96];
	s0 =	simm.s32 @p1 $0x1  }
0x15: {  	[smem:$0x3FB3] =	sst s0;
	s0 =	simm.s32 @!p2 $0x0  }
0x16: {  	s3 =	sld [smem:$0x3FDB];
	s0 =	simm.s32 @p2 $0x1  }
0x17: {  	s4 =	simm.s32 $0x1BF5;
	[smem:$0x3FB5] =	sst s0  }
0x18: {  	s0 =	sld [smem:$0x3F98];
	_ =	swait.ge [sflag:s4], $0x0  }
0x19: {  	s7 =	sld [smem:$0x3F99]  }
0x1a: {  	s8 =	sadd.s32 $0xFFFFE003, lr  }
0x1b: {  	s9 =	sadd.s32 $0xFFFFFEF7, lr;
	s5 =	simm.s32 $0xFFFFFFFF;
	p2 =	slt.u32 s8, $0xFFFFF086  }
0x1c: {  	p1 =	slt.u32 s9, $0xF7A;
	s5 =	simm.s32 @!p2 $0x0  }
0x1d: {  	s5 =	simm.s32 @p1 $0x1;
	p0 =	seq.s32 s7, s2  }
0x1e: {  	s7 =	smul.u32 @!p0 $0xF7A, s2;
	p2 =	seq.s32 @!p0 s5, $0x0  }
0x1f: {  	s9 =	smul.u32 $0xF7A, s1;
	s8 =	simm.s32 @!p0 $0x1BF5;
	p2 =	por !p2, p0  }
0x20: {  	[sflag:s8] =	ssyncset.s32 @!p0 $0xFFFFF086;
	s6 =	sadd.s32 @!p0 s3, s7;
	s7 =	simm.s32 @!p0 $0x108  }
0x21: {  	s3 =	sadd.s32 s3, s9;
	s6 =	sadd.s32 @!p0 $0x88, s6;
	s7 =	simm.s32 @p2 $0x1082  }
0x22: {  	[simem:s7], [sflag:s8] =	dma.local @!p0 [hbm:s6], $0xF7A  }
0x23: {  	s9 =	sor.u32 $0xD0000000, s2;
	s6 =	simm.s32 $0x108;
	_ =	swait.ge @!p0 [sflag:s8], $0x0  }
0x24: {  	s3 =	sadd.s32 $0x88, s3;
	s6 =	simm.s32 @!p1 $0x1082;
	[sflag:s4] =	ssyncset.s32 $0xFFFFF086  }
0x25: {  	[simem:s6], [sflag:s4] =	dma.local [hbm:s3], $0xF7A  }
0x26: {  	[smem:$0x3F99] =	sst s1;
	(tag) =	ssettag s2;
	_ =	strace s9  }
0x27: {  	s1 =	sld [smem:$0x3FA9]  }
0x28: {  	s2 =	sld [smem:$0x3FAA]  }
0x29: {  	s4 =	sld [smem:$0x3FAC]  }
0x2a: {  	p0 =	seq.s32 s5, $0x0;
	s5 =	sld [smem:$0x3FAD]  }
0x2b: {  	s6 =	sld [smem:$0x3FAE]  }
0x2c: {  	s7 =	sld [smem:$0x3FAF]  }
0x2d: {  	s3 =	simm.s32 $0x108;
	s8 =	sld [smem:$0x3FB0]  }
0x2e: {  	s3 =	simm.s32 @!p0 $0x1082;
	s9 =	sld [smem:$0x3FB1]  }
0x2f: {  	lr =	sadd.s32 s0, s3;
	s0 =	sld [smem:$0x3FA8]  }
0x30: {  	s3 =	sld [smem:$0x3FAB]  }
0x31: {  	[smem:$0x3FB4] =	sst s10  }
0x32: {  	s10 =	sld [smem:$0x3FB2];
	_ =	sdelay $0x3  }
0x33: {  	p0 =	seq.s32 s10, $0x1;
	s10 =	sld [smem:$0x3FB4];
	_ =	sdelay $0x3  }
0x34: {  	[smem:$0x3FB4] =	sst s10  }
0x35: {  	s10 =	sld [smem:$0x3FB3];
	_ =	sdelay $0x3  }
0x36: {  	p1 =	seq.s32 s10, $0x1;
	s10 =	sld [smem:$0x3FB4];
	_ =	sdelay $0x3  }
0x37: {  	[smem:$0x3FB4] =	sst s10  }
0x38: {  	s10 =	sld [smem:$0x3FB5]  }
0x39: {  	_ = 	snop;
	(pc) =	sbr.ind lr, $3  }
0x3a: {  	_ = 	snop  }
0x3b: {  	_ = 	snop  }
0x3c: {  	p2 =	seq.s32 s10, $0x1;
	s10 =	sld [smem:$0x3FB4]  }
0x3d: {  	_ =	shalt  }
0x3e: {  	_ =	shalt  }
0x3f: {  	_ =	shalt  }
0x40: {  	_ =	shalt  }
0x41: {  	_ =	shalt  }
0x42: {  	_ =	shalt  }
0x43: {  	_ =	shalt  }
0x44: {  	_ =	shalt  }
0x45: {  	_ =	shalt  }
0x46: {  	_ =	shalt  }
0x47: {  	_ =	shalt  }
0x48: {  	_ =	shalt  }
0x49: {  	_ =	shalt  }
0x4a: {  	_ =	shalt  }
0x4b: {  	_ =	shalt  }
0x4c: {  	_ =	shalt  }
0x4d: {  	_ =	shalt  }
0x4e: {  	_ =	shalt  }
0x4f: {  	_ =	shalt  }
0x50: {  	_ =	shalt  }
0x51: {  	_ =	shalt  }
0x52: {  	_ =	shalt  }
0x53: {  	_ =	shalt  }
0x54: {  	_ =	shalt  }
0x55: {  	_ =	shalt  }
0x56: {  	_ =	shalt  }
0x57: {  	_ =	shalt  }
0x58: {  	_ =	shalt  }
0x59: {  	_ =	shalt  }
0x5a: {  	_ =	shalt  }
0x5b: {  	_ =	shalt  }
0x5c: {  	_ =	shalt  }
0x5d: {  	_ =	shalt  }
0x5e: {  	_ =	shalt  }
0x5f: {  	_ =	shalt  }
0x60: {  	_ =	shalt  }
0x61: {  	_ =	shalt  }
0x62: {  	_ =	shalt  }
0x63: {  	_ =	shalt  }
0x64: {  	_ =	shalt  }
0x65: {  	_ =	shalt  }
0x66: {  	_ =	shalt  }
0x67: {  	_ =	shalt  }
0x68: {  	_ =	shalt  }
0x69: {  	_ =	shalt  }
0x6a: {  	_ =	shalt  }
0x6b: {  	_ =	shalt  }
0x6c: {  	_ =	shalt  }
0x6d: {  	_ =	shalt  }
0x6e: {  	_ =	shalt  }
0x6f: {  	_ =	shalt  }
0x70: {  	_ =	shalt  }
0x71: {  	_ =	shalt  }
0x72: {  	_ =	shalt  }
0x73: {  	_ =	shalt  }
0x74: {  	_ =	shalt  }
0x75: {  	_ =	shalt  }
0x76: {  	_ =	shalt  }
0x77: {  	_ =	shalt  }
0x78: {  	_ =	shalt  }
0x79: {  	_ =	shalt  }
0x7a: {  	_ =	shalt  }
0x7b: {  	_ =	shalt  }
0x7c: {  	_ =	shalt  }
0x7d: {  	_ =	shalt  }
0x7e: {  	_ =	shalt  }
0x7f: {  	_ =	shalt  }
0x80: {  	_ =	shalt  }
0x81: {  	_ =	shalt  }
0x82: {  	_ =	shalt  }
0x83: {  	_ =	shalt  }
0x84: {  	_ =	shalt  }
0x85: {  	_ =	shalt  }
0x86: {  	_ =	shalt  }
0x87: {  	_ =	shalt  }
.Lfunc_end0:
.L_simem_size_0:
called_computation_lowered:
.L_overlay_start_0:
0x88: {  	s2 =	sld [smem:$0x3FD9]  }
0x89: {  	s3 =	sld [smem:$0x3FFE];
	_ =	sdelay $0x1  }
0x8a: {  	s1 =	srdreg.scid  }
0x8b: {  	s0 =	sand.u32 $0x1, s1  }
0x8c: {  	s16 =	sshll.u32 s0, $0xA;
	s2 =	sadd.s32 s3, s2  }
0x8d: {  	s2 =	sadd.s32 s2, s16  }
0x8e: {  	[smem:$0x3FC0] =	sst s2  }
0x8f: {  	_ = 	snop  }
0x90: {  	(tm) =	ssettm $0x1  }
0x91: {  	s17 =	sld [smem:$0x3FFB];
	_ =	sdelay $0x3  }
0x92: {  	_ =	strace s17  }
0x93: {  	s2 =	sld [smem:$0x3FFC];
	_ =	sdelay $0x3  }
0x94: {  	_ =	strace s2  }
0x95: {  	s2 =	sld [smem:$0x3FFD];
	_ =	sdelay $0x3  }
0x96: {  	_ =	strace s2  }
0x97: {  	_ =	strace $0x8FFFFFFF  }
0x98: {  	s18 =	sld [smem:$0x3FDB];
	_ =	sdelay $0x1  }
0x99: {  	s19 =	simm.s32 $_scs_section_size  }
0x9a: {  	s4 =	simm.s32 $_size__tile_overlayer_lowered;
	s5 =	simm.s32 $_tile_overlayer_lowered  }
0x9b: {  	s22 =	simm.s32 $0x1BFF;
	s21 =	sshll.u32 s5, $0x1;
	s2 =	sadd.s32 s19, s18  }
0x9c: {  	s6 =	simm.s32 $0x0;
	s20 =	sshll.u32 s4, $0x1;
	s4 =	sadd.s32 s21, s2  }
0x9d: {  	[timem:s6], [sflag:s22] =	dma.local [hbm:s4], s20  }
0x9e: {  	_ =	swait.ge [sflag:s22], s20  }
0x9f: {  	s3 =	ssub.s32 $0x0, s20;
	[sflag:s22] =	ssyncset.done $0x0  }
0xa0: {  	[sflag:s22] =	ssyncadd.s32 s3;
	_ =	sdelay $0x1  }
0xa1: {  	s23 =	simm.s32 $0x1B8B  }
0xa2: {  	_ =	swait.ge [sflag:s23], $0x1  }
0xa3: {  	[sflag:s23] =	ssyncset.done $0x0  }
0xa4: {  	s25 =	simm.s32 $0x1B8E;
	s24 =	sld [smem:$0x3FFE];
	[sflag:s23] =	ssyncadd.s32 $0xFFFFFFFF  }
0xa5: {  	s26 =	simm.s32 $execute0_lowered;
	[smem:$0x3FD2] =	sst s25  }
0xa6: {  	s4 =	sshll.u32 s26, $0x1;
	_ =	strace $0x80000046;
	[dreg:$0x1] =	wrdreg $0xFFFFFFFF  }
0xa7: {  	s28 =	simm.s32 $_size_execute0_lowered;
	s2 =	sadd.s32 s2, s4;
	[dreg:$0x0] =	wrdreg $0x0  }
0xa8: {  	s4 =	sshll.u32 s28, $0x1;
	[dreg:$0x2] =	wrdreg s2  }
0xa9: {  	[dreg:$0x3] =	wrdreg s4  }
0xaa: {  	[dreg:$0x4] =	wrdreg $0xC0  }
0xab: {  	_ =	task [dreg:s6], $0x5FFFF  }
0xac: {  	[dreg:$0x1] =	wrdreg $0xFFFFFFFF  }
0xad: {  	[dreg:$0x0] =	wrdreg $0x60  }
0xae: {  	[dreg:$0x2] =	wrdreg s24  }
0xaf: {  	[dreg:$0x3] =	wrdreg $0x31000  }
0xb0: {  	[dreg:$0x4] =	wrdreg $0x9  }
0xb1: {  	_ =	task.clear_ibuf [dreg:s6], $0x5FFFF;
	_ =	strace $0x90000046  }
0xb2: {  	s29 =	simm.s32 $0x9;
	_ =	strace $0x80000048  }
0xb3: {  	_ =	swait.ge [sflag:s29], $0x1  }
0xb4: {  	[sflag:s29] =	ssyncadd.s32 $0xFFFFFFFF  }
0xb5: {  	_ =	strace $0x90000048  }
0xb6: {  	_ =	sfence  }
0xb7: {  	s30 =	sld [smem:$0x0];
	_ =	sdelay $0x2  }
0xb8: {  	s31 =	sshll.u32 s1, $0xD;
	s1 =	sshrl.u32 s1, $0x2  }
0xb9: {  	s3 =	sand.u32 $0x4000, s31;
	s1 =	sadd.s32 s1, s30  }
0xba: {  	s0 =	sor.u32 s3, s0;
	s1 =	sshll.u32 s1, $0x11  }
0xbb: {  	s0 =	sor.u32 s1, s0  }
0xbc: {  	s0 =	sadd.s32 $0x8F2B, s0  }
0xbd: {  	[sflag:s0] =	ssyncadd.remote.s32 $0x1  }
0xbe: {  	_ =	sfence.sel $0xFFFF  }
0xbf: {  	[dreg:$0x0] =	wrdreg $0xFFFFFFFF;
	(pc) =	sbr.abs _section_cstart, $3  }
0xc0: {  	[dreg:$0x1] =	wrdreg $0xFFFFFFFF  }
0xc1: {  	_ =	task.clear_ibuf [dreg:s6], $0x2FFFF;
	_ =	strace $0x9FFFFFFF  }
0xc2: {  	(tm) =	ssettm $0x7FFFFFFF  }
0xc3: {  	_ =	shalt  }
tec
execute0_lowered:
.L_overlay_start_1:
0x0: {  	(tag) =	ssettag $0x1  }
0x1: {  	s1 =	srdreg.scid;
	s4 =	rddreg [dreg:$0x0]  }
0x2: {  	s0 =	stileid.u32;
	s2 =	rddreg [dreg:$0x1];
	s3 =	simm.s32 $0x0  }
0x3: {  	s9 =	simm.s32 $0x0;
	s13 =	simm.s32 $0x2E00;
	s14 =	simm.s32 $0x100  }
0x4: {  	s15 =	simm.s32 $0x180;
	s16 =	simm.s32 $0x1;
	s5 =	smul.u32 $0x280, s0  }
0x5: {  	s10 =	sand.u32 $0x1, s1;
	s1 =	rddreg [dreg:$0x2];
	s30 =	smul.u32 $0x58, s0  }
0x6: {  	s17 =	simm.s32 $0x0;
	[smem:$0x7FF] =	sst s3;
	s11 =	smul.u32 $0x440, s0  }
0x7: {  	p0 =	seq.s32 s0, $0x0;
	s31 =	sadd.s32 $0xBE40, s4;
	s6 =	smul.u32 $0x2800, s10  }
0x8: {  	s7 =	ssub.s32 $0x2, s10;
	_ =	strace $0x80000047;
	p1 =	seq.s32 s10, $0x0  }
0x9: {  	s9 =	simm.s32 @!p0 $0x4;
	s8 =	sshrl.u32 s7, $0x1;
	s11 =	sadd.s32 s31, s11  }
0xa: {  	s6 =	sadd.s32 s5, s6;
	s7 =	ssub.s32 s7, s8;
	s8 =	sor.u32 s30, s9  }
0xb: {  	s5 =	sadd.s32 s5, s2;
	s6 =	sshrl.u32 s6, $0x3;
	s12 =	sshll.u32 s8, $0x4  }
0xc: {  	s7 =	smax.u32 s7, $0x1;
	s8 =	sadd.s32 $0x5840, s11;
	s11 =	simm.s32 $0x2  }
0xd: {  	s6 =	sadd.s32 s6, s4;
	s4 =	simm.s32 $0x16;
	s9 =	sadd.s32 s12, s31  }
0xe: {  	s12 =	simm.s32 $0x80;
	s4 =	simm.s32 @!p0 $0x15;
	s6 =	sadd.s32 $0x15C00, s6  }
0xf: {  	v0 =	vimm.f32 $1.000000000e+00;
	v1 =	vimm.f32 $0.0e+00;
	p0 =	sne.s32 s10, $0x0;
	s10 =	simm.s32 $0x2E80;
	s4 =	simm.s32 @!p1 $0x10  }
.LBB2_1:
0x10: {  	[tilespmem:$0x2E00] =	vst v0  }
0x11: {  	[tilespmem:$0x2E10] =	vst v0  }
0x12: {  	[tilespmem:$0x2E20] =	vst v0  }
0x13: {  	[tilespmem:$0x2E30] =	vst v0  }
0x14: {  	[tilespmem:$0x2E40] =	vst v0  }
0x15: {  	[tilespmem:$0x2E50] =	vst v0  }
0x16: {  	[tilespmem:$0x2E60] =	vst v0  }
0x17: {  	[tilespmem:$0x2E70] =	vst v0  }
0x18: {  	[tilespmem:$0x2E80] =	vst v1  }
0x19: {  	[tilespmem:$0x2E90] =	vst v1  }
0x1a: {  	[tilespmem:$0x2EA0] =	vst v1  }
0x1b: {  	[tilespmem:$0x2EB0] =	vst v1  }
0x1c: {  	[tilespmem:$0x2EC0] =	vst v1  }
0x1d: {  	[tilespmem:$0x2ED0] =	vst v1  }
0x1e: {  	[tilespmem:$0x2EE0] =	vst v1  }
0x1f: {  	[tilespmem:$0x2EF0] =	vst v1  }
0x20: {  	[tilespmem:$0x2F00] =	vst v1  }
0x21: {  	[tilespmem:$0x2F10] =	vst v1  }
0x22: {  	[tilespmem:$0x2F20] =	vst v1  }
0x23: {  	[tilespmem:$0x2F30] =	vst v1  }
0x24: {  	[tilespmem:$0x2F40] =	vst v1  }
0x25: {  	[tilespmem:$0x2F50] =	vst v1  }
0x26: {  	[tilespmem:$0x2F60] =	vst v1  }
0x27: {  	[tilespmem:$0x2F70] =	vst v1  }
0x28: {  	[tilespmem:$0x2F80] =	vst v1  }
0x29: {  	[tilespmem:$0x2F90] =	vst v1  }
0x2a: {  	[tilespmem:$0x2FA0] =	vst v1  }
0x2b: {  	[tilespmem:$0x2FB0] =	vst v1  }
0x2c: {  	[tilespmem:$0x2FC0] =	vst v1  }
0x2d: {  	[tilespmem:$0x2FD0] =	vst v1  }
0x2e: {  	[tilespmem:$0x2FE0] =	vst v1  }
0x2f: {  	[tilespmem:$0x2FF0] =	vst v1  }
0x30: {  	[tilespmem:$0x3000] =	vst v1  }
0x31: {  	[tilespmem:$0x3010] =	vst v1  }
0x32: {  	[tilespmem:$0x3020] =	vst v1  }
0x33: {  	[tilespmem:$0x3030] =	vst v1  }
0x34: {  	[tilespmem:$0x3040] =	vst v1  }
0x35: {  	[tilespmem:$0x3050] =	vst v1  }
0x36: {  	[tilespmem:$0x3060] =	vst v1  }
0x37: {  	[tilespmem:$0x3070] =	vst v1  }
0x38: {  	[tilespmem:$0x3080] =	vst v1  }
0x39: {  	[tilespmem:$0x3090] =	vst v1  }
0x3a: {  	[tilespmem:$0x30A0] =	vst v1  }
0x3b: {  	[tilespmem:$0x30B0] =	vst v1  }
0x3c: {  	[tilespmem:$0x30C0] =	vst v1  }
0x3d: {  	[tilespmem:$0x30D0] =	vst v1  }
0x3e: {  	[tilespmem:$0x30E0] =	vst v1  }
0x3f: {  	[tilespmem:$0x30F0] =	vst v1;
	s18 =	simm.s32 @p0 $0x0  }
0x40: {  	[tilespmem:s18], [sflag:$0x2] =	stream.linear.gather @p0 [hbm4b:s8+s18], $0x2200, $0x38;
	[tilespmem:$0x3380] =	vst v63  }
0x41: {  	s18 =	simm.s32 @p0 $0x2  }
0x42: {  	_ =	swait.ge @p0 [sflag:s18], $0x2200  }
0x43: {  	[sflag:s18] =	ssyncset.done @p0 $0x0  }
0x44: {  	[sflag:s18] =	ssyncadd.s32 @p0 $0xFFFFDE00;
	s18 =	simm.s32 @!p0 $0x0  }
0x45: {  	[tilespmem:s18], [sflag:$0x2] =	stream.linear.gather @!p0 [hbm4b:s9+s18], $0x2E00, $0x38;
	[tilespmem:$0x3380] =	vst v63  }
0x46: {  	s18 =	simm.s32 @!p0 $0x2  }
0x47: {  	_ =	swait.ge @!p0 [sflag:s18], $0x2E00  }
0x48: {  	[sflag:s18] =	ssyncset.done @!p0 $0x0  }
0x49: {  	[sflag:s18] =	ssyncadd.s32 @!p0 $0xFFFFD200  }
0x4a: {  	[spmem:s5] =	stream.linear.scatter [tilespmem:s10], [sflag:$0x2], $0x280, $0x38;
	[tilespmem:$0x3380] =	vst v63  }
0x4b: {  	_ =	swait.ge [sflag:s11], $0x280  }
0x4c: {  	[sflag:s11] =	ssyncset.done $0x0  }
0x4d: {  	[sflag:s11] =	ssyncadd.s32 $0xFFFFFD80  }
0x4e: {  	[bflag:$0x0] =	sbarrier.arrive $0xFFFF  }
0x4f: {  	[spmem:s2] =	stream.indirect.scatter.add.f32 [tilespmem:s13], [sflag:$0x1], $0x1, s3, s12, $0xb8;
	[tilespmem:$0x3380] =	vst v63  }
0x50: {  	p2 =	sne.s32 s4, $0x1  }
0x51: {  	[spmem:s2] =	stream.indirect.scatter.add.f32 [tilespmem:s13], [sflag:$0x1], $0x1, s12, s12, $0xb8;
	[tilespmem:$0x3380] =	vst v63  }
.Ltmp0:
0x52: {  	_ = 	snop;
	(pc) =	sbr.rel @!p2 .LBB2_4-.Ltmp0, $4  }
0x53: {  	_ = 	snop  }
0x54: {  	[spmem:s2] =	stream.indirect.scatter.add.f32 [tilespmem:s13], [sflag:$0x1], $0x1, s14, s12, $0xb8;
	[tilespmem:$0x3380] =	vst v63  }
0x55: {  	s19 =	sadd.s32 $0xFFFFFFFF, s4;
	p1 =	por $0x0, $0x0;
	s18 =	simm.s32 $0x380  }
0x56: {  	[spmem:s2] =	stream.indirect.scatter.add.f32 [tilespmem:s13], [sflag:$0x1], $0x1, s15, s12, $0xb8;
	[tilespmem:$0x3380] =	vst v63  }
0x57: {  	s20 =	simm.s32 $0x200  }
0x58: {  	[spmem:s2] =	stream.indirect.scatter.add.f32 [tilespmem:s13], [sflag:$0x1], $0x1, s20, s12, $0xb8;
	[tilespmem:$0x3380] =	vst v63  }
0x59: {  	s30 =	simm.s32 $0x280  }
0x5a: {  	[spmem:s2] =	stream.indirect.scatter.add.f32 [tilespmem:s13], [sflag:$0x1], $0x1, s30, s12, $0xb8;
	[tilespmem:$0x3380] =	vst v63  }
0x5b: {  	s31 =	simm.s32 $0x300  }
0x5c: {  	[spmem:s2] =	stream.indirect.scatter.add.f32 [tilespmem:s13], [sflag:$0x1], $0x1, s31, s12, $0xb8;
	[tilespmem:$0x3380] =	vst v63  }
0x5d: {  	_ = 	snop  }
0x5e: {  	[spmem:s2] =	stream.indirect.scatter.add.f32 [tilespmem:s13], [sflag:$0x1], $0x1, s18, s12, $0xb8;
	[tilespmem:$0x3380] =	vst v63  }
0x5f: {  	_ =	swait.ge [sflag:s16], $0x80  }
0x60: {  	[sflag:s16] =	ssyncset.done $0x0  }
0x61: {  	[sflag:s16] =	ssyncadd.s32 $0xFFFFFF80  }
0x62: {  	_ =	swait.ge [sflag:s16], $0x80  }
0x63: {  	[sflag:s16] =	ssyncset.done $0x0  }
0x64: {  	p2 =	sne.s32 s19, $0x1;
	[sflag:s16] =	ssyncadd.s32 $0xFFFFFF80  }
.Ltmp1:
0x65: {  	_ =	swait.ge [sflag:s16], $0x80;
	(pc) =	sbr.rel @!p2 .LBB2_4-.Ltmp1, $4  }
0x66: {  	[sflag:s16] =	ssyncset.done $0x0  }
0x67: {  	[sflag:s16] =	ssyncadd.s32 $0xFFFFFF80  }
0x68: {  	s19 =	sadd.s32 $0xFFFFFFFF, s19;
	_ =	swait.ge [sflag:s16], $0x80  }
0x69: {  	p1 =	por $0x1, $0x1;
	s18 =	simm.s32 $0x580;
	[sflag:s16] =	ssyncset.done $0x0  }
.LBB2_3:
0x6a: {  	p2 =	sne.s32 s19, $0x1;
	s20 =	sadd.s32 $0xFFFFFE80, s18;
	[sflag:s16] =	ssyncadd.s32 $0xFFFFFF80  }
0x6b: {  	[spmem:s2] =	stream.indirect.scatter.add.f32 [tilespmem:s13], [sflag:$0x1], $0x1, s20, s12, $0xb8;
	[tilespmem:$0x3380] =	vst v63  }
0x6c: {  	s19 =	sadd.s32 $0xFFFFFFFF, s19;
	s20 =	sadd.s32 $0xFFFFFF00, s18  }
0x6d: {  	[spmem:s2] =	stream.indirect.scatter.add.f32 [tilespmem:s13], [sflag:$0x1], $0x1, s20, s12, $0xb8;
	[tilespmem:$0x3380] =	vst v63  }
0x6e: {  	s20 =	sadd.s32 $0xFFFFFF80, s18  }
0x6f: {  	[spmem:s2] =	stream.indirect.scatter.add.f32 [tilespmem:s13], [sflag:$0x1], $0x1, s20, s12, $0xb8;
	[tilespmem:$0x3380] =	vst v63  }
0x70: {  	_ = 	snop  }
0x71: {  	[spmem:s2] =	stream.indirect.scatter.add.f32 [tilespmem:s13], [sflag:$0x1], $0x1, s18, s12, $0xb8;
	[tilespmem:$0x3380] =	vst v63  }
0x72: {  	_ =	swait.ge [sflag:s16], $0x80  }
0x73: {  	[sflag:s16] =	ssyncset.done $0x0  }
0x74: {  	[sflag:s16] =	ssyncadd.s32 $0xFFFFFF80  }
0x75: {  	_ =	swait.ge [sflag:s16], $0x80  }
0x76: {  	[sflag:s16] =	ssyncset.done $0x0  }
0x77: {  	[sflag:s16] =	ssyncadd.s32 $0xFFFFFF80  }
.Ltmp2:
0x78: {  	_ =	swait.ge [sflag:s16], $0x80;
	(pc) =	sbr.rel @p2 .LBB2_3-.Ltmp2, $4  }
0x79: {  	[sflag:s16] =	ssyncset.done $0x0  }
0x7a: {  	[sflag:s16] =	ssyncadd.s32 $0xFFFFFF80  }
0x7b: {  	_ =	swait.ge [sflag:s16], $0x80  }
0x7c: {  	s18 =	sadd.s32 $0x200, s18;
	[sflag:s16] =	ssyncset.done $0x0  }
.LBB2_4:
0x7d: {  	s19 =	sadd.s32 $0xFFFFFE80, s18;
	[sflag:s16] =	ssyncadd.s32 @p1 $0xFFFFFF80  }
0x7e: {  	[spmem:s2] =	stream.indirect.scatter.add.f32 [tilespmem:s13], [sflag:$0x1], $0x1, s19, s12, $0xb8;
	[tilespmem:$0x3380] =	vst v63  }
0x7f: {  	s30 =	sadd.s32 $0xFFFFFF00, s18  }
0x80: {  	[spmem:s2] =	stream.indirect.scatter.add.f32 [tilespmem:s13], [sflag:$0x1], $0x1, s30, s12, $0xb8;
	[tilespmem:$0x3380] =	vst v63  }
0x81: {  	s31 =	sadd.s32 $0xFFFFFF80, s18  }
0x82: {  	[spmem:s2] =	stream.indirect.scatter.add.f32 [tilespmem:s13], [sflag:$0x1], $0x1, s31, s12, $0xb8;
	[tilespmem:$0x3380] =	vst v63  }
0x83: {  	_ = 	snop  }
0x84: {  	[spmem:s2] =	stream.indirect.scatter.add.f32 [tilespmem:s13], [sflag:$0x1], $0x1, s18, s12, $0xb8;
	[tilespmem:$0x3380] =	vst v63  }
0x85: {  	_ =	swait.ge [sflag:s16], $0x80  }
0x86: {  	[sflag:s16] =	ssyncset.done $0x0  }
0x87: {  	[sflag:s16] =	ssyncadd.s32 $0xFFFFFF80  }
0x88: {  	_ =	swait.ge [sflag:s16], $0x80  }
0x89: {  	[sflag:s16] =	ssyncset.done $0x0  }
0x8a: {  	[sflag:s16] =	ssyncadd.s32 $0xFFFFFF80  }
0x8b: {  	_ =	swait.ge [sflag:s16], $0x80  }
0x8c: {  	[sflag:s16] =	ssyncset.done $0x0  }
0x8d: {  	[sflag:s16] =	ssyncadd.s32 $0xFFFFFF80  }
0x8e: {  	_ =	swait.ge [sflag:s16], $0x80  }
0x8f: {  	[sflag:s16] =	ssyncset.done $0x0  }
0x90: {  	[sflag:s16] =	ssyncadd.s32 $0xFFFFFF80  }
0x91: {  	_ =	swait.ge [sflag:s16], $0x80  }
0x92: {  	[sflag:s16] =	ssyncset.done $0x0  }
0x93: {  	[sflag:s16] =	ssyncadd.s32 $0xFFFFFF80  }
0x94: {  	_ =	swait.ge [sflag:s16], $0x80  }
0x95: {  	[sflag:s16] =	ssyncset.done $0x0  }
0x96: {  	[sflag:s16] =	ssyncadd.s32 $0xFFFFFF80  }
0x97: {  	_ =	swait.ge [sflag:s16], $0x80  }
0x98: {  	[sflag:s16] =	ssyncset.done $0x0  }
0x99: {  	[sflag:s16] =	ssyncadd.s32 $0xFFFFFF80  }
0x9a: {  	_ =	swait.ge [sflag:s16], $0x80  }
0x9b: {  	[sflag:s16] =	ssyncset.done $0x0  }
0x9c: {  	[sflag:s16] =	ssyncadd.s32 $0xFFFFFF80  }
0x9d: {  	[bflag:$0x0] =	sbarrier.arrive $0xFFFF  }
0x9e: {  	[tilespmem:s10], [sflag:$0x2] =	stream.linear.gather [spmem:s5], $0x280, $0x38;
	[tilespmem:$0x3380] =	vst v63  }
0x9f: {  	s17 =	sadd.s32 $0x1, s17;
	_ =	swait.ge [sflag:s11], $0x280  }
0xa0: {  	p1 =	sne.s32 s17, s7;
	[sflag:s11] =	ssyncset.done $0x0  }
.Ltmp3:
0xa1: {  	[sflag:s11] =	ssyncadd.s32 $0xFFFFFD80;
	(pc) =	sbr.rel @p1 .LBB2_1-.Ltmp3, $4  }
0xa2: {  	[hbm4b:s6+s3] =	stream.linear.scatter [tilespmem:s10], [sflag:$0x2], $0x280, $0x38;
	[tilespmem:$0x3380] =	vst v63  }
0xa3: {  	_ =	swait.ge [sflag:s11], $0x280  }
0xa4: {  	[sflag:s11] =	ssyncset.done $0x0  }
0xa5: {  	[sflag:s11] =	ssyncadd.s32 $0xFFFFFD80  }
0xa6: {  	_ =	sfence.sel $0x180000  }
0xa7: {  	[bflag:$0x0] =	sbarrier.arrive $0xFFFF  }
0xa8: {  	p0 =	sne.s32 s0, $0x0;
	_ =	strace $0x90000047  }
0xa9: {  	s0 =	sadd.s32 @!p0 $0x100000, s1;
	[bflag:$0x2] =	sbarrier.arrive $0xFFFF  }
0xaa: {  	[sflag:s0] =	ssyncadd.tile.s32 @!p0 $0x1;
	_ =	shalt  }
.Lfunc_end2:
_tile_overlayer_lowered:
.L_overlay_start_2:
0xab: {  	(tag) =	ssettag $0x2  }
0xac: {  	s0 =	rddreg [dreg:$0x0];
	s2 =	stileid.u32  }
0xad: {  	s1 =	rddreg [dreg:$0x1];
	p0 =	sne.s32 s2, $0x0  }
0xae: {  	s3 =	rddreg [dreg:$0x2];
	[bflag:$0x3] =	sbarrier.arrive $0xFFFF;
	s2 =	simm.s32 @!p0 $0x1C02  }
0xaf: {  	[timem:s3], [sflag:s2] =	dma.local @!p0 [hbm:s0], s1  }
0xb0: {  	s0 =	simm.s32 @!p0 $0x2  }
0xb1: {  	_ =	swait.ge @!p0 [sflag:s0], s1  }
0xb2: {  	s1 =	ssub.s32 @!p0 $0x0, s1;
	[sflag:s0] =	ssyncset.done @!p0 $0x0  }
0xb3: {  	[sflag:s0] =	ssyncadd.s32 @!p0 s1  }
0xb4: {  	[bflag:$0x3] =	sbarrier.arrive $0xFFFF  }
0xb5: {  	_ =	shalt  }

</sc_bundles>
